<compile_context>
chip_gen: v7x
topology: tpu7x:2x2x1
jax: 0.10.2.dev20260603
libtpu: 0.0.44.dev20260713+nightly
codegen_flags: <defaults>
</compile_context>

<pallas_src>
import functools

import jax
import jax.numpy as jnp
from jax import lax
from jax.experimental import pallas as pl
from jax.experimental.pallas import tpu as pltpu
from jax.experimental.pallas import tpu_sc as plsc

_N = 10000
_E = 160000
_H = 64
_NC = 2
_NS = 16
_NW = _NC * _NS


def _silu(x):
    return x * jax.nn.sigmoid(x)




def _sc_gather(table, idx, chunk):
    _, w = table.shape
    b = idx.shape[0]
    per_w = b // _NW
    n_chunks = per_w // chunk
    nh = n_chunks // 2
    mesh = plsc.VectorSubcoreMesh(core_axis_name="c", subcore_axis_name="s")

    @functools.partial(
        pl.kernel,
        mesh=mesh,
        out_type=jax.ShapeDtypeStruct((b, w), jnp.float32),
        compiler_params=pltpu.CompilerParams(use_tc_tiling_on_sc=True),
        scratch_types=[
            pltpu.VMEM((chunk,), jnp.int32),
            pltpu.VMEM((chunk,), jnp.int32),
            pltpu.VMEM((chunk, w), jnp.float32),
            pltpu.VMEM((chunk, w), jnp.float32),
            pltpu.SemaphoreType.DMA,
            pltpu.SemaphoreType.DMA,
            pltpu.SemaphoreType.DMA,
            pltpu.SemaphoreType.DMA,
            pltpu.SemaphoreType.DMA,
            pltpu.SemaphoreType.DMA,
        ],
    )
    def k(table_hbm, idx_hbm, out_hbm, idx0, idx1, rows0, rows1,
          si0, si1, sg0, sg1, sw0, sw1):
        wid = lax.axis_index("s") * _NC + lax.axis_index("c")
        base = wid * per_w
        idx_v = (idx0, idx1)
        rows_v = (rows0, rows1)
        si = (si0, si1)
        sg = (sg0, sg1)
        sw = (sw0, sw1)

        def start_idx(i, sl):
            pltpu.async_copy(idx_hbm.at[pl.ds(base + i * chunk, chunk)],
                             idx_v[sl], si[sl])

        def wait(sem, dst_like_src, dst):
            pltpu.make_async_copy(dst_like_src, dst, sem).wait()

        start_idx(0, 0)
        start_idx(1, 1)

        @pl.loop(0, nh)
        def _(kk):
            for sl in (0, 1):
                i = 2 * kk + sl

                @pl.when(kk > 0)
                def _():
                    wait(sw[sl], rows_v[sl],
                         out_hbm.at[pl.ds(base, chunk)])
                wait(si[sl], idx_hbm.at[pl.ds(base, chunk)], idx_v[sl])
                pltpu.async_copy(table_hbm.at[idx_v[sl]], rows_v[sl], sg[sl])

            for sl in (0, 1):
                i = 2 * kk + sl
                wait(sg[sl], table_hbm.at[pl.ds(0, chunk)], rows_v[sl])
                pltpu.async_copy(
                    rows_v[sl],
                    out_hbm.at[pl.ds(base + i * chunk, chunk)], sw[sl])

            @pl.when(kk < nh - 1)
            def _():
                start_idx(2 * kk + 2, 0)
                start_idx(2 * kk + 3, 1)

        for sl in (0, 1):
            wait(sw[sl], rows_v[sl], out_hbm.at[pl.ds(base, chunk)])

    return k(table, idx)


def _sc_scatter_add(vals, idx, n_rows, chunk):
    e, w = vals.shape
    per_w = e // _NW
    n_chunks = per_w // chunk
    zrows = 1000
    nz = n_rows // zrows
    zreps = zrows // chunk
    mesh = plsc.VectorSubcoreMesh(core_axis_name="c", subcore_axis_name="s")

    @functools.partial(
        pl.kernel,
        mesh=mesh,
        out_type=jax.ShapeDtypeStruct((_NC, n_rows, w), jnp.float32),
        compiler_params=pltpu.CompilerParams(use_tc_tiling_on_sc=True),
        scratch_types=[
            pltpu.VMEM((chunk,), jnp.int32),
            pltpu.VMEM((chunk, w), jnp.float32),
            pltpu.VMEM_SHARED((n_rows, w), jnp.float32),
            pltpu.SemaphoreType.DMA,
        ],
    )
    def k(val_hbm, idx_hbm, out_hbm, idx_v, vals_v, acc_sh, sem):
        c = lax.axis_index("c")
        s = lax.axis_index("s")
        zvec = jnp.zeros((16,), jnp.float32)
        base = (s * _NC + c) * per_w

        @pl.loop(0, chunk)
        def _(r):
            for j in range(w // 16):
                vals_v[r, pl.ds(j * 16, 16)] = zvec

        @pl.when(s < nz)
        def _():
            @pl.loop(0, zreps)
            def _(r):
                pltpu.sync_copy(
                    vals_v, acc_sh.at[pl.ds(s * zrows + r * chunk, chunk)])

        plsc.subcore_barrier()

        @pl.loop(0, n_chunks)
        def _(i):
            off = base + i * chunk
            pltpu.sync_copy(idx_hbm.at[pl.ds(off, chunk)], idx_v)
            pltpu.sync_copy(val_hbm.at[pl.ds(off, chunk)], vals_v)
            pltpu.sync_copy(vals_v, acc_sh.at[idx_v], add=True)

        plsc.subcore_barrier()

        @pl.when(s < nz)
        def _():
            pltpu.sync_copy(
                acc_sh.at[pl.ds(s * zrows, zrows)],
                out_hbm.at[c, pl.ds(s * zrows, zrows)],
            )

    return k(vals, idx)




def _dot(a, b):
    return jnp.dot(a, b, preferred_element_type=jnp.float32,
                   precision=lax.Precision.DEFAULT)


def _edge_mlp(gathered, a16_in, wt, wb, w2, w3, b1, b2, b3, first):
    be = 3200
    nb = _E // be
    dnp = gathered.shape[1]

    def body(*refs):
        if first:
            (hs_ref, hr_ref, wt_ref, wb_ref, w2_ref, w3_ref,
             b1_ref, b2_ref, b3_ref, v_ref, a_ref) = refs
        else:
            (hs_ref, hr_ref, a_in_ref, wt_ref, wb_ref,
             w2_ref, w3_ref, b1_ref, b2_ref, b3_ref, v_ref) = refs
        hs = hs_ref[...]
        hr = hr_ref[...]
        if first:
            r = hs[:, 0:3] - hr[:, 0:3]
            norm = jnp.sqrt(jnp.sum(r * r, axis=1, keepdims=True))
            rn = r / (norm + 1e-9)
            ones = jnp.ones((be, 1), jnp.float32)
            a16 = jnp.concatenate(
                [ones, jnp.sqrt(jnp.float32(3.0)) * rn, ones,
                 jnp.zeros((be, 11), jnp.float32)], axis=1)
            a_ref[...] = a16
        else:
            a16 = a_in_ref[...]
        def combine(x, b):
            y = x[:, 0:_H]
            for j in range(1, 4):
                y = y + a16[:, j : j + 1] * x[:, j * _H : (j + 1) * _H]
            return y + b

        x = _dot(hs, wt_ref[...]) + _dot(hr, wb_ref[...])
        m = _silu(combine(x, b1_ref[...]))
        m = _silu(combine(_dot(m, w2_ref[...]), b2_ref[...]))
        m = combine(_dot(m, w3_ref[...]), b3_ref[...])
        v_ref[...] = jnp.concatenate(
            [m, a16[:, 0:4],
             jnp.zeros((be, 128 - _H - 4), jnp.float32)], axis=1)

    full = lambda shape: pl.BlockSpec(shape, lambda i: (0, 0))
    in_specs = [
        pl.BlockSpec((be, dnp), lambda i: (i, 0)),
        pl.BlockSpec((be, dnp), lambda i: (i + nb, 0)),
    ]
    ins = [gathered, gathered]
    if not first:
        in_specs.append(pl.BlockSpec((be, 16), lambda i: (i, 0)))
        ins.append(a16_in)
    in_specs += [full(wt.shape), full(wb.shape), full(w2.shape),
                 full(w3.shape), full(b1.shape), full(b2.shape),
                 full(b3.shape)]
    ins += [wt, wb, w2, w3, b1, b2, b3]
    out_shape = [jax.ShapeDtypeStruct((_E, 128), jnp.float32)]
    out_specs = [pl.BlockSpec((be, 128), lambda i: (i, 0))]
    if first:
        out_shape.append(jax.ShapeDtypeStruct((_E, 16), jnp.float32))
        out_specs.append(pl.BlockSpec((be, 16), lambda i: (i, 0)))
    return pl.pallas_call(
        body, grid=(nb,), in_specs=in_specs,
        out_specs=out_specs, out_shape=out_shape,
    )(*ins)


def _node_mlp(h, sums, wh1, wm1, wa1, b1, wx2, wm2, wa2, b2,
              wx3, wm3, wa3, b3, wr, br):
    bn = 2000
    nb = _N // bn
    dnp = h.shape[1]
    dop = wh1.shape[1]

    def body(h_ref, sm_ref, wh1_ref, wm1_ref, wa1_ref, b1_ref,
             wx2_ref, wm2_ref, wa2_ref, b2_ref, wx3_ref, wm3_ref, wa3_ref,
             b3_ref, wr_ref, br_ref, out_ref):
        hh = h_ref[...]
        sm = sm_ref[0] + sm_ref[1]
        cnt = sm[:, _H : _H + 1]
        inv = 1.0 / jnp.maximum(cnt, 1.0)
        mi = sm[:, 0:_H] * inv
        ai = sm[:, _H : _H + 16] * inv
        x1 = _silu(_dot(hh, wh1_ref[...]) + _dot(mi, wm1_ref[...])
                   + _dot(ai, wa1_ref[...]) + b1_ref[...])
        x2 = _silu(_dot(x1, wx2_ref[...]) + _dot(mi, wm2_ref[...])
                   + _dot(ai, wa2_ref[...]) + b2_ref[...])
        x3 = (_dot(x2, wx3_ref[...]) + _dot(mi, wm3_ref[...])
              + _dot(ai, wa3_ref[...]) + b3_ref[...])
        out_ref[...] = x3 + _dot(hh, wr_ref[...]) + br_ref[...]

    full = lambda shape: pl.BlockSpec(shape, lambda i: tuple(0 for _ in shape))
    in_specs = [
        pl.BlockSpec((bn, dnp), lambda i: (i, 0)),
        pl.BlockSpec((2, bn, 128), lambda i: (0, i, 0)),
    ]
    ws = [wh1, wm1, wa1, b1, wx2, wm2, wa2, b2, wx3, wm3, wa3, b3, wr, br]
    in_specs += [full(w.shape) for w in ws]
    return pl.pallas_call(
        body, grid=(nb,),
        in_specs=in_specs,
        out_specs=pl.BlockSpec((bn, dop), lambda i: (i, 0)),
        out_shape=jax.ShapeDtypeStruct((_N, dop), jnp.float32),
    )(h, sums, *ws)




def _pad_to(x, rows, cols):
    return jnp.pad(x, ((0, rows - x.shape[0]), (0, cols - x.shape[1])))


def _prep_step(p, dn, dnp, do, dop):
    h4 = 4 * _H
    we1 = p['We1']
    wt = _pad_to(we1[:dn].reshape(dn, h4), dnp, h4)
    wb = _pad_to(we1[dn:].reshape(dn, h4), dnp, h4)
    w2 = p['We2'].reshape(_H, h4)
    w3 = p['We3'].reshape(_H, h4)
    b1 = p['be1'].reshape(1, _H)
    b2 = p['be2'].reshape(1, _H)
    b3 = p['be3'].reshape(1, _H)
    wn1, wn2, wn3 = p['Wn1'], p['Wn2'], p['Wn3']
    wh1 = _pad_to(wn1[:dn], dnp, dop)
    wm1 = _pad_to(wn1[dn:dn + _H], _H, dop)
    wa1 = _pad_to(wn1[dn + _H:], 16, dop)
    wx2 = _pad_to(wn2[:do], dop, dop)
    wm2 = _pad_to(wn2[do:do + _H], _H, dop)
    wa2 = _pad_to(wn2[do + _H:], 16, dop)
    wx3 = _pad_to(wn3[:do], dop, dop)
    wm3 = _pad_to(wn3[do:do + _H], _H, dop)
    wa3 = _pad_to(wn3[do + _H:], 16, dop)
    bn1 = _pad_to(p['bn1'].reshape(1, do), 1, dop)
    bn2 = _pad_to(p['bn2'].reshape(1, do), 1, dop)
    bn3 = _pad_to(p['bn3'].reshape(1, do), 1, dop)
    wr = _pad_to(p['Wr'], dnp, dop)
    br = _pad_to(p['br'].reshape(1, do), 1, dop)
    return dict(wt=wt, wb=wb, w2=w2, w3=w3, b1=b1, b2=b2, b3=b3,
                wh1=wh1, wm1=wm1, wa1=wa1, bn1=bn1,
                wx2=wx2, wm2=wm2, wa2=wa2, bn2=bn2,
                wx3=wx3, wm3=wm3, wa3=wa3, bn3=bn3, wr=wr, br=br)


_D_NODES = [131, 64, 64]
_D_NODES_P = [256, 128, 128]
_D_OUTS = [64, 64, 131]
_D_OUTS_P = [128, 128, 144]


def kernel(nodes, senders, receivers, params):
    idx2 = jnp.concatenate([senders, receivers]).astype(jnp.int32)
    recv = receivers.astype(jnp.int32)
    h = jnp.pad(nodes, ((0, 0), (0, _D_NODES_P[0] - _D_NODES[0])))
    a16 = None
    for s in range(3):
        st = _prep_step(params['steps'][s], _D_NODES[s], _D_NODES_P[s],
                        _D_OUTS[s], _D_OUTS_P[s])
        gath = _sc_gather(h, idx2, chunk=200)
        if s == 0:
            vals, a16 = _edge_mlp(gath, None, st['wt'], st['wb'], st['w2'],
                                  st['w3'], st['b1'], st['b2'], st['b3'],
                                  first=True)
        else:
            (vals,) = _edge_mlp(gath, a16, st['wt'], st['wb'], st['w2'],
                                st['w3'], st['b1'], st['b2'], st['b3'],
                                first=False)
        sums = _sc_scatter_add(vals, recv, _N, chunk=200)
        h = _node_mlp(h, sums, st['wh1'], st['wm1'], st['wa1'],
                      st['bn1'], st['wx2'], st['wm2'], st['wa2'], st['bn2'],
                      st['wx3'], st['wm3'], st['wa3'], st['bn3'],
                      st['wr'], st['br'])
    return h[:, :_D_OUTS[2]]

# --- scband reference (transcript-rebuilt; emitter-appended) ---
"""Pipeline reference for scband-segnn-32615981646158 (READ-ONLY COPY).

The authoritative reference and input builder live on the scoring server;
editing this copy changes nothing except your own understanding.
"""

import jax, jax.numpy as jnp
import numpy as np

N = 10000
E = 160000
F = 128
D_IN = 3 + F
H = 64
A = 4
D_NODES = [D_IN, H, H]
D_OUTS = [H, H, D_IN]
M = H + A
N_STEPS = 3


def _w(key, shape):
    fan_in = int(np.prod(shape[:-1]))
    return (jax.random.normal(key, shape, jnp.float32) / np.sqrt(fan_in)).astype(jnp.float32)


def _make_params(key):
    steps = []
    for s in range(N_STEPS):
        dn = D_NODES[s]
        do = D_OUTS[s]
        key, *ks = jax.random.split(key, 8)
        p = {
            'We1': _w(ks[0], (2 * dn, A, H)), 'be1': jnp.zeros((H,), jnp.float32),
            'We2': _w(ks[1], (H, A, H)), 'be2': jnp.zeros((H,), jnp.float32),
            'We3': _w(ks[2], (H, A, H)), 'be3': jnp.zeros((H,), jnp.float32),
            'Wn1': _w(ks[3], (dn + M, do)), 'bn1': jnp.zeros((do,), jnp.float32),
            'Wn2': _w(ks[4], (do + M, do)), 'bn2': jnp.zeros((do,), jnp.float32),
            'Wn3': _w(ks[5], (do + M, do)), 'bn3': jnp.zeros((do,), jnp.float32),
            'Wr': _w(ks[6], (dn, do)), 'br': jnp.zeros((do,), jnp.float32),
        }
        steps.append(p)
    return {'steps': steps}


def setup_inputs(seed: int = 0):
    key = jax.random.key(seed)
    k1, k2, k3, k4 = jax.random.split(key, 4)
    nodes = jax.random.normal(k1, (N, D_IN), jnp.float32)
    senders = jax.random.randint(k2, (E,), 0, N, jnp.int32)
    receivers = jax.random.randint(k3, (E,), 0, N, jnp.int32)
    params = _make_params(k4)
    return {'nodes': nodes, 'senders': senders, 'receivers': receivers, 'params': params}


def _tp_linear(m, a, W, b):
    # tensor product of edge features with l<=1 spherical-harmonic attrs, then linear
    return jnp.einsum('ei,ej,ijh->eh', m, a, W) + b


def _seg_mean(x, idx, n):
    s = jax.ops.segment_sum(x, idx, num_segments=n)
    c = jax.ops.segment_sum(jnp.ones((idx.shape[0], 1), x.dtype), idx, num_segments=n)
    return s / jnp.maximum(c, 1.0)


def _forward(nodes, params, senders, receivers):
    n = nodes.shape[0]
    # leading 1o irrep of the node features = positions
    pos = nodes[:, :3]
    r = pos[senders] - pos[receivers]
    rn = r / (jnp.linalg.norm(r, axis=-1, keepdims=True) + 1e-9)
    # spherical harmonics l=0,1 with 'component' normalization: [1, sqrt(3)*r_hat]
    a = jnp.concatenate([jnp.ones((r.shape[0], 1), nodes.dtype), jnp.sqrt(3.0) * rn], axis=-1)
    h = nodes
    for p in params['steps']:
        # edge update: m_ij = concat(sender, receiver) features, n_layers=3 TP-linear-gate blocks
        m = jnp.concatenate([h[senders], h[receivers]], axis=-1)
        m = jax.nn.silu(_tp_linear(m, a, p['We1'], p['be1']))
        m = jax.nn.silu(_tp_linear(m, a, p['We2'], p['be2']))
        m = _tp_linear(m, a, p['We3'], p['be3'])
        # aggregate messages and edge attrs to receiver nodes (segment mean)
        m_i = _seg_mean(m, receivers, n)
        a_i = _seg_mean(a, receivers, n)
        msg = jnp.concatenate([m_i, a_i], axis=-1)
        # node update: n_layers=3 blocks conditioned on aggregated message
        x = h
        x = jax.nn.silu(jnp.concatenate([x, msg], axis=-1) @ p['Wn1'] + p['bn1'])
        x = jax.nn.silu(jnp.concatenate([x, msg], axis=-1) @ p['Wn2'] + p['bn2'])
        x = jnp.concatenate([x, msg], axis=-1) @ p['Wn3'] + p['bn3']
        # residual: processed + Linear(old nodes)
        h = x + h @ p['Wr'] + p['br']
    return h


def reference(nodes, senders, receivers, params):
    return _forward(nodes, params, senders, receivers)

if __name__ == "__main__":
    import jax
    _d = setup_inputs()
    print(jax.jit(kernel)(*tuple(_d.values())))

</pallas_src>

<mosaic_0001>
#map = affine_map<(d0, d1) -> (0, 0)>
#map1 = affine_map<(d0, d1) -> (0)>
#map2 = affine_map<(d0, d1) -> (0, 0, 0)>
module attributes {stable_mosaic.version = 14 : i64} {
  func.func @k(%arg0: i32, %arg1: i32, %arg2: memref<160000x128xf32, #tpu.memory_space<hbm>>, %arg3: memref<160000xi32, #tpu.memory_space<hbm>>, %arg4: memref<2x10000x128xf32, #tpu.memory_space<hbm>>, %arg5: memref<200xi32, #tpu.memory_space<vmem>>, %arg6: memref<200x128xf32, #tpu.memory_space<vmem>>, %arg7: memref<10000x128xf32, #tpu.memory_space<vmem_shared>>, %arg8: memref<!tpu.dma_semaphore, #tpu.memory_space<semaphore_mem>>) attributes {dimension_semantics = [#tpu.dimension_semantics<core_parallel>, #tpu.dimension_semantics<subcore_parallel>], iteration_bounds = array<i64: 2, 16>, scalar_prefetch = 0 : i64, scratch_operands = 4 : i64, tpu.core_type = #tpu.core_type<sc_vector_subcore>, window_params = [{transform_indices = #map}, {transform_indices = #map1}, {transform_indices = #map2}]} {
    %broadcast_in_dim3A = arith.constant 0.000000e+00 : f32
    %broadcast_in_dim3A_0 = vector.broadcast %broadcast_in_dim3A : f32 to vector<16xf32>
    %mul3A = arith.constant 2 : i32
    %mul3A_1 = arith.muli %arg1, %mul3A : i32
    %add3A = arith.addi %mul3A_1, %arg0 : i32
    %mul3A_2 = arith.constant 5000 : i32
    %mul3A_3 = arith.muli %add3A, %mul3A_2 : i32
    %scan3A = arith.constant 0 : i32
    %scan3A_4 = arith.constant 200 : i32
    %scan3A_5 = arith.addi %scan3A, %scan3A_4 : i32
    %scan3A_6 = arith.constant 1 : i32
    scf.for %scan3A_21 = %scan3A to %scan3A_5 step %scan3A_6  : i32 {
      %mul3A_22 = arith.constant 1 : i32
      %mul3A_23 = arith.muli %scan3A_21, %mul3A_22 : i32
      %add3A_24 = arith.constant 0 : i32
      %add3A_25 = arith.addi %add3A_24, %mul3A_23 : i32
      %swap3A = arith.index_cast %add3A_25 : i32 to index
      %swap3A_26 = arith.constant 0 : index
      %swap3A_27 = tpu.vector_load %arg6[%swap3A, %swap3A_26] {strides = array<i32>} : memref<200x128xf32, #tpu.memory_space<vmem>>, vector<1x16xf32>,
      %swap3A_28 = vector.shape_cast %swap3A_27 : vector<1x16xf32> to vector<16xf32>
      %swap3A_29 = vector.shape_cast %broadcast_in_dim3A_0 : vector<16xf32> to vector<1x16xf32>
      tpu.vector_store %arg6[%swap3A, %swap3A_26], %swap3A_29 {strides = array<i32>} : memref<200x128xf32, #tpu.memory_space<vmem>>, vector<1x16xf32>,
      %swap3A_30 = arith.index_cast %add3A_25 : i32 to index
      %swap3A_31 = arith.constant 16 : index
      %swap3A_32 = tpu.vector_load %arg6[%swap3A_30, %swap3A_31] {strides = array<i32>} : memref<200x128xf32, #tpu.memory_space<vmem>>, vector<1x16xf32>,
      %swap3A_33 = vector.shape_cast %swap3A_32 : vector<1x16xf32> to vector<16xf32>
      %swap3A_34 = vector.shape_cast %broadcast_in_dim3A_0 : vector<16xf32> to vector<1x16xf32>
      tpu.vector_store %arg6[%swap3A_30, %swap3A_31], %swap3A_34 {strides = array<i32>} : memref<200x128xf32, #tpu.memory_space<vmem>>, vector<1x16xf32>,
      %swap3A_35 = arith.index_cast %add3A_25 : i32 to index
      %swap3A_36 = arith.constant 32 : index
      %swap3A_37 = tpu.vector_load %arg6[%swap3A_35, %swap3A_36] {strides = array<i32>} : memref<200x128xf32, #tpu.memory_space<vmem>>, vector<1x16xf32>,
      %swap3A_38 = vector.shape_cast %swap3A_37 : vector<1x16xf32> to vector<16xf32>
      %swap3A_39 = vector.shape_cast %broadcast_in_dim3A_0 : vector<16xf32> to vector<1x16xf32>
      tpu.vector_store %arg6[%swap3A_35, %swap3A_36], %swap3A_39 {strides = array<i32>} : memref<200x128xf32, #tpu.memory_space<vmem>>, vector<1x16xf32>,
      %swap3A_40 = arith.index_cast %add3A_25 : i32 to index
      %swap3A_41 = arith.constant 48 : index
      %swap3A_42 = tpu.vector_load %arg6[%swap3A_40, %swap3A_41] {strides = array<i32>} : memref<200x128xf32, #tpu.memory_space<vmem>>, vector<1x16xf32>,
      %swap3A_43 = vector.shape_cast %swap3A_42 : vector<1x16xf32> to vector<16xf32>
      %swap3A_44 = vector.shape_cast %broadcast_in_dim3A_0 : vector<16xf32> to vector<1x16xf32>
      tpu.vector_store %arg6[%swap3A_40, %swap3A_41], %swap3A_44 {strides = array<i32>} : memref<200x128xf32, #tpu.memory_space<vmem>>, vector<1x16xf32>,
      %swap3A_45 = arith.index_cast %add3A_25 : i32 to index
      %swap3A_46 = arith.constant 64 : index
      %swap3A_47 = tpu.vector_load %arg6[%swap3A_45, %swap3A_46] {strides = array<i32>} : memref<200x128xf32, #tpu.memory_space<vmem>>, vector<1x16xf32>,
      %swap3A_48 = vector.shape_cast %swap3A_47 : vector<1x16xf32> to vector<16xf32>
      %swap3A_49 = vector.shape_cast %broadcast_in_dim3A_0 : vector<16xf32> to vector<1x16xf32>
      tpu.vector_store %arg6[%swap3A_45, %swap3A_46], %swap3A_49 {strides = array<i32>} : memref<200x128xf32, #tpu.memory_space<vmem>>, vector<1x16xf32>,
      %swap3A_50 = arith.index_cast %add3A_25 : i32 to index
      %swap3A_51 = arith.constant 80 : index
      %swap3A_52 = tpu.vector_load %arg6[%swap3A_50, %swap3A_51] {strides = array<i32>} : memref<200x128xf32, #tpu.memory_space<vmem>>, vector<1x16xf32>,
      %swap3A_53 = vector.shape_cast %swap3A_52 : vector<1x16xf32> to vector<16xf32>
      %swap3A_54 = vector.shape_cast %broadcast_in_dim3A_0 : vector<16xf32> to vector<1x16xf32>
      tpu.vector_store %arg6[%swap3A_50, %swap3A_51], %swap3A_54 {strides = array<i32>} : memref<200x128xf32, #tpu.memory_space<vmem>>, vector<1x16xf32>,
      %swap3A_55 = arith.index_cast %add3A_25 : i32 to index
      %swap3A_56 = arith.constant 96 : index
      %swap3A_57 = tpu.vector_load %arg6[%swap3A_55, %swap3A_56] {strides = array<i32>} : memref<200x128xf32, #tpu.memory_space<vmem>>, vector<1x16xf32>,
      %swap3A_58 = vector.shape_cast %swap3A_57 : vector<1x16xf32> to vector<16xf32>
      %swap3A_59 = vector.shape_cast %broadcast_in_dim3A_0 : vector<16xf32> to vector<1x16xf32>
      tpu.vector_store %arg6[%swap3A_55, %swap3A_56], %swap3A_59 {strides = array<i32>} : memref<200x128xf32, #tpu.memory_space<vmem>>, vector<1x16xf32>,
      %swap3A_60 = arith.index_cast %add3A_25 : i32 to index
      %swap3A_61 = arith.constant 112 : index
      %swap3A_62 = tpu.vector_load %arg6[%swap3A_60, %swap3A_61] {strides = array<i32>} : memref<200x128xf32, #tpu.memory_space<vmem>>, vector<1x16xf32>,
      %swap3A_63 = vector.shape_cast %swap3A_62 : vector<1x16xf32> to vector<16xf32>
      %swap3A_64 = vector.shape_cast %broadcast_in_dim3A_0 : vector<16xf32> to vector<1x16xf32>
      tpu.vector_store %arg6[%swap3A_60, %swap3A_61], %swap3A_64 {strides = array<i32>} : memref<200x128xf32, #tpu.memory_space<vmem>>, vector<1x16xf32>,
    }
    %scan3A_7 = arith.constant 200 : i32
    %lt3A = arith.constant 10 : i32
    %lt3A_8 = arith.cmpi slt, %arg1, %lt3A : i32
    %convert_element_type3A = arith.extui %lt3A_8 : i1 to i32
    %cond3A = arith.constant 0 : i32
    %cond3A_9 = arith.cmpi ne, %convert_element_type3A, %cond3A : i32
    scf.if %cond3A_9 {
      %scan3A_21 = arith.constant 0 : i32
      %scan3A_22 = arith.constant 5 : i32
      %scan3A_23 = arith.addi %scan3A_21, %scan3A_22 : i32
      %scan3A_24 = arith.constant 1 : i32
      scf.for %scan3A_26 = %scan3A_21 to %scan3A_23 step %scan3A_24  : i32 {
        %mul3A_27 = arith.constant 1 : i32
        %mul3A_28 = arith.muli %scan3A_26, %mul3A_27 : i32
        %add3A_29 = arith.constant 0 : i32
        %add3A_30 = arith.addi %add3A_29, %mul3A_28 : i32
        %mul3A_31 = arith.constant 1000 : i32
        %mul3A_32 = arith.muli %arg1, %mul3A_31 : i32
        %mul3A_33 = arith.constant 200 : i32
        %mul3A_34 = arith.muli %add3A_30, %mul3A_33 : i32
        %add3A_35 = arith.addi %mul3A_32, %mul3A_34 : i32
        "tpu.region"() ({
          %run_scoped3A = tpu.sem_alloc : memref<!tpu.dma_semaphore, #tpu.memory_space<semaphore_mem>>
          %dma_start3A = arith.constant 0 : i32
          %dma_start3A_36 = tpu.memref_slice %arg7[%add3A_35, %dma_start3A] : memref<10000x128xf32, #tpu.memory_space<vmem_shared>> -> memref<200x128xf32, #tpu.memory_space<vmem_shared>>
          %dma_start3A_37 = arith.constant 0 : i32
          %dma_start3A_38 = tpu.memref_slice %arg7[%add3A_35, %dma_start3A_37] : memref<10000x128xf32, #tpu.memory_space<vmem_shared>> -> memref<200x128xf32, #tpu.memory_space<vmem_shared>>
          tpu.enqueue_dma source(%arg6 : memref<200x128xf32, #tpu.memory_space<vmem>>) target(%dma_start3A_38 : memref<200x128xf32, #tpu.memory_space<vmem_shared>>) target_semaphore(%run_scoped3A : memref<!tpu.dma_semaphore, #tpu.memory_space<semaphore_mem>>)
          %dma_wait3A = arith.constant 0 : i32
          %dma_wait3A_39 = tpu.memref_slice %arg7[%add3A_35, %dma_wait3A] : memref<10000x128xf32, #tpu.memory_space<vmem_shared>> -> memref<200x128xf32, #tpu.memory_space<vmem_shared>>
          %dma_wait3A_40 = arith.constant 0 : i32
          %dma_wait3A_41 = tpu.memref_slice %arg7[%add3A_35, %dma_wait3A_40] : memref<10000x128xf32, #tpu.memory_space<vmem_shared>> -> memref<200x128xf32, #tpu.memory_space<vmem_shared>>
          tpu.wait_dma2 semaphore(%run_scoped3A : memref<!tpu.dma_semaphore, #tpu.memory_space<semaphore_mem>>) src(%arg6 : memref<200x128xf32, #tpu.memory_space<vmem>>) dst(%dma_wait3A_41 : memref<200x128xf32, #tpu.memory_space<vmem_shared>>)
          tpu.yield
        }) : () -> ()
      }
      %scan3A_25 = arith.constant 5 : i32
    } else {
    }
    %barrier3A = arith.constant 0 : index
    tpu.barrier barrier_id(%barrier3A)
    %scan3A_10 = arith.constant 0 : i32
    %scan3A_11 = arith.constant 25 : i32
    %scan3A_12 = arith.addi %scan3A_10, %scan3A_11 : i32
    %scan3A_13 = arith.constant 1 : i32
    scf.for %scan3A_21 = %scan3A_10 to %scan3A_12 step %scan3A_13  : i32 {
      %mul3A_22 = arith.constant 1 : i32
      %mul3A_23 = arith.muli %scan3A_21, %mul3A_22 : i32
      %add3A_24 = arith.constant 0 : i32
      %add3A_25 = arith.addi %add3A_24, %mul3A_23 : i32
      %mul3A_26 = arith.constant 200 : i32
      %mul3A_27 = arith.muli %add3A_25, %mul3A_26 : i32
      %add3A_28 = arith.addi %mul3A_3, %mul3A_27 : i32
      "tpu.region"() ({
        %run_scoped3A = tpu.sem_alloc : memref<!tpu.dma_semaphore, #tpu.memory_space<semaphore_mem>>
        %dma_start3A = tpu.memref_slice %arg3[%add3A_28] : memref<160000xi32, #tpu.memory_space<hbm>> -> memref<200xi32, #tpu.memory_space<hbm>>
        %dma_start3A_29 = tpu.memref_slice %arg3[%add3A_28] : memref<160000xi32, #tpu.memory_space<hbm>> -> memref<200xi32, #tpu.memory_space<hbm>>
        tpu.enqueue_dma source(%dma_start3A_29 : memref<200xi32, #tpu.memory_space<hbm>>) target(%arg5 : memref<200xi32, #tpu.memory_space<vmem>>) target_semaphore(%run_scoped3A : memref<!tpu.dma_semaphore, #tpu.memory_space<semaphore_mem>>)
        %dma_wait3A = tpu.memref_slice %arg3[%add3A_28] : memref<160000xi32, #tpu.memory_space<hbm>> -> memref<200xi32, #tpu.memory_space<hbm>>
        %dma_wait3A_30 = tpu.memref_slice %arg3[%add3A_28] : memref<160000xi32, #tpu.memory_space<hbm>> -> memref<200xi32, #tpu.memory_space<hbm>>
        tpu.wait_dma2 semaphore(%run_scoped3A : memref<!tpu.dma_semaphore, #tpu.memory_space<semaphore_mem>>) src(%dma_wait3A_30 : memref<200xi32, #tpu.memory_space<hbm>>) dst(%arg5 : memref<200xi32, #tpu.memory_space<vmem>>)
        tpu.yield
      }) : () -> ()
      "tpu.region"() ({
        %run_scoped3A = tpu.sem_alloc : memref<!tpu.dma_semaphore, #tpu.memory_space<semaphore_mem>>
        %dma_start3A = arith.constant 0 : i32
        %dma_start3A_29 = tpu.memref_slice %arg2[%add3A_28, %dma_start3A] : memref<160000x128xf32, #tpu.memory_space<hbm>> -> memref<200x128xf32, #tpu.memory_space<hbm>>
        %dma_start3A_30 = arith.constant 0 : i32
        %dma_start3A_31 = tpu.memref_slice %arg2[%add3A_28, %dma_start3A_30] : memref<160000x128xf32, #tpu.memory_space<hbm>> -> memref<200x128xf32, #tpu.memory_space<hbm>>
        tpu.enqueue_dma source(%dma_start3A_31 : memref<200x128xf32, #tpu.memory_space<hbm>>) target(%arg6 : memref<200x128xf32, #tpu.memory_space<vmem>>) target_semaphore(%run_scoped3A : memref<!tpu.dma_semaphore, #tpu.memory_space<semaphore_mem>>)
        %dma_wait3A = arith.constant 0 : i32
        %dma_wait3A_32 = tpu.memref_slice %arg2[%add3A_28, %dma_wait3A] : memref<160000x128xf32, #tpu.memory_space<hbm>> -> memref<200x128xf32, #tpu.memory_space<hbm>>
        %dma_wait3A_33 = arith.constant 0 : i32
        %dma_wait3A_34 = tpu.memref_slice %arg2[%add3A_28, %dma_wait3A_33] : memref<160000x128xf32, #tpu.memory_space<hbm>> -> memref<200x128xf32, #tpu.memory_space<hbm>>
        tpu.wait_dma2 semaphore(%run_scoped3A : memref<!tpu.dma_semaphore, #tpu.memory_space<semaphore_mem>>) src(%dma_wait3A_34 : memref<200x128xf32, #tpu.memory_space<hbm>>) dst(%arg6 : memref<200x128xf32, #tpu.memory_space<vmem>>)
        tpu.yield
      }) : () -> ()
      "tpu.region"() ({
        %run_scoped3A = tpu.sem_alloc : memref<!tpu.dma_semaphore, #tpu.memory_space<semaphore_mem>>
        %dma_start3A = arith.constant 0 : i32
        %dma_start3A_29 = arith.constant 0 : i32
        %dma_start3A_30 = tpu.memref_slice %arg7[%dma_start3A, %dma_start3A_29] : memref<10000x128xf32, #tpu.memory_space<vmem_shared>> -> memref<10000x128xf32, #tpu.memory_space<vmem_shared>>
        tpu.enqueue_indirect_dma source(%arg6 : memref<200x128xf32, #tpu.memory_space<vmem>>) target(%dma_start3A_30 : memref<10000x128xf32, #tpu.memory_space<vmem_shared>>) offsets(%arg5 : memref<200xi32, #tpu.memory_space<vmem>>) semaphore(%run_scoped3A : memref<!tpu.dma_semaphore, #tpu.memory_space<semaphore_mem>>) {add = true}
        %dma_wait3A = arith.constant 0 : i32
        %dma_wait3A_31 = arith.constant 0 : i32
        %dma_wait3A_32 = tpu.memref_slice %arg7[%dma_wait3A, %dma_wait3A_31] : memref<10000x128xf32, #tpu.memory_space<vmem_shared>> -> memref<10000x128xf32, #tpu.memory_space<vmem_shared>>
        tpu.wait_indirect_dma semaphore(%run_scoped3A : memref<!tpu.dma_semaphore, #tpu.memory_space<semaphore_mem>>) src(%arg6 : memref<200x128xf32, #tpu.memory_space<vmem>>) dst(%dma_wait3A_32 : memref<10000x128xf32, #tpu.memory_space<vmem_shared>>)
        tpu.yield
      }) : () -> ()
    }
    %scan3A_14 = arith.constant 25 : i32
    %barrier3A_15 = arith.constant 0 : index
    tpu.barrier barrier_id(%barrier3A_15)
    %lt3A_16 = arith.constant 10 : i32
    %lt3A_17 = arith.cmpi slt, %arg1, %lt3A_16 : i32
    %convert_element_type3A_18 = arith.extui %lt3A_17 : i1 to i32
    %cond3A_19 = arith.constant 0 : i32
    %cond3A_20 = arith.cmpi ne, %convert_element_type3A_18, %cond3A_19 : i32
    scf.if %cond3A_20 {
      %mul3A_21 = arith.constant 1000 : i32
      %mul3A_22 = arith.muli %arg1, %mul3A_21 : i32
      %mul3A_23 = arith.constant 1000 : i32
      %mul3A_24 = arith.muli %arg1, %mul3A_23 : i32
      "tpu.region"() ({
        %run_scoped3A = tpu.sem_alloc : memref<!tpu.dma_semaphore, #tpu.memory_space<semaphore_mem>>
        %dma_start3A = arith.constant 0 : i32
        %dma_start3A_25 = tpu.memref_slice %arg4[%arg0, %mul3A_24, %dma_start3A] : memref<2x10000x128xf32, #tpu.memory_space<hbm>> -> memref<1x1000x128xf32, #tpu.memory_space<hbm>>
        %dma_start3A_26 = tpu.memref_squeeze %dma_start3A_25 : memref<1x1000x128xf32, #tpu.memory_space<hbm>> -> memref<1000x128xf32, #tpu.memory_space<hbm>>
        %dma_start3A_27 = arith.constant 0 : i32
        %dma_start3A_28 = tpu.memref_slice %arg7[%mul3A_22, %dma_start3A_27] : memref<10000x128xf32, #tpu.memory_space<vmem_shared>> -> memref<1000x128xf32, #tpu.memory_space<vmem_shared>>
        tpu.enqueue_dma source(%dma_start3A_28 : memref<1000x128xf32, #tpu.memory_space<vmem_shared>>) target(%dma_start3A_26 : memref<1000x128xf32, #tpu.memory_space<hbm>>) target_semaphore(%run_scoped3A : memref<!tpu.dma_semaphore, #tpu.memory_space<semaphore_mem>>)
        %dma_wait3A = arith.constant 0 : i32
        %dma_wait3A_29 = tpu.memref_slice %arg4[%arg0, %mul3A_24, %dma_wait3A] : memref<2x10000x128xf32, #tpu.memory_space<hbm>> -> memref<1x1000x128xf32, #tpu.memory_space<hbm>>
        %dma_wait3A_30 = tpu.memref_squeeze %dma_wait3A_29 : memref<1x1000x128xf32, #tpu.memory_space<hbm>> -> memref<1000x128xf32, #tpu.memory_space<hbm>>
        %dma_wait3A_31 = arith.constant 0 : i32
        %dma_wait3A_32 = tpu.memref_slice %arg7[%mul3A_22, %dma_wait3A_31] : memref<10000x128xf32, #tpu.memory_space<vmem_shared>> -> memref<1000x128xf32, #tpu.memory_space<vmem_shared>>
        tpu.wait_dma2 semaphore(%run_scoped3A : memref<!tpu.dma_semaphore, #tpu.memory_space<semaphore_mem>>) src(%dma_wait3A_32 : memref<1000x128xf32, #tpu.memory_space<vmem_shared>>) dst(%dma_wait3A_30 : memref<1000x128xf32, #tpu.memory_space<hbm>>)
        tpu.yield
      }) : () -> ()
    } else {
    }
    return
  }
}

#map = affine_map<(d0, d1) -> (0, 0)>
#map1 = affine_map<(d0, d1) -> (0)>
module attributes {stable_mosaic.version = 14 : i64} {
  func.func @k(%arg0: i32, %arg1: i32, %arg2: memref<10000x256xf32, #tpu.memory_space<hbm>>, %arg3: memref<320000xi32, #tpu.memory_space<hbm>>, %arg4: memref<320000x256xf32, #tpu.memory_space<hbm>>, %arg5: memref<200xi32, #tpu.memory_space<vmem>>, %arg6: memref<200xi32, #tpu.memory_space<vmem>>, %arg7: memref<200x256xf32, #tpu.memory_space<vmem>>, %arg8: memref<200x256xf32, #tpu.memory_space<vmem>>, %arg9: memref<!tpu.dma_semaphore, #tpu.memory_space<semaphore_mem>>, %arg10: memref<!tpu.dma_semaphore, #tpu.memory_space<semaphore_mem>>, %arg11: memref<!tpu.dma_semaphore, #tpu.memory_space<semaphore_mem>>, %arg12: memref<!tpu.dma_semaphore, #tpu.memory_space<semaphore_mem>>, %arg13: memref<!tpu.dma_semaphore, #tpu.memory_space<semaphore_mem>>, %arg14: memref<!tpu.dma_semaphore, #tpu.memory_space<semaphore_mem>>) attributes {dimension_semantics = [#tpu.dimension_semantics<core_parallel>, #tpu.dimension_semantics<subcore_parallel>], iteration_bounds = array<i64: 2, 16>, scalar_prefetch = 0 : i64, scratch_operands = 10 : i64, tpu.core_type = #tpu.core_type<sc_vector_subcore>, window_params = [{transform_indices = #map}, {transform_indices = #map1}, {transform_indices = #map}]} {
    %mul3A = arith.constant 2 : i32
    %mul3A_0 = arith.muli %arg1, %mul3A : i32
    %add3A = arith.addi %mul3A_0, %arg0 : i32
    %mul3A_1 = arith.constant 10000 : i32
    %mul3A_2 = arith.muli %add3A, %mul3A_1 : i32
    %add3A_3 = arith.constant 0 : i32
    %add3A_4 = arith.addi %mul3A_2, %add3A_3 : i32
    %dma_start3A = tpu.memref_slice %arg3[%add3A_4] : memref<320000xi32, #tpu.memory_space<hbm>> -> memref<200xi32, #tpu.memory_space<hbm>>
    %dma_start3A_5 = tpu.memref_slice %arg3[%add3A_4] : memref<320000xi32, #tpu.memory_space<hbm>> -> memref<200xi32, #tpu.memory_space<hbm>>
    tpu.enqueue_dma source(%dma_start3A_5 : memref<200xi32, #tpu.memory_space<hbm>>) target(%arg5 : memref<200xi32, #tpu.memory_space<vmem>>) target_semaphore(%arg9 : memref<!tpu.dma_semaphore, #tpu.memory_space<semaphore_mem>>)
    %add3A_6 = arith.constant 200 : i32
    %add3A_7 = arith.addi %mul3A_2, %add3A_6 : i32
    %dma_start3A_8 = tpu.memref_slice %arg3[%add3A_7] : memref<320000xi32, #tpu.memory_space<hbm>> -> memref<200xi32, #tpu.memory_space<hbm>>
    %dma_start3A_9 = tpu.memref_slice %arg3[%add3A_7] : memref<320000xi32, #tpu.memory_space<hbm>> -> memref<200xi32, #tpu.memory_space<hbm>>
    tpu.enqueue_dma source(%dma_start3A_9 : memref<200xi32, #tpu.memory_space<hbm>>) target(%arg6 : memref<200xi32, #tpu.memory_space<vmem>>) target_semaphore(%arg10 : memref<!tpu.dma_semaphore, #tpu.memory_space<semaphore_mem>>)
    %scan3A = arith.constant 0 : i32
    %scan3A_10 = arith.constant 25 : i32
    %scan3A_11 = arith.addi %scan3A, %scan3A_10 : i32
    %scan3A_12 = arith.constant 1 : i32
    scf.for %scan3A_21 = %scan3A to %scan3A_11 step %scan3A_12  : i32 {
      %mul3A_22 = arith.constant 1 : i32
      %mul3A_23 = arith.muli %scan3A_21, %mul3A_22 : i32
      %add3A_24 = arith.constant 0 : i32
      %add3A_25 = arith.addi %add3A_24, %mul3A_23 : i32
      %mul3A_26 = arith.constant 2 : i32
      %mul3A_27 = arith.muli %mul3A_26, %add3A_25 : i32
      %add3A_28 = arith.constant 0 : i32
      %add3A_29 = arith.addi %mul3A_27, %add3A_28 : i32
      %gt3A = arith.constant 0 : i32
      %gt3A_30 = arith.cmpi sgt, %add3A_25, %gt3A : i32
      %convert_element_type3A = arith.extui %gt3A_30 : i1 to i32
      %cond3A = arith.constant 0 : i32
      %cond3A_31 = arith.cmpi ne, %convert_element_type3A, %cond3A : i32
      scf.if %cond3A_31 {
        %dma_wait3A_89 = arith.constant 0 : i32
        %dma_wait3A_90 = tpu.memref_slice %arg4[%mul3A_2, %dma_wait3A_89] : memref<320000x256xf32, #tpu.memory_space<hbm>> -> memref<200x256xf32, #tpu.memory_space<hbm>>
        %dma_wait3A_91 = arith.constant 0 : i32
        %dma_wait3A_92 = tpu.memref_slice %arg4[%mul3A_2, %dma_wait3A_91] : memref<320000x256xf32, #tpu.memory_space<hbm>> -> memref<200x256xf32, #tpu.memory_space<hbm>>
        tpu.wait_dma2 semaphore(%arg13 : memref<!tpu.dma_semaphore, #tpu.memory_space<semaphore_mem>>) src(%arg7 : memref<200x256xf32, #tpu.memory_space<vmem>>) dst(%dma_wait3A_92 : memref<200x256xf32, #tpu.memory_space<hbm>>)
      } else {
      }
      %dma_wait3A_32 = tpu.memref_slice %arg3[%mul3A_2] : memref<320000xi32, #tpu.memory_space<hbm>> -> memref<200xi32, #tpu.memory_space<hbm>>
      %dma_wait3A_33 = tpu.memref_slice %arg3[%mul3A_2] : memref<320000xi32, #tpu.memory_space<hbm>> -> memref<200xi32, #tpu.memory_space<hbm>>
      tpu.wait_dma2 semaphore(%arg9 : memref<!tpu.dma_semaphore, #tpu.memory_space<semaphore_mem>>) src(%dma_wait3A_33 : memref<200xi32, #tpu.memory_space<hbm>>) dst(%arg5 : memref<200xi32, #tpu.memory_space<vmem>>)
      %dma_start3A_34 = arith.constant 0 : i32
      %dma_start3A_35 = arith.constant 0 : i32
      %dma_start3A_36 = tpu.memref_slice %arg2[%dma_start3A_34, %dma_start3A_35] : memref<10000x256xf32, #tpu.memory_space<hbm>> -> memref<10000x256xf32, #tpu.memory_space<hbm>>
      tpu.enqueue_indirect_dma source(%dma_start3A_36 : memref<10000x256xf32, #tpu.memory_space<hbm>>) target(%arg7 : memref<200x256xf32, #tpu.memory_space<vmem>>) offsets(%arg5 : memref<200xi32, #tpu.memory_space<vmem>>) semaphore(%arg11 : memref<!tpu.dma_semaphore, #tpu.memory_space<semaphore_mem>>)
      %mul3A_37 = arith.constant 2 : i32
      %mul3A_38 = arith.muli %mul3A_37, %add3A_25 : i32
      %add3A_39 = arith.constant 1 : i32
      %add3A_40 = arith.addi %mul3A_38, %add3A_39 : i32
      %gt3A_41 = arith.constant 0 : i32
      %gt3A_42 = arith.cmpi sgt, %add3A_25, %gt3A_41 : i32
      %convert_element_type3A_43 = arith.extui %gt3A_42 : i1 to i32
      %cond3A_44 = arith.constant 0 : i32
      %cond3A_45 = arith.cmpi ne, %convert_element_type3A_43, %cond3A_44 : i32
      scf.if %cond3A_45 {
        %dma_wait3A_89 = arith.constant 0 : i32
        %dma_wait3A_90 = tpu.memref_slice %arg4[%mul3A_2, %dma_wait3A_89] : memref<320000x256xf32, #tpu.memory_space<hbm>> -> memref<200x256xf32, #tpu.memory_space<hbm>>
        %dma_wait3A_91 = arith.constant 0 : i32
        %dma_wait3A_92 = tpu.memref_slice %arg4[%mul3A_2, %dma_wait3A_91] : memref<320000x256xf32, #tpu.memory_space<hbm>> -> memref<200x256xf32, #tpu.memory_space<hbm>>
        tpu.wait_dma2 semaphore(%arg14 : memref<!tpu.dma_semaphore, #tpu.memory_space<semaphore_mem>>) src(%arg8 : memref<200x256xf32, #tpu.memory_space<vmem>>) dst(%dma_wait3A_92 : memref<200x256xf32, #tpu.memory_space<hbm>>)
      } else {
      }
      %dma_wait3A_46 = tpu.memref_slice %arg3[%mul3A_2] : memref<320000xi32, #tpu.memory_space<hbm>> -> memref<200xi32, #tpu.memory_space<hbm>>
      %dma_wait3A_47 = tpu.memref_slice %arg3[%mul3A_2] : memref<320000xi32, #tpu.memory_space<hbm>> -> memref<200xi32, #tpu.memory_space<hbm>>
      tpu.wait_dma2 semaphore(%arg10 : memref<!tpu.dma_semaphore, #tpu.memory_space<semaphore_mem>>) src(%dma_wait3A_47 : memref<200xi32, #tpu.memory_space<hbm>>) dst(%arg6 : memref<200xi32, #tpu.memory_space<vmem>>)
      %dma_start3A_48 = arith.constant 0 : i32
      %dma_start3A_49 = arith.constant 0 : i32
      %dma_start3A_50 = tpu.memref_slice %arg2[%dma_start3A_48, %dma_start3A_49] : memref<10000x256xf32, #tpu.memory_space<hbm>> -> memref<10000x256xf32, #tpu.memory_space<hbm>>
      tpu.enqueue_indirect_dma source(%dma_start3A_50 : memref<10000x256xf32, #tpu.memory_space<hbm>>) target(%arg8 : memref<200x256xf32, #tpu.memory_space<vmem>>) offsets(%arg6 : memref<200xi32, #tpu.memory_space<vmem>>) semaphore(%arg12 : memref<!tpu.dma_semaphore, #tpu.memory_space<semaphore_mem>>)
      %mul3A_51 = arith.constant 2 : i32
      %mul3A_52 = arith.muli %mul3A_51, %add3A_25 : i32
      %add3A_53 = arith.constant 0 : i32
      %add3A_54 = arith.addi %mul3A_52, %add3A_53 : i32
      %dma_wait3A_55 = arith.constant 0 : i32
      %dma_wait3A_56 = arith.constant 0 : i32
      %dma_wait3A_57 = tpu.memref_slice %arg2[%dma_wait3A_55, %dma_wait3A_56] : memref<10000x256xf32, #tpu.memory_space<hbm>> -> memref<200x256xf32, #tpu.memory_space<hbm>>
      %dma_wait3A_58 = arith.constant 0 : i32
      %dma_wait3A_59 = arith.constant 0 : i32
      %dma_wait3A_60 = tpu.memref_slice %arg2[%dma_wait3A_58, %dma_wait3A_59] : memref<10000x256xf32, #tpu.memory_space<hbm>> -> memref<200x256xf32, #tpu.memory_space<hbm>>
      tpu.wait_dma2 semaphore(%arg11 : memref<!tpu.dma_semaphore, #tpu.memory_space<semaphore_mem>>) src(%dma_wait3A_60 : memref<200x256xf32, #tpu.memory_space<hbm>>) dst(%arg7 : memref<200x256xf32, #tpu.memory_space<vmem>>)
      %mul3A_61 = arith.constant 200 : i32
      %mul3A_62 = arith.muli %add3A_54, %mul3A_61 : i32
      %add3A_63 = arith.addi %mul3A_2, %mul3A_62 : i32
      %dma_start3A_64 = arith.constant 0 : i32
      %dma_start3A_65 = tpu.memref_slice %arg4[%add3A_63, %dma_start3A_64] : memref<320000x256xf32, #tpu.memory_space<hbm>> -> memref<200x256xf32, #tpu.memory_space<hbm>>
      %dma_start3A_66 = arith.constant 0 : i32
      %dma_start3A_67 = tpu.memref_slice %arg4[%add3A_63, %dma_start3A_66] : memref<320000x256xf32, #tpu.memory_space<hbm>> -> memref<200x256xf32, #tpu.memory_space<hbm>>
      tpu.enqueue_dma source(%arg7 : memref<200x256xf32, #tpu.memory_space<vmem>>) target(%dma_start3A_67 : memref<200x256xf32, #tpu.memory_space<hbm>>) target_semaphore(%arg13 : memref<!tpu.dma_semaphore, #tpu.memory_space<semaphore_mem>>)
      %mul3A_68 = arith.constant 2 : i32
      %mul3A_69 = arith.muli %mul3A_68, %add3A_25 : i32
      %add3A_70 = arith.constant 1 : i32
      %add3A_71 = arith.addi %mul3A_69, %add3A_70 : i32
      %dma_wait3A_72 = arith.constant 0 : i32
      %dma_wait3A_73 = arith.constant 0 : i32
      %dma_wait3A_74 = tpu.memref_slice %arg2[%dma_wait3A_72, %dma_wait3A_73] : memref<10000x256xf32, #tpu.memory_space<hbm>> -> memref<200x256xf32, #tpu.memory_space<hbm>>
      %dma_wait3A_75 = arith.constant 0 : i32
      %dma_wait3A_76 = arith.constant 0 : i32
      %dma_wait3A_77 = tpu.memref_slice %arg2[%dma_wait3A_75, %dma_wait3A_76] : memref<10000x256xf32, #tpu.memory_space<hbm>> -> memref<200x256xf32, #tpu.memory_space<hbm>>
      tpu.wait_dma2 semaphore(%arg12 : memref<!tpu.dma_semaphore, #tpu.memory_space<semaphore_mem>>) src(%dma_wait3A_77 : memref<200x256xf32, #tpu.memory_space<hbm>>) dst(%arg8 : memref<200x256xf32, #tpu.memory_space<vmem>>)
      %mul3A_78 = arith.constant 200 : i32
      %mul3A_79 = arith.muli %add3A_71, %mul3A_78 : i32
      %add3A_80 = arith.addi %mul3A_2, %mul3A_79 : i32
      %dma_start3A_81 = arith.constant 0 : i32
      %dma_start3A_82 = tpu.memref_slice %arg4[%add3A_80, %dma_start3A_81] : memref<320000x256xf32, #tpu.memory_space<hbm>> -> memref<200x256xf32, #tpu.memory_space<hbm>>
      %dma_start3A_83 = arith.constant 0 : i32
      %dma_start3A_84 = tpu.memref_slice %arg4[%add3A_80, %dma_start3A_83] : memref<320000x256xf32, #tpu.memory_space<hbm>> -> memref<200x256xf32, #tpu.memory_space<hbm>>
      tpu.enqueue_dma source(%arg8 : memref<200x256xf32, #tpu.memory_space<vmem>>) target(%dma_start3A_84 : memref<200x256xf32, #tpu.memory_space<hbm>>) target_semaphore(%arg14 : memref<!tpu.dma_semaphore, #tpu.memory_space<semaphore_mem>>)
      %lt3A = arith.constant 24 : i32
      %lt3A_85 = arith.cmpi slt, %add3A_25, %lt3A : i32
      %convert_element_type3A_86 = arith.extui %lt3A_85 : i1 to i32
      %cond3A_87 = arith.constant 0 : i32
      %cond3A_88 = arith.cmpi ne, %convert_element_type3A_86, %cond3A_87 : i32
      scf.if %cond3A_88 {
        %mul3A_89 = arith.constant 2 : i32
        %mul3A_90 = arith.muli %mul3A_89, %add3A_25 : i32
        %add3A_91 = arith.constant 2 : i32
        %add3A_92 = arith.addi %mul3A_90, %add3A_91 : i32
        %mul3A_93 = arith.constant 200 : i32
        %mul3A_94 = arith.muli %add3A_92, %mul3A_93 : i32
        %add3A_95 = arith.addi %mul3A_2, %mul3A_94 : i32
        %dma_start3A_96 = tpu.memref_slice %arg3[%add3A_95] : memref<320000xi32, #tpu.memory_space<hbm>> -> memref<200xi32, #tpu.memory_space<hbm>>
        %dma_start3A_97 = tpu.memref_slice %arg3[%add3A_95] : memref<320000xi32, #tpu.memory_space<hbm>> -> memref<200xi32, #tpu.memory_space<hbm>>
        tpu.enqueue_dma source(%dma_start3A_97 : memref<200xi32, #tpu.memory_space<hbm>>) target(%arg5 : memref<200xi32, #tpu.memory_space<vmem>>) target_semaphore(%arg9 : memref<!tpu.dma_semaphore, #tpu.memory_space<semaphore_mem>>)
        %mul3A_98 = arith.constant 2 : i32
        %mul3A_99 = arith.muli %mul3A_98, %add3A_25 : i32
        %add3A_100 = arith.constant 3 : i32
        %add3A_101 = arith.addi %mul3A_99, %add3A_100 : i32
        %mul3A_102 = arith.constant 200 : i32
        %mul3A_103 = arith.muli %add3A_101, %mul3A_102 : i32
        %add3A_104 = arith.addi %mul3A_2, %mul3A_103 : i32
        %dma_start3A_105 = tpu.memref_slice %arg3[%add3A_104] : memref<320000xi32, #tpu.memory_space<hbm>> -> memref<200xi32, #tpu.memory_space<hbm>>
        %dma_start3A_106 = tpu.memref_slice %arg3[%add3A_104] : memref<320000xi32, #tpu.memory_space<hbm>> -> memref<200xi32, #tpu.memory_space<hbm>>
        tpu.enqueue_dma source(%dma_start3A_106 : memref<200xi32, #tpu.memory_space<hbm>>) target(%arg6 : memref<200xi32, #tpu.memory_space<vmem>>) target_semaphore(%arg10 : memref<!tpu.dma_semaphore, #tpu.memory_space<semaphore_mem>>)
      } else {
      }
    }
    %scan3A_13 = arith.constant 25 : i32
    %dma_wait3A = arith.constant 0 : i32
    %dma_wait3A_14 = tpu.memref_slice %arg4[%mul3A_2, %dma_wait3A] : memref<320000x256xf32, #tpu.memory_space<hbm>> -> memref<200x256xf32, #tpu.memory_space<hbm>>
    %dma_wait3A_15 = arith.constant 0 : i32
    %dma_wait3A_16 = tpu.memref_slice %arg4[%mul3A_2, %dma_wait3A_15] : memref<320000x256xf32, #tpu.memory_space<hbm>> -> memref<200x256xf32, #tpu.memory_space<hbm>>
    tpu.wait_dma2 semaphore(%arg13 : memref<!tpu.dma_semaphore, #tpu.memory_space<semaphore_mem>>) src(%arg7 : memref<200x256xf32, #tpu.memory_space<vmem>>) dst(%dma_wait3A_16 : memref<200x256xf32, #tpu.memory_space<hbm>>)
    %dma_wait3A_17 = arith.constant 0 : i32
    %dma_wait3A_18 = tpu.memref_slice %arg4[%mul3A_2, %dma_wait3A_17] : memref<320000x256xf32, #tpu.memory_space<hbm>> -> memref<200x256xf32, #tpu.memory_space<hbm>>
    %dma_wait3A_19 = arith.constant 0 : i32
    %dma_wait3A_20 = tpu.memref_slice %arg4[%mul3A_2, %dma_wait3A_19] : memref<320000x256xf32, #tpu.memory_space<hbm>> -> memref<200x256xf32, #tpu.memory_space<hbm>>
    tpu.wait_dma2 semaphore(%arg14 : memref<!tpu.dma_semaphore, #tpu.memory_space<semaphore_mem>>) src(%arg8 : memref<200x256xf32, #tpu.memory_space<vmem>>) dst(%dma_wait3A_20 : memref<200x256xf32, #tpu.memory_space<hbm>>)
    return
  }
}

#map = affine_map<(d0, d1) -> (0, 0)>
#map1 = affine_map<(d0, d1) -> (0)>
#map2 = affine_map<(d0, d1) -> (0, 0, 0)>
module attributes {stable_mosaic.version = 14 : i64} {
  func.func @k(%arg0: i32, %arg1: i32, %arg2: memref<160000x128xf32, #tpu.memory_space<hbm>>, %arg3: memref<160000xi32, #tpu.memory_space<hbm>>, %arg4: memref<2x10000x128xf32, #tpu.memory_space<hbm>>, %arg5: memref<200xi32, #tpu.memory_space<vmem>>, %arg6: memref<200x128xf32, #tpu.memory_space<vmem>>, %arg7: memref<10000x128xf32, #tpu.memory_space<vmem_shared>>, %arg8: memref<!tpu.dma_semaphore, #tpu.memory_space<semaphore_mem>>) attributes {dimension_semantics = [#tpu.dimension_semantics<core_parallel>, #tpu.dimension_semantics<subcore_parallel>], iteration_bounds = array<i64: 2, 16>, scalar_prefetch = 0 : i64, scratch_operands = 4 : i64, tpu.core_type = #tpu.core_type<sc_vector_subcore>, window_params = [{transform_indices = #map}, {transform_indices = #map1}, {transform_indices = #map2}]} {
    %broadcast_in_dim3A = arith.constant 0.000000e+00 : f32
    %broadcast_in_dim3A_0 = vector.broadcast %broadcast_in_dim3A : f32 to vector<16xf32>
    %mul3A = arith.constant 2 : i32
    %mul3A_1 = arith.muli %arg1, %mul3A : i32
    %add3A = arith.addi %mul3A_1, %arg0 : i32
    %mul3A_2 = arith.constant 5000 : i32
    %mul3A_3 = arith.muli %add3A, %mul3A_2 : i32
    %scan3A = arith.constant 0 : i32
    %scan3A_4 = arith.constant 200 : i32
    %scan3A_5 = arith.addi %scan3A, %scan3A_4 : i32
    %scan3A_6 = arith.constant 1 : i32
    scf.for %scan3A_21 = %scan3A to %scan3A_5 step %scan3A_6  : i32 {
      %mul3A_22 = arith.constant 1 : i32
      %mul3A_23 = arith.muli %scan3A_21, %mul3A_22 : i32
      %add3A_24 = arith.constant 0 : i32
      %add3A_25 = arith.addi %add3A_24, %mul3A_23 : i32
      %swap3A = arith.index_cast %add3A_25 : i32 to index
      %swap3A_26 = arith.constant 0 : index
      %swap3A_27 = tpu.vector_load %arg6[%swap3A, %swap3A_26] {strides = array<i32>} : memref<200x128xf32, #tpu.memory_space<vmem>>, vector<1x16xf32>,
      %swap3A_28 = vector.shape_cast %swap3A_27 : vector<1x16xf32> to vector<16xf32>
      %swap3A_29 = vector.shape_cast %broadcast_in_dim3A_0 : vector<16xf32> to vector<1x16xf32>
      tpu.vector_store %arg6[%swap3A, %swap3A_26], %swap3A_29 {strides = array<i32>} : memref<200x128xf32, #tpu.memory_space<vmem>>, vector<1x16xf32>,
      %swap3A_30 = arith.index_cast %add3A_25 : i32 to index
      %swap3A_31 = arith.constant 16 : index
      %swap3A_32 = tpu.vector_load %arg6[%swap3A_30, %swap3A_31] {strides = array<i32>} : memref<200x128xf32, #tpu.memory_space<vmem>>, vector<1x16xf32>,
      %swap3A_33 = vector.shape_cast %swap3A_32 : vector<1x16xf32> to vector<16xf32>
      %swap3A_34 = vector.shape_cast %broadcast_in_dim3A_0 : vector<16xf32> to vector<1x16xf32>
      tpu.vector_store %arg6[%swap3A_30, %swap3A_31], %swap3A_34 {strides = array<i32>} : memref<200x128xf32, #tpu.memory_space<vmem>>, vector<1x16xf32>,
      %swap3A_35 = arith.index_cast %add3A_25 : i32 to index
      %swap3A_36 = arith.constant 32 : index
      %swap3A_37 = tpu.vector_load %arg6[%swap3A_35, %swap3A_36] {strides = array<i32>} : memref<200x128xf32, #tpu.memory_space<vmem>>, vector<1x16xf32>,
      %swap3A_38 = vector.shape_cast %swap3A_37 : vector<1x16xf32> to vector<16xf32>
      %swap3A_39 = vector.shape_cast %broadcast_in_dim3A_0 : vector<16xf32> to vector<1x16xf32>
      tpu.vector_store %arg6[%swap3A_35, %swap3A_36], %swap3A_39 {strides = array<i32>} : memref<200x128xf32, #tpu.memory_space<vmem>>, vector<1x16xf32>,
      %swap3A_40 = arith.index_cast %add3A_25 : i32 to index
      %swap3A_41 = arith.constant 48 : index
      %swap3A_42 = tpu.vector_load %arg6[%swap3A_40, %swap3A_41] {strides = array<i32>} : memref<200x128xf32, #tpu.memory_space<vmem>>, vector<1x16xf32>,
      %swap3A_43 = vector.shape_cast %swap3A_42 : vector<1x16xf32> to vector<16xf32>
      %swap3A_44 = vector.shape_cast %broadcast_in_dim3A_0 : vector<16xf32> to vector<1x16xf32>
      tpu.vector_store %arg6[%swap3A_40, %swap3A_41], %swap3A_44 {strides = array<i32>} : memref<200x128xf32, #tpu.memory_space<vmem>>, vector<1x16xf32>,
      %swap3A_45 = arith.index_cast %add3A_25 : i32 to index
      %swap3A_46 = arith.constant 64 : index
      %swap3A_47 = tpu.vector_load %arg6[%swap3A_45, %swap3A_46] {strides = array<i32>} : memref<200x128xf32, #tpu.memory_space<vmem>>, vector<1x16xf32>,
      %swap3A_48 = vector.shape_cast %swap3A_47 : vector<1x16xf32> to vector<16xf32>
      %swap3A_49 = vector.shape_cast %broadcast_in_dim3A_0 : vector<16xf32> to vector<1x16xf32>
      tpu.vector_store %arg6[%swap3A_45, %swap3A_46], %swap3A_49 {strides = array<i32>} : memref<200x128xf32, #tpu.memory_space<vmem>>, vector<1x16xf32>,
      %swap3A_50 = arith.index_cast %add3A_25 : i32 to index
      %swap3A_51 = arith.constant 80 : index
      %swap3A_52 = tpu.vector_load %arg6[%swap3A_50, %swap3A_51] {strides = array<i32>} : memref<200x128xf32, #tpu.memory_space<vmem>>, vector<1x16xf32>,
      %swap3A_53 = vector.shape_cast %swap3A_52 : vector<1x16xf32> to vector<16xf32>
      %swap3A_54 = vector.shape_cast %broadcast_in_dim3A_0 : vector<16xf32> to vector<1x16xf32>
      tpu.vector_store %arg6[%swap3A_50, %swap3A_51], %swap3A_54 {strides = array<i32>} : memref<200x128xf32, #tpu.memory_space<vmem>>, vector<1x16xf32>,
      %swap3A_55 = arith.index_cast %add3A_25 : i32 to index
      %swap3A_56 = arith.constant 96 : index
      %swap3A_57 = tpu.vector_load %arg6[%swap3A_55, %swap3A_56] {strides = array<i32>} : memref<200x128xf32, #tpu.memory_space<vmem>>, vector<1x16xf32>,
      %swap3A_58 = vector.shape_cast %swap3A_57 : vector<1x16xf32> to vector<16xf32>
      %swap3A_59 = vector.shape_cast %broadcast_in_dim3A_0 : vector<16xf32> to vector<1x16xf32>
      tpu.vector_store %arg6[%swap3A_55, %swap3A_56], %swap3A_59 {strides = array<i32>} : memref<200x128xf32, #tpu.memory_space<vmem>>, vector<1x16xf32>,
      %swap3A_60 = arith.index_cast %add3A_25 : i32 to index
      %swap3A_61 = arith.constant 112 : index
      %swap3A_62 = tpu.vector_load %arg6[%swap3A_60, %swap3A_61] {strides = array<i32>} : memref<200x128xf32, #tpu.memory_space<vmem>>, vector<1x16xf32>,
      %swap3A_63 = vector.shape_cast %swap3A_62 : vector<1x16xf32> to vector<16xf32>
      %swap3A_64 = vector.shape_cast %broadcast_in_dim3A_0 : vector<16xf32> to vector<1x16xf32>
      tpu.vector_store %arg6[%swap3A_60, %swap3A_61], %swap3A_64 {strides = array<i32>} : memref<200x128xf32, #tpu.memory_space<vmem>>, vector<1x16xf32>,
    }
    %scan3A_7 = arith.constant 200 : i32
    %lt3A = arith.constant 10 : i32
    %lt3A_8 = arith.cmpi slt, %arg1, %lt3A : i32
    %convert_element_type3A = arith.extui %lt3A_8 : i1 to i32
    %cond3A = arith.constant 0 : i32
    %cond3A_9 = arith.cmpi ne, %convert_element_type3A, %cond3A : i32
    scf.if %cond3A_9 {
      %scan3A_21 = arith.constant 0 : i32
      %scan3A_22 = arith.constant 5 : i32
      %scan3A_23 = arith.addi %scan3A_21, %scan3A_22 : i32
      %scan3A_24 = arith.constant 1 : i32
      scf.for %scan3A_26 = %scan3A_21 to %scan3A_23 step %scan3A_24  : i32 {
        %mul3A_27 = arith.constant 1 : i32
        %mul3A_28 = arith.muli %scan3A_26, %mul3A_27 : i32
        %add3A_29 = arith.constant 0 : i32
        %add3A_30 = arith.addi %add3A_29, %mul3A_28 : i32
        %mul3A_31 = arith.constant 1000 : i32
        %mul3A_32 = arith.muli %arg1, %mul3A_31 : i32
        %mul3A_33 = arith.constant 200 : i32
        %mul3A_34 = arith.muli %add3A_30, %mul3A_33 : i32
        %add3A_35 = arith.addi %mul3A_32, %mul3A_34 : i32
        "tpu.region"() ({
          %run_scoped3A = tpu.sem_alloc : memref<!tpu.dma_semaphore, #tpu.memory_space<semaphore_mem>>
          %dma_start3A = arith.constant 0 : i32
          %dma_start3A_36 = tpu.memref_slice %arg7[%add3A_35, %dma_start3A] : memref<10000x128xf32, #tpu.memory_space<vmem_shared>> -> memref<200x128xf32, #tpu.memory_space<vmem_shared>>
          %dma_start3A_37 = arith.constant 0 : i32
          %dma_start3A_38 = tpu.memref_slice %arg7[%add3A_35, %dma_start3A_37] : memref<10000x128xf32, #tpu.memory_space<vmem_shared>> -> memref<200x128xf32, #tpu.memory_space<vmem_shared>>
          tpu.enqueue_dma source(%arg6 : memref<200x128xf32, #tpu.memory_space<vmem>>) target(%dma_start3A_38 : memref<200x128xf32, #tpu.memory_space<vmem_shared>>) target_semaphore(%run_scoped3A : memref<!tpu.dma_semaphore, #tpu.memory_space<semaphore_mem>>)
          %dma_wait3A = arith.constant 0 : i32
          %dma_wait3A_39 = tpu.memref_slice %arg7[%add3A_35, %dma_wait3A] : memref<10000x128xf32, #tpu.memory_space<vmem_shared>> -> memref<200x128xf32, #tpu.memory_space<vmem_shared>>
          %dma_wait3A_40 = arith.constant 0 : i32
          %dma_wait3A_41 = tpu.memref_slice %arg7[%add3A_35, %dma_wait3A_40] : memref<10000x128xf32, #tpu.memory_space<vmem_shared>> -> memref<200x128xf32, #tpu.memory_space<vmem_shared>>
          tpu.wait_dma2 semaphore(%run_scoped3A : memref<!tpu.dma_semaphore, #tpu.memory_space<semaphore_mem>>) src(%arg6 : memref<200x128xf32, #tpu.memory_space<vmem>>) dst(%dma_wait3A_41 : memref<200x128xf32, #tpu.memory_space<vmem_shared>>)
          tpu.yield
        }) : () -> ()
      }
      %scan3A_25 = arith.constant 5 : i32
    } else {
    }
    %barrier3A = arith.constant 0 : index
    tpu.barrier barrier_id(%barrier3A)
    %scan3A_10 = arith.constant 0 : i32
    %scan3A_11 = arith.constant 25 : i32
    %scan3A_12 = arith.addi %scan3A_10, %scan3A_11 : i32
    %scan3A_13 = arith.constant 1 : i32
    scf.for %scan3A_21 = %scan3A_10 to %scan3A_12 step %scan3A_13  : i32 {
      %mul3A_22 = arith.constant 1 : i32
      %mul3A_23 = arith.muli %scan3A_21, %mul3A_22 : i32
      %add3A_24 = arith.constant 0 : i32
      %add3A_25 = arith.addi %add3A_24, %mul3A_23 : i32
      %mul3A_26 = arith.constant 200 : i32
      %mul3A_27 = arith.muli %add3A_25, %mul3A_26 : i32
      %add3A_28 = arith.addi %mul3A_3, %mul3A_27 : i32
      "tpu.region"() ({
        %run_scoped3A = tpu.sem_alloc : memref<!tpu.dma_semaphore, #tpu.memory_space<semaphore_mem>>
        %dma_start3A = tpu.memref_slice %arg3[%add3A_28] : memref<160000xi32, #tpu.memory_space<hbm>> -> memref<200xi32, #tpu.memory_space<hbm>>
        %dma_start3A_29 = tpu.memref_slice %arg3[%add3A_28] : memref<160000xi32, #tpu.memory_space<hbm>> -> memref<200xi32, #tpu.memory_space<hbm>>
        tpu.enqueue_dma source(%dma_start3A_29 : memref<200xi32, #tpu.memory_space<hbm>>) target(%arg5 : memref<200xi32, #tpu.memory_space<vmem>>) target_semaphore(%run_scoped3A : memref<!tpu.dma_semaphore, #tpu.memory_space<semaphore_mem>>)
        %dma_wait3A = tpu.memref_slice %arg3[%add3A_28] : memref<160000xi32, #tpu.memory_space<hbm>> -> memref<200xi32, #tpu.memory_space<hbm>>
        %dma_wait3A_30 = tpu.memref_slice %arg3[%add3A_28] : memref<160000xi32, #tpu.memory_space<hbm>> -> memref<200xi32, #tpu.memory_space<hbm>>
        tpu.wait_dma2 semaphore(%run_scoped3A : memref<!tpu.dma_semaphore, #tpu.memory_space<semaphore_mem>>) src(%dma_wait3A_30 : memref<200xi32, #tpu.memory_space<hbm>>) dst(%arg5 : memref<200xi32, #tpu.memory_space<vmem>>)
        tpu.yield
      }) : () -> ()
      "tpu.region"() ({
        %run_scoped3A = tpu.sem_alloc : memref<!tpu.dma_semaphore, #tpu.memory_space<semaphore_mem>>
        %dma_start3A = arith.constant 0 : i32
        %dma_start3A_29 = tpu.memref_slice %arg2[%add3A_28, %dma_start3A] : memref<160000x128xf32, #tpu.memory_space<hbm>> -> memref<200x128xf32, #tpu.memory_space<hbm>>
        %dma_start3A_30 = arith.constant 0 : i32
        %dma_start3A_31 = tpu.memref_slice %arg2[%add3A_28, %dma_start3A_30] : memref<160000x128xf32, #tpu.memory_space<hbm>> -> memref<200x128xf32, #tpu.memory_space<hbm>>
        tpu.enqueue_dma source(%dma_start3A_31 : memref<200x128xf32, #tpu.memory_space<hbm>>) target(%arg6 : memref<200x128xf32, #tpu.memory_space<vmem>>) target_semaphore(%run_scoped3A : memref<!tpu.dma_semaphore, #tpu.memory_space<semaphore_mem>>)
        %dma_wait3A = arith.constant 0 : i32
        %dma_wait3A_32 = tpu.memref_slice %arg2[%add3A_28, %dma_wait3A] : memref<160000x128xf32, #tpu.memory_space<hbm>> -> memref<200x128xf32, #tpu.memory_space<hbm>>
        %dma_wait3A_33 = arith.constant 0 : i32
        %dma_wait3A_34 = tpu.memref_slice %arg2[%add3A_28, %dma_wait3A_33] : memref<160000x128xf32, #tpu.memory_space<hbm>> -> memref<200x128xf32, #tpu.memory_space<hbm>>
        tpu.wait_dma2 semaphore(%run_scoped3A : memref<!tpu.dma_semaphore, #tpu.memory_space<semaphore_mem>>) src(%dma_wait3A_34 : memref<200x128xf32, #tpu.memory_space<hbm>>) dst(%arg6 : memref<200x128xf32, #tpu.memory_space<vmem>>)
        tpu.yield
      }) : () -> ()
      "tpu.region"() ({
        %run_scoped3A = tpu.sem_alloc : memref<!tpu.dma_semaphore, #tpu.memory_space<semaphore_mem>>
        %dma_start3A = arith.constant 0 : i32
        %dma_start3A_29 = arith.constant 0 : i32
        %dma_start3A_30 = tpu.memref_slice %arg7[%dma_start3A, %dma_start3A_29] : memref<10000x128xf32, #tpu.memory_space<vmem_shared>> -> memref<10000x128xf32, #tpu.memory_space<vmem_shared>>
        tpu.enqueue_indirect_dma source(%arg6 : memref<200x128xf32, #tpu.memory_space<vmem>>) target(%dma_start3A_30 : memref<10000x128xf32, #tpu.memory_space<vmem_shared>>) offsets(%arg5 : memref<200xi32, #tpu.memory_space<vmem>>) semaphore(%run_scoped3A : memref<!tpu.dma_semaphore, #tpu.memory_space<semaphore_mem>>) {add = true}
        %dma_wait3A = arith.constant 0 : i32
        %dma_wait3A_31 = arith.constant 0 : i32
        %dma_wait3A_32 = tpu.memref_slice %arg7[%dma_wait3A, %dma_wait3A_31] : memref<10000x128xf32, #tpu.memory_space<vmem_shared>> -> memref<10000x128xf32, #tpu.memory_space<vmem_shared>>
        tpu.wait_indirect_dma semaphore(%run_scoped3A : memref<!tpu.dma_semaphore, #tpu.memory_space<semaphore_mem>>) src(%arg6 : memref<200x128xf32, #tpu.memory_space<vmem>>) dst(%dma_wait3A_32 : memref<10000x128xf32, #tpu.memory_space<vmem_shared>>)
        tpu.yield
      }) : () -> ()
    }
    %scan3A_14 = arith.constant 25 : i32
    %barrier3A_15 = arith.constant 0 : index
    tpu.barrier barrier_id(%barrier3A_15)
    %lt3A_16 = arith.constant 10 : i32
    %lt3A_17 = arith.cmpi slt, %arg1, %lt3A_16 : i32
    %convert_element_type3A_18 = arith.extui %lt3A_17 : i1 to i32
    %cond3A_19 = arith.constant 0 : i32
    %cond3A_20 = arith.cmpi ne, %convert_element_type3A_18, %cond3A_19 : i32
    scf.if %cond3A_20 {
      %mul3A_21 = arith.constant 1000 : i32
      %mul3A_22 = arith.muli %arg1, %mul3A_21 : i32
      %mul3A_23 = arith.constant 1000 : i32
      %mul3A_24 = arith.muli %arg1, %mul3A_23 : i32
      "tpu.region"() ({
        %run_scoped3A = tpu.sem_alloc : memref<!tpu.dma_semaphore, #tpu.memory_space<semaphore_mem>>
        %dma_start3A = arith.constant 0 : i32
        %dma_start3A_25 = tpu.memref_slice %arg4[%arg0, %mul3A_24, %dma_start3A] : memref<2x10000x128xf32, #tpu.memory_space<hbm>> -> memref<1x1000x128xf32, #tpu.memory_space<hbm>>
        %dma_start3A_26 = tpu.memref_squeeze %dma_start3A_25 : memref<1x1000x128xf32, #tpu.memory_space<hbm>> -> memref<1000x128xf32, #tpu.memory_space<hbm>>
        %dma_start3A_27 = arith.constant 0 : i32
        %dma_start3A_28 = tpu.memref_slice %arg7[%mul3A_22, %dma_start3A_27] : memref<10000x128xf32, #tpu.memory_space<vmem_shared>> -> memref<1000x128xf32, #tpu.memory_space<vmem_shared>>
        tpu.enqueue_dma source(%dma_start3A_28 : memref<1000x128xf32, #tpu.memory_space<vmem_shared>>) target(%dma_start3A_26 : memref<1000x128xf32, #tpu.memory_space<hbm>>) target_semaphore(%run_scoped3A : memref<!tpu.dma_semaphore, #tpu.memory_space<semaphore_mem>>)
        %dma_wait3A = arith.constant 0 : i32
        %dma_wait3A_29 = tpu.memref_slice %arg4[%arg0, %mul3A_24, %dma_wait3A] : memref<2x10000x128xf32, #tpu.memory_space<hbm>> -> memref<1x1000x128xf32, #tpu.memory_space<hbm>>
        %dma_wait3A_30 = tpu.memref_squeeze %dma_wait3A_29 : memref<1x1000x128xf32, #tpu.memory_space<hbm>> -> memref<1000x128xf32, #tpu.memory_space<hbm>>
        %dma_wait3A_31 = arith.constant 0 : i32
        %dma_wait3A_32 = tpu.memref_slice %arg7[%mul3A_22, %dma_wait3A_31] : memref<10000x128xf32, #tpu.memory_space<vmem_shared>> -> memref<1000x128xf32, #tpu.memory_space<vmem_shared>>
        tpu.wait_dma2 semaphore(%run_scoped3A : memref<!tpu.dma_semaphore, #tpu.memory_space<semaphore_mem>>) src(%dma_wait3A_32 : memref<1000x128xf32, #tpu.memory_space<vmem_shared>>) dst(%dma_wait3A_30 : memref<1000x128xf32, #tpu.memory_space<hbm>>)
        tpu.yield
      }) : () -> ()
    } else {
    }
    return
  }
}

#map = affine_map<(d0, d1) -> (0, 0)>
#map1 = affine_map<(d0, d1) -> (0)>
module attributes {stable_mosaic.version = 14 : i64} {
  func.func @k(%arg0: i32, %arg1: i32, %arg2: memref<10000x128xf32, #tpu.memory_space<hbm>>, %arg3: memref<320000xi32, #tpu.memory_space<hbm>>, %arg4: memref<320000x128xf32, #tpu.memory_space<hbm>>, %arg5: memref<200xi32, #tpu.memory_space<vmem>>, %arg6: memref<200xi32, #tpu.memory_space<vmem>>, %arg7: memref<200x128xf32, #tpu.memory_space<vmem>>, %arg8: memref<200x128xf32, #tpu.memory_space<vmem>>, %arg9: memref<!tpu.dma_semaphore, #tpu.memory_space<semaphore_mem>>, %arg10: memref<!tpu.dma_semaphore, #tpu.memory_space<semaphore_mem>>, %arg11: memref<!tpu.dma_semaphore, #tpu.memory_space<semaphore_mem>>, %arg12: memref<!tpu.dma_semaphore, #tpu.memory_space<semaphore_mem>>, %arg13: memref<!tpu.dma_semaphore, #tpu.memory_space<semaphore_mem>>, %arg14: memref<!tpu.dma_semaphore, #tpu.memory_space<semaphore_mem>>) attributes {dimension_semantics = [#tpu.dimension_semantics<core_parallel>, #tpu.dimension_semantics<subcore_parallel>], iteration_bounds = array<i64: 2, 16>, scalar_prefetch = 0 : i64, scratch_operands = 10 : i64, tpu.core_type = #tpu.core_type<sc_vector_subcore>, window_params = [{transform_indices = #map}, {transform_indices = #map1}, {transform_indices = #map}]} {
    %mul3A = arith.constant 2 : i32
    %mul3A_0 = arith.muli %arg1, %mul3A : i32
    %add3A = arith.addi %mul3A_0, %arg0 : i32
    %mul3A_1 = arith.constant 10000 : i32
    %mul3A_2 = arith.muli %add3A, %mul3A_1 : i32
    %add3A_3 = arith.constant 0 : i32
    %add3A_4 = arith.addi %mul3A_2, %add3A_3 : i32
    %dma_start3A = tpu.memref_slice %arg3[%add3A_4] : memref<320000xi32, #tpu.memory_space<hbm>> -> memref<200xi32, #tpu.memory_space<hbm>>
    %dma_start3A_5 = tpu.memref_slice %arg3[%add3A_4] : memref<320000xi32, #tpu.memory_space<hbm>> -> memref<200xi32, #tpu.memory_space<hbm>>
    tpu.enqueue_dma source(%dma_start3A_5 : memref<200xi32, #tpu.memory_space<hbm>>) target(%arg5 : memref<200xi32, #tpu.memory_space<vmem>>) target_semaphore(%arg9 : memref<!tpu.dma_semaphore, #tpu.memory_space<semaphore_mem>>)
    %add3A_6 = arith.constant 200 : i32
    %add3A_7 = arith.addi %mul3A_2, %add3A_6 : i32
    %dma_start3A_8 = tpu.memref_slice %arg3[%add3A_7] : memref<320000xi32, #tpu.memory_space<hbm>> -> memref<200xi32, #tpu.memory_space<hbm>>
    %dma_start3A_9 = tpu.memref_slice %arg3[%add3A_7] : memref<320000xi32, #tpu.memory_space<hbm>> -> memref<200xi32, #tpu.memory_space<hbm>>
    tpu.enqueue_dma source(%dma_start3A_9 : memref<200xi32, #tpu.memory_space<hbm>>) target(%arg6 : memref<200xi32, #tpu.memory_space<vmem>>) target_semaphore(%arg10 : memref<!tpu.dma_semaphore, #tpu.memory_space<semaphore_mem>>)
    %scan3A = arith.constant 0 : i32
    %scan3A_10 = arith.constant 25 : i32
    %scan3A_11 = arith.addi %scan3A, %scan3A_10 : i32
    %scan3A_12 = arith.constant 1 : i32
    scf.for %scan3A_21 = %scan3A to %scan3A_11 step %scan3A_12  : i32 {
      %mul3A_22 = arith.constant 1 : i32
      %mul3A_23 = arith.muli %scan3A_21, %mul3A_22 : i32
      %add3A_24 = arith.constant 0 : i32
      %add3A_25 = arith.addi %add3A_24, %mul3A_23 : i32
      %mul3A_26 = arith.constant 2 : i32
      %mul3A_27 = arith.muli %mul3A_26, %add3A_25 : i32
      %add3A_28 = arith.constant 0 : i32
      %add3A_29 = arith.addi %mul3A_27, %add3A_28 : i32
      %gt3A = arith.constant 0 : i32
      %gt3A_30 = arith.cmpi sgt, %add3A_25, %gt3A : i32
      %convert_element_type3A = arith.extui %gt3A_30 : i1 to i32
      %cond3A = arith.constant 0 : i32
      %cond3A_31 = arith.cmpi ne, %convert_element_type3A, %cond3A : i32
      scf.if %cond3A_31 {
        %dma_wait3A_89 = arith.constant 0 : i32
        %dma_wait3A_90 = tpu.memref_slice %arg4[%mul3A_2, %dma_wait3A_89] : memref<320000x128xf32, #tpu.memory_space<hbm>> -> memref<200x128xf32, #tpu.memory_space<hbm>>
        %dma_wait3A_91 = arith.constant 0 : i32
        %dma_wait3A_92 = tpu.memref_slice %arg4[%mul3A_2, %dma_wait3A_91] : memref<320000x128xf32, #tpu.memory_space<hbm>> -> memref<200x128xf32, #tpu.memory_space<hbm>>
        tpu.wait_dma2 semaphore(%arg13 : memref<!tpu.dma_semaphore, #tpu.memory_space<semaphore_mem>>) src(%arg7 : memref<200x128xf32, #tpu.memory_space<vmem>>) dst(%dma_wait3A_92 : memref<200x128xf32, #tpu.memory_space<hbm>>)
      } else {
      }
      %dma_wait3A_32 = tpu.memref_slice %arg3[%mul3A_2] : memref<320000xi32, #tpu.memory_space<hbm>> -> memref<200xi32, #tpu.memory_space<hbm>>
      %dma_wait3A_33 = tpu.memref_slice %arg3[%mul3A_2] : memref<320000xi32, #tpu.memory_space<hbm>> -> memref<200xi32, #tpu.memory_space<hbm>>
      tpu.wait_dma2 semaphore(%arg9 : memref<!tpu.dma_semaphore, #tpu.memory_space<semaphore_mem>>) src(%dma_wait3A_33 : memref<200xi32, #tpu.memory_space<hbm>>) dst(%arg5 : memref<200xi32, #tpu.memory_space<vmem>>)
      %dma_start3A_34 = arith.constant 0 : i32
      %dma_start3A_35 = arith.constant 0 : i32
      %dma_start3A_36 = tpu.memref_slice %arg2[%dma_start3A_34, %dma_start3A_35] : memref<10000x128xf32, #tpu.memory_space<hbm>> -> memref<10000x128xf32, #tpu.memory_space<hbm>>
      tpu.enqueue_indirect_dma source(%dma_start3A_36 : memref<10000x128xf32, #tpu.memory_space<hbm>>) target(%arg7 : memref<200x128xf32, #tpu.memory_space<vmem>>) offsets(%arg5 : memref<200xi32, #tpu.memory_space<vmem>>) semaphore(%arg11 : memref<!tpu.dma_semaphore, #tpu.memory_space<semaphore_mem>>)
      %mul3A_37 = arith.constant 2 : i32
      %mul3A_38 = arith.muli %mul3A_37, %add3A_25 : i32
      %add3A_39 = arith.constant 1 : i32
      %add3A_40 = arith.addi %mul3A_38, %add3A_39 : i32
      %gt3A_41 = arith.constant 0 : i32
      %gt3A_42 = arith.cmpi sgt, %add3A_25, %gt3A_41 : i32
      %convert_element_type3A_43 = arith.extui %gt3A_42 : i1 to i32
      %cond3A_44 = arith.constant 0 : i32
      %cond3A_45 = arith.cmpi ne, %convert_element_type3A_43, %cond3A_44 : i32
      scf.if %cond3A_45 {
        %dma_wait3A_89 = arith.constant 0 : i32
        %dma_wait3A_90 = tpu.memref_slice %arg4[%mul3A_2, %dma_wait3A_89] : memref<320000x128xf32, #tpu.memory_space<hbm>> -> memref<200x128xf32, #tpu.memory_space<hbm>>
        %dma_wait3A_91 = arith.constant 0 : i32
        %dma_wait3A_92 = tpu.memref_slice %arg4[%mul3A_2, %dma_wait3A_91] : memref<320000x128xf32, #tpu.memory_space<hbm>> -> memref<200x128xf32, #tpu.memory_space<hbm>>
        tpu.wait_dma2 semaphore(%arg14 : memref<!tpu.dma_semaphore, #tpu.memory_space<semaphore_mem>>) src(%arg8 : memref<200x128xf32, #tpu.memory_space<vmem>>) dst(%dma_wait3A_92 : memref<200x128xf32, #tpu.memory_space<hbm>>)
      } else {
      }
      %dma_wait3A_46 = tpu.memref_slice %arg3[%mul3A_2] : memref<320000xi32, #tpu.memory_space<hbm>> -> memref<200xi32, #tpu.memory_space<hbm>>
      %dma_wait3A_47 = tpu.memref_slice %arg3[%mul3A_2] : memref<320000xi32, #tpu.memory_space<hbm>> -> memref<200xi32, #tpu.memory_space<hbm>>
      tpu.wait_dma2 semaphore(%arg10 : memref<!tpu.dma_semaphore, #tpu.memory_space<semaphore_mem>>) src(%dma_wait3A_47 : memref<200xi32, #tpu.memory_space<hbm>>) dst(%arg6 : memref<200xi32, #tpu.memory_space<vmem>>)
      %dma_start3A_48 = arith.constant 0 : i32
      %dma_start3A_49 = arith.constant 0 : i32
      %dma_start3A_50 = tpu.memref_slice %arg2[%dma_start3A_48, %dma_start3A_49] : memref<10000x128xf32, #tpu.memory_space<hbm>> -> memref<10000x128xf32, #tpu.memory_space<hbm>>
      tpu.enqueue_indirect_dma source(%dma_start3A_50 : memref<10000x128xf32, #tpu.memory_space<hbm>>) target(%arg8 : memref<200x128xf32, #tpu.memory_space<vmem>>) offsets(%arg6 : memref<200xi32, #tpu.memory_space<vmem>>) semaphore(%arg12 : memref<!tpu.dma_semaphore, #tpu.memory_space<semaphore_mem>>)
      %mul3A_51 = arith.constant 2 : i32
      %mul3A_52 = arith.muli %mul3A_51, %add3A_25 : i32
      %add3A_53 = arith.constant 0 : i32
      %add3A_54 = arith.addi %mul3A_52, %add3A_53 : i32
      %dma_wait3A_55 = arith.constant 0 : i32
      %dma_wait3A_56 = arith.constant 0 : i32
      %dma_wait3A_57 = tpu.memref_slice %arg2[%dma_wait3A_55, %dma_wait3A_56] : memref<10000x128xf32, #tpu.memory_space<hbm>> -> memref<200x128xf32, #tpu.memory_space<hbm>>
      %dma_wait3A_58 = arith.constant 0 : i32
      %dma_wait3A_59 = arith.constant 0 : i32
      %dma_wait3A_60 = tpu.memref_slice %arg2[%dma_wait3A_58, %dma_wait3A_59] : memref<10000x128xf32, #tpu.memory_space<hbm>> -> memref<200x128xf32, #tpu.memory_space<hbm>>
      tpu.wait_dma2 semaphore(%arg11 : memref<!tpu.dma_semaphore, #tpu.memory_space<semaphore_mem>>) src(%dma_wait3A_60 : memref<200x128xf32, #tpu.memory_space<hbm>>) dst(%arg7 : memref<200x128xf32, #tpu.memory_space<vmem>>)
      %mul3A_61 = arith.constant 200 : i32
      %mul3A_62 = arith.muli %add3A_54, %mul3A_61 : i32
      %add3A_63 = arith.addi %mul3A_2, %mul3A_62 : i32
      %dma_start3A_64 = arith.constant 0 : i32
      %dma_start3A_65 = tpu.memref_slice %arg4[%add3A_63, %dma_start3A_64] : memref<320000x128xf32, #tpu.memory_space<hbm>> -> memref<200x128xf32, #tpu.memory_space<hbm>>
      %dma_start3A_66 = arith.constant 0 : i32
      %dma_start3A_67 = tpu.memref_slice %arg4[%add3A_63, %dma_start3A_66] : memref<320000x128xf32, #tpu.memory_space<hbm>> -> memref<200x128xf32, #tpu.memory_space<hbm>>
      tpu.enqueue_dma source(%arg7 : memref<200x128xf32, #tpu.memory_space<vmem>>) target(%dma_start3A_67 : memref<200x128xf32, #tpu.memory_space<hbm>>) target_semaphore(%arg13 : memref<!tpu.dma_semaphore, #tpu.memory_space<semaphore_mem>>)
      %mul3A_68 = arith.constant 2 : i32
      %mul3A_69 = arith.muli %mul3A_68, %add3A_25 : i32
      %add3A_70 = arith.constant 1 : i32
      %add3A_71 = arith.addi %mul3A_69, %add3A_70 : i32
      %dma_wait3A_72 = arith.constant 0 : i32
      %dma_wait3A_73 = arith.constant 0 : i32
      %dma_wait3A_74 = tpu.memref_slice %arg2[%dma_wait3A_72, %dma_wait3A_73] : memref<10000x128xf32, #tpu.memory_space<hbm>> -> memref<200x128xf32, #tpu.memory_space<hbm>>
      %dma_wait3A_75 = arith.constant 0 : i32
      %dma_wait3A_76 = arith.constant 0 : i32
      %dma_wait3A_77 = tpu.memref_slice %arg2[%dma_wait3A_75, %dma_wait3A_76] : memref<10000x128xf32, #tpu.memory_space<hbm>> -> memref<200x128xf32, #tpu.memory_space<hbm>>
      tpu.wait_dma2 semaphore(%arg12 : memref<!tpu.dma_semaphore, #tpu.memory_space<semaphore_mem>>) src(%dma_wait3A_77 : memref<200x128xf32, #tpu.memory_space<hbm>>) dst(%arg8 : memref<200x128xf32, #tpu.memory_space<vmem>>)
      %mul3A_78 = arith.constant 200 : i32
      %mul3A_79 = arith.muli %add3A_71, %mul3A_78 : i32
      %add3A_80 = arith.addi %mul3A_2, %mul3A_79 : i32
      %dma_start3A_81 = arith.constant 0 : i32
      %dma_start3A_82 = tpu.memref_slice %arg4[%add3A_80, %dma_start3A_81] : memref<320000x128xf32, #tpu.memory_space<hbm>> -> memref<200x128xf32, #tpu.memory_space<hbm>>
      %dma_start3A_83 = arith.constant 0 : i32
      %dma_start3A_84 = tpu.memref_slice %arg4[%add3A_80, %dma_start3A_83] : memref<320000x128xf32, #tpu.memory_space<hbm>> -> memref<200x128xf32, #tpu.memory_space<hbm>>
      tpu.enqueue_dma source(%arg8 : memref<200x128xf32, #tpu.memory_space<vmem>>) target(%dma_start3A_84 : memref<200x128xf32, #tpu.memory_space<hbm>>) target_semaphore(%arg14 : memref<!tpu.dma_semaphore, #tpu.memory_space<semaphore_mem>>)
      %lt3A = arith.constant 24 : i32
      %lt3A_85 = arith.cmpi slt, %add3A_25, %lt3A : i32
      %convert_element_type3A_86 = arith.extui %lt3A_85 : i1 to i32
      %cond3A_87 = arith.constant 0 : i32
      %cond3A_88 = arith.cmpi ne, %convert_element_type3A_86, %cond3A_87 : i32
      scf.if %cond3A_88 {
        %mul3A_89 = arith.constant 2 : i32
        %mul3A_90 = arith.muli %mul3A_89, %add3A_25 : i32
        %add3A_91 = arith.constant 2 : i32
        %add3A_92 = arith.addi %mul3A_90, %add3A_91 : i32
        %mul3A_93 = arith.constant 200 : i32
        %mul3A_94 = arith.muli %add3A_92, %mul3A_93 : i32
        %add3A_95 = arith.addi %mul3A_2, %mul3A_94 : i32
        %dma_start3A_96 = tpu.memref_slice %arg3[%add3A_95] : memref<320000xi32, #tpu.memory_space<hbm>> -> memref<200xi32, #tpu.memory_space<hbm>>
        %dma_start3A_97 = tpu.memref_slice %arg3[%add3A_95] : memref<320000xi32, #tpu.memory_space<hbm>> -> memref<200xi32, #tpu.memory_space<hbm>>
        tpu.enqueue_dma source(%dma_start3A_97 : memref<200xi32, #tpu.memory_space<hbm>>) target(%arg5 : memref<200xi32, #tpu.memory_space<vmem>>) target_semaphore(%arg9 : memref<!tpu.dma_semaphore, #tpu.memory_space<semaphore_mem>>)
        %mul3A_98 = arith.constant 2 : i32
        %mul3A_99 = arith.muli %mul3A_98, %add3A_25 : i32
        %add3A_100 = arith.constant 3 : i32
        %add3A_101 = arith.addi %mul3A_99, %add3A_100 : i32
        %mul3A_102 = arith.constant 200 : i32
        %mul3A_103 = arith.muli %add3A_101, %mul3A_102 : i32
        %add3A_104 = arith.addi %mul3A_2, %mul3A_103 : i32
        %dma_start3A_105 = tpu.memref_slice %arg3[%add3A_104] : memref<320000xi32, #tpu.memory_space<hbm>> -> memref<200xi32, #tpu.memory_space<hbm>>
        %dma_start3A_106 = tpu.memref_slice %arg3[%add3A_104] : memref<320000xi32, #tpu.memory_space<hbm>> -> memref<200xi32, #tpu.memory_space<hbm>>
        tpu.enqueue_dma source(%dma_start3A_106 : memref<200xi32, #tpu.memory_space<hbm>>) target(%arg6 : memref<200xi32, #tpu.memory_space<vmem>>) target_semaphore(%arg10 : memref<!tpu.dma_semaphore, #tpu.memory_space<semaphore_mem>>)
      } else {
      }
    }
    %scan3A_13 = arith.constant 25 : i32
    %dma_wait3A = arith.constant 0 : i32
    %dma_wait3A_14 = tpu.memref_slice %arg4[%mul3A_2, %dma_wait3A] : memref<320000x128xf32, #tpu.memory_space<hbm>> -> memref<200x128xf32, #tpu.memory_space<hbm>>
    %dma_wait3A_15 = arith.constant 0 : i32
    %dma_wait3A_16 = tpu.memref_slice %arg4[%mul3A_2, %dma_wait3A_15] : memref<320000x128xf32, #tpu.memory_space<hbm>> -> memref<200x128xf32, #tpu.memory_space<hbm>>
    tpu.wait_dma2 semaphore(%arg13 : memref<!tpu.dma_semaphore, #tpu.memory_space<semaphore_mem>>) src(%arg7 : memref<200x128xf32, #tpu.memory_space<vmem>>) dst(%dma_wait3A_16 : memref<200x128xf32, #tpu.memory_space<hbm>>)
    %dma_wait3A_17 = arith.constant 0 : i32
    %dma_wait3A_18 = tpu.memref_slice %arg4[%mul3A_2, %dma_wait3A_17] : memref<320000x128xf32, #tpu.memory_space<hbm>> -> memref<200x128xf32, #tpu.memory_space<hbm>>
    %dma_wait3A_19 = arith.constant 0 : i32
    %dma_wait3A_20 = tpu.memref_slice %arg4[%mul3A_2, %dma_wait3A_19] : memref<320000x128xf32, #tpu.memory_space<hbm>> -> memref<200x128xf32, #tpu.memory_space<hbm>>
    tpu.wait_dma2 semaphore(%arg14 : memref<!tpu.dma_semaphore, #tpu.memory_space<semaphore_mem>>) src(%arg8 : memref<200x128xf32, #tpu.memory_space<vmem>>) dst(%dma_wait3A_20 : memref<200x128xf32, #tpu.memory_space<hbm>>)
    return
  }
}

#map = affine_map<(d0, d1) -> (0, 0)>
#map1 = affine_map<(d0, d1) -> (0)>
#map2 = affine_map<(d0, d1) -> (0, 0, 0)>
module attributes {stable_mosaic.version = 14 : i64} {
  func.func @k(%arg0: i32, %arg1: i32, %arg2: memref<160000x128xf32, #tpu.memory_space<hbm>>, %arg3: memref<160000xi32, #tpu.memory_space<hbm>>, %arg4: memref<2x10000x128xf32, #tpu.memory_space<hbm>>, %arg5: memref<200xi32, #tpu.memory_space<vmem>>, %arg6: memref<200x128xf32, #tpu.memory_space<vmem>>, %arg7: memref<10000x128xf32, #tpu.memory_space<vmem_shared>>, %arg8: memref<!tpu.dma_semaphore, #tpu.memory_space<semaphore_mem>>) attributes {dimension_semantics = [#tpu.dimension_semantics<core_parallel>, #tpu.dimension_semantics<subcore_parallel>], iteration_bounds = array<i64: 2, 16>, scalar_prefetch = 0 : i64, scratch_operands = 4 : i64, tpu.core_type = #tpu.core_type<sc_vector_subcore>, window_params = [{transform_indices = #map}, {transform_indices = #map1}, {transform_indices = #map2}]} {
    %broadcast_in_dim3A = arith.constant 0.000000e+00 : f32
    %broadcast_in_dim3A_0 = vector.broadcast %broadcast_in_dim3A : f32 to vector<16xf32>
    %mul3A = arith.constant 2 : i32
    %mul3A_1 = arith.muli %arg1, %mul3A : i32
    %add3A = arith.addi %mul3A_1, %arg0 : i32
    %mul3A_2 = arith.constant 5000 : i32
    %mul3A_3 = arith.muli %add3A, %mul3A_2 : i32
    %scan3A = arith.constant 0 : i32
    %scan3A_4 = arith.constant 200 : i32
    %scan3A_5 = arith.addi %scan3A, %scan3A_4 : i32
    %scan3A_6 = arith.constant 1 : i32
    scf.for %scan3A_21 = %scan3A to %scan3A_5 step %scan3A_6  : i32 {
      %mul3A_22 = arith.constant 1 : i32
      %mul3A_23 = arith.muli %scan3A_21, %mul3A_22 : i32
      %add3A_24 = arith.constant 0 : i32
      %add3A_25 = arith.addi %add3A_24, %mul3A_23 : i32
      %swap3A = arith.index_cast %add3A_25 : i32 to index
      %swap3A_26 = arith.constant 0 : index
      %swap3A_27 = tpu.vector_load %arg6[%swap3A, %swap3A_26] {strides = array<i32>} : memref<200x128xf32, #tpu.memory_space<vmem>>, vector<1x16xf32>,
      %swap3A_28 = vector.shape_cast %swap3A_27 : vector<1x16xf32> to vector<16xf32>
      %swap3A_29 = vector.shape_cast %broadcast_in_dim3A_0 : vector<16xf32> to vector<1x16xf32>
      tpu.vector_store %arg6[%swap3A, %swap3A_26], %swap3A_29 {strides = array<i32>} : memref<200x128xf32, #tpu.memory_space<vmem>>, vector<1x16xf32>,
      %swap3A_30 = arith.index_cast %add3A_25 : i32 to index
      %swap3A_31 = arith.constant 16 : index
      %swap3A_32 = tpu.vector_load %arg6[%swap3A_30, %swap3A_31] {strides = array<i32>} : memref<200x128xf32, #tpu.memory_space<vmem>>, vector<1x16xf32>,
      %swap3A_33 = vector.shape_cast %swap3A_32 : vector<1x16xf32> to vector<16xf32>
      %swap3A_34 = vector.shape_cast %broadcast_in_dim3A_0 : vector<16xf32> to vector<1x16xf32>
      tpu.vector_store %arg6[%swap3A_30, %swap3A_31], %swap3A_34 {strides = array<i32>} : memref<200x128xf32, #tpu.memory_space<vmem>>, vector<1x16xf32>,
      %swap3A_35 = arith.index_cast %add3A_25 : i32 to index
      %swap3A_36 = arith.constant 32 : index
      %swap3A_37 = tpu.vector_load %arg6[%swap3A_35, %swap3A_36] {strides = array<i32>} : memref<200x128xf32, #tpu.memory_space<vmem>>, vector<1x16xf32>,
      %swap3A_38 = vector.shape_cast %swap3A_37 : vector<1x16xf32> to vector<16xf32>
      %swap3A_39 = vector.shape_cast %broadcast_in_dim3A_0 : vector<16xf32> to vector<1x16xf32>
      tpu.vector_store %arg6[%swap3A_35, %swap3A_36], %swap3A_39 {strides = array<i32>} : memref<200x128xf32, #tpu.memory_space<vmem>>, vector<1x16xf32>,
      %swap3A_40 = arith.index_cast %add3A_25 : i32 to index
      %swap3A_41 = arith.constant 48 : index
      %swap3A_42 = tpu.vector_load %arg6[%swap3A_40, %swap3A_41] {strides = array<i32>} : memref<200x128xf32, #tpu.memory_space<vmem>>, vector<1x16xf32>,
      %swap3A_43 = vector.shape_cast %swap3A_42 : vector<1x16xf32> to vector<16xf32>
      %swap3A_44 = vector.shape_cast %broadcast_in_dim3A_0 : vector<16xf32> to vector<1x16xf32>
      tpu.vector_store %arg6[%swap3A_40, %swap3A_41], %swap3A_44 {strides = array<i32>} : memref<200x128xf32, #tpu.memory_space<vmem>>, vector<1x16xf32>,
      %swap3A_45 = arith.index_cast %add3A_25 : i32 to index
      %swap3A_46 = arith.constant 64 : index
      %swap3A_47 = tpu.vector_load %arg6[%swap3A_45, %swap3A_46] {strides = array<i32>} : memref<200x128xf32, #tpu.memory_space<vmem>>, vector<1x16xf32>,
      %swap3A_48 = vector.shape_cast %swap3A_47 : vector<1x16xf32> to vector<16xf32>
      %swap3A_49 = vector.shape_cast %broadcast_in_dim3A_0 : vector<16xf32> to vector<1x16xf32>
      tpu.vector_store %arg6[%swap3A_45, %swap3A_46], %swap3A_49 {strides = array<i32>} : memref<200x128xf32, #tpu.memory_space<vmem>>, vector<1x16xf32>,
      %swap3A_50 = arith.index_cast %add3A_25 : i32 to index
      %swap3A_51 = arith.constant 80 : index
      %swap3A_52 = tpu.vector_load %arg6[%swap3A_50, %swap3A_51] {strides = array<i32>} : memref<200x128xf32, #tpu.memory_space<vmem>>, vector<1x16xf32>,
      %swap3A_53 = vector.shape_cast %swap3A_52 : vector<1x16xf32> to vector<16xf32>
      %swap3A_54 = vector.shape_cast %broadcast_in_dim3A_0 : vector<16xf32> to vector<1x16xf32>
      tpu.vector_store %arg6[%swap3A_50, %swap3A_51], %swap3A_54 {strides = array<i32>} : memref<200x128xf32, #tpu.memory_space<vmem>>, vector<1x16xf32>,
      %swap3A_55 = arith.index_cast %add3A_25 : i32 to index
      %swap3A_56 = arith.constant 96 : index
      %swap3A_57 = tpu.vector_load %arg6[%swap3A_55, %swap3A_56] {strides = array<i32>} : memref<200x128xf32, #tpu.memory_space<vmem>>, vector<1x16xf32>,
      %swap3A_58 = vector.shape_cast %swap3A_57 : vector<1x16xf32> to vector<16xf32>
      %swap3A_59 = vector.shape_cast %broadcast_in_dim3A_0 : vector<16xf32> to vector<1x16xf32>
      tpu.vector_store %arg6[%swap3A_55, %swap3A_56], %swap3A_59 {strides = array<i32>} : memref<200x128xf32, #tpu.memory_space<vmem>>, vector<1x16xf32>,
      %swap3A_60 = arith.index_cast %add3A_25 : i32 to index
      %swap3A_61 = arith.constant 112 : index
      %swap3A_62 = tpu.vector_load %arg6[%swap3A_60, %swap3A_61] {strides = array<i32>} : memref<200x128xf32, #tpu.memory_space<vmem>>, vector<1x16xf32>,
      %swap3A_63 = vector.shape_cast %swap3A_62 : vector<1x16xf32> to vector<16xf32>
      %swap3A_64 = vector.shape_cast %broadcast_in_dim3A_0 : vector<16xf32> to vector<1x16xf32>
      tpu.vector_store %arg6[%swap3A_60, %swap3A_61], %swap3A_64 {strides = array<i32>} : memref<200x128xf32, #tpu.memory_space<vmem>>, vector<1x16xf32>,
    }
    %scan3A_7 = arith.constant 200 : i32
    %lt3A = arith.constant 10 : i32
    %lt3A_8 = arith.cmpi slt, %arg1, %lt3A : i32
    %convert_element_type3A = arith.extui %lt3A_8 : i1 to i32
    %cond3A = arith.constant 0 : i32
    %cond3A_9 = arith.cmpi ne, %convert_element_type3A, %cond3A : i32
    scf.if %cond3A_9 {
      %scan3A_21 = arith.constant 0 : i32
      %scan3A_22 = arith.constant 5 : i32
      %scan3A_23 = arith.addi %scan3A_21, %scan3A_22 : i32
      %scan3A_24 = arith.constant 1 : i32
      scf.for %scan3A_26 = %scan3A_21 to %scan3A_23 step %scan3A_24  : i32 {
        %mul3A_27 = arith.constant 1 : i32
        %mul3A_28 = arith.muli %scan3A_26, %mul3A_27 : i32
        %add3A_29 = arith.constant 0 : i32
        %add3A_30 = arith.addi %add3A_29, %mul3A_28 : i32
        %mul3A_31 = arith.constant 1000 : i32
        %mul3A_32 = arith.muli %arg1, %mul3A_31 : i32
        %mul3A_33 = arith.constant 200 : i32
        %mul3A_34 = arith.muli %add3A_30, %mul3A_33 : i32
        %add3A_35 = arith.addi %mul3A_32, %mul3A_34 : i32
        "tpu.region"() ({
          %run_scoped3A = tpu.sem_alloc : memref<!tpu.dma_semaphore, #tpu.memory_space<semaphore_mem>>
          %dma_start3A = arith.constant 0 : i32
          %dma_start3A_36 = tpu.memref_slice %arg7[%add3A_35, %dma_start3A] : memref<10000x128xf32, #tpu.memory_space<vmem_shared>> -> memref<200x128xf32, #tpu.memory_space<vmem_shared>>
          %dma_start3A_37 = arith.constant 0 : i32
          %dma_start3A_38 = tpu.memref_slice %arg7[%add3A_35, %dma_start3A_37] : memref<10000x128xf32, #tpu.memory_space<vmem_shared>> -> memref<200x128xf32, #tpu.memory_space<vmem_shared>>
          tpu.enqueue_dma source(%arg6 : memref<200x128xf32, #tpu.memory_space<vmem>>) target(%dma_start3A_38 : memref<200x128xf32, #tpu.memory_space<vmem_shared>>) target_semaphore(%run_scoped3A : memref<!tpu.dma_semaphore, #tpu.memory_space<semaphore_mem>>)
          %dma_wait3A = arith.constant 0 : i32
          %dma_wait3A_39 = tpu.memref_slice %arg7[%add3A_35, %dma_wait3A] : memref<10000x128xf32, #tpu.memory_space<vmem_shared>> -> memref<200x128xf32, #tpu.memory_space<vmem_shared>>
          %dma_wait3A_40 = arith.constant 0 : i32
          %dma_wait3A_41 = tpu.memref_slice %arg7[%add3A_35, %dma_wait3A_40] : memref<10000x128xf32, #tpu.memory_space<vmem_shared>> -> memref<200x128xf32, #tpu.memory_space<vmem_shared>>
          tpu.wait_dma2 semaphore(%run_scoped3A : memref<!tpu.dma_semaphore, #tpu.memory_space<semaphore_mem>>) src(%arg6 : memref<200x128xf32, #tpu.memory_space<vmem>>) dst(%dma_wait3A_41 : memref<200x128xf32, #tpu.memory_space<vmem_shared>>)
          tpu.yield
        }) : () -> ()
      }
      %scan3A_25 = arith.constant 5 : i32
    } else {
    }
    %barrier3A = arith.constant 0 : index
    tpu.barrier barrier_id(%barrier3A)
    %scan3A_10 = arith.constant 0 : i32
    %scan3A_11 = arith.constant 25 : i32
    %scan3A_12 = arith.addi %scan3A_10, %scan3A_11 : i32
    %scan3A_13 = arith.constant 1 : i32
    scf.for %scan3A_21 = %scan3A_10 to %scan3A_12 step %scan3A_13  : i32 {
      %mul3A_22 = arith.constant 1 : i32
      %mul3A_23 = arith.muli %scan3A_21, %mul3A_22 : i32
      %add3A_24 = arith.constant 0 : i32
      %add3A_25 = arith.addi %add3A_24, %mul3A_23 : i32
      %mul3A_26 = arith.constant 200 : i32
      %mul3A_27 = arith.muli %add3A_25, %mul3A_26 : i32
      %add3A_28 = arith.addi %mul3A_3, %mul3A_27 : i32
      "tpu.region"() ({
        %run_scoped3A = tpu.sem_alloc : memref<!tpu.dma_semaphore, #tpu.memory_space<semaphore_mem>>
        %dma_start3A = tpu.memref_slice %arg3[%add3A_28] : memref<160000xi32, #tpu.memory_space<hbm>> -> memref<200xi32, #tpu.memory_space<hbm>>
        %dma_start3A_29 = tpu.memref_slice %arg3[%add3A_28] : memref<160000xi32, #tpu.memory_space<hbm>> -> memref<200xi32, #tpu.memory_space<hbm>>
        tpu.enqueue_dma source(%dma_start3A_29 : memref<200xi32, #tpu.memory_space<hbm>>) target(%arg5 : memref<200xi32, #tpu.memory_space<vmem>>) target_semaphore(%run_scoped3A : memref<!tpu.dma_semaphore, #tpu.memory_space<semaphore_mem>>)
        %dma_wait3A = tpu.memref_slice %arg3[%add3A_28] : memref<160000xi32, #tpu.memory_space<hbm>> -> memref<200xi32, #tpu.memory_space<hbm>>
        %dma_wait3A_30 = tpu.memref_slice %arg3[%add3A_28] : memref<160000xi32, #tpu.memory_space<hbm>> -> memref<200xi32, #tpu.memory_space<hbm>>
        tpu.wait_dma2 semaphore(%run_scoped3A : memref<!tpu.dma_semaphore, #tpu.memory_space<semaphore_mem>>) src(%dma_wait3A_30 : memref<200xi32, #tpu.memory_space<hbm>>) dst(%arg5 : memref<200xi32, #tpu.memory_space<vmem>>)
        tpu.yield
      }) : () -> ()
      "tpu.region"() ({
        %run_scoped3A = tpu.sem_alloc : memref<!tpu.dma_semaphore, #tpu.memory_space<semaphore_mem>>
        %dma_start3A = arith.constant 0 : i32
        %dma_start3A_29 = tpu.memref_slice %arg2[%add3A_28, %dma_start3A] : memref<160000x128xf32, #tpu.memory_space<hbm>> -> memref<200x128xf32, #tpu.memory_space<hbm>>
        %dma_start3A_30 = arith.constant 0 : i32
        %dma_start3A_31 = tpu.memref_slice %arg2[%add3A_28, %dma_start3A_30] : memref<160000x128xf32, #tpu.memory_space<hbm>> -> memref<200x128xf32, #tpu.memory_space<hbm>>
        tpu.enqueue_dma source(%dma_start3A_31 : memref<200x128xf32, #tpu.memory_space<hbm>>) target(%arg6 : memref<200x128xf32, #tpu.memory_space<vmem>>) target_semaphore(%run_scoped3A : memref<!tpu.dma_semaphore, #tpu.memory_space<semaphore_mem>>)
        %dma_wait3A = arith.constant 0 : i32
        %dma_wait3A_32 = tpu.memref_slice %arg2[%add3A_28, %dma_wait3A] : memref<160000x128xf32, #tpu.memory_space<hbm>> -> memref<200x128xf32, #tpu.memory_space<hbm>>
        %dma_wait3A_33 = arith.constant 0 : i32
        %dma_wait3A_34 = tpu.memref_slice %arg2[%add3A_28, %dma_wait3A_33] : memref<160000x128xf32, #tpu.memory_space<hbm>> -> memref<200x128xf32, #tpu.memory_space<hbm>>
        tpu.wait_dma2 semaphore(%run_scoped3A : memref<!tpu.dma_semaphore, #tpu.memory_space<semaphore_mem>>) src(%dma_wait3A_34 : memref<200x128xf32, #tpu.memory_space<hbm>>) dst(%arg6 : memref<200x128xf32, #tpu.memory_space<vmem>>)
        tpu.yield
      }) : () -> ()
      "tpu.region"() ({
        %run_scoped3A = tpu.sem_alloc : memref<!tpu.dma_semaphore, #tpu.memory_space<semaphore_mem>>
        %dma_start3A = arith.constant 0 : i32
        %dma_start3A_29 = arith.constant 0 : i32
        %dma_start3A_30 = tpu.memref_slice %arg7[%dma_start3A, %dma_start3A_29] : memref<10000x128xf32, #tpu.memory_space<vmem_shared>> -> memref<10000x128xf32, #tpu.memory_space<vmem_shared>>
        tpu.enqueue_indirect_dma source(%arg6 : memref<200x128xf32, #tpu.memory_space<vmem>>) target(%dma_start3A_30 : memref<10000x128xf32, #tpu.memory_space<vmem_shared>>) offsets(%arg5 : memref<200xi32, #tpu.memory_space<vmem>>) semaphore(%run_scoped3A : memref<!tpu.dma_semaphore, #tpu.memory_space<semaphore_mem>>) {add = true}
        %dma_wait3A = arith.constant 0 : i32
        %dma_wait3A_31 = arith.constant 0 : i32
        %dma_wait3A_32 = tpu.memref_slice %arg7[%dma_wait3A, %dma_wait3A_31] : memref<10000x128xf32, #tpu.memory_space<vmem_shared>> -> memref<10000x128xf32, #tpu.memory_space<vmem_shared>>
        tpu.wait_indirect_dma semaphore(%run_scoped3A : memref<!tpu.dma_semaphore, #tpu.memory_space<semaphore_mem>>) src(%arg6 : memref<200x128xf32, #tpu.memory_space<vmem>>) dst(%dma_wait3A_32 : memref<10000x128xf32, #tpu.memory_space<vmem_shared>>)
        tpu.yield
      }) : () -> ()
    }
    %scan3A_14 = arith.constant 25 : i32
    %barrier3A_15 = arith.constant 0 : index
    tpu.barrier barrier_id(%barrier3A_15)
    %lt3A_16 = arith.constant 10 : i32
    %lt3A_17 = arith.cmpi slt, %arg1, %lt3A_16 : i32
    %convert_element_type3A_18 = arith.extui %lt3A_17 : i1 to i32
    %cond3A_19 = arith.constant 0 : i32
    %cond3A_20 = arith.cmpi ne, %convert_element_type3A_18, %cond3A_19 : i32
    scf.if %cond3A_20 {
      %mul3A_21 = arith.constant 1000 : i32
      %mul3A_22 = arith.muli %arg1, %mul3A_21 : i32
      %mul3A_23 = arith.constant 1000 : i32
      %mul3A_24 = arith.muli %arg1, %mul3A_23 : i32
      "tpu.region"() ({
        %run_scoped3A = tpu.sem_alloc : memref<!tpu.dma_semaphore, #tpu.memory_space<semaphore_mem>>
        %dma_start3A = arith.constant 0 : i32
        %dma_start3A_25 = tpu.memref_slice %arg4[%arg0, %mul3A_24, %dma_start3A] : memref<2x10000x128xf32, #tpu.memory_space<hbm>> -> memref<1x1000x128xf32, #tpu.memory_space<hbm>>
        %dma_start3A_26 = tpu.memref_squeeze %dma_start3A_25 : memref<1x1000x128xf32, #tpu.memory_space<hbm>> -> memref<1000x128xf32, #tpu.memory_space<hbm>>
        %dma_start3A_27 = arith.constant 0 : i32
        %dma_start3A_28 = tpu.memref_slice %arg7[%mul3A_22, %dma_start3A_27] : memref<10000x128xf32, #tpu.memory_space<vmem_shared>> -> memref<1000x128xf32, #tpu.memory_space<vmem_shared>>
        tpu.enqueue_dma source(%dma_start3A_28 : memref<1000x128xf32, #tpu.memory_space<vmem_shared>>) target(%dma_start3A_26 : memref<1000x128xf32, #tpu.memory_space<hbm>>) target_semaphore(%run_scoped3A : memref<!tpu.dma_semaphore, #tpu.memory_space<semaphore_mem>>)
        %dma_wait3A = arith.constant 0 : i32
        %dma_wait3A_29 = tpu.memref_slice %arg4[%arg0, %mul3A_24, %dma_wait3A] : memref<2x10000x128xf32, #tpu.memory_space<hbm>> -> memref<1x1000x128xf32, #tpu.memory_space<hbm>>
        %dma_wait3A_30 = tpu.memref_squeeze %dma_wait3A_29 : memref<1x1000x128xf32, #tpu.memory_space<hbm>> -> memref<1000x128xf32, #tpu.memory_space<hbm>>
        %dma_wait3A_31 = arith.constant 0 : i32
        %dma_wait3A_32 = tpu.memref_slice %arg7[%mul3A_22, %dma_wait3A_31] : memref<10000x128xf32, #tpu.memory_space<vmem_shared>> -> memref<1000x128xf32, #tpu.memory_space<vmem_shared>>
        tpu.wait_dma2 semaphore(%run_scoped3A : memref<!tpu.dma_semaphore, #tpu.memory_space<semaphore_mem>>) src(%dma_wait3A_32 : memref<1000x128xf32, #tpu.memory_space<vmem_shared>>) dst(%dma_wait3A_30 : memref<1000x128xf32, #tpu.memory_space<hbm>>)
        tpu.yield
      }) : () -> ()
    } else {
    }
    return
  }
}

#map = affine_map<(d0, d1) -> (0, 0)>
#map1 = affine_map<(d0, d1) -> (0)>
module attributes {stable_mosaic.version = 14 : i64} {
  func.func @k(%arg0: i32, %arg1: i32, %arg2: memref<10000x128xf32, #tpu.memory_space<hbm>>, %arg3: memref<320000xi32, #tpu.memory_space<hbm>>, %arg4: memref<320000x128xf32, #tpu.memory_space<hbm>>, %arg5: memref<200xi32, #tpu.memory_space<vmem>>, %arg6: memref<200xi32, #tpu.memory_space<vmem>>, %arg7: memref<200x128xf32, #tpu.memory_space<vmem>>, %arg8: memref<200x128xf32, #tpu.memory_space<vmem>>, %arg9: memref<!tpu.dma_semaphore, #tpu.memory_space<semaphore_mem>>, %arg10: memref<!tpu.dma_semaphore, #tpu.memory_space<semaphore_mem>>, %arg11: memref<!tpu.dma_semaphore, #tpu.memory_space<semaphore_mem>>, %arg12: memref<!tpu.dma_semaphore, #tpu.memory_space<semaphore_mem>>, %arg13: memref<!tpu.dma_semaphore, #tpu.memory_space<semaphore_mem>>, %arg14: memref<!tpu.dma_semaphore, #tpu.memory_space<semaphore_mem>>) attributes {dimension_semantics = [#tpu.dimension_semantics<core_parallel>, #tpu.dimension_semantics<subcore_parallel>], iteration_bounds = array<i64: 2, 16>, scalar_prefetch = 0 : i64, scratch_operands = 10 : i64, tpu.core_type = #tpu.core_type<sc_vector_subcore>, window_params = [{transform_indices = #map}, {transform_indices = #map1}, {transform_indices = #map}]} {
    %mul3A = arith.constant 2 : i32
    %mul3A_0 = arith.muli %arg1, %mul3A : i32
    %add3A = arith.addi %mul3A_0, %arg0 : i32
    %mul3A_1 = arith.constant 10000 : i32
    %mul3A_2 = arith.muli %add3A, %mul3A_1 : i32
    %add3A_3 = arith.constant 0 : i32
    %add3A_4 = arith.addi %mul3A_2, %add3A_3 : i32
    %dma_start3A = tpu.memref_slice %arg3[%add3A_4] : memref<320000xi32, #tpu.memory_space<hbm>> -> memref<200xi32, #tpu.memory_space<hbm>>
    %dma_start3A_5 = tpu.memref_slice %arg3[%add3A_4] : memref<320000xi32, #tpu.memory_space<hbm>> -> memref<200xi32, #tpu.memory_space<hbm>>
    tpu.enqueue_dma source(%dma_start3A_5 : memref<200xi32, #tpu.memory_space<hbm>>) target(%arg5 : memref<200xi32, #tpu.memory_space<vmem>>) target_semaphore(%arg9 : memref<!tpu.dma_semaphore, #tpu.memory_space<semaphore_mem>>)
    %add3A_6 = arith.constant 200 : i32
    %add3A_7 = arith.addi %mul3A_2, %add3A_6 : i32
    %dma_start3A_8 = tpu.memref_slice %arg3[%add3A_7] : memref<320000xi32, #tpu.memory_space<hbm>> -> memref<200xi32, #tpu.memory_space<hbm>>
    %dma_start3A_9 = tpu.memref_slice %arg3[%add3A_7] : memref<320000xi32, #tpu.memory_space<hbm>> -> memref<200xi32, #tpu.memory_space<hbm>>
    tpu.enqueue_dma source(%dma_start3A_9 : memref<200xi32, #tpu.memory_space<hbm>>) target(%arg6 : memref<200xi32, #tpu.memory_space<vmem>>) target_semaphore(%arg10 : memref<!tpu.dma_semaphore, #tpu.memory_space<semaphore_mem>>)
    %scan3A = arith.constant 0 : i32
    %scan3A_10 = arith.constant 25 : i32
    %scan3A_11 = arith.addi %scan3A, %scan3A_10 : i32
    %scan3A_12 = arith.constant 1 : i32
    scf.for %scan3A_21 = %scan3A to %scan3A_11 step %scan3A_12  : i32 {
      %mul3A_22 = arith.constant 1 : i32
      %mul3A_23 = arith.muli %scan3A_21, %mul3A_22 : i32
      %add3A_24 = arith.constant 0 : i32
      %add3A_25 = arith.addi %add3A_24, %mul3A_23 : i32
      %mul3A_26 = arith.constant 2 : i32
      %mul3A_27 = arith.muli %mul3A_26, %add3A_25 : i32
      %add3A_28 = arith.constant 0 : i32
      %add3A_29 = arith.addi %mul3A_27, %add3A_28 : i32
      %gt3A = arith.constant 0 : i32
      %gt3A_30 = arith.cmpi sgt, %add3A_25, %gt3A : i32
      %convert_element_type3A = arith.extui %gt3A_30 : i1 to i32
      %cond3A = arith.constant 0 : i32
      %cond3A_31 = arith.cmpi ne, %convert_element_type3A, %cond3A : i32
      scf.if %cond3A_31 {
        %dma_wait3A_89 = arith.constant 0 : i32
        %dma_wait3A_90 = tpu.memref_slice %arg4[%mul3A_2, %dma_wait3A_89] : memref<320000x128xf32, #tpu.memory_space<hbm>> -> memref<200x128xf32, #tpu.memory_space<hbm>>
        %dma_wait3A_91 = arith.constant 0 : i32
        %dma_wait3A_92 = tpu.memref_slice %arg4[%mul3A_2, %dma_wait3A_91] : memref<320000x128xf32, #tpu.memory_space<hbm>> -> memref<200x128xf32, #tpu.memory_space<hbm>>
        tpu.wait_dma2 semaphore(%arg13 : memref<!tpu.dma_semaphore, #tpu.memory_space<semaphore_mem>>) src(%arg7 : memref<200x128xf32, #tpu.memory_space<vmem>>) dst(%dma_wait3A_92 : memref<200x128xf32, #tpu.memory_space<hbm>>)
      } else {
      }
      %dma_wait3A_32 = tpu.memref_slice %arg3[%mul3A_2] : memref<320000xi32, #tpu.memory_space<hbm>> -> memref<200xi32, #tpu.memory_space<hbm>>
      %dma_wait3A_33 = tpu.memref_slice %arg3[%mul3A_2] : memref<320000xi32, #tpu.memory_space<hbm>> -> memref<200xi32, #tpu.memory_space<hbm>>
      tpu.wait_dma2 semaphore(%arg9 : memref<!tpu.dma_semaphore, #tpu.memory_space<semaphore_mem>>) src(%dma_wait3A_33 : memref<200xi32, #tpu.memory_space<hbm>>) dst(%arg5 : memref<200xi32, #tpu.memory_space<vmem>>)
      %dma_start3A_34 = arith.constant 0 : i32
      %dma_start3A_35 = arith.constant 0 : i32
      %dma_start3A_36 = tpu.memref_slice %arg2[%dma_start3A_34, %dma_start3A_35] : memref<10000x128xf32, #tpu.memory_space<hbm>> -> memref<10000x128xf32, #tpu.memory_space<hbm>>
      tpu.enqueue_indirect_dma source(%dma_start3A_36 : memref<10000x128xf32, #tpu.memory_space<hbm>>) target(%arg7 : memref<200x128xf32, #tpu.memory_space<vmem>>) offsets(%arg5 : memref<200xi32, #tpu.memory_space<vmem>>) semaphore(%arg11 : memref<!tpu.dma_semaphore, #tpu.memory_space<semaphore_mem>>)
      %mul3A_37 = arith.constant 2 : i32
      %mul3A_38 = arith.muli %mul3A_37, %add3A_25 : i32
      %add3A_39 = arith.constant 1 : i32
      %add3A_40 = arith.addi %mul3A_38, %add3A_39 : i32
      %gt3A_41 = arith.constant 0 : i32
      %gt3A_42 = arith.cmpi sgt, %add3A_25, %gt3A_41 : i32
      %convert_element_type3A_43 = arith.extui %gt3A_42 : i1 to i32
      %cond3A_44 = arith.constant 0 : i32
      %cond3A_45 = arith.cmpi ne, %convert_element_type3A_43, %cond3A_44 : i32
      scf.if %cond3A_45 {
        %dma_wait3A_89 = arith.constant 0 : i32
        %dma_wait3A_90 = tpu.memref_slice %arg4[%mul3A_2, %dma_wait3A_89] : memref<320000x128xf32, #tpu.memory_space<hbm>> -> memref<200x128xf32, #tpu.memory_space<hbm>>
        %dma_wait3A_91 = arith.constant 0 : i32
        %dma_wait3A_92 = tpu.memref_slice %arg4[%mul3A_2, %dma_wait3A_91] : memref<320000x128xf32, #tpu.memory_space<hbm>> -> memref<200x128xf32, #tpu.memory_space<hbm>>
        tpu.wait_dma2 semaphore(%arg14 : memref<!tpu.dma_semaphore, #tpu.memory_space<semaphore_mem>>) src(%arg8 : memref<200x128xf32, #tpu.memory_space<vmem>>) dst(%dma_wait3A_92 : memref<200x128xf32, #tpu.memory_space<hbm>>)
      } else {
      }
      %dma_wait3A_46 = tpu.memref_slice %arg3[%mul3A_2] : memref<320000xi32, #tpu.memory_space<hbm>> -> memref<200xi32, #tpu.memory_space<hbm>>
      %dma_wait3A_47 = tpu.memref_slice %arg3[%mul3A_2] : memref<320000xi32, #tpu.memory_space<hbm>> -> memref<200xi32, #tpu.memory_space<hbm>>
      tpu.wait_dma2 semaphore(%arg10 : memref<!tpu.dma_semaphore, #tpu.memory_space<semaphore_mem>>) src(%dma_wait3A_47 : memref<200xi32, #tpu.memory_space<hbm>>) dst(%arg6 : memref<200xi32, #tpu.memory_space<vmem>>)
      %dma_start3A_48 = arith.constant 0 : i32
      %dma_start3A_49 = arith.constant 0 : i32
      %dma_start3A_50 = tpu.memref_slice %arg2[%dma_start3A_48, %dma_start3A_49] : memref<10000x128xf32, #tpu.memory_space<hbm>> -> memref<10000x128xf32, #tpu.memory_space<hbm>>
      tpu.enqueue_indirect_dma source(%dma_start3A_50 : memref<10000x128xf32, #tpu.memory_space<hbm>>) target(%arg8 : memref<200x128xf32, #tpu.memory_space<vmem>>) offsets(%arg6 : memref<200xi32, #tpu.memory_space<vmem>>) semaphore(%arg12 : memref<!tpu.dma_semaphore, #tpu.memory_space<semaphore_mem>>)
      %mul3A_51 = arith.constant 2 : i32
      %mul3A_52 = arith.muli %mul3A_51, %add3A_25 : i32
      %add3A_53 = arith.constant 0 : i32
      %add3A_54 = arith.addi %mul3A_52, %add3A_53 : i32
      %dma_wait3A_55 = arith.constant 0 : i32
      %dma_wait3A_56 = arith.constant 0 : i32
      %dma_wait3A_57 = tpu.memref_slice %arg2[%dma_wait3A_55, %dma_wait3A_56] : memref<10000x128xf32, #tpu.memory_space<hbm>> -> memref<200x128xf32, #tpu.memory_space<hbm>>
      %dma_wait3A_58 = arith.constant 0 : i32
      %dma_wait3A_59 = arith.constant 0 : i32
      %dma_wait3A_60 = tpu.memref_slice %arg2[%dma_wait3A_58, %dma_wait3A_59] : memref<10000x128xf32, #tpu.memory_space<hbm>> -> memref<200x128xf32, #tpu.memory_space<hbm>>
      tpu.wait_dma2 semaphore(%arg11 : memref<!tpu.dma_semaphore, #tpu.memory_space<semaphore_mem>>) src(%dma_wait3A_60 : memref<200x128xf32, #tpu.memory_space<hbm>>) dst(%arg7 : memref<200x128xf32, #tpu.memory_space<vmem>>)
      %mul3A_61 = arith.constant 200 : i32
      %mul3A_62 = arith.muli %add3A_54, %mul3A_61 : i32
      %add3A_63 = arith.addi %mul3A_2, %mul3A_62 : i32
      %dma_start3A_64 = arith.constant 0 : i32
      %dma_start3A_65 = tpu.memref_slice %arg4[%add3A_63, %dma_start3A_64] : memref<320000x128xf32, #tpu.memory_space<hbm>> -> memref<200x128xf32, #tpu.memory_space<hbm>>
      %dma_start3A_66 = arith.constant 0 : i32
      %dma_start3A_67 = tpu.memref_slice %arg4[%add3A_63, %dma_start3A_66] : memref<320000x128xf32, #tpu.memory_space<hbm>> -> memref<200x128xf32, #tpu.memory_space<hbm>>
      tpu.enqueue_dma source(%arg7 : memref<200x128xf32, #tpu.memory_space<vmem>>) target(%dma_start3A_67 : memref<200x128xf32, #tpu.memory_space<hbm>>) target_semaphore(%arg13 : memref<!tpu.dma_semaphore, #tpu.memory_space<semaphore_mem>>)
      %mul3A_68 = arith.constant 2 : i32
      %mul3A_69 = arith.muli %mul3A_68, %add3A_25 : i32
      %add3A_70 = arith.constant 1 : i32
      %add3A_71 = arith.addi %mul3A_69, %add3A_70 : i32
      %dma_wait3A_72 = arith.constant 0 : i32
      %dma_wait3A_73 = arith.constant 0 : i32
      %dma_wait3A_74 = tpu.memref_slice %arg2[%dma_wait3A_72, %dma_wait3A_73] : memref<10000x128xf32, #tpu.memory_space<hbm>> -> memref<200x128xf32, #tpu.memory_space<hbm>>
      %dma_wait3A_75 = arith.constant 0 : i32
      %dma_wait3A_76 = arith.constant 0 : i32
      %dma_wait3A_77 = tpu.memref_slice %arg2[%dma_wait3A_75, %dma_wait3A_76] : memref<10000x128xf32, #tpu.memory_space<hbm>> -> memref<200x128xf32, #tpu.memory_space<hbm>>
      tpu.wait_dma2 semaphore(%arg12 : memref<!tpu.dma_semaphore, #tpu.memory_space<semaphore_mem>>) src(%dma_wait3A_77 : memref<200x128xf32, #tpu.memory_space<hbm>>) dst(%arg8 : memref<200x128xf32, #tpu.memory_space<vmem>>)
      %mul3A_78 = arith.constant 200 : i32
      %mul3A_79 = arith.muli %add3A_71, %mul3A_78 : i32
      %add3A_80 = arith.addi %mul3A_2, %mul3A_79 : i32
      %dma_start3A_81 = arith.constant 0 : i32
      %dma_start3A_82 = tpu.memref_slice %arg4[%add3A_80, %dma_start3A_81] : memref<320000x128xf32, #tpu.memory_space<hbm>> -> memref<200x128xf32, #tpu.memory_space<hbm>>
      %dma_start3A_83 = arith.constant 0 : i32
      %dma_start3A_84 = tpu.memref_slice %arg4[%add3A_80, %dma_start3A_83] : memref<320000x128xf32, #tpu.memory_space<hbm>> -> memref<200x128xf32, #tpu.memory_space<hbm>>
      tpu.enqueue_dma source(%arg8 : memref<200x128xf32, #tpu.memory_space<vmem>>) target(%dma_start3A_84 : memref<200x128xf32, #tpu.memory_space<hbm>>) target_semaphore(%arg14 : memref<!tpu.dma_semaphore, #tpu.memory_space<semaphore_mem>>)
      %lt3A = arith.constant 24 : i32
      %lt3A_85 = arith.cmpi slt, %add3A_25, %lt3A : i32
      %convert_element_type3A_86 = arith.extui %lt3A_85 : i1 to i32
      %cond3A_87 = arith.constant 0 : i32
      %cond3A_88 = arith.cmpi ne, %convert_element_type3A_86, %cond3A_87 : i32
      scf.if %cond3A_88 {
        %mul3A_89 = arith.constant 2 : i32
        %mul3A_90 = arith.muli %mul3A_89, %add3A_25 : i32
        %add3A_91 = arith.constant 2 : i32
        %add3A_92 = arith.addi %mul3A_90, %add3A_91 : i32
        %mul3A_93 = arith.constant 200 : i32
        %mul3A_94 = arith.muli %add3A_92, %mul3A_93 : i32
        %add3A_95 = arith.addi %mul3A_2, %mul3A_94 : i32
        %dma_start3A_96 = tpu.memref_slice %arg3[%add3A_95] : memref<320000xi32, #tpu.memory_space<hbm>> -> memref<200xi32, #tpu.memory_space<hbm>>
        %dma_start3A_97 = tpu.memref_slice %arg3[%add3A_95] : memref<320000xi32, #tpu.memory_space<hbm>> -> memref<200xi32, #tpu.memory_space<hbm>>
        tpu.enqueue_dma source(%dma_start3A_97 : memref<200xi32, #tpu.memory_space<hbm>>) target(%arg5 : memref<200xi32, #tpu.memory_space<vmem>>) target_semaphore(%arg9 : memref<!tpu.dma_semaphore, #tpu.memory_space<semaphore_mem>>)
        %mul3A_98 = arith.constant 2 : i32
        %mul3A_99 = arith.muli %mul3A_98, %add3A_25 : i32
        %add3A_100 = arith.constant 3 : i32
        %add3A_101 = arith.addi %mul3A_99, %add3A_100 : i32
        %mul3A_102 = arith.constant 200 : i32
        %mul3A_103 = arith.muli %add3A_101, %mul3A_102 : i32
        %add3A_104 = arith.addi %mul3A_2, %mul3A_103 : i32
        %dma_start3A_105 = tpu.memref_slice %arg3[%add3A_104] : memref<320000xi32, #tpu.memory_space<hbm>> -> memref<200xi32, #tpu.memory_space<hbm>>
        %dma_start3A_106 = tpu.memref_slice %arg3[%add3A_104] : memref<320000xi32, #tpu.memory_space<hbm>> -> memref<200xi32, #tpu.memory_space<hbm>>
        tpu.enqueue_dma source(%dma_start3A_106 : memref<200xi32, #tpu.memory_space<hbm>>) target(%arg6 : memref<200xi32, #tpu.memory_space<vmem>>) target_semaphore(%arg10 : memref<!tpu.dma_semaphore, #tpu.memory_space<semaphore_mem>>)
      } else {
      }
    }
    %scan3A_13 = arith.constant 25 : i32
    %dma_wait3A = arith.constant 0 : i32
    %dma_wait3A_14 = tpu.memref_slice %arg4[%mul3A_2, %dma_wait3A] : memref<320000x128xf32, #tpu.memory_space<hbm>> -> memref<200x128xf32, #tpu.memory_space<hbm>>
    %dma_wait3A_15 = arith.constant 0 : i32
    %dma_wait3A_16 = tpu.memref_slice %arg4[%mul3A_2, %dma_wait3A_15] : memref<320000x128xf32, #tpu.memory_space<hbm>> -> memref<200x128xf32, #tpu.memory_space<hbm>>
    tpu.wait_dma2 semaphore(%arg13 : memref<!tpu.dma_semaphore, #tpu.memory_space<semaphore_mem>>) src(%arg7 : memref<200x128xf32, #tpu.memory_space<vmem>>) dst(%dma_wait3A_16 : memref<200x128xf32, #tpu.memory_space<hbm>>)
    %dma_wait3A_17 = arith.constant 0 : i32
    %dma_wait3A_18 = tpu.memref_slice %arg4[%mul3A_2, %dma_wait3A_17] : memref<320000x128xf32, #tpu.memory_space<hbm>> -> memref<200x128xf32, #tpu.memory_space<hbm>>
    %dma_wait3A_19 = arith.constant 0 : i32
    %dma_wait3A_20 = tpu.memref_slice %arg4[%mul3A_2, %dma_wait3A_19] : memref<320000x128xf32, #tpu.memory_space<hbm>> -> memref<200x128xf32, #tpu.memory_space<hbm>>
    tpu.wait_dma2 semaphore(%arg14 : memref<!tpu.dma_semaphore, #tpu.memory_space<semaphore_mem>>) src(%arg8 : memref<200x128xf32, #tpu.memory_space<vmem>>) dst(%dma_wait3A_20 : memref<200x128xf32, #tpu.memory_space<hbm>>)
    return
  }
}

module attributes {stable_mosaic.version = 14 : i64} {
  func.func @body(%arg0: i32, %arg1: memref<3200x256xf32, #tpu.memory_space<vmem>>, %arg2: memref<3200x256xf32, #tpu.memory_space<vmem>>, %arg3: memref<256x256xf32, #tpu.memory_space<vmem>>, %arg4: memref<256x256xf32, #tpu.memory_space<vmem>>, %arg5: memref<64x256xf32, #tpu.memory_space<vmem>>, %arg6: memref<64x256xf32, #tpu.memory_space<vmem>>, %arg7: memref<1x64xf32, #tpu.memory_space<vmem>>, %arg8: memref<1x64xf32, #tpu.memory_space<vmem>>, %arg9: memref<1x64xf32, #tpu.memory_space<vmem>>, %arg10: memref<3200x128xf32, #tpu.memory_space<vmem>>, %arg11: memref<3200x16xf32, #tpu.memory_space<vmem>>) attributes {dimension_semantics = [#tpu.dimension_semantics<arbitrary>], iteration_bounds = array<i64: 50>, scalar_prefetch = 0 : i64, scratch_operands = 0 : i64, tpu.core_type = #tpu.core_type<tc>, window_params = [{transform_indices = @transform_0, window_bounds = array<i64: 3200, 256>}, {transform_indices = @transform_1, window_bounds = array<i64: 3200, 256>}, {pipeline_mode = #tpu.pipeline_mode<synchronous>, transform_indices = @transform_2, window_bounds = array<i64: 256, 256>}, {pipeline_mode = #tpu.pipeline_mode<synchronous>, transform_indices = @transform_3, window_bounds = array<i64: 256, 256>}, {pipeline_mode = #tpu.pipeline_mode<synchronous>, transform_indices = @transform_4, window_bounds = array<i64: 64, 256>}, {pipeline_mode = #tpu.pipeline_mode<synchronous>, transform_indices = @transform_5, window_bounds = array<i64: 64, 256>}, {pipeline_mode = #tpu.pipeline_mode<synchronous>, transform_indices = @transform_6, window_bounds = array<i64: 1, 64>}, {pipeline_mode = #tpu.pipeline_mode<synchronous>, transform_indices = @transform_7, window_bounds = array<i64: 1, 64>}, {pipeline_mode = #tpu.pipeline_mode<synchronous>, transform_indices = @transform_8, window_bounds = array<i64: 1, 64>}, {transform_indices = @transform_9, window_bounds = array<i64: 3200, 128>}, {transform_indices = @transform_10, window_bounds = array<i64: 3200, 16>}]} {
    %get3A = arith.constant 0 : index
    %get3A_0 = arith.constant 0 : index
    %get3A_1 = vector.load %arg1[%get3A, %get3A_0] : memref<3200x256xf32, #tpu.memory_space<vmem>>, vector<3200x256xf32>
    %get3A_2 = arith.constant 0 : index
    %get3A_3 = arith.constant 0 : index
    %get3A_4 = vector.load %arg2[%get3A_2, %get3A_3] : memref<3200x256xf32, #tpu.memory_space<vmem>>, vector<3200x256xf32>
    %slice3A = vector.extract_strided_slice %get3A_1 {offsets = [0, 0], sizes = [3200, 3], strides = [1, 1]} : vector<3200x256xf32> to vector<3200x3xf32>
    %slice3A_5 = vector.extract_strided_slice %get3A_4 {offsets = [0, 0], sizes = [3200, 3], strides = [1, 1]} : vector<3200x256xf32> to vector<3200x3xf32>
    %sub3A = arith.subf %slice3A, %slice3A_5 : vector<3200x3xf32>
    %mul3A = arith.mulf %sub3A, %sub3A : vector<3200x3xf32>
    %reduce_sum3A = arith.constant dense<0.000000e+00> : vector<3200xf32>
    %reduce_sum3A_6 = vector.multi_reduction <add>, %mul3A, %reduce_sum3A [1] : vector<3200x3xf32> to vector<3200xf32>
    %broadcast_in_dim3A = vector.shape_cast %reduce_sum3A_6 : vector<3200xf32> to vector<3200x1xf32>
    %sqrt3A = math.sqrt %broadcast_in_dim3A : vector<3200x1xf32>
    %add3A = arith.constant 9.99999971E-10 : f32
    %add3A_7 = vector.broadcast %add3A : f32 to vector<3200x1xf32>
    %add3A_8 = arith.addf %sqrt3A, %add3A_7 : vector<3200x1xf32>
    %div3A = vector.broadcast %add3A_8 : vector<3200x1xf32> to vector<3200x3xf32>
    %div3A_9 = arith.divf %sub3A, %div3A : vector<3200x3xf32>
    %broadcast_in_dim3A_10 = arith.constant 1.000000e+00 : f32
    %broadcast_in_dim3A_11 = vector.broadcast %broadcast_in_dim3A_10 : f32 to vector<3200x1xf32>
    %sqrt3A_12 = arith.constant 3.000000e+00 : f32
    %sqrt3A_13 = math.sqrt %sqrt3A_12 : f32
    %mul3A_14 = vector.broadcast %sqrt3A_13 : f32 to vector<3200x3xf32>
    %mul3A_15 = arith.mulf %mul3A_14, %div3A_9 : vector<3200x3xf32>
    %broadcast_in_dim3A_16 = arith.constant 0.000000e+00 : f32
    %broadcast_in_dim3A_17 = vector.broadcast %broadcast_in_dim3A_16 : f32 to vector<3200x11xf32>
    %concatenate3A = tpu.concatenate %broadcast_in_dim3A_11, %mul3A_15, %broadcast_in_dim3A_11, %broadcast_in_dim3A_17 in 1 : vector<3200x1xf32>, vector<3200x3xf32>, vector<3200x1xf32>, vector<3200x11xf32> -> vector<3200x16xf32>
    %swap3A = arith.constant 0 : index
    %swap3A_18 = arith.constant 0 : index
    %swap3A_19 = vector.load %arg11[%swap3A, %swap3A_18] : memref<3200x16xf32, #tpu.memory_space<vmem>>, vector<3200x16xf32>
    tpu.vector_store %arg11[%swap3A, %swap3A_18], %concatenate3A {strides = array<i32>} : memref<3200x16xf32, #tpu.memory_space<vmem>>, vector<3200x16xf32>,
    %get3A_20 = arith.constant 0 : index
    %get3A_21 = arith.constant 0 : index
    %get3A_22 = vector.load %arg3[%get3A_20, %get3A_21] : memref<256x256xf32, #tpu.memory_space<vmem>>, vector<256x256xf32>
    %dot_general3A = arith.constant dense<0.000000e+00> : vector<3200x256xf32>
    %dot_general3A_23 = tpu.matmul %get3A_1, %get3A_22, %dot_general3A {dimension_numbers = #tpu.dot_dimension_numbers<[1], [0], [0], [1], [0, 0, 1, 1], [], []>, transpose_lhs_hint = false} : vector<3200x256xf32>, vector<256x256xf32>, vector<3200x256xf32> -> vector<3200x256xf32>
    %get3A_24 = arith.constant 0 : index
    %get3A_25 = arith.constant 0 : index
    %get3A_26 = vector.load %arg4[%get3A_24, %get3A_25] : memref<256x256xf32, #tpu.memory_space<vmem>>, vector<256x256xf32>
    %dot_general3A_27 = arith.constant dense<0.000000e+00> : vector<3200x256xf32>
    %dot_general3A_28 = tpu.matmul %get3A_4, %get3A_26, %dot_general3A_27 {dimension_numbers = #tpu.dot_dimension_numbers<[1], [0], [0], [1], [0, 0, 1, 1], [], []>, transpose_lhs_hint = false} : vector<3200x256xf32>, vector<256x256xf32>, vector<3200x256xf32> -> vector<3200x256xf32>
    %add3A_29 = arith.addf %dot_general3A_23, %dot_general3A_28 : vector<3200x256xf32>
    %get3A_30 = arith.constant 0 : index
    %get3A_31 = arith.constant 0 : index
    %get3A_32 = vector.load %arg7[%get3A_30, %get3A_31] : memref<1x64xf32, #tpu.memory_space<vmem>>, vector<1x64xf32>
    %slice3A_33 = vector.extract_strided_slice %add3A_29 {offsets = [0, 0], sizes = [3200, 64], strides = [1, 1]} : vector<3200x256xf32> to vector<3200x64xf32>
    %slice3A_34 = vector.extract_strided_slice %concatenate3A {offsets = [0, 1], sizes = [3200, 1], strides = [1, 1]} : vector<3200x16xf32> to vector<3200x1xf32>
    %slice3A_35 = vector.extract_strided_slice %add3A_29 {offsets = [0, 64], sizes = [3200, 64], strides = [1, 1]} : vector<3200x256xf32> to vector<3200x64xf32>
    %mul3A_36 = vector.broadcast %slice3A_34 : vector<3200x1xf32> to vector<3200x64xf32>
    %mul3A_37 = arith.mulf %mul3A_36, %slice3A_35 : vector<3200x64xf32>
    %add3A_38 = arith.addf %slice3A_33, %mul3A_37 : vector<3200x64xf32>
    %slice3A_39 = vector.extract_strided_slice %concatenate3A {offsets = [0, 2], sizes = [3200, 1], strides = [1, 1]} : vector<3200x16xf32> to vector<3200x1xf32>
    %slice3A_40 = vector.extract_strided_slice %add3A_29 {offsets = [0, 128], sizes = [3200, 64], strides = [1, 1]} : vector<3200x256xf32> to vector<3200x64xf32>
    %mul3A_41 = vector.broadcast %slice3A_39 : vector<3200x1xf32> to vector<3200x64xf32>
    %mul3A_42 = arith.mulf %mul3A_41, %slice3A_40 : vector<3200x64xf32>
    %add3A_43 = arith.addf %add3A_38, %mul3A_42 : vector<3200x64xf32>
    %slice3A_44 = vector.extract_strided_slice %concatenate3A {offsets = [0, 3], sizes = [3200, 1], strides = [1, 1]} : vector<3200x16xf32> to vector<3200x1xf32>
    %slice3A_45 = vector.extract_strided_slice %add3A_29 {offsets = [0, 192], sizes = [3200, 64], strides = [1, 1]} : vector<3200x256xf32> to vector<3200x64xf32>
    %mul3A_46 = vector.broadcast %slice3A_44 : vector<3200x1xf32> to vector<3200x64xf32>
    %mul3A_47 = arith.mulf %mul3A_46, %slice3A_45 : vector<3200x64xf32>
    %add3A_48 = arith.addf %add3A_43, %mul3A_47 : vector<3200x64xf32>
    %add3A_49 = vector.broadcast %get3A_32 : vector<1x64xf32> to vector<3200x64xf32>
    %add3A_50 = arith.addf %add3A_48, %add3A_49 : vector<3200x64xf32>
    %logistic3A = arith.negf %add3A_50 : vector<3200x64xf32>
    %logistic3A_51 = math.exp %logistic3A : vector<3200x64xf32>
    %logistic3A_52 = arith.constant 1.000000e+00 : f32
    %logistic3A_53 = vector.broadcast %logistic3A_52 : f32 to vector<3200x64xf32>
    %logistic3A_54 = arith.addf %logistic3A_53, %logistic3A_51 : vector<3200x64xf32>
    %logistic3A_55 = arith.divf %logistic3A_53, %logistic3A_54 : vector<3200x64xf32>
    %mul3A_56 = arith.mulf %add3A_50, %logistic3A_55 : vector<3200x64xf32>
    %get3A_57 = arith.constant 0 : index
    %get3A_58 = arith.constant 0 : index
    %get3A_59 = vector.load %arg5[%get3A_57, %get3A_58] : memref<64x256xf32, #tpu.memory_space<vmem>>, vector<64x256xf32>
    %dot_general3A_60 = arith.constant dense<0.000000e+00> : vector<3200x256xf32>
    %dot_general3A_61 = tpu.matmul %mul3A_56, %get3A_59, %dot_general3A_60 {dimension_numbers = #tpu.dot_dimension_numbers<[1], [0], [0], [1], [0, 0, 1, 1], [], []>, transpose_lhs_hint = false} : vector<3200x64xf32>, vector<64x256xf32>, vector<3200x256xf32> -> vector<3200x256xf32>
    %get3A_62 = arith.constant 0 : index
    %get3A_63 = arith.constant 0 : index
    %get3A_64 = vector.load %arg8[%get3A_62, %get3A_63] : memref<1x64xf32, #tpu.memory_space<vmem>>, vector<1x64xf32>
    %slice3A_65 = vector.extract_strided_slice %dot_general3A_61 {offsets = [0, 0], sizes = [3200, 64], strides = [1, 1]} : vector<3200x256xf32> to vector<3200x64xf32>
    %slice3A_66 = vector.extract_strided_slice %concatenate3A {offsets = [0, 1], sizes = [3200, 1], strides = [1, 1]} : vector<3200x16xf32> to vector<3200x1xf32>
    %slice3A_67 = vector.extract_strided_slice %dot_general3A_61 {offsets = [0, 64], sizes = [3200, 64], strides = [1, 1]} : vector<3200x256xf32> to vector<3200x64xf32>
    %mul3A_68 = vector.broadcast %slice3A_66 : vector<3200x1xf32> to vector<3200x64xf32>
    %mul3A_69 = arith.mulf %mul3A_68, %slice3A_67 : vector<3200x64xf32>
    %add3A_70 = arith.addf %slice3A_65, %mul3A_69 : vector<3200x64xf32>
    %slice3A_71 = vector.extract_strided_slice %concatenate3A {offsets = [0, 2], sizes = [3200, 1], strides = [1, 1]} : vector<3200x16xf32> to vector<3200x1xf32>
    %slice3A_72 = vector.extract_strided_slice %dot_general3A_61 {offsets = [0, 128], sizes = [3200, 64], strides = [1, 1]} : vector<3200x256xf32> to vector<3200x64xf32>
    %mul3A_73 = vector.broadcast %slice3A_71 : vector<3200x1xf32> to vector<3200x64xf32>
    %mul3A_74 = arith.mulf %mul3A_73, %slice3A_72 : vector<3200x64xf32>
    %add3A_75 = arith.addf %add3A_70, %mul3A_74 : vector<3200x64xf32>
    %slice3A_76 = vector.extract_strided_slice %concatenate3A {offsets = [0, 3], sizes = [3200, 1], strides = [1, 1]} : vector<3200x16xf32> to vector<3200x1xf32>
    %slice3A_77 = vector.extract_strided_slice %dot_general3A_61 {offsets = [0, 192], sizes = [3200, 64], strides = [1, 1]} : vector<3200x256xf32> to vector<3200x64xf32>
    %mul3A_78 = vector.broadcast %slice3A_76 : vector<3200x1xf32> to vector<3200x64xf32>
    %mul3A_79 = arith.mulf %mul3A_78, %slice3A_77 : vector<3200x64xf32>
    %add3A_80 = arith.addf %add3A_75, %mul3A_79 : vector<3200x64xf32>
    %add3A_81 = vector.broadcast %get3A_64 : vector<1x64xf32> to vector<3200x64xf32>
    %add3A_82 = arith.addf %add3A_80, %add3A_81 : vector<3200x64xf32>
    %logistic3A_83 = arith.negf %add3A_82 : vector<3200x64xf32>
    %logistic3A_84 = math.exp %logistic3A_83 : vector<3200x64xf32>
    %logistic3A_85 = arith.constant 1.000000e+00 : f32
    %logistic3A_86 = vector.broadcast %logistic3A_85 : f32 to vector<3200x64xf32>
    %logistic3A_87 = arith.addf %logistic3A_86, %logistic3A_84 : vector<3200x64xf32>
    %logistic3A_88 = arith.divf %logistic3A_86, %logistic3A_87 : vector<3200x64xf32>
    %mul3A_89 = arith.mulf %add3A_82, %logistic3A_88 : vector<3200x64xf32>
    %get3A_90 = arith.constant 0 : index
    %get3A_91 = arith.constant 0 : index
    %get3A_92 = vector.load %arg6[%get3A_90, %get3A_91] : memref<64x256xf32, #tpu.memory_space<vmem>>, vector<64x256xf32>
    %dot_general3A_93 = arith.constant dense<0.000000e+00> : vector<3200x256xf32>
    %dot_general3A_94 = tpu.matmul %mul3A_89, %get3A_92, %dot_general3A_93 {dimension_numbers = #tpu.dot_dimension_numbers<[1], [0], [0], [1], [0, 0, 1, 1], [], []>, transpose_lhs_hint = false} : vector<3200x64xf32>, vector<64x256xf32>, vector<3200x256xf32> -> vector<3200x256xf32>
    %get3A_95 = arith.constant 0 : index
    %get3A_96 = arith.constant 0 : index
    %get3A_97 = vector.load %arg9[%get3A_95, %get3A_96] : memref<1x64xf32, #tpu.memory_space<vmem>>, vector<1x64xf32>
    %slice3A_98 = vector.extract_strided_slice %dot_general3A_94 {offsets = [0, 0], sizes = [3200, 64], strides = [1, 1]} : vector<3200x256xf32> to vector<3200x64xf32>
    %slice3A_99 = vector.extract_strided_slice %concatenate3A {offsets = [0, 1], sizes = [3200, 1], strides = [1, 1]} : vector<3200x16xf32> to vector<3200x1xf32>
    %slice3A_100 = vector.extract_strided_slice %dot_general3A_94 {offsets = [0, 64], sizes = [3200, 64], strides = [1, 1]} : vector<3200x256xf32> to vector<3200x64xf32>
    %mul3A_101 = vector.broadcast %slice3A_99 : vector<3200x1xf32> to vector<3200x64xf32>
    %mul3A_102 = arith.mulf %mul3A_101, %slice3A_100 : vector<3200x64xf32>
    %add3A_103 = arith.addf %slice3A_98, %mul3A_102 : vector<3200x64xf32>
    %slice3A_104 = vector.extract_strided_slice %concatenate3A {offsets = [0, 2], sizes = [3200, 1], strides = [1, 1]} : vector<3200x16xf32> to vector<3200x1xf32>
    %slice3A_105 = vector.extract_strided_slice %dot_general3A_94 {offsets = [0, 128], sizes = [3200, 64], strides = [1, 1]} : vector<3200x256xf32> to vector<3200x64xf32>
    %mul3A_106 = vector.broadcast %slice3A_104 : vector<3200x1xf32> to vector<3200x64xf32>
    %mul3A_107 = arith.mulf %mul3A_106, %slice3A_105 : vector<3200x64xf32>
    %add3A_108 = arith.addf %add3A_103, %mul3A_107 : vector<3200x64xf32>
    %slice3A_109 = vector.extract_strided_slice %concatenate3A {offsets = [0, 3], sizes = [3200, 1], strides = [1, 1]} : vector<3200x16xf32> to vector<3200x1xf32>
    %slice3A_110 = vector.extract_strided_slice %dot_general3A_94 {offsets = [0, 192], sizes = [3200, 64], strides = [1, 1]} : vector<3200x256xf32> to vector<3200x64xf32>
    %mul3A_111 = vector.broadcast %slice3A_109 : vector<3200x1xf32> to vector<3200x64xf32>
    %mul3A_112 = arith.mulf %mul3A_111, %slice3A_110 : vector<3200x64xf32>
    %add3A_113 = arith.addf %add3A_108, %mul3A_112 : vector<3200x64xf32>
    %add3A_114 = vector.broadcast %get3A_97 : vector<1x64xf32> to vector<3200x64xf32>
    %add3A_115 = arith.addf %add3A_113, %add3A_114 : vector<3200x64xf32>
    %slice3A_116 = vector.extract_strided_slice %concatenate3A {offsets = [0, 0], sizes = [3200, 4], strides = [1, 1]} : vector<3200x16xf32> to vector<3200x4xf32>
    %broadcast_in_dim3A_117 = arith.constant 0.000000e+00 : f32
    %broadcast_in_dim3A_118 = vector.broadcast %broadcast_in_dim3A_117 : f32 to vector<3200x60xf32>
    %concatenate3A_119 = tpu.concatenate %add3A_115, %slice3A_116, %broadcast_in_dim3A_118 in 1 : vector<3200x64xf32>, vector<3200x4xf32>, vector<3200x60xf32> -> vector<3200x128xf32>
    %swap3A_120 = arith.constant 0 : index
    %swap3A_121 = arith.constant 0 : index
    %swap3A_122 = vector.load %arg10[%swap3A_120, %swap3A_121] : memref<3200x128xf32, #tpu.memory_space<vmem>>, vector<3200x128xf32>
    tpu.vector_store %arg10[%swap3A_120, %swap3A_121], %concatenate3A_119 {strides = array<i32>} : memref<3200x128xf32, #tpu.memory_space<vmem>>, vector<3200x128xf32>,
    return
  }
  func.func @transform_0(%arg0: i32) -> (i32, i32) {
    %c0_i32 = arith.constant 0 : i32
    %c0_i32_0 = arith.constant 0 : i32
    return %arg0, %c0_i32 : i32, i32
  }
  func.func @transform_1(%arg0: i32) -> (i32, i32) {
    %add3A = arith.constant 50 : i32
    %add3A_0 = arith.addi %arg0, %add3A : i32
    %c0_i32 = arith.constant 0 : i32
    %c0_i32_1 = arith.constant 0 : i32
    return %add3A_0, %c0_i32 : i32, i32
  }
  func.func @transform_2(%arg0: i32) -> (i32, i32) {
    %c0_i32 = arith.constant 0 : i32
    %c0_i32_0 = arith.constant 0 : i32
    %c0_i32_1 = arith.constant 0 : i32
    return %c0_i32, %c0_i32_0 : i32, i32
  }
  func.func @transform_3(%arg0: i32) -> (i32, i32) {
    %c0_i32 = arith.constant 0 : i32
    %c0_i32_0 = arith.constant 0 : i32
    %c0_i32_1 = arith.constant 0 : i32
    return %c0_i32, %c0_i32_0 : i32, i32
  }
  func.func @transform_4(%arg0: i32) -> (i32, i32) {
    %c0_i32 = arith.constant 0 : i32
    %c0_i32_0 = arith.constant 0 : i32
    %c0_i32_1 = arith.constant 0 : i32
    return %c0_i32, %c0_i32_0 : i32, i32
  }
  func.func @transform_5(%arg0: i32) -> (i32, i32) {
    %c0_i32 = arith.constant 0 : i32
    %c0_i32_0 = arith.constant 0 : i32
    %c0_i32_1 = arith.constant 0 : i32
    return %c0_i32, %c0_i32_0 : i32, i32
  }
  func.func @transform_6(%arg0: i32) -> (i32, i32) {
    %c0_i32 = arith.constant 0 : i32
    %c0_i32_0 = arith.constant 0 : i32
    %c0_i32_1 = arith.constant 0 : i32
    return %c0_i32, %c0_i32_0 : i32, i32
  }
  func.func @transform_7(%arg0: i32) -> (i32, i32) {
    %c0_i32 = arith.constant 0 : i32
    %c0_i32_0 = arith.constant 0 : i32
    %c0_i32_1 = arith.constant 0 : i32
    return %c0_i32, %c0_i32_0 : i32, i32
  }
  func.func @transform_8(%arg0: i32) -> (i32, i32) {
    %c0_i32 = arith.constant 0 : i32
    %c0_i32_0 = arith.constant 0 : i32
    %c0_i32_1 = arith.constant 0 : i32
    return %c0_i32, %c0_i32_0 : i32, i32
  }
  func.func @transform_9(%arg0: i32) -> (i32, i32) {
    %c0_i32 = arith.constant 0 : i32
    %c0_i32_0 = arith.constant 0 : i32
    return %arg0, %c0_i32 : i32, i32
  }
  func.func @transform_10(%arg0: i32) -> (i32, i32) {
    %c0_i32 = arith.constant 0 : i32
    %c0_i32_0 = arith.constant 0 : i32
    return %arg0, %c0_i32 : i32, i32
  }
}

module attributes {stable_mosaic.version = 14 : i64} {
  func.func @body(%arg0: i32, %arg1: memref<2000x256xf32, #tpu.memory_space<vmem>>, %arg2: memref<2x2000x128xf32, #tpu.memory_space<vmem>>, %arg3: memref<256x128xf32, #tpu.memory_space<vmem>>, %arg4: memref<64x128xf32, #tpu.memory_space<vmem>>, %arg5: memref<16x128xf32, #tpu.memory_space<vmem>>, %arg6: memref<1x128xf32, #tpu.memory_space<vmem>>, %arg7: memref<128x128xf32, #tpu.memory_space<vmem>>, %arg8: memref<64x128xf32, #tpu.memory_space<vmem>>, %arg9: memref<16x128xf32, #tpu.memory_space<vmem>>, %arg10: memref<1x128xf32, #tpu.memory_space<vmem>>, %arg11: memref<128x128xf32, #tpu.memory_space<vmem>>, %arg12: memref<64x128xf32, #tpu.memory_space<vmem>>, %arg13: memref<16x128xf32, #tpu.memory_space<vmem>>, %arg14: memref<1x128xf32, #tpu.memory_space<vmem>>, %arg15: memref<256x128xf32, #tpu.memory_space<vmem>>, %arg16: memref<1x128xf32, #tpu.memory_space<vmem>>, %arg17: memref<2000x128xf32, #tpu.memory_space<vmem>>) attributes {dimension_semantics = [#tpu.dimension_semantics<arbitrary>], iteration_bounds = array<i64: 5>, scalar_prefetch = 0 : i64, scratch_operands = 0 : i64, tpu.core_type = #tpu.core_type<tc>, window_params = [{transform_indices = @transform_0, window_bounds = array<i64: 2000, 256>}, {transform_indices = @transform_1, window_bounds = array<i64: 2, 2000, 128>}, {pipeline_mode = #tpu.pipeline_mode<synchronous>, transform_indices = @transform_2, window_bounds = array<i64: 256, 128>}, {pipeline_mode = #tpu.pipeline_mode<synchronous>, transform_indices = @transform_3, window_bounds = array<i64: 64, 128>}, {pipeline_mode = #tpu.pipeline_mode<synchronous>, transform_indices = @transform_4, window_bounds = array<i64: 16, 128>}, {pipeline_mode = #tpu.pipeline_mode<synchronous>, transform_indices = @transform_5, window_bounds = array<i64: 1, 128>}, {pipeline_mode = #tpu.pipeline_mode<synchronous>, transform_indices = @transform_6, window_bounds = array<i64: 128, 128>}, {pipeline_mode = #tpu.pipeline_mode<synchronous>, transform_indices = @transform_7, window_bounds = array<i64: 64, 128>}, {pipeline_mode = #tpu.pipeline_mode<synchronous>, transform_indices = @transform_8, window_bounds = array<i64: 16, 128>}, {pipeline_mode = #tpu.pipeline_mode<synchronous>, transform_indices = @transform_9, window_bounds = array<i64: 1, 128>}, {pipeline_mode = #tpu.pipeline_mode<synchronous>, transform_indices = @transform_10, window_bounds = array<i64: 128, 128>}, {pipeline_mode = #tpu.pipeline_mode<synchronous>, transform_indices = @transform_11, window_bounds = array<i64: 64, 128>}, {pipeline_mode = #tpu.pipeline_mode<synchronous>, transform_indices = @transform_12, window_bounds = array<i64: 16, 128>}, {pipeline_mode = #tpu.pipeline_mode<synchronous>, transform_indices = @transform_13, window_bounds = array<i64: 1, 128>}, {pipeline_mode = #tpu.pipeline_mode<synchronous>, transform_indices = @transform_14, window_bounds = array<i64: 256, 128>}, {pipeline_mode = #tpu.pipeline_mode<synchronous>, transform_indices = @transform_15, window_bounds = array<i64: 1, 128>}, {transform_indices = @transform_16, window_bounds = array<i64: 2000, 128>}]} {
    %get3A = arith.constant 0 : index
    %get3A_0 = arith.constant 0 : index
    %get3A_1 = vector.load %arg1[%get3A, %get3A_0] : memref<2000x256xf32, #tpu.memory_space<vmem>>, vector<2000x256xf32>
    %get3A_2 = arith.constant 0 : index
    %get3A_3 = arith.constant 0 : index
    %get3A_4 = arith.constant 0 : index
    %get3A_5 = vector.load %arg2[%get3A_2, %get3A_3, %get3A_4] : memref<2x2000x128xf32, #tpu.memory_space<vmem>>, vector<1x2000x128xf32>
    %get3A_6 = vector.shape_cast %get3A_5 : vector<1x2000x128xf32> to vector<2000x128xf32>
    %get3A_7 = arith.constant 1 : index
    %get3A_8 = arith.constant 0 : index
    %get3A_9 = arith.constant 0 : index
    %get3A_10 = vector.load %arg2[%get3A_7, %get3A_8, %get3A_9] : memref<2x2000x128xf32, #tpu.memory_space<vmem>>, vector<1x2000x128xf32>
    %get3A_11 = vector.shape_cast %get3A_10 : vector<1x2000x128xf32> to vector<2000x128xf32>
    %add3A = arith.addf %get3A_6, %get3A_11 : vector<2000x128xf32>
    %slice3A = vector.extract_strided_slice %add3A {offsets = [0, 64], sizes = [2000, 1], strides = [1, 1]} : vector<2000x128xf32> to vector<2000x1xf32>
    %max3A = arith.constant 1.000000e+00 : f32
    %max3A_12 = vector.broadcast %max3A : f32 to vector<2000x1xf32>
    %max3A_13 = arith.maximumf %slice3A, %max3A_12 : vector<2000x1xf32>
    %div3A = arith.constant 1.000000e+00 : f32
    %div3A_14 = vector.broadcast %div3A : f32 to vector<2000x1xf32>
    %div3A_15 = arith.divf %div3A_14, %max3A_13 : vector<2000x1xf32>
    %slice3A_16 = vector.extract_strided_slice %add3A {offsets = [0, 0], sizes = [2000, 64], strides = [1, 1]} : vector<2000x128xf32> to vector<2000x64xf32>
    %mul3A = vector.broadcast %div3A_15 : vector<2000x1xf32> to vector<2000x64xf32>
    %mul3A_17 = arith.mulf %slice3A_16, %mul3A : vector<2000x64xf32>
    %slice3A_18 = vector.extract_strided_slice %add3A {offsets = [0, 64], sizes = [2000, 16], strides = [1, 1]} : vector<2000x128xf32> to vector<2000x16xf32>
    %mul3A_19 = vector.broadcast %div3A_15 : vector<2000x1xf32> to vector<2000x16xf32>
    %mul3A_20 = arith.mulf %slice3A_18, %mul3A_19 : vector<2000x16xf32>
    %get3A_21 = arith.constant 0 : index
    %get3A_22 = arith.constant 0 : index
    %get3A_23 = vector.load %arg3[%get3A_21, %get3A_22] : memref<256x128xf32, #tpu.memory_space<vmem>>, vector<256x128xf32>
    %dot_general3A = arith.constant dense<0.000000e+00> : vector<2000x128xf32>
    %dot_general3A_24 = tpu.matmul %get3A_1, %get3A_23, %dot_general3A {dimension_numbers = #tpu.dot_dimension_numbers<[1], [0], [0], [1], [0, 0, 1, 1], [], []>, transpose_lhs_hint = false} : vector<2000x256xf32>, vector<256x128xf32>, vector<2000x128xf32> -> vector<2000x128xf32>
    %get3A_25 = arith.constant 0 : index
    %get3A_26 = arith.constant 0 : index
    %get3A_27 = vector.load %arg4[%get3A_25, %get3A_26] : memref<64x128xf32, #tpu.memory_space<vmem>>, vector<64x128xf32>
    %dot_general3A_28 = arith.constant dense<0.000000e+00> : vector<2000x128xf32>
    %dot_general3A_29 = tpu.matmul %mul3A_17, %get3A_27, %dot_general3A_28 {dimension_numbers = #tpu.dot_dimension_numbers<[1], [0], [0], [1], [0, 0, 1, 1], [], []>, transpose_lhs_hint = false} : vector<2000x64xf32>, vector<64x128xf32>, vector<2000x128xf32> -> vector<2000x128xf32>
    %add3A_30 = arith.addf %dot_general3A_24, %dot_general3A_29 : vector<2000x128xf32>
    %get3A_31 = arith.constant 0 : index
    %get3A_32 = arith.constant 0 : index
    %get3A_33 = vector.load %arg5[%get3A_31, %get3A_32] : memref<16x128xf32, #tpu.memory_space<vmem>>, vector<16x128xf32>
    %dot_general3A_34 = arith.constant dense<0.000000e+00> : vector<2000x128xf32>
    %dot_general3A_35 = tpu.matmul %mul3A_20, %get3A_33, %dot_general3A_34 {dimension_numbers = #tpu.dot_dimension_numbers<[1], [0], [0], [1], [0, 0, 1, 1], [], []>, transpose_lhs_hint = false} : vector<2000x16xf32>, vector<16x128xf32>, vector<2000x128xf32> -> vector<2000x128xf32>
    %add3A_36 = arith.addf %add3A_30, %dot_general3A_35 : vector<2000x128xf32>
    %get3A_37 = arith.constant 0 : index
    %get3A_38 = arith.constant 0 : index
    %get3A_39 = vector.load %arg6[%get3A_37, %get3A_38] : memref<1x128xf32, #tpu.memory_space<vmem>>, vector<1x128xf32>
    %add3A_40 = vector.broadcast %get3A_39 : vector<1x128xf32> to vector<2000x128xf32>
    %add3A_41 = arith.addf %add3A_36, %add3A_40 : vector<2000x128xf32>
    %logistic3A = arith.negf %add3A_41 : vector<2000x128xf32>
    %logistic3A_42 = math.exp %logistic3A : vector<2000x128xf32>
    %logistic3A_43 = arith.constant 1.000000e+00 : f32
    %logistic3A_44 = vector.broadcast %logistic3A_43 : f32 to vector<2000x128xf32>
    %logistic3A_45 = arith.addf %logistic3A_44, %logistic3A_42 : vector<2000x128xf32>
    %logistic3A_46 = arith.divf %logistic3A_44, %logistic3A_45 : vector<2000x128xf32>
    %mul3A_47 = arith.mulf %add3A_41, %logistic3A_46 : vector<2000x128xf32>
    %get3A_48 = arith.constant 0 : index
    %get3A_49 = arith.constant 0 : index
    %get3A_50 = vector.load %arg7[%get3A_48, %get3A_49] : memref<128x128xf32, #tpu.memory_space<vmem>>, vector<128x128xf32>
    %dot_general3A_51 = arith.constant dense<0.000000e+00> : vector<2000x128xf32>
    %dot_general3A_52 = tpu.matmul %mul3A_47, %get3A_50, %dot_general3A_51 {dimension_numbers = #tpu.dot_dimension_numbers<[1], [0], [0], [1], [0, 0, 1, 1], [], []>, transpose_lhs_hint = false} : vector<2000x128xf32>, vector<128x128xf32>, vector<2000x128xf32> -> vector<2000x128xf32>
    %get3A_53 = arith.constant 0 : index
    %get3A_54 = arith.constant 0 : index
    %get3A_55 = vector.load %arg8[%get3A_53, %get3A_54] : memref<64x128xf32, #tpu.memory_space<vmem>>, vector<64x128xf32>
    %dot_general3A_56 = arith.constant dense<0.000000e+00> : vector<2000x128xf32>
    %dot_general3A_57 = tpu.matmul %mul3A_17, %get3A_55, %dot_general3A_56 {dimension_numbers = #tpu.dot_dimension_numbers<[1], [0], [0], [1], [0, 0, 1, 1], [], []>, transpose_lhs_hint = false} : vector<2000x64xf32>, vector<64x128xf32>, vector<2000x128xf32> -> vector<2000x128xf32>
    %add3A_58 = arith.addf %dot_general3A_52, %dot_general3A_57 : vector<2000x128xf32>
    %get3A_59 = arith.constant 0 : index
    %get3A_60 = arith.constant 0 : index
    %get3A_61 = vector.load %arg9[%get3A_59, %get3A_60] : memref<16x128xf32, #tpu.memory_space<vmem>>, vector<16x128xf32>
    %dot_general3A_62 = arith.constant dense<0.000000e+00> : vector<2000x128xf32>
    %dot_general3A_63 = tpu.matmul %mul3A_20, %get3A_61, %dot_general3A_62 {dimension_numbers = #tpu.dot_dimension_numbers<[1], [0], [0], [1], [0, 0, 1, 1], [], []>, transpose_lhs_hint = false} : vector<2000x16xf32>, vector<16x128xf32>, vector<2000x128xf32> -> vector<2000x128xf32>
    %add3A_64 = arith.addf %add3A_58, %dot_general3A_63 : vector<2000x128xf32>
    %get3A_65 = arith.constant 0 : index
    %get3A_66 = arith.constant 0 : index
    %get3A_67 = vector.load %arg10[%get3A_65, %get3A_66] : memref<1x128xf32, #tpu.memory_space<vmem>>, vector<1x128xf32>
    %add3A_68 = vector.broadcast %get3A_67 : vector<1x128xf32> to vector<2000x128xf32>
    %add3A_69 = arith.addf %add3A_64, %add3A_68 : vector<2000x128xf32>
    %logistic3A_70 = arith.negf %add3A_69 : vector<2000x128xf32>
    %logistic3A_71 = math.exp %logistic3A_70 : vector<2000x128xf32>
    %logistic3A_72 = arith.constant 1.000000e+00 : f32
    %logistic3A_73 = vector.broadcast %logistic3A_72 : f32 to vector<2000x128xf32>
    %logistic3A_74 = arith.addf %logistic3A_73, %logistic3A_71 : vector<2000x128xf32>
    %logistic3A_75 = arith.divf %logistic3A_73, %logistic3A_74 : vector<2000x128xf32>
    %mul3A_76 = arith.mulf %add3A_69, %logistic3A_75 : vector<2000x128xf32>
    %get3A_77 = arith.constant 0 : index
    %get3A_78 = arith.constant 0 : index
    %get3A_79 = vector.load %arg11[%get3A_77, %get3A_78] : memref<128x128xf32, #tpu.memory_space<vmem>>, vector<128x128xf32>
    %dot_general3A_80 = arith.constant dense<0.000000e+00> : vector<2000x128xf32>
    %dot_general3A_81 = tpu.matmul %mul3A_76, %get3A_79, %dot_general3A_80 {dimension_numbers = #tpu.dot_dimension_numbers<[1], [0], [0], [1], [0, 0, 1, 1], [], []>, transpose_lhs_hint = false} : vector<2000x128xf32>, vector<128x128xf32>, vector<2000x128xf32> -> vector<2000x128xf32>
    %get3A_82 = arith.constant 0 : index
    %get3A_83 = arith.constant 0 : index
    %get3A_84 = vector.load %arg12[%get3A_82, %get3A_83] : memref<64x128xf32, #tpu.memory_space<vmem>>, vector<64x128xf32>
    %dot_general3A_85 = arith.constant dense<0.000000e+00> : vector<2000x128xf32>
    %dot_general3A_86 = tpu.matmul %mul3A_17, %get3A_84, %dot_general3A_85 {dimension_numbers = #tpu.dot_dimension_numbers<[1], [0], [0], [1], [0, 0, 1, 1], [], []>, transpose_lhs_hint = false} : vector<2000x64xf32>, vector<64x128xf32>, vector<2000x128xf32> -> vector<2000x128xf32>
    %add3A_87 = arith.addf %dot_general3A_81, %dot_general3A_86 : vector<2000x128xf32>
    %get3A_88 = arith.constant 0 : index
    %get3A_89 = arith.constant 0 : index
    %get3A_90 = vector.load %arg13[%get3A_88, %get3A_89] : memref<16x128xf32, #tpu.memory_space<vmem>>, vector<16x128xf32>
    %dot_general3A_91 = arith.constant dense<0.000000e+00> : vector<2000x128xf32>
    %dot_general3A_92 = tpu.matmul %mul3A_20, %get3A_90, %dot_general3A_91 {dimension_numbers = #tpu.dot_dimension_numbers<[1], [0], [0], [1], [0, 0, 1, 1], [], []>, transpose_lhs_hint = false} : vector<2000x16xf32>, vector<16x128xf32>, vector<2000x128xf32> -> vector<2000x128xf32>
    %add3A_93 = arith.addf %add3A_87, %dot_general3A_92 : vector<2000x128xf32>
    %get3A_94 = arith.constant 0 : index
    %get3A_95 = arith.constant 0 : index
    %get3A_96 = vector.load %arg14[%get3A_94, %get3A_95] : memref<1x128xf32, #tpu.memory_space<vmem>>, vector<1x128xf32>
    %add3A_97 = vector.broadcast %get3A_96 : vector<1x128xf32> to vector<2000x128xf32>
    %add3A_98 = arith.addf %add3A_93, %add3A_97 : vector<2000x128xf32>
    %get3A_99 = arith.constant 0 : index
    %get3A_100 = arith.constant 0 : index
    %get3A_101 = vector.load %arg15[%get3A_99, %get3A_100] : memref<256x128xf32, #tpu.memory_space<vmem>>, vector<256x128xf32>
    %dot_general3A_102 = arith.constant dense<0.000000e+00> : vector<2000x128xf32>
    %dot_general3A_103 = tpu.matmul %get3A_1, %get3A_101, %dot_general3A_102 {dimension_numbers = #tpu.dot_dimension_numbers<[1], [0], [0], [1], [0, 0, 1, 1], [], []>, transpose_lhs_hint = false} : vector<2000x256xf32>, vector<256x128xf32>, vector<2000x128xf32> -> vector<2000x128xf32>
    %add3A_104 = arith.addf %add3A_98, %dot_general3A_103 : vector<2000x128xf32>
    %get3A_105 = arith.constant 0 : index
    %get3A_106 = arith.constant 0 : index
    %get3A_107 = vector.load %arg16[%get3A_105, %get3A_106] : memref<1x128xf32, #tpu.memory_space<vmem>>, vector<1x128xf32>
    %add3A_108 = vector.broadcast %get3A_107 : vector<1x128xf32> to vector<2000x128xf32>
    %add3A_109 = arith.addf %add3A_104, %add3A_108 : vector<2000x128xf32>
    %swap3A = arith.constant 0 : index
    %swap3A_110 = arith.constant 0 : index
    %swap3A_111 = vector.load %arg17[%swap3A, %swap3A_110] : memref<2000x128xf32, #tpu.memory_space<vmem>>, vector<2000x128xf32>
    tpu.vector_store %arg17[%swap3A, %swap3A_110], %add3A_109 {strides = array<i32>} : memref<2000x128xf32, #tpu.memory_space<vmem>>, vector<2000x128xf32>,
    return
  }
  func.func @transform_0(%arg0: i32) -> (i32, i32) {
    %c0_i32 = arith.constant 0 : i32
    %c0_i32_0 = arith.constant 0 : i32
    return %arg0, %c0_i32 : i32, i32
  }
  func.func @transform_1(%arg0: i32) -> (i32, i32, i32) {
    %c0_i32 = arith.constant 0 : i32
    %c0_i32_0 = arith.constant 0 : i32
    %c0_i32_1 = arith.constant 0 : i32
    return %c0_i32, %arg0, %c0_i32_0 : i32, i32, i32
  }
  func.func @transform_2(%arg0: i32) -> (i32, i32) {
    %c0_i32 = arith.constant 0 : i32
    %c0_i32_0 = arith.constant 0 : i32
    %c0_i32_1 = arith.constant 0 : i32
    return %c0_i32, %c0_i32_0 : i32, i32
  }
  func.func @transform_3(%arg0: i32) -> (i32, i32) {
    %c0_i32 = arith.constant 0 : i32
    %c0_i32_0 = arith.constant 0 : i32
    %c0_i32_1 = arith.constant 0 : i32
    return %c0_i32, %c0_i32_0 : i32, i32
  }
  func.func @transform_4(%arg0: i32) -> (i32, i32) {
    %c0_i32 = arith.constant 0 : i32
    %c0_i32_0 = arith.constant 0 : i32
    %c0_i32_1 = arith.constant 0 : i32
    return %c0_i32, %c0_i32_0 : i32, i32
  }
  func.func @transform_5(%arg0: i32) -> (i32, i32) {
    %c0_i32 = arith.constant 0 : i32
    %c0_i32_0 = arith.constant 0 : i32
    %c0_i32_1 = arith.constant 0 : i32
    return %c0_i32, %c0_i32_0 : i32, i32
  }
  func.func @transform_6(%arg0: i32) -> (i32, i32) {
    %c0_i32 = arith.constant 0 : i32
    %c0_i32_0 = arith.constant 0 : i32
    %c0_i32_1 = arith.constant 0 : i32
    return %c0_i32, %c0_i32_0 : i32, i32
  }
  func.func @transform_7(%arg0: i32) -> (i32, i32) {
    %c0_i32 = arith.constant 0 : i32
    %c0_i32_0 = arith.constant 0 : i32
    %c0_i32_1 = arith.constant 0 : i32
    return %c0_i32, %c0_i32_0 : i32, i32
  }
  func.func @transform_8(%arg0: i32) -> (i32, i32) {
    %c0_i32 = arith.constant 0 : i32
    %c0_i32_0 = arith.constant 0 : i32
    %c0_i32_1 = arith.constant 0 : i32
    return %c0_i32, %c0_i32_0 : i32, i32
  }
  func.func @transform_9(%arg0: i32) -> (i32, i32) {
    %c0_i32 = arith.constant 0 : i32
    %c0_i32_0 = arith.constant 0 : i32
    %c0_i32_1 = arith.constant 0 : i32
    return %c0_i32, %c0_i32_0 : i32, i32
  }
  func.func @transform_10(%arg0: i32) -> (i32, i32) {
    %c0_i32 = arith.constant 0 : i32
    %c0_i32_0 = arith.constant 0 : i32
    %c0_i32_1 = arith.constant 0 : i32
    return %c0_i32, %c0_i32_0 : i32, i32
  }
  func.func @transform_11(%arg0: i32) -> (i32, i32) {
    %c0_i32 = arith.constant 0 : i32
    %c0_i32_0 = arith.constant 0 : i32
    %c0_i32_1 = arith.constant 0 : i32
    return %c0_i32, %c0_i32_0 : i32, i32
  }
  func.func @transform_12(%arg0: i32) -> (i32, i32) {
    %c0_i32 = arith.constant 0 : i32
    %c0_i32_0 = arith.constant 0 : i32
    %c0_i32_1 = arith.constant 0 : i32
    return %c0_i32, %c0_i32_0 : i32, i32
  }
  func.func @transform_13(%arg0: i32) -> (i32, i32) {
    %c0_i32 = arith.constant 0 : i32
    %c0_i32_0 = arith.constant 0 : i32
    %c0_i32_1 = arith.constant 0 : i32
    return %c0_i32, %c0_i32_0 : i32, i32
  }
  func.func @transform_14(%arg0: i32) -> (i32, i32) {
    %c0_i32 = arith.constant 0 : i32
    %c0_i32_0 = arith.constant 0 : i32
    %c0_i32_1 = arith.constant 0 : i32
    return %c0_i32, %c0_i32_0 : i32, i32
  }
  func.func @transform_15(%arg0: i32) -> (i32, i32) {
    %c0_i32 = arith.constant 0 : i32
    %c0_i32_0 = arith.constant 0 : i32
    %c0_i32_1 = arith.constant 0 : i32
    return %c0_i32, %c0_i32_0 : i32, i32
  }
  func.func @transform_16(%arg0: i32) -> (i32, i32) {
    %c0_i32 = arith.constant 0 : i32
    %c0_i32_0 = arith.constant 0 : i32
    return %arg0, %c0_i32 : i32, i32
  }
}

module attributes {stable_mosaic.version = 14 : i64} {
  func.func @body(%arg0: i32, %arg1: memref<3200x128xf32, #tpu.memory_space<vmem>>, %arg2: memref<3200x128xf32, #tpu.memory_space<vmem>>, %arg3: memref<3200x16xf32, #tpu.memory_space<vmem>>, %arg4: memref<128x256xf32, #tpu.memory_space<vmem>>, %arg5: memref<128x256xf32, #tpu.memory_space<vmem>>, %arg6: memref<64x256xf32, #tpu.memory_space<vmem>>, %arg7: memref<64x256xf32, #tpu.memory_space<vmem>>, %arg8: memref<1x64xf32, #tpu.memory_space<vmem>>, %arg9: memref<1x64xf32, #tpu.memory_space<vmem>>, %arg10: memref<1x64xf32, #tpu.memory_space<vmem>>, %arg11: memref<3200x128xf32, #tpu.memory_space<vmem>>) attributes {dimension_semantics = [#tpu.dimension_semantics<arbitrary>], iteration_bounds = array<i64: 50>, scalar_prefetch = 0 : i64, scratch_operands = 0 : i64, tpu.core_type = #tpu.core_type<tc>, window_params = [{transform_indices = @transform_0, window_bounds = array<i64: 3200, 128>}, {transform_indices = @transform_1, window_bounds = array<i64: 3200, 128>}, {transform_indices = @transform_2, window_bounds = array<i64: 3200, 16>}, {pipeline_mode = #tpu.pipeline_mode<synchronous>, transform_indices = @transform_3, window_bounds = array<i64: 128, 256>}, {pipeline_mode = #tpu.pipeline_mode<synchronous>, transform_indices = @transform_4, window_bounds = array<i64: 128, 256>}, {pipeline_mode = #tpu.pipeline_mode<synchronous>, transform_indices = @transform_5, window_bounds = array<i64: 64, 256>}, {pipeline_mode = #tpu.pipeline_mode<synchronous>, transform_indices = @transform_6, window_bounds = array<i64: 64, 256>}, {pipeline_mode = #tpu.pipeline_mode<synchronous>, transform_indices = @transform_7, window_bounds = array<i64: 1, 64>}, {pipeline_mode = #tpu.pipeline_mode<synchronous>, transform_indices = @transform_8, window_bounds = array<i64: 1, 64>}, {pipeline_mode = #tpu.pipeline_mode<synchronous>, transform_indices = @transform_9, window_bounds = array<i64: 1, 64>}, {transform_indices = @transform_10, window_bounds = array<i64: 3200, 128>}]} {
    %get3A = arith.constant 0 : index
    %get3A_0 = arith.constant 0 : index
    %get3A_1 = vector.load %arg1[%get3A, %get3A_0] : memref<3200x128xf32, #tpu.memory_space<vmem>>, vector<3200x128xf32>
    %get3A_2 = arith.constant 0 : index
    %get3A_3 = arith.constant 0 : index
    %get3A_4 = vector.load %arg2[%get3A_2, %get3A_3] : memref<3200x128xf32, #tpu.memory_space<vmem>>, vector<3200x128xf32>
    %get3A_5 = arith.constant 0 : index
    %get3A_6 = arith.constant 0 : index
    %get3A_7 = vector.load %arg3[%get3A_5, %get3A_6] : memref<3200x16xf32, #tpu.memory_space<vmem>>, vector<3200x16xf32>
    %get3A_8 = arith.constant 0 : index
    %get3A_9 = arith.constant 0 : index
    %get3A_10 = vector.load %arg4[%get3A_8, %get3A_9] : memref<128x256xf32, #tpu.memory_space<vmem>>, vector<128x256xf32>
    %dot_general3A = arith.constant dense<0.000000e+00> : vector<3200x256xf32>
    %dot_general3A_11 = tpu.matmul %get3A_1, %get3A_10, %dot_general3A {dimension_numbers = #tpu.dot_dimension_numbers<[1], [0], [0], [1], [0, 0, 1, 1], [], []>, transpose_lhs_hint = false} : vector<3200x128xf32>, vector<128x256xf32>, vector<3200x256xf32> -> vector<3200x256xf32>
    %get3A_12 = arith.constant 0 : index
    %get3A_13 = arith.constant 0 : index
    %get3A_14 = vector.load %arg5[%get3A_12, %get3A_13] : memref<128x256xf32, #tpu.memory_space<vmem>>, vector<128x256xf32>
    %dot_general3A_15 = arith.constant dense<0.000000e+00> : vector<3200x256xf32>
    %dot_general3A_16 = tpu.matmul %get3A_4, %get3A_14, %dot_general3A_15 {dimension_numbers = #tpu.dot_dimension_numbers<[1], [0], [0], [1], [0, 0, 1, 1], [], []>, transpose_lhs_hint = false} : vector<3200x128xf32>, vector<128x256xf32>, vector<3200x256xf32> -> vector<3200x256xf32>
    %add3A = arith.addf %dot_general3A_11, %dot_general3A_16 : vector<3200x256xf32>
    %get3A_17 = arith.constant 0 : index
    %get3A_18 = arith.constant 0 : index
    %get3A_19 = vector.load %arg8[%get3A_17, %get3A_18] : memref<1x64xf32, #tpu.memory_space<vmem>>, vector<1x64xf32>
    %slice3A = vector.extract_strided_slice %add3A {offsets = [0, 0], sizes = [3200, 64], strides = [1, 1]} : vector<3200x256xf32> to vector<3200x64xf32>
    %slice3A_20 = vector.extract_strided_slice %get3A_7 {offsets = [0, 1], sizes = [3200, 1], strides = [1, 1]} : vector<3200x16xf32> to vector<3200x1xf32>
    %slice3A_21 = vector.extract_strided_slice %add3A {offsets = [0, 64], sizes = [3200, 64], strides = [1, 1]} : vector<3200x256xf32> to vector<3200x64xf32>
    %mul3A = vector.broadcast %slice3A_20 : vector<3200x1xf32> to vector<3200x64xf32>
    %mul3A_22 = arith.mulf %mul3A, %slice3A_21 : vector<3200x64xf32>
    %add3A_23 = arith.addf %slice3A, %mul3A_22 : vector<3200x64xf32>
    %slice3A_24 = vector.extract_strided_slice %get3A_7 {offsets = [0, 2], sizes = [3200, 1], strides = [1, 1]} : vector<3200x16xf32> to vector<3200x1xf32>
    %slice3A_25 = vector.extract_strided_slice %add3A {offsets = [0, 128], sizes = [3200, 64], strides = [1, 1]} : vector<3200x256xf32> to vector<3200x64xf32>
    %mul3A_26 = vector.broadcast %slice3A_24 : vector<3200x1xf32> to vector<3200x64xf32>
    %mul3A_27 = arith.mulf %mul3A_26, %slice3A_25 : vector<3200x64xf32>
    %add3A_28 = arith.addf %add3A_23, %mul3A_27 : vector<3200x64xf32>
    %slice3A_29 = vector.extract_strided_slice %get3A_7 {offsets = [0, 3], sizes = [3200, 1], strides = [1, 1]} : vector<3200x16xf32> to vector<3200x1xf32>
    %slice3A_30 = vector.extract_strided_slice %add3A {offsets = [0, 192], sizes = [3200, 64], strides = [1, 1]} : vector<3200x256xf32> to vector<3200x64xf32>
    %mul3A_31 = vector.broadcast %slice3A_29 : vector<3200x1xf32> to vector<3200x64xf32>
    %mul3A_32 = arith.mulf %mul3A_31, %slice3A_30 : vector<3200x64xf32>
    %add3A_33 = arith.addf %add3A_28, %mul3A_32 : vector<3200x64xf32>
    %add3A_34 = vector.broadcast %get3A_19 : vector<1x64xf32> to vector<3200x64xf32>
    %add3A_35 = arith.addf %add3A_33, %add3A_34 : vector<3200x64xf32>
    %logistic3A = arith.negf %add3A_35 : vector<3200x64xf32>
    %logistic3A_36 = math.exp %logistic3A : vector<3200x64xf32>
    %logistic3A_37 = arith.constant 1.000000e+00 : f32
    %logistic3A_38 = vector.broadcast %logistic3A_37 : f32 to vector<3200x64xf32>
    %logistic3A_39 = arith.addf %logistic3A_38, %logistic3A_36 : vector<3200x64xf32>
    %logistic3A_40 = arith.divf %logistic3A_38, %logistic3A_39 : vector<3200x64xf32>
    %mul3A_41 = arith.mulf %add3A_35, %logistic3A_40 : vector<3200x64xf32>
    %get3A_42 = arith.constant 0 : index
    %get3A_43 = arith.constant 0 : index
    %get3A_44 = vector.load %arg6[%get3A_42, %get3A_43] : memref<64x256xf32, #tpu.memory_space<vmem>>, vector<64x256xf32>
    %dot_general3A_45 = arith.constant dense<0.000000e+00> : vector<3200x256xf32>
    %dot_general3A_46 = tpu.matmul %mul3A_41, %get3A_44, %dot_general3A_45 {dimension_numbers = #tpu.dot_dimension_numbers<[1], [0], [0], [1], [0, 0, 1, 1], [], []>, transpose_lhs_hint = false} : vector<3200x64xf32>, vector<64x256xf32>, vector<3200x256xf32> -> vector<3200x256xf32>
    %get3A_47 = arith.constant 0 : index
    %get3A_48 = arith.constant 0 : index
    %get3A_49 = vector.load %arg9[%get3A_47, %get3A_48] : memref<1x64xf32, #tpu.memory_space<vmem>>, vector<1x64xf32>
    %slice3A_50 = vector.extract_strided_slice %dot_general3A_46 {offsets = [0, 0], sizes = [3200, 64], strides = [1, 1]} : vector<3200x256xf32> to vector<3200x64xf32>
    %slice3A_51 = vector.extract_strided_slice %get3A_7 {offsets = [0, 1], sizes = [3200, 1], strides = [1, 1]} : vector<3200x16xf32> to vector<3200x1xf32>
    %slice3A_52 = vector.extract_strided_slice %dot_general3A_46 {offsets = [0, 64], sizes = [3200, 64], strides = [1, 1]} : vector<3200x256xf32> to vector<3200x64xf32>
    %mul3A_53 = vector.broadcast %slice3A_51 : vector<3200x1xf32> to vector<3200x64xf32>
    %mul3A_54 = arith.mulf %mul3A_53, %slice3A_52 : vector<3200x64xf32>
    %add3A_55 = arith.addf %slice3A_50, %mul3A_54 : vector<3200x64xf32>
    %slice3A_56 = vector.extract_strided_slice %get3A_7 {offsets = [0, 2], sizes = [3200, 1], strides = [1, 1]} : vector<3200x16xf32> to vector<3200x1xf32>
    %slice3A_57 = vector.extract_strided_slice %dot_general3A_46 {offsets = [0, 128], sizes = [3200, 64], strides = [1, 1]} : vector<3200x256xf32> to vector<3200x64xf32>
    %mul3A_58 = vector.broadcast %slice3A_56 : vector<3200x1xf32> to vector<3200x64xf32>
    %mul3A_59 = arith.mulf %mul3A_58, %slice3A_57 : vector<3200x64xf32>
    %add3A_60 = arith.addf %add3A_55, %mul3A_59 : vector<3200x64xf32>
    %slice3A_61 = vector.extract_strided_slice %get3A_7 {offsets = [0, 3], sizes = [3200, 1], strides = [1, 1]} : vector<3200x16xf32> to vector<3200x1xf32>
    %slice3A_62 = vector.extract_strided_slice %dot_general3A_46 {offsets = [0, 192], sizes = [3200, 64], strides = [1, 1]} : vector<3200x256xf32> to vector<3200x64xf32>
    %mul3A_63 = vector.broadcast %slice3A_61 : vector<3200x1xf32> to vector<3200x64xf32>
    %mul3A_64 = arith.mulf %mul3A_63, %slice3A_62 : vector<3200x64xf32>
    %add3A_65 = arith.addf %add3A_60, %mul3A_64 : vector<3200x64xf32>
    %add3A_66 = vector.broadcast %get3A_49 : vector<1x64xf32> to vector<3200x64xf32>
    %add3A_67 = arith.addf %add3A_65, %add3A_66 : vector<3200x64xf32>
    %logistic3A_68 = arith.negf %add3A_67 : vector<3200x64xf32>
    %logistic3A_69 = math.exp %logistic3A_68 : vector<3200x64xf32>
    %logistic3A_70 = arith.constant 1.000000e+00 : f32
    %logistic3A_71 = vector.broadcast %logistic3A_70 : f32 to vector<3200x64xf32>
    %logistic3A_72 = arith.addf %logistic3A_71, %logistic3A_69 : vector<3200x64xf32>
    %logistic3A_73 = arith.divf %logistic3A_71, %logistic3A_72 : vector<3200x64xf32>
    %mul3A_74 = arith.mulf %add3A_67, %logistic3A_73 : vector<3200x64xf32>
    %get3A_75 = arith.constant 0 : index
    %get3A_76 = arith.constant 0 : index
    %get3A_77 = vector.load %arg7[%get3A_75, %get3A_76] : memref<64x256xf32, #tpu.memory_space<vmem>>, vector<64x256xf32>
    %dot_general3A_78 = arith.constant dense<0.000000e+00> : vector<3200x256xf32>
    %dot_general3A_79 = tpu.matmul %mul3A_74, %get3A_77, %dot_general3A_78 {dimension_numbers = #tpu.dot_dimension_numbers<[1], [0], [0], [1], [0, 0, 1, 1], [], []>, transpose_lhs_hint = false} : vector<3200x64xf32>, vector<64x256xf32>, vector<3200x256xf32> -> vector<3200x256xf32>
    %get3A_80 = arith.constant 0 : index
    %get3A_81 = arith.constant 0 : index
    %get3A_82 = vector.load %arg10[%get3A_80, %get3A_81] : memref<1x64xf32, #tpu.memory_space<vmem>>, vector<1x64xf32>
    %slice3A_83 = vector.extract_strided_slice %dot_general3A_79 {offsets = [0, 0], sizes = [3200, 64], strides = [1, 1]} : vector<3200x256xf32> to vector<3200x64xf32>
    %slice3A_84 = vector.extract_strided_slice %get3A_7 {offsets = [0, 1], sizes = [3200, 1], strides = [1, 1]} : vector<3200x16xf32> to vector<3200x1xf32>
    %slice3A_85 = vector.extract_strided_slice %dot_general3A_79 {offsets = [0, 64], sizes = [3200, 64], strides = [1, 1]} : vector<3200x256xf32> to vector<3200x64xf32>
    %mul3A_86 = vector.broadcast %slice3A_84 : vector<3200x1xf32> to vector<3200x64xf32>
    %mul3A_87 = arith.mulf %mul3A_86, %slice3A_85 : vector<3200x64xf32>
    %add3A_88 = arith.addf %slice3A_83, %mul3A_87 : vector<3200x64xf32>
    %slice3A_89 = vector.extract_strided_slice %get3A_7 {offsets = [0, 2], sizes = [3200, 1], strides = [1, 1]} : vector<3200x16xf32> to vector<3200x1xf32>
    %slice3A_90 = vector.extract_strided_slice %dot_general3A_79 {offsets = [0, 128], sizes = [3200, 64], strides = [1, 1]} : vector<3200x256xf32> to vector<3200x64xf32>
    %mul3A_91 = vector.broadcast %slice3A_89 : vector<3200x1xf32> to vector<3200x64xf32>
    %mul3A_92 = arith.mulf %mul3A_91, %slice3A_90 : vector<3200x64xf32>
    %add3A_93 = arith.addf %add3A_88, %mul3A_92 : vector<3200x64xf32>
    %slice3A_94 = vector.extract_strided_slice %get3A_7 {offsets = [0, 3], sizes = [3200, 1], strides = [1, 1]} : vector<3200x16xf32> to vector<3200x1xf32>
    %slice3A_95 = vector.extract_strided_slice %dot_general3A_79 {offsets = [0, 192], sizes = [3200, 64], strides = [1, 1]} : vector<3200x256xf32> to vector<3200x64xf32>
    %mul3A_96 = vector.broadcast %slice3A_94 : vector<3200x1xf32> to vector<3200x64xf32>
    %mul3A_97 = arith.mulf %mul3A_96, %slice3A_95 : vector<3200x64xf32>
    %add3A_98 = arith.addf %add3A_93, %mul3A_97 : vector<3200x64xf32>
    %add3A_99 = vector.broadcast %get3A_82 : vector<1x64xf32> to vector<3200x64xf32>
    %add3A_100 = arith.addf %add3A_98, %add3A_99 : vector<3200x64xf32>
    %slice3A_101 = vector.extract_strided_slice %get3A_7 {offsets = [0, 0], sizes = [3200, 4], strides = [1, 1]} : vector<3200x16xf32> to vector<3200x4xf32>
    %broadcast_in_dim3A = arith.constant 0.000000e+00 : f32
    %broadcast_in_dim3A_102 = vector.broadcast %broadcast_in_dim3A : f32 to vector<3200x60xf32>
    %concatenate3A = tpu.concatenate %add3A_100, %slice3A_101, %broadcast_in_dim3A_102 in 1 : vector<3200x64xf32>, vector<3200x4xf32>, vector<3200x60xf32> -> vector<3200x128xf32>
    %swap3A = arith.constant 0 : index
    %swap3A_103 = arith.constant 0 : index
    %swap3A_104 = vector.load %arg11[%swap3A, %swap3A_103] : memref<3200x128xf32, #tpu.memory_space<vmem>>, vector<3200x128xf32>
    tpu.vector_store %arg11[%swap3A, %swap3A_103], %concatenate3A {strides = array<i32>} : memref<3200x128xf32, #tpu.memory_space<vmem>>, vector<3200x128xf32>,
    return
  }
  func.func @transform_0(%arg0: i32) -> (i32, i32) {
    %c0_i32 = arith.constant 0 : i32
    %c0_i32_0 = arith.constant 0 : i32
    return %arg0, %c0_i32 : i32, i32
  }
  func.func @transform_1(%arg0: i32) -> (i32, i32) {
    %add3A = arith.constant 50 : i32
    %add3A_0 = arith.addi %arg0, %add3A : i32
    %c0_i32 = arith.constant 0 : i32
    %c0_i32_1 = arith.constant 0 : i32
    return %add3A_0, %c0_i32 : i32, i32
  }
  func.func @transform_2(%arg0: i32) -> (i32, i32) {
    %c0_i32 = arith.constant 0 : i32
    %c0_i32_0 = arith.constant 0 : i32
    return %arg0, %c0_i32 : i32, i32
  }
  func.func @transform_3(%arg0: i32) -> (i32, i32) {
    %c0_i32 = arith.constant 0 : i32
    %c0_i32_0 = arith.constant 0 : i32
    %c0_i32_1 = arith.constant 0 : i32
    return %c0_i32, %c0_i32_0 : i32, i32
  }
  func.func @transform_4(%arg0: i32) -> (i32, i32) {
    %c0_i32 = arith.constant 0 : i32
    %c0_i32_0 = arith.constant 0 : i32
    %c0_i32_1 = arith.constant 0 : i32
    return %c0_i32, %c0_i32_0 : i32, i32
  }
  func.func @transform_5(%arg0: i32) -> (i32, i32) {
    %c0_i32 = arith.constant 0 : i32
    %c0_i32_0 = arith.constant 0 : i32
    %c0_i32_1 = arith.constant 0 : i32
    return %c0_i32, %c0_i32_0 : i32, i32
  }
  func.func @transform_6(%arg0: i32) -> (i32, i32) {
    %c0_i32 = arith.constant 0 : i32
    %c0_i32_0 = arith.constant 0 : i32
    %c0_i32_1 = arith.constant 0 : i32
    return %c0_i32, %c0_i32_0 : i32, i32
  }
  func.func @transform_7(%arg0: i32) -> (i32, i32) {
    %c0_i32 = arith.constant 0 : i32
    %c0_i32_0 = arith.constant 0 : i32
    %c0_i32_1 = arith.constant 0 : i32
    return %c0_i32, %c0_i32_0 : i32, i32
  }
  func.func @transform_8(%arg0: i32) -> (i32, i32) {
    %c0_i32 = arith.constant 0 : i32
    %c0_i32_0 = arith.constant 0 : i32
    %c0_i32_1 = arith.constant 0 : i32
    return %c0_i32, %c0_i32_0 : i32, i32
  }
  func.func @transform_9(%arg0: i32) -> (i32, i32) {
    %c0_i32 = arith.constant 0 : i32
    %c0_i32_0 = arith.constant 0 : i32
    %c0_i32_1 = arith.constant 0 : i32
    return %c0_i32, %c0_i32_0 : i32, i32
  }
  func.func @transform_10(%arg0: i32) -> (i32, i32) {
    %c0_i32 = arith.constant 0 : i32
    %c0_i32_0 = arith.constant 0 : i32
    return %arg0, %c0_i32 : i32, i32
  }
}

module attributes {stable_mosaic.version = 14 : i64} {
  func.func @body(%arg0: i32, %arg1: memref<2000x128xf32, #tpu.memory_space<vmem>>, %arg2: memref<2x2000x128xf32, #tpu.memory_space<vmem>>, %arg3: memref<128x128xf32, #tpu.memory_space<vmem>>, %arg4: memref<64x128xf32, #tpu.memory_space<vmem>>, %arg5: memref<16x128xf32, #tpu.memory_space<vmem>>, %arg6: memref<1x128xf32, #tpu.memory_space<vmem>>, %arg7: memref<128x128xf32, #tpu.memory_space<vmem>>, %arg8: memref<64x128xf32, #tpu.memory_space<vmem>>, %arg9: memref<16x128xf32, #tpu.memory_space<vmem>>, %arg10: memref<1x128xf32, #tpu.memory_space<vmem>>, %arg11: memref<128x128xf32, #tpu.memory_space<vmem>>, %arg12: memref<64x128xf32, #tpu.memory_space<vmem>>, %arg13: memref<16x128xf32, #tpu.memory_space<vmem>>, %arg14: memref<1x128xf32, #tpu.memory_space<vmem>>, %arg15: memref<128x128xf32, #tpu.memory_space<vmem>>, %arg16: memref<1x128xf32, #tpu.memory_space<vmem>>, %arg17: memref<2000x128xf32, #tpu.memory_space<vmem>>) attributes {dimension_semantics = [#tpu.dimension_semantics<arbitrary>], iteration_bounds = array<i64: 5>, scalar_prefetch = 0 : i64, scratch_operands = 0 : i64, tpu.core_type = #tpu.core_type<tc>, window_params = [{transform_indices = @transform_0, window_bounds = array<i64: 2000, 128>}, {transform_indices = @transform_1, window_bounds = array<i64: 2, 2000, 128>}, {pipeline_mode = #tpu.pipeline_mode<synchronous>, transform_indices = @transform_2, window_bounds = array<i64: 128, 128>}, {pipeline_mode = #tpu.pipeline_mode<synchronous>, transform_indices = @transform_3, window_bounds = array<i64: 64, 128>}, {pipeline_mode = #tpu.pipeline_mode<synchronous>, transform_indices = @transform_4, window_bounds = array<i64: 16, 128>}, {pipeline_mode = #tpu.pipeline_mode<synchronous>, transform_indices = @transform_5, window_bounds = array<i64: 1, 128>}, {pipeline_mode = #tpu.pipeline_mode<synchronous>, transform_indices = @transform_6, window_bounds = array<i64: 128, 128>}, {pipeline_mode = #tpu.pipeline_mode<synchronous>, transform_indices = @transform_7, window_bounds = array<i64: 64, 128>}, {pipeline_mode = #tpu.pipeline_mode<synchronous>, transform_indices = @transform_8, window_bounds = array<i64: 16, 128>}, {pipeline_mode = #tpu.pipeline_mode<synchronous>, transform_indices = @transform_9, window_bounds = array<i64: 1, 128>}, {pipeline_mode = #tpu.pipeline_mode<synchronous>, transform_indices = @transform_10, window_bounds = array<i64: 128, 128>}, {pipeline_mode = #tpu.pipeline_mode<synchronous>, transform_indices = @transform_11, window_bounds = array<i64: 64, 128>}, {pipeline_mode = #tpu.pipeline_mode<synchronous>, transform_indices = @transform_12, window_bounds = array<i64: 16, 128>}, {pipeline_mode = #tpu.pipeline_mode<synchronous>, transform_indices = @transform_13, window_bounds = array<i64: 1, 128>}, {pipeline_mode = #tpu.pipeline_mode<synchronous>, transform_indices = @transform_14, window_bounds = array<i64: 128, 128>}, {pipeline_mode = #tpu.pipeline_mode<synchronous>, transform_indices = @transform_15, window_bounds = array<i64: 1, 128>}, {transform_indices = @transform_16, window_bounds = array<i64: 2000, 128>}]} {
    %get3A = arith.constant 0 : index
    %get3A_0 = arith.constant 0 : index
    %get3A_1 = vector.load %arg1[%get3A, %get3A_0] : memref<2000x128xf32, #tpu.memory_space<vmem>>, vector<2000x128xf32>
    %get3A_2 = arith.constant 0 : index
    %get3A_3 = arith.constant 0 : index
    %get3A_4 = arith.constant 0 : index
    %get3A_5 = vector.load %arg2[%get3A_2, %get3A_3, %get3A_4] : memref<2x2000x128xf32, #tpu.memory_space<vmem>>, vector<1x2000x128xf32>
    %get3A_6 = vector.shape_cast %get3A_5 : vector<1x2000x128xf32> to vector<2000x128xf32>
    %get3A_7 = arith.constant 1 : index
    %get3A_8 = arith.constant 0 : index
    %get3A_9 = arith.constant 0 : index
    %get3A_10 = vector.load %arg2[%get3A_7, %get3A_8, %get3A_9] : memref<2x2000x128xf32, #tpu.memory_space<vmem>>, vector<1x2000x128xf32>
    %get3A_11 = vector.shape_cast %get3A_10 : vector<1x2000x128xf32> to vector<2000x128xf32>
    %add3A = arith.addf %get3A_6, %get3A_11 : vector<2000x128xf32>
    %slice3A = vector.extract_strided_slice %add3A {offsets = [0, 64], sizes = [2000, 1], strides = [1, 1]} : vector<2000x128xf32> to vector<2000x1xf32>
    %max3A = arith.constant 1.000000e+00 : f32
    %max3A_12 = vector.broadcast %max3A : f32 to vector<2000x1xf32>
    %max3A_13 = arith.maximumf %slice3A, %max3A_12 : vector<2000x1xf32>
    %div3A = arith.constant 1.000000e+00 : f32
    %div3A_14 = vector.broadcast %div3A : f32 to vector<2000x1xf32>
    %div3A_15 = arith.divf %div3A_14, %max3A_13 : vector<2000x1xf32>
    %slice3A_16 = vector.extract_strided_slice %add3A {offsets = [0, 0], sizes = [2000, 64], strides = [1, 1]} : vector<2000x128xf32> to vector<2000x64xf32>
    %mul3A = vector.broadcast %div3A_15 : vector<2000x1xf32> to vector<2000x64xf32>
    %mul3A_17 = arith.mulf %slice3A_16, %mul3A : vector<2000x64xf32>
    %slice3A_18 = vector.extract_strided_slice %add3A {offsets = [0, 64], sizes = [2000, 16], strides = [1, 1]} : vector<2000x128xf32> to vector<2000x16xf32>
    %mul3A_19 = vector.broadcast %div3A_15 : vector<2000x1xf32> to vector<2000x16xf32>
    %mul3A_20 = arith.mulf %slice3A_18, %mul3A_19 : vector<2000x16xf32>
    %get3A_21 = arith.constant 0 : index
    %get3A_22 = arith.constant 0 : index
    %get3A_23 = vector.load %arg3[%get3A_21, %get3A_22] : memref<128x128xf32, #tpu.memory_space<vmem>>, vector<128x128xf32>
    %dot_general3A = arith.constant dense<0.000000e+00> : vector<2000x128xf32>
    %dot_general3A_24 = tpu.matmul %get3A_1, %get3A_23, %dot_general3A {dimension_numbers = #tpu.dot_dimension_numbers<[1], [0], [0], [1], [0, 0, 1, 1], [], []>, transpose_lhs_hint = false} : vector<2000x128xf32>, vector<128x128xf32>, vector<2000x128xf32> -> vector<2000x128xf32>
    %get3A_25 = arith.constant 0 : index
    %get3A_26 = arith.constant 0 : index
    %get3A_27 = vector.load %arg4[%get3A_25, %get3A_26] : memref<64x128xf32, #tpu.memory_space<vmem>>, vector<64x128xf32>
    %dot_general3A_28 = arith.constant dense<0.000000e+00> : vector<2000x128xf32>
    %dot_general3A_29 = tpu.matmul %mul3A_17, %get3A_27, %dot_general3A_28 {dimension_numbers = #tpu.dot_dimension_numbers<[1], [0], [0], [1], [0, 0, 1, 1], [], []>, transpose_lhs_hint = false} : vector<2000x64xf32>, vector<64x128xf32>, vector<2000x128xf32> -> vector<2000x128xf32>
    %add3A_30 = arith.addf %dot_general3A_24, %dot_general3A_29 : vector<2000x128xf32>
    %get3A_31 = arith.constant 0 : index
    %get3A_32 = arith.constant 0 : index
    %get3A_33 = vector.load %arg5[%get3A_31, %get3A_32] : memref<16x128xf32, #tpu.memory_space<vmem>>, vector<16x128xf32>
    %dot_general3A_34 = arith.constant dense<0.000000e+00> : vector<2000x128xf32>
    %dot_general3A_35 = tpu.matmul %mul3A_20, %get3A_33, %dot_general3A_34 {dimension_numbers = #tpu.dot_dimension_numbers<[1], [0], [0], [1], [0, 0, 1, 1], [], []>, transpose_lhs_hint = false} : vector<2000x16xf32>, vector<16x128xf32>, vector<2000x128xf32> -> vector<2000x128xf32>
    %add3A_36 = arith.addf %add3A_30, %dot_general3A_35 : vector<2000x128xf32>
    %get3A_37 = arith.constant 0 : index
    %get3A_38 = arith.constant 0 : index
    %get3A_39 = vector.load %arg6[%get3A_37, %get3A_38] : memref<1x128xf32, #tpu.memory_space<vmem>>, vector<1x128xf32>
    %add3A_40 = vector.broadcast %get3A_39 : vector<1x128xf32> to vector<2000x128xf32>
    %add3A_41 = arith.addf %add3A_36, %add3A_40 : vector<2000x128xf32>
    %logistic3A = arith.negf %add3A_41 : vector<2000x128xf32>
    %logistic3A_42 = math.exp %logistic3A : vector<2000x128xf32>
    %logistic3A_43 = arith.constant 1.000000e+00 : f32
    %logistic3A_44 = vector.broadcast %logistic3A_43 : f32 to vector<2000x128xf32>
    %logistic3A_45 = arith.addf %logistic3A_44, %logistic3A_42 : vector<2000x128xf32>
    %logistic3A_46 = arith.divf %logistic3A_44, %logistic3A_45 : vector<2000x128xf32>
    %mul3A_47 = arith.mulf %add3A_41, %logistic3A_46 : vector<2000x128xf32>
    %get3A_48 = arith.constant 0 : index
    %get3A_49 = arith.constant 0 : index
    %get3A_50 = vector.load %arg7[%get3A_48, %get3A_49] : memref<128x128xf32, #tpu.memory_space<vmem>>, vector<128x128xf32>
    %dot_general3A_51 = arith.constant dense<0.000000e+00> : vector<2000x128xf32>
    %dot_general3A_52 = tpu.matmul %mul3A_47, %get3A_50, %dot_general3A_51 {dimension_numbers = #tpu.dot_dimension_numbers<[1], [0], [0], [1], [0, 0, 1, 1], [], []>, transpose_lhs_hint = false} : vector<2000x128xf32>, vector<128x128xf32>, vector<2000x128xf32> -> vector<2000x128xf32>
    %get3A_53 = arith.constant 0 : index
    %get3A_54 = arith.constant 0 : index
    %get3A_55 = vector.load %arg8[%get3A_53, %get3A_54] : memref<64x128xf32, #tpu.memory_space<vmem>>, vector<64x128xf32>
    %dot_general3A_56 = arith.constant dense<0.000000e+00> : vector<2000x128xf32>
    %dot_general3A_57 = tpu.matmul %mul3A_17, %get3A_55, %dot_general3A_56 {dimension_numbers = #tpu.dot_dimension_numbers<[1], [0], [0], [1], [0, 0, 1, 1], [], []>, transpose_lhs_hint = false} : vector<2000x64xf32>, vector<64x128xf32>, vector<2000x128xf32> -> vector<2000x128xf32>
    %add3A_58 = arith.addf %dot_general3A_52, %dot_general3A_57 : vector<2000x128xf32>
    %get3A_59 = arith.constant 0 : index
    %get3A_60 = arith.constant 0 : index
    %get3A_61 = vector.load %arg9[%get3A_59, %get3A_60] : memref<16x128xf32, #tpu.memory_space<vmem>>, vector<16x128xf32>
    %dot_general3A_62 = arith.constant dense<0.000000e+00> : vector<2000x128xf32>
    %dot_general3A_63 = tpu.matmul %mul3A_20, %get3A_61, %dot_general3A_62 {dimension_numbers = #tpu.dot_dimension_numbers<[1], [0], [0], [1], [0, 0, 1, 1], [], []>, transpose_lhs_hint = false} : vector<2000x16xf32>, vector<16x128xf32>, vector<2000x128xf32> -> vector<2000x128xf32>
    %add3A_64 = arith.addf %add3A_58, %dot_general3A_63 : vector<2000x128xf32>
    %get3A_65 = arith.constant 0 : index
    %get3A_66 = arith.constant 0 : index
    %get3A_67 = vector.load %arg10[%get3A_65, %get3A_66] : memref<1x128xf32, #tpu.memory_space<vmem>>, vector<1x128xf32>
    %add3A_68 = vector.broadcast %get3A_67 : vector<1x128xf32> to vector<2000x128xf32>
    %add3A_69 = arith.addf %add3A_64, %add3A_68 : vector<2000x128xf32>
    %logistic3A_70 = arith.negf %add3A_69 : vector<2000x128xf32>
    %logistic3A_71 = math.exp %logistic3A_70 : vector<2000x128xf32>
    %logistic3A_72 = arith.constant 1.000000e+00 : f32
    %logistic3A_73 = vector.broadcast %logistic3A_72 : f32 to vector<2000x128xf32>
    %logistic3A_74 = arith.addf %logistic3A_73, %logistic3A_71 : vector<2000x128xf32>
    %logistic3A_75 = arith.divf %logistic3A_73, %logistic3A_74 : vector<2000x128xf32>
    %mul3A_76 = arith.mulf %add3A_69, %logistic3A_75 : vector<2000x128xf32>
    %get3A_77 = arith.constant 0 : index
    %get3A_78 = arith.constant 0 : index
    %get3A_79 = vector.load %arg11[%get3A_77, %get3A_78] : memref<128x128xf32, #tpu.memory_space<vmem>>, vector<128x128xf32>
    %dot_general3A_80 = arith.constant dense<0.000000e+00> : vector<2000x128xf32>
    %dot_general3A_81 = tpu.matmul %mul3A_76, %get3A_79, %dot_general3A_80 {dimension_numbers = #tpu.dot_dimension_numbers<[1], [0], [0], [1], [0, 0, 1, 1], [], []>, transpose_lhs_hint = false} : vector<2000x128xf32>, vector<128x128xf32>, vector<2000x128xf32> -> vector<2000x128xf32>
    %get3A_82 = arith.constant 0 : index
    %get3A_83 = arith.constant 0 : index
    %get3A_84 = vector.load %arg12[%get3A_82, %get3A_83] : memref<64x128xf32, #tpu.memory_space<vmem>>, vector<64x128xf32>
    %dot_general3A_85 = arith.constant dense<0.000000e+00> : vector<2000x128xf32>
    %dot_general3A_86 = tpu.matmul %mul3A_17, %get3A_84, %dot_general3A_85 {dimension_numbers = #tpu.dot_dimension_numbers<[1], [0], [0], [1], [0, 0, 1, 1], [], []>, transpose_lhs_hint = false} : vector<2000x64xf32>, vector<64x128xf32>, vector<2000x128xf32> -> vector<2000x128xf32>
    %add3A_87 = arith.addf %dot_general3A_81, %dot_general3A_86 : vector<2000x128xf32>
    %get3A_88 = arith.constant 0 : index
    %get3A_89 = arith.constant 0 : index
    %get3A_90 = vector.load %arg13[%get3A_88, %get3A_89] : memref<16x128xf32, #tpu.memory_space<vmem>>, vector<16x128xf32>
    %dot_general3A_91 = arith.constant dense<0.000000e+00> : vector<2000x128xf32>
    %dot_general3A_92 = tpu.matmul %mul3A_20, %get3A_90, %dot_general3A_91 {dimension_numbers = #tpu.dot_dimension_numbers<[1], [0], [0], [1], [0, 0, 1, 1], [], []>, transpose_lhs_hint = false} : vector<2000x16xf32>, vector<16x128xf32>, vector<2000x128xf32> -> vector<2000x128xf32>
    %add3A_93 = arith.addf %add3A_87, %dot_general3A_92 : vector<2000x128xf32>
    %get3A_94 = arith.constant 0 : index
    %get3A_95 = arith.constant 0 : index
    %get3A_96 = vector.load %arg14[%get3A_94, %get3A_95] : memref<1x128xf32, #tpu.memory_space<vmem>>, vector<1x128xf32>
    %add3A_97 = vector.broadcast %get3A_96 : vector<1x128xf32> to vector<2000x128xf32>
    %add3A_98 = arith.addf %add3A_93, %add3A_97 : vector<2000x128xf32>
    %get3A_99 = arith.constant 0 : index
    %get3A_100 = arith.constant 0 : index
    %get3A_101 = vector.load %arg15[%get3A_99, %get3A_100] : memref<128x128xf32, #tpu.memory_space<vmem>>, vector<128x128xf32>
    %dot_general3A_102 = arith.constant dense<0.000000e+00> : vector<2000x128xf32>
    %dot_general3A_103 = tpu.matmul %get3A_1, %get3A_101, %dot_general3A_102 {dimension_numbers = #tpu.dot_dimension_numbers<[1], [0], [0], [1], [0, 0, 1, 1], [], []>, transpose_lhs_hint = false} : vector<2000x128xf32>, vector<128x128xf32>, vector<2000x128xf32> -> vector<2000x128xf32>
    %add3A_104 = arith.addf %add3A_98, %dot_general3A_103 : vector<2000x128xf32>
    %get3A_105 = arith.constant 0 : index
    %get3A_106 = arith.constant 0 : index
    %get3A_107 = vector.load %arg16[%get3A_105, %get3A_106] : memref<1x128xf32, #tpu.memory_space<vmem>>, vector<1x128xf32>
    %add3A_108 = vector.broadcast %get3A_107 : vector<1x128xf32> to vector<2000x128xf32>
    %add3A_109 = arith.addf %add3A_104, %add3A_108 : vector<2000x128xf32>
    %swap3A = arith.constant 0 : index
    %swap3A_110 = arith.constant 0 : index
    %swap3A_111 = vector.load %arg17[%swap3A, %swap3A_110] : memref<2000x128xf32, #tpu.memory_space<vmem>>, vector<2000x128xf32>
    tpu.vector_store %arg17[%swap3A, %swap3A_110], %add3A_109 {strides = array<i32>} : memref<2000x128xf32, #tpu.memory_space<vmem>>, vector<2000x128xf32>,
    return
  }
  func.func @transform_0(%arg0: i32) -> (i32, i32) {
    %c0_i32 = arith.constant 0 : i32
    %c0_i32_0 = arith.constant 0 : i32
    return %arg0, %c0_i32 : i32, i32
  }
  func.func @transform_1(%arg0: i32) -> (i32, i32, i32) {
    %c0_i32 = arith.constant 0 : i32
    %c0_i32_0 = arith.constant 0 : i32
    %c0_i32_1 = arith.constant 0 : i32
    return %c0_i32, %arg0, %c0_i32_0 : i32, i32, i32
  }
  func.func @transform_2(%arg0: i32) -> (i32, i32) {
    %c0_i32 = arith.constant 0 : i32
    %c0_i32_0 = arith.constant 0 : i32
    %c0_i32_1 = arith.constant 0 : i32
    return %c0_i32, %c0_i32_0 : i32, i32
  }
  func.func @transform_3(%arg0: i32) -> (i32, i32) {
    %c0_i32 = arith.constant 0 : i32
    %c0_i32_0 = arith.constant 0 : i32
    %c0_i32_1 = arith.constant 0 : i32
    return %c0_i32, %c0_i32_0 : i32, i32
  }
  func.func @transform_4(%arg0: i32) -> (i32, i32) {
    %c0_i32 = arith.constant 0 : i32
    %c0_i32_0 = arith.constant 0 : i32
    %c0_i32_1 = arith.constant 0 : i32
    return %c0_i32, %c0_i32_0 : i32, i32
  }
  func.func @transform_5(%arg0: i32) -> (i32, i32) {
    %c0_i32 = arith.constant 0 : i32
    %c0_i32_0 = arith.constant 0 : i32
    %c0_i32_1 = arith.constant 0 : i32
    return %c0_i32, %c0_i32_0 : i32, i32
  }
  func.func @transform_6(%arg0: i32) -> (i32, i32) {
    %c0_i32 = arith.constant 0 : i32
    %c0_i32_0 = arith.constant 0 : i32
    %c0_i32_1 = arith.constant 0 : i32
    return %c0_i32, %c0_i32_0 : i32, i32
  }
  func.func @transform_7(%arg0: i32) -> (i32, i32) {
    %c0_i32 = arith.constant 0 : i32
    %c0_i32_0 = arith.constant 0 : i32
    %c0_i32_1 = arith.constant 0 : i32
    return %c0_i32, %c0_i32_0 : i32, i32
  }
  func.func @transform_8(%arg0: i32) -> (i32, i32) {
    %c0_i32 = arith.constant 0 : i32
    %c0_i32_0 = arith.constant 0 : i32
    %c0_i32_1 = arith.constant 0 : i32
    return %c0_i32, %c0_i32_0 : i32, i32
  }
  func.func @transform_9(%arg0: i32) -> (i32, i32) {
    %c0_i32 = arith.constant 0 : i32
    %c0_i32_0 = arith.constant 0 : i32
    %c0_i32_1 = arith.constant 0 : i32
    return %c0_i32, %c0_i32_0 : i32, i32
  }
  func.func @transform_10(%arg0: i32) -> (i32, i32) {
    %c0_i32 = arith.constant 0 : i32
    %c0_i32_0 = arith.constant 0 : i32
    %c0_i32_1 = arith.constant 0 : i32
    return %c0_i32, %c0_i32_0 : i32, i32
  }
  func.func @transform_11(%arg0: i32) -> (i32, i32) {
    %c0_i32 = arith.constant 0 : i32
    %c0_i32_0 = arith.constant 0 : i32
    %c0_i32_1 = arith.constant 0 : i32
    return %c0_i32, %c0_i32_0 : i32, i32
  }
  func.func @transform_12(%arg0: i32) -> (i32, i32) {
    %c0_i32 = arith.constant 0 : i32
    %c0_i32_0 = arith.constant 0 : i32
    %c0_i32_1 = arith.constant 0 : i32
    return %c0_i32, %c0_i32_0 : i32, i32
  }
  func.func @transform_13(%arg0: i32) -> (i32, i32) {
    %c0_i32 = arith.constant 0 : i32
    %c0_i32_0 = arith.constant 0 : i32
    %c0_i32_1 = arith.constant 0 : i32
    return %c0_i32, %c0_i32_0 : i32, i32
  }
  func.func @transform_14(%arg0: i32) -> (i32, i32) {
    %c0_i32 = arith.constant 0 : i32
    %c0_i32_0 = arith.constant 0 : i32
    %c0_i32_1 = arith.constant 0 : i32
    return %c0_i32, %c0_i32_0 : i32, i32
  }
  func.func @transform_15(%arg0: i32) -> (i32, i32) {
    %c0_i32 = arith.constant 0 : i32
    %c0_i32_0 = arith.constant 0 : i32
    %c0_i32_1 = arith.constant 0 : i32
    return %c0_i32, %c0_i32_0 : i32, i32
  }
  func.func @transform_16(%arg0: i32) -> (i32, i32) {
    %c0_i32 = arith.constant 0 : i32
    %c0_i32_0 = arith.constant 0 : i32
    return %arg0, %c0_i32 : i32, i32
  }
}

module attributes {stable_mosaic.version = 14 : i64} {
  func.func @body(%arg0: i32, %arg1: memref<2000x128xf32, #tpu.memory_space<vmem>>, %arg2: memref<2x2000x128xf32, #tpu.memory_space<vmem>>, %arg3: memref<128x144xf32, #tpu.memory_space<vmem>>, %arg4: memref<64x144xf32, #tpu.memory_space<vmem>>, %arg5: memref<16x144xf32, #tpu.memory_space<vmem>>, %arg6: memref<1x144xf32, #tpu.memory_space<vmem>>, %arg7: memref<144x144xf32, #tpu.memory_space<vmem>>, %arg8: memref<64x144xf32, #tpu.memory_space<vmem>>, %arg9: memref<16x144xf32, #tpu.memory_space<vmem>>, %arg10: memref<1x144xf32, #tpu.memory_space<vmem>>, %arg11: memref<144x144xf32, #tpu.memory_space<vmem>>, %arg12: memref<64x144xf32, #tpu.memory_space<vmem>>, %arg13: memref<16x144xf32, #tpu.memory_space<vmem>>, %arg14: memref<1x144xf32, #tpu.memory_space<vmem>>, %arg15: memref<128x144xf32, #tpu.memory_space<vmem>>, %arg16: memref<1x144xf32, #tpu.memory_space<vmem>>, %arg17: memref<2000x144xf32, #tpu.memory_space<vmem>>) attributes {dimension_semantics = [#tpu.dimension_semantics<arbitrary>], iteration_bounds = array<i64: 5>, scalar_prefetch = 0 : i64, scratch_operands = 0 : i64, tpu.core_type = #tpu.core_type<tc>, window_params = [{transform_indices = @transform_0, window_bounds = array<i64: 2000, 128>}, {transform_indices = @transform_1, window_bounds = array<i64: 2, 2000, 128>}, {pipeline_mode = #tpu.pipeline_mode<synchronous>, transform_indices = @transform_2, window_bounds = array<i64: 128, 144>}, {pipeline_mode = #tpu.pipeline_mode<synchronous>, transform_indices = @transform_3, window_bounds = array<i64: 64, 144>}, {pipeline_mode = #tpu.pipeline_mode<synchronous>, transform_indices = @transform_4, window_bounds = array<i64: 16, 144>}, {pipeline_mode = #tpu.pipeline_mode<synchronous>, transform_indices = @transform_5, window_bounds = array<i64: 1, 144>}, {pipeline_mode = #tpu.pipeline_mode<synchronous>, transform_indices = @transform_6, window_bounds = array<i64: 144, 144>}, {pipeline_mode = #tpu.pipeline_mode<synchronous>, transform_indices = @transform_7, window_bounds = array<i64: 64, 144>}, {pipeline_mode = #tpu.pipeline_mode<synchronous>, transform_indices = @transform_8, window_bounds = array<i64: 16, 144>}, {pipeline_mode = #tpu.pipeline_mode<synchronous>, transform_indices = @transform_9, window_bounds = array<i64: 1, 144>}, {pipeline_mode = #tpu.pipeline_mode<synchronous>, transform_indices = @transform_10, window_bounds = array<i64: 144, 144>}, {pipeline_mode = #tpu.pipeline_mode<synchronous>, transform_indices = @transform_11, window_bounds = array<i64: 64, 144>}, {pipeline_mode = #tpu.pipeline_mode<synchronous>, transform_indices = @transform_12, window_bounds = array<i64: 16, 144>}, {pipeline_mode = #tpu.pipeline_mode<synchronous>, transform_indices = @transform_13, window_bounds = array<i64: 1, 144>}, {pipeline_mode = #tpu.pipeline_mode<synchronous>, transform_indices = @transform_14, window_bounds = array<i64: 128, 144>}, {pipeline_mode = #tpu.pipeline_mode<synchronous>, transform_indices = @transform_15, window_bounds = array<i64: 1, 144>}, {transform_indices = @transform_16, window_bounds = array<i64: 2000, 144>}]} {
    %get3A = arith.constant 0 : index
    %get3A_0 = arith.constant 0 : index
    %get3A_1 = vector.load %arg1[%get3A, %get3A_0] : memref<2000x128xf32, #tpu.memory_space<vmem>>, vector<2000x128xf32>
    %get3A_2 = arith.constant 0 : index
    %get3A_3 = arith.constant 0 : index
    %get3A_4 = arith.constant 0 : index
    %get3A_5 = vector.load %arg2[%get3A_2, %get3A_3, %get3A_4] : memref<2x2000x128xf32, #tpu.memory_space<vmem>>, vector<1x2000x128xf32>
    %get3A_6 = vector.shape_cast %get3A_5 : vector<1x2000x128xf32> to vector<2000x128xf32>
    %get3A_7 = arith.constant 1 : index
    %get3A_8 = arith.constant 0 : index
    %get3A_9 = arith.constant 0 : index
    %get3A_10 = vector.load %arg2[%get3A_7, %get3A_8, %get3A_9] : memref<2x2000x128xf32, #tpu.memory_space<vmem>>, vector<1x2000x128xf32>
    %get3A_11 = vector.shape_cast %get3A_10 : vector<1x2000x128xf32> to vector<2000x128xf32>
    %add3A = arith.addf %get3A_6, %get3A_11 : vector<2000x128xf32>
    %slice3A = vector.extract_strided_slice %add3A {offsets = [0, 64], sizes = [2000, 1], strides = [1, 1]} : vector<2000x128xf32> to vector<2000x1xf32>
    %max3A = arith.constant 1.000000e+00 : f32
    %max3A_12 = vector.broadcast %max3A : f32 to vector<2000x1xf32>
    %max3A_13 = arith.maximumf %slice3A, %max3A_12 : vector<2000x1xf32>
    %div3A = arith.constant 1.000000e+00 : f32
    %div3A_14 = vector.broadcast %div3A : f32 to vector<2000x1xf32>
    %div3A_15 = arith.divf %div3A_14, %max3A_13 : vector<2000x1xf32>
    %slice3A_16 = vector.extract_strided_slice %add3A {offsets = [0, 0], sizes = [2000, 64], strides = [1, 1]} : vector<2000x128xf32> to vector<2000x64xf32>
    %mul3A = vector.broadcast %div3A_15 : vector<2000x1xf32> to vector<2000x64xf32>
    %mul3A_17 = arith.mulf %slice3A_16, %mul3A : vector<2000x64xf32>
    %slice3A_18 = vector.extract_strided_slice %add3A {offsets = [0, 64], sizes = [2000, 16], strides = [1, 1]} : vector<2000x128xf32> to vector<2000x16xf32>
    %mul3A_19 = vector.broadcast %div3A_15 : vector<2000x1xf32> to vector<2000x16xf32>
    %mul3A_20 = arith.mulf %slice3A_18, %mul3A_19 : vector<2000x16xf32>
    %get3A_21 = arith.constant 0 : index
    %get3A_22 = arith.constant 0 : index
    %get3A_23 = vector.load %arg3[%get3A_21, %get3A_22] : memref<128x144xf32, #tpu.memory_space<vmem>>, vector<128x144xf32>
    %dot_general3A = arith.constant dense<0.000000e+00> : vector<2000x144xf32>
    %dot_general3A_24 = tpu.matmul %get3A_1, %get3A_23, %dot_general3A {dimension_numbers = #tpu.dot_dimension_numbers<[1], [0], [0], [1], [0, 0, 1, 1], [], []>, transpose_lhs_hint = false} : vector<2000x128xf32>, vector<128x144xf32>, vector<2000x144xf32> -> vector<2000x144xf32>
    %get3A_25 = arith.constant 0 : index
    %get3A_26 = arith.constant 0 : index
    %get3A_27 = vector.load %arg4[%get3A_25, %get3A_26] : memref<64x144xf32, #tpu.memory_space<vmem>>, vector<64x144xf32>
    %dot_general3A_28 = arith.constant dense<0.000000e+00> : vector<2000x144xf32>
    %dot_general3A_29 = tpu.matmul %mul3A_17, %get3A_27, %dot_general3A_28 {dimension_numbers = #tpu.dot_dimension_numbers<[1], [0], [0], [1], [0, 0, 1, 1], [], []>, transpose_lhs_hint = false} : vector<2000x64xf32>, vector<64x144xf32>, vector<2000x144xf32> -> vector<2000x144xf32>
    %add3A_30 = arith.addf %dot_general3A_24, %dot_general3A_29 : vector<2000x144xf32>
    %get3A_31 = arith.constant 0 : index
    %get3A_32 = arith.constant 0 : index
    %get3A_33 = vector.load %arg5[%get3A_31, %get3A_32] : memref<16x144xf32, #tpu.memory_space<vmem>>, vector<16x144xf32>
    %dot_general3A_34 = arith.constant dense<0.000000e+00> : vector<2000x144xf32>
    %dot_general3A_35 = tpu.matmul %mul3A_20, %get3A_33, %dot_general3A_34 {dimension_numbers = #tpu.dot_dimension_numbers<[1], [0], [0], [1], [0, 0, 1, 1], [], []>, transpose_lhs_hint = false} : vector<2000x16xf32>, vector<16x144xf32>, vector<2000x144xf32> -> vector<2000x144xf32>
    %add3A_36 = arith.addf %add3A_30, %dot_general3A_35 : vector<2000x144xf32>
    %get3A_37 = arith.constant 0 : index
    %get3A_38 = arith.constant 0 : index
    %get3A_39 = vector.load %arg6[%get3A_37, %get3A_38] : memref<1x144xf32, #tpu.memory_space<vmem>>, vector<1x144xf32>
    %add3A_40 = vector.broadcast %get3A_39 : vector<1x144xf32> to vector<2000x144xf32>
    %add3A_41 = arith.addf %add3A_36, %add3A_40 : vector<2000x144xf32>
    %logistic3A = arith.negf %add3A_41 : vector<2000x144xf32>
    %logistic3A_42 = math.exp %logistic3A : vector<2000x144xf32>
    %logistic3A_43 = arith.constant 1.000000e+00 : f32
    %logistic3A_44 = vector.broadcast %logistic3A_43 : f32 to vector<2000x144xf32>
    %logistic3A_45 = arith.addf %logistic3A_44, %logistic3A_42 : vector<2000x144xf32>
    %logistic3A_46 = arith.divf %logistic3A_44, %logistic3A_45 : vector<2000x144xf32>
    %mul3A_47 = arith.mulf %add3A_41, %logistic3A_46 : vector<2000x144xf32>
    %get3A_48 = arith.constant 0 : index
    %get3A_49 = arith.constant 0 : index
    %get3A_50 = vector.load %arg7[%get3A_48, %get3A_49] : memref<144x144xf32, #tpu.memory_space<vmem>>, vector<144x144xf32>
    %dot_general3A_51 = arith.constant dense<0.000000e+00> : vector<2000x144xf32>
    %dot_general3A_52 = tpu.matmul %mul3A_47, %get3A_50, %dot_general3A_51 {dimension_numbers = #tpu.dot_dimension_numbers<[1], [0], [0], [1], [0, 0, 1, 1], [], []>, transpose_lhs_hint = false} : vector<2000x144xf32>, vector<144x144xf32>, vector<2000x144xf32> -> vector<2000x144xf32>
    %get3A_53 = arith.constant 0 : index
    %get3A_54 = arith.constant 0 : index
    %get3A_55 = vector.load %arg8[%get3A_53, %get3A_54] : memref<64x144xf32, #tpu.memory_space<vmem>>, vector<64x144xf32>
    %dot_general3A_56 = arith.constant dense<0.000000e+00> : vector<2000x144xf32>
    %dot_general3A_57 = tpu.matmul %mul3A_17, %get3A_55, %dot_general3A_56 {dimension_numbers = #tpu.dot_dimension_numbers<[1], [0], [0], [1], [0, 0, 1, 1], [], []>, transpose_lhs_hint = false} : vector<2000x64xf32>, vector<64x144xf32>, vector<2000x144xf32> -> vector<2000x144xf32>
    %add3A_58 = arith.addf %dot_general3A_52, %dot_general3A_57 : vector<2000x144xf32>
    %get3A_59 = arith.constant 0 : index
    %get3A_60 = arith.constant 0 : index
    %get3A_61 = vector.load %arg9[%get3A_59, %get3A_60] : memref<16x144xf32, #tpu.memory_space<vmem>>, vector<16x144xf32>
    %dot_general3A_62 = arith.constant dense<0.000000e+00> : vector<2000x144xf32>
    %dot_general3A_63 = tpu.matmul %mul3A_20, %get3A_61, %dot_general3A_62 {dimension_numbers = #tpu.dot_dimension_numbers<[1], [0], [0], [1], [0, 0, 1, 1], [], []>, transpose_lhs_hint = false} : vector<2000x16xf32>, vector<16x144xf32>, vector<2000x144xf32> -> vector<2000x144xf32>
    %add3A_64 = arith.addf %add3A_58, %dot_general3A_63 : vector<2000x144xf32>
    %get3A_65 = arith.constant 0 : index
    %get3A_66 = arith.constant 0 : index
    %get3A_67 = vector.load %arg10[%get3A_65, %get3A_66] : memref<1x144xf32, #tpu.memory_space<vmem>>, vector<1x144xf32>
    %add3A_68 = vector.broadcast %get3A_67 : vector<1x144xf32> to vector<2000x144xf32>
    %add3A_69 = arith.addf %add3A_64, %add3A_68 : vector<2000x144xf32>
    %logistic3A_70 = arith.negf %add3A_69 : vector<2000x144xf32>
    %logistic3A_71 = math.exp %logistic3A_70 : vector<2000x144xf32>
    %logistic3A_72 = arith.constant 1.000000e+00 : f32
    %logistic3A_73 = vector.broadcast %logistic3A_72 : f32 to vector<2000x144xf32>
    %logistic3A_74 = arith.addf %logistic3A_73, %logistic3A_71 : vector<2000x144xf32>
    %logistic3A_75 = arith.divf %logistic3A_73, %logistic3A_74 : vector<2000x144xf32>
    %mul3A_76 = arith.mulf %add3A_69, %logistic3A_75 : vector<2000x144xf32>
    %get3A_77 = arith.constant 0 : index
    %get3A_78 = arith.constant 0 : index
    %get3A_79 = vector.load %arg11[%get3A_77, %get3A_78] : memref<144x144xf32, #tpu.memory_space<vmem>>, vector<144x144xf32>
    %dot_general3A_80 = arith.constant dense<0.000000e+00> : vector<2000x144xf32>
    %dot_general3A_81 = tpu.matmul %mul3A_76, %get3A_79, %dot_general3A_80 {dimension_numbers = #tpu.dot_dimension_numbers<[1], [0], [0], [1], [0, 0, 1, 1], [], []>, transpose_lhs_hint = false} : vector<2000x144xf32>, vector<144x144xf32>, vector<2000x144xf32> -> vector<2000x144xf32>
    %get3A_82 = arith.constant 0 : index
    %get3A_83 = arith.constant 0 : index
    %get3A_84 = vector.load %arg12[%get3A_82, %get3A_83] : memref<64x144xf32, #tpu.memory_space<vmem>>, vector<64x144xf32>
    %dot_general3A_85 = arith.constant dense<0.000000e+00> : vector<2000x144xf32>
    %dot_general3A_86 = tpu.matmul %mul3A_17, %get3A_84, %dot_general3A_85 {dimension_numbers = #tpu.dot_dimension_numbers<[1], [0], [0], [1], [0, 0, 1, 1], [], []>, transpose_lhs_hint = false} : vector<2000x64xf32>, vector<64x144xf32>, vector<2000x144xf32> -> vector<2000x144xf32>
    %add3A_87 = arith.addf %dot_general3A_81, %dot_general3A_86 : vector<2000x144xf32>
    %get3A_88 = arith.constant 0 : index
    %get3A_89 = arith.constant 0 : index
    %get3A_90 = vector.load %arg13[%get3A_88, %get3A_89] : memref<16x144xf32, #tpu.memory_space<vmem>>, vector<16x144xf32>
    %dot_general3A_91 = arith.constant dense<0.000000e+00> : vector<2000x144xf32>
    %dot_general3A_92 = tpu.matmul %mul3A_20, %get3A_90, %dot_general3A_91 {dimension_numbers = #tpu.dot_dimension_numbers<[1], [0], [0], [1], [0, 0, 1, 1], [], []>, transpose_lhs_hint = false} : vector<2000x16xf32>, vector<16x144xf32>, vector<2000x144xf32> -> vector<2000x144xf32>
    %add3A_93 = arith.addf %add3A_87, %dot_general3A_92 : vector<2000x144xf32>
    %get3A_94 = arith.constant 0 : index
    %get3A_95 = arith.constant 0 : index
    %get3A_96 = vector.load %arg14[%get3A_94, %get3A_95] : memref<1x144xf32, #tpu.memory_space<vmem>>, vector<1x144xf32>
    %add3A_97 = vector.broadcast %get3A_96 : vector<1x144xf32> to vector<2000x144xf32>
    %add3A_98 = arith.addf %add3A_93, %add3A_97 : vector<2000x144xf32>
    %get3A_99 = arith.constant 0 : index
    %get3A_100 = arith.constant 0 : index
    %get3A_101 = vector.load %arg15[%get3A_99, %get3A_100] : memref<128x144xf32, #tpu.memory_space<vmem>>, vector<128x144xf32>
    %dot_general3A_102 = arith.constant dense<0.000000e+00> : vector<2000x144xf32>
    %dot_general3A_103 = tpu.matmul %get3A_1, %get3A_101, %dot_general3A_102 {dimension_numbers = #tpu.dot_dimension_numbers<[1], [0], [0], [1], [0, 0, 1, 1], [], []>, transpose_lhs_hint = false} : vector<2000x128xf32>, vector<128x144xf32>, vector<2000x144xf32> -> vector<2000x144xf32>
    %add3A_104 = arith.addf %add3A_98, %dot_general3A_103 : vector<2000x144xf32>
    %get3A_105 = arith.constant 0 : index
    %get3A_106 = arith.constant 0 : index
    %get3A_107 = vector.load %arg16[%get3A_105, %get3A_106] : memref<1x144xf32, #tpu.memory_space<vmem>>, vector<1x144xf32>
    %add3A_108 = vector.broadcast %get3A_107 : vector<1x144xf32> to vector<2000x144xf32>
    %add3A_109 = arith.addf %add3A_104, %add3A_108 : vector<2000x144xf32>
    %swap3A = arith.constant 0 : index
    %swap3A_110 = arith.constant 0 : index
    %swap3A_111 = vector.load %arg17[%swap3A, %swap3A_110] : memref<2000x144xf32, #tpu.memory_space<vmem>>, vector<2000x144xf32>
    tpu.vector_store %arg17[%swap3A, %swap3A_110], %add3A_109 {strides = array<i32>} : memref<2000x144xf32, #tpu.memory_space<vmem>>, vector<2000x144xf32>,
    return
  }
  func.func @transform_0(%arg0: i32) -> (i32, i32) {
    %c0_i32 = arith.constant 0 : i32
    %c0_i32_0 = arith.constant 0 : i32
    return %arg0, %c0_i32 : i32, i32
  }
  func.func @transform_1(%arg0: i32) -> (i32, i32, i32) {
    %c0_i32 = arith.constant 0 : i32
    %c0_i32_0 = arith.constant 0 : i32
    %c0_i32_1 = arith.constant 0 : i32
    return %c0_i32, %arg0, %c0_i32_0 : i32, i32, i32
  }
  func.func @transform_2(%arg0: i32) -> (i32, i32) {
    %c0_i32 = arith.constant 0 : i32
    %c0_i32_0 = arith.constant 0 : i32
    %c0_i32_1 = arith.constant 0 : i32
    return %c0_i32, %c0_i32_0 : i32, i32
  }
  func.func @transform_3(%arg0: i32) -> (i32, i32) {
    %c0_i32 = arith.constant 0 : i32
    %c0_i32_0 = arith.constant 0 : i32
    %c0_i32_1 = arith.constant 0 : i32
    return %c0_i32, %c0_i32_0 : i32, i32
  }
  func.func @transform_4(%arg0: i32) -> (i32, i32) {
    %c0_i32 = arith.constant 0 : i32
    %c0_i32_0 = arith.constant 0 : i32
    %c0_i32_1 = arith.constant 0 : i32
    return %c0_i32, %c0_i32_0 : i32, i32
  }
  func.func @transform_5(%arg0: i32) -> (i32, i32) {
    %c0_i32 = arith.constant 0 : i32
    %c0_i32_0 = arith.constant 0 : i32
    %c0_i32_1 = arith.constant 0 : i32
    return %c0_i32, %c0_i32_0 : i32, i32
  }
  func.func @transform_6(%arg0: i32) -> (i32, i32) {
    %c0_i32 = arith.constant 0 : i32
    %c0_i32_0 = arith.constant 0 : i32
    %c0_i32_1 = arith.constant 0 : i32
    return %c0_i32, %c0_i32_0 : i32, i32
  }
  func.func @transform_7(%arg0: i32) -> (i32, i32) {
    %c0_i32 = arith.constant 0 : i32
    %c0_i32_0 = arith.constant 0 : i32
    %c0_i32_1 = arith.constant 0 : i32
    return %c0_i32, %c0_i32_0 : i32, i32
  }
  func.func @transform_8(%arg0: i32) -> (i32, i32) {
    %c0_i32 = arith.constant 0 : i32
    %c0_i32_0 = arith.constant 0 : i32
    %c0_i32_1 = arith.constant 0 : i32
    return %c0_i32, %c0_i32_0 : i32, i32
  }
  func.func @transform_9(%arg0: i32) -> (i32, i32) {
    %c0_i32 = arith.constant 0 : i32
    %c0_i32_0 = arith.constant 0 : i32
    %c0_i32_1 = arith.constant 0 : i32
    return %c0_i32, %c0_i32_0 : i32, i32
  }
  func.func @transform_10(%arg0: i32) -> (i32, i32) {
    %c0_i32 = arith.constant 0 : i32
    %c0_i32_0 = arith.constant 0 : i32
    %c0_i32_1 = arith.constant 0 : i32
    return %c0_i32, %c0_i32_0 : i32, i32
  }
  func.func @transform_11(%arg0: i32) -> (i32, i32) {
    %c0_i32 = arith.constant 0 : i32
    %c0_i32_0 = arith.constant 0 : i32
    %c0_i32_1 = arith.constant 0 : i32
    return %c0_i32, %c0_i32_0 : i32, i32
  }
  func.func @transform_12(%arg0: i32) -> (i32, i32) {
    %c0_i32 = arith.constant 0 : i32
    %c0_i32_0 = arith.constant 0 : i32
    %c0_i32_1 = arith.constant 0 : i32
    return %c0_i32, %c0_i32_0 : i32, i32
  }
  func.func @transform_13(%arg0: i32) -> (i32, i32) {
    %c0_i32 = arith.constant 0 : i32
    %c0_i32_0 = arith.constant 0 : i32
    %c0_i32_1 = arith.constant 0 : i32
    return %c0_i32, %c0_i32_0 : i32, i32
  }
  func.func @transform_14(%arg0: i32) -> (i32, i32) {
    %c0_i32 = arith.constant 0 : i32
    %c0_i32_0 = arith.constant 0 : i32
    %c0_i32_1 = arith.constant 0 : i32
    return %c0_i32, %c0_i32_0 : i32, i32
  }
  func.func @transform_15(%arg0: i32) -> (i32, i32) {
    %c0_i32 = arith.constant 0 : i32
    %c0_i32_0 = arith.constant 0 : i32
    %c0_i32_1 = arith.constant 0 : i32
    return %c0_i32, %c0_i32_0 : i32, i32
  }
  func.func @transform_16(%arg0: i32) -> (i32, i32) {
    %c0_i32 = arith.constant 0 : i32
    %c0_i32_0 = arith.constant 0 : i32
    return %arg0, %c0_i32 : i32, i32
  }
}

</mosaic_0001>

<sc_bundles>
// kernel: kernel.14.cloned.1.call-start
scs
__scs_entry_jumppad:
0x0: {  	(pc) =	sbr.rel $0x88, $3  }
0x1: {  	(tag) =	ssettag $0x0;
	lr =	simm.s32 $0x1  }
0x2: {  	[smem:$0x3F74] =	sst lr;
	_ =	strace $0xD0000000  }
0x3: {  	_ = 	snop  }
0x4: {  	_ = 	snop  }
0x5: {  	_ = 	snop  }
0x6: {  	_ = 	snop  }
0x7: {  	_ = 	snop  }
__scs_overlays_trampoline_lowered:
0x8: {  	[smem:$0x3F83] =	sst s0  }
0x9: {  	[smem:$0x3F84] =	sst s1  }
0xa: {  	[smem:$0x3F85] =	sst s2  }
0xb: {  	[smem:$0x3F86] =	sst s3  }
0xc: {  	[smem:$0x3F87] =	sst s4  }
0xd: {  	[smem:$0x3F88] =	sst s5  }
0xe: {  	[smem:$0x3F89] =	sst s6  }
0xf: {  	[smem:$0x3F8A] =	sst s7  }
0x10: {  	[smem:$0x3F8B] =	sst s8  }
0x11: {  	[smem:$0x3F8C] =	sst s9;
	s0 =	simm.s32 @!p0 $0x0  }
0x12: {  	s1 =	sld [smem:$0x3F72];
	s0 =	simm.s32 @p0 $0x1  }
0x13: {  	[smem:$0x3F8D] =	sst s0;
	s0 =	simm.s32 @!p1 $0x0  }
0x14: {  	s2 =	sld [smem:$0x3F71];
	s0 =	simm.s32 @p1 $0x1  }
0x15: {  	[smem:$0x3F8E] =	sst s0;
	s0 =	simm.s32 @!p2 $0x0  }
0x16: {  	s3 =	sld [smem:$0x3FDB];
	s0 =	simm.s32 @p2 $0x1  }
0x17: {  	s4 =	simm.s32 $0x1BF5;
	[smem:$0x3F90] =	sst s0  }
0x18: {  	s0 =	sld [smem:$0x3F73];
	_ =	swait.ge [sflag:s4], $0x0  }
0x19: {  	s7 =	sld [smem:$0x3F74]  }
0x1a: {  	s8 =	sadd.s32 $0xFFFFE003, lr  }
0x1b: {  	s9 =	sadd.s32 $0xFFFFFEF7, lr;
	s5 =	simm.s32 $0xFFFFFFFF;
	p2 =	slt.u32 s8, $0xFFFFF086  }
0x1c: {  	p1 =	slt.u32 s9, $0xF7A;
	s5 =	simm.s32 @!p2 $0x0  }
0x1d: {  	s5 =	simm.s32 @p1 $0x1;
	p0 =	seq.s32 s7, s2  }
0x1e: {  	s7 =	smul.u32 @!p0 $0xF7A, s2;
	p2 =	seq.s32 @!p0 s5, $0x0  }
0x1f: {  	s9 =	smul.u32 $0xF7A, s1;
	s8 =	simm.s32 @!p0 $0x1BF5;
	p2 =	por !p2, p0  }
0x20: {  	[sflag:s8] =	ssyncset.s32 @!p0 $0xFFFFF086;
	s6 =	sadd.s32 @!p0 s3, s7;
	s7 =	simm.s32 @!p0 $0x108  }
0x21: {  	s3 =	sadd.s32 s3, s9;
	s6 =	sadd.s32 @!p0 $0x88, s6;
	s7 =	simm.s32 @p2 $0x1082  }
0x22: {  	[simem:s7], [sflag:s8] =	dma.local @!p0 [hbm:s6], $0xF7A  }
0x23: {  	s9 =	sor.u32 $0xD0000000, s2;
	s6 =	simm.s32 $0x108;
	_ =	swait.ge @!p0 [sflag:s8], $0x0  }
0x24: {  	s3 =	sadd.s32 $0x88, s3;
	s6 =	simm.s32 @!p1 $0x1082;
	[sflag:s4] =	ssyncset.s32 $0xFFFFF086  }
0x25: {  	[simem:s6], [sflag:s4] =	dma.local [hbm:s3], $0xF7A  }
0x26: {  	[smem:$0x3F74] =	sst s1;
	(tag) =	ssettag s2;
	_ =	strace s9  }
0x27: {  	s1 =	sld [smem:$0x3F84]  }
0x28: {  	s2 =	sld [smem:$0x3F85]  }
0x29: {  	s4 =	sld [smem:$0x3F87]  }
0x2a: {  	p0 =	seq.s32 s5, $0x0;
	s5 =	sld [smem:$0x3F88]  }
0x2b: {  	s6 =	sld [smem:$0x3F89]  }
0x2c: {  	s7 =	sld [smem:$0x3F8A]  }
0x2d: {  	s3 =	simm.s32 $0x108;
	s8 =	sld [smem:$0x3F8B]  }
0x2e: {  	s3 =	simm.s32 @!p0 $0x1082;
	s9 =	sld [smem:$0x3F8C]  }
0x2f: {  	lr =	sadd.s32 s0, s3;
	s0 =	sld [smem:$0x3F83]  }
0x30: {  	s3 =	sld [smem:$0x3F86]  }
0x31: {  	[smem:$0x3F8F] =	sst s10  }
0x32: {  	s10 =	sld [smem:$0x3F8D];
	_ =	sdelay $0x3  }
0x33: {  	p0 =	seq.s32 s10, $0x1;
	s10 =	sld [smem:$0x3F8F];
	_ =	sdelay $0x3  }
0x34: {  	[smem:$0x3F8F] =	sst s10  }
0x35: {  	s10 =	sld [smem:$0x3F8E];
	_ =	sdelay $0x3  }
0x36: {  	p1 =	seq.s32 s10, $0x1;
	s10 =	sld [smem:$0x3F8F];
	_ =	sdelay $0x3  }
0x37: {  	[smem:$0x3F8F] =	sst s10  }
0x38: {  	s10 =	sld [smem:$0x3F90]  }
0x39: {  	_ = 	snop;
	(pc) =	sbr.ind lr, $3  }
0x3a: {  	_ = 	snop  }
0x3b: {  	_ = 	snop  }
0x3c: {  	p2 =	seq.s32 s10, $0x1;
	s10 =	sld [smem:$0x3F8F]  }
0x3d: {  	_ =	shalt  }
0x3e: {  	_ =	shalt  }
0x3f: {  	_ =	shalt  }
0x40: {  	_ =	shalt  }
0x41: {  	_ =	shalt  }
0x42: {  	_ =	shalt  }
0x43: {  	_ =	shalt  }
0x44: {  	_ =	shalt  }
0x45: {  	_ =	shalt  }
0x46: {  	_ =	shalt  }
0x47: {  	_ =	shalt  }
0x48: {  	_ =	shalt  }
0x49: {  	_ =	shalt  }
0x4a: {  	_ =	shalt  }
0x4b: {  	_ =	shalt  }
0x4c: {  	_ =	shalt  }
0x4d: {  	_ =	shalt  }
0x4e: {  	_ =	shalt  }
0x4f: {  	_ =	shalt  }
0x50: {  	_ =	shalt  }
0x51: {  	_ =	shalt  }
0x52: {  	_ =	shalt  }
0x53: {  	_ =	shalt  }
0x54: {  	_ =	shalt  }
0x55: {  	_ =	shalt  }
0x56: {  	_ =	shalt  }
0x57: {  	_ =	shalt  }
0x58: {  	_ =	shalt  }
0x59: {  	_ =	shalt  }
0x5a: {  	_ =	shalt  }
0x5b: {  	_ =	shalt  }
0x5c: {  	_ =	shalt  }
0x5d: {  	_ =	shalt  }
0x5e: {  	_ =	shalt  }
0x5f: {  	_ =	shalt  }
0x60: {  	_ =	shalt  }
0x61: {  	_ =	shalt  }
0x62: {  	_ =	shalt  }
0x63: {  	_ =	shalt  }
0x64: {  	_ =	shalt  }
0x65: {  	_ =	shalt  }
0x66: {  	_ =	shalt  }
0x67: {  	_ =	shalt  }
0x68: {  	_ =	shalt  }
0x69: {  	_ =	shalt  }
0x6a: {  	_ =	shalt  }
0x6b: {  	_ =	shalt  }
0x6c: {  	_ =	shalt  }
0x6d: {  	_ =	shalt  }
0x6e: {  	_ =	shalt  }
0x6f: {  	_ =	shalt  }
0x70: {  	_ =	shalt  }
0x71: {  	_ =	shalt  }
0x72: {  	_ =	shalt  }
0x73: {  	_ =	shalt  }
0x74: {  	_ =	shalt  }
0x75: {  	_ =	shalt  }
0x76: {  	_ =	shalt  }
0x77: {  	_ =	shalt  }
0x78: {  	_ =	shalt  }
0x79: {  	_ =	shalt  }
0x7a: {  	_ =	shalt  }
0x7b: {  	_ =	shalt  }
0x7c: {  	_ =	shalt  }
0x7d: {  	_ =	shalt  }
0x7e: {  	_ =	shalt  }
0x7f: {  	_ =	shalt  }
0x80: {  	_ =	shalt  }
0x81: {  	_ =	shalt  }
0x82: {  	_ =	shalt  }
0x83: {  	_ =	shalt  }
0x84: {  	_ =	shalt  }
0x85: {  	_ =	shalt  }
0x86: {  	_ =	shalt  }
0x87: {  	_ =	shalt  }
.Lfunc_end0:
.L_simem_size_0:
called_computation_lowered:
.L_overlay_start_0:
0x88: {  	s2 =	sld [smem:$0x3FD9]  }
0x89: {  	s3 =	sld [smem:$0x3FFE];
	_ =	sdelay $0x1  }
0x8a: {  	s1 =	srdreg.scid  }
0x8b: {  	s0 =	sand.u32 $0x1, s1  }
0x8c: {  	s16 =	sshll.u32 s0, $0xA;
	s2 =	sadd.s32 s3, s2  }
0x8d: {  	s2 =	sadd.s32 s2, s16  }
0x8e: {  	[smem:$0x3F9B] =	sst s2  }
0x8f: {  	_ = 	snop  }
0x90: {  	(tm) =	ssettm $0x1  }
0x91: {  	s17 =	sld [smem:$0x3FFB];
	_ =	sdelay $0x3  }
0x92: {  	_ =	strace s17  }
0x93: {  	s2 =	sld [smem:$0x3FFC];
	_ =	sdelay $0x3  }
0x94: {  	_ =	strace s2  }
0x95: {  	s2 =	sld [smem:$0x3FFD];
	_ =	sdelay $0x3  }
0x96: {  	_ =	strace s2  }
0x97: {  	_ =	strace $0x8FFFFFFF  }
0x98: {  	s18 =	sld [smem:$0x3FDB];
	_ =	sdelay $0x1  }
0x99: {  	s19 =	simm.s32 $_scs_section_size  }
0x9a: {  	s4 =	simm.s32 $_size__tile_overlayer_lowered;
	s5 =	simm.s32 $_tile_overlayer_lowered  }
0x9b: {  	s22 =	simm.s32 $0x1BFF;
	s21 =	sshll.u32 s5, $0x1;
	s2 =	sadd.s32 s19, s18  }
0x9c: {  	s6 =	simm.s32 $0x0;
	s20 =	sshll.u32 s4, $0x1;
	s4 =	sadd.s32 s21, s2  }
0x9d: {  	[timem:s6], [sflag:s22] =	dma.local [hbm:s4], s20  }
0x9e: {  	_ =	swait.ge [sflag:s22], s20  }
0x9f: {  	s3 =	ssub.s32 $0x0, s20;
	[sflag:s22] =	ssyncset.done $0x0  }
0xa0: {  	[sflag:s22] =	ssyncadd.s32 s3;
	_ =	sdelay $0x1  }
0xa1: {  	s23 =	simm.s32 $0x1B8B  }
0xa2: {  	_ =	swait.ge [sflag:s23], $0x1  }
0xa3: {  	[sflag:s23] =	ssyncset.done $0x0  }
0xa4: {  	s25 =	simm.s32 $0x1B8E;
	s24 =	sld [smem:$0x3FFE];
	[sflag:s23] =	ssyncadd.s32 $0xFFFFFFFF  }
0xa5: {  	s26 =	simm.s32 $execute0_lowered;
	[smem:$0x3FD2] =	sst s25  }
0xa6: {  	s4 =	sshll.u32 s26, $0x1;
	_ =	strace $0x80000046;
	[dreg:$0x1] =	wrdreg $0xFFFFFFFF  }
0xa7: {  	s28 =	simm.s32 $_size_execute0_lowered;
	s2 =	sadd.s32 s2, s4;
	[dreg:$0x0] =	wrdreg $0x0  }
0xa8: {  	s4 =	sshll.u32 s28, $0x1;
	[dreg:$0x2] =	wrdreg s2  }
0xa9: {  	[dreg:$0x3] =	wrdreg s4  }
0xaa: {  	[dreg:$0x4] =	wrdreg $0xC0  }
0xab: {  	_ =	task [dreg:s6], $0x5FFFF  }
0xac: {  	[dreg:$0x1] =	wrdreg $0xFFFFFFFF  }
0xad: {  	[dreg:$0x0] =	wrdreg $0x60  }
0xae: {  	[dreg:$0x2] =	wrdreg s24  }
0xaf: {  	[dreg:$0x3] =	wrdreg $0x9  }
0xb0: {  	_ =	task.clear_ibuf [dreg:s6], $0x4FFFF;
	_ =	strace $0x90000046  }
0xb1: {  	s29 =	simm.s32 $0x9;
	_ =	strace $0x80000048  }
0xb2: {  	_ =	swait.ge [sflag:s29], $0x1  }
0xb3: {  	[sflag:s29] =	ssyncadd.s32 $0xFFFFFFFF  }
0xb4: {  	_ =	strace $0x90000048  }
0xb5: {  	_ =	sfence  }
0xb6: {  	s30 =	sld [smem:$0x0];
	_ =	sdelay $0x2  }
0xb7: {  	s31 =	sshll.u32 s1, $0xD;
	s1 =	sshrl.u32 s1, $0x2  }
0xb8: {  	s3 =	sand.u32 $0x4000, s31;
	s1 =	sadd.s32 s1, s30  }
0xb9: {  	s0 =	sor.u32 s3, s0;
	s1 =	sshll.u32 s1, $0x11  }
0xba: {  	s0 =	sor.u32 s1, s0  }
0xbb: {  	s0 =	sadd.s32 $0x8F2B, s0  }
0xbc: {  	[sflag:s0] =	ssyncadd.remote.s32 $0x1  }
0xbd: {  	_ =	sfence.sel $0xFFFF  }
0xbe: {  	[dreg:$0x0] =	wrdreg $0xFFFFFFFF;
	(pc) =	sbr.abs _section_cstart, $3  }
0xbf: {  	[dreg:$0x1] =	wrdreg $0xFFFFFFFF  }
0xc0: {  	_ =	task.clear_ibuf [dreg:s6], $0x2FFFF;
	_ =	strace $0x9FFFFFFF  }
0xc1: {  	(tm) =	ssettm $0x7FFFFFFF  }
tec
execute0_lowered:
.L_overlay_start_1:
0x0: {  	(tag) =	ssettag $0x1  }
0x1: {  	s0 =	rddreg [dreg:$0x0]  }
0x2: {  	s4 =	stileid.u32;
	s1 =	srdreg.scid  }
0x3: {  	s2 =	simm.s32 $0x0;
	s12 =	simm.s32 $0x1;
	s13 =	simm.s32 $0x200  }
0x4: {  	s11 =	simm.s32 $0x2;
	s14 =	simm.s32 $0xCA00;
	s28 =	simm.s32 $0x13200  }
0x5: {  	s29 =	simm.s32 $0x13A00;
	s30 =	simm.s32 $0x14200;
	s31 =	simm.s32 $0x14A00  }
0x6: {  	s15 =	simm.s32 $0x18A00;
	s16 =	simm.s32 $0x3;
	s17 =	simm.s32 $0x4  }
0x7: {  	s20 =	simm.s32 $0x0;
	s1 =	sand.u32 $0x1, s1;
	s5 =	smul.u32 $0x9C400, s4  }
0x8: {  	s3 =	sshll.u32 s4, $0x1;
	[smem:$0x7FF] =	sst s2;
	s8 =	smul.u32 $0x4E20, s4  }
0x9: {  	s4 =	sadd.s32 $0xAA00, s0;
	s3 =	sor.u32 s1, s3;
	s10 =	smul.u32 $0x2710, s1  }
0xa: {  	_ =	strace $0x80000047;
	s7 =	ssub.s32 $0x2, s1;
	s1 =	smul.u32 $0x4E200, s1  }
0xb: {  	s6 =	smul.u32 $0x2710, s3;
	s3 =	sadd.s32 $0x14800, s0;
	s9 =	sshrl.u32 s7, $0x1  }
0xc: {  	s0 =	sadd.s32 s5, s0;
	s21 =	ssub.s32 s7, s9;
	s8 =	sadd.s32 s10, s8  }
0xd: {  	s0 =	sadd.s32 s1, s0;
	s1 =	simm.s32 $0x15A00;
	s9 =	simm.s32 $0x18200  }
0xe: {  	s22 =	sshrl.u32 s6, $0x3;
	s6 =	sadd.s32 $0xC8, s6;
	s23 =	sadd.s32 $0x258, s8  }
0xf: {  	s5 =	smax.u32 s21, $0x1;
	s26 =	sadd.s32 $0x190, s8;
	s10 =	sadd.s32 $0x62A00, s0  }
0x10: {  	s0 =	simm.s32 $0x15200;
	s8 =	simm.s32 $0x17A00;
	s6 =	sshrl.u32 s6, $0x3  }
0x11: {  	s7 =	sadd.s32 s4, s22;
	s24 =	sshrl.u32 s23, $0x3;
	[dreg:$0x4] =	wrdreg s5  }
.Ltmp0:
0x12: {  	[dreg:$0x6] =	wrdreg s26;
	s22 =	simm.s32 $0x10A00;
	(pc) =	sbr.rel .LBB2_1-.Ltmp0, $4  }
0x13: {  	s23 =	simm.s32 $0x11200;
	s26 =	simm.s32 $0x12A00;
	s5 =	simm.s32 $0x16200  }
0x14: {  	v2 =	vlaneseq.u32;
	[dreg:$0x2] =	wrdreg s7;
	s6 =	sadd.s32 s4, s6;
	s25 =	sadd.s32 s24, s4  }
0x15: {  	vm0 =	vmmov $0xffff;
	v1 =	vshrl.u32 v2, $0x3;
	s24 =	simm.s32 $0x11A00;
	s7 =	simm.s32 $0x17200;
	[dreg:$0x3] =	wrdreg s6  }
0x16: {  	v0 =	vand.u32 $0x7, v2;
	v2 =	vor.u32 $0x8, v2;
	v1 =	vmul.u32 $0x8, v1;
	[dreg:$0x5] =	wrdreg s25;
	s25 =	simm.s32 $0x12200;
	s6 =	simm.s32 $0x16A00  }
.LBB2_4:
0x17: {  	s18 =	simm.s32 $0x5  }
0x18: {  	_ =	swait.ge [sflag:s18], $0xC800  }
0x19: {  	[sflag:s18] =	ssyncset.done $0x0  }
0x1a: {  	s19 =	simm.s32 $0x6;
	[sflag:s18] =	ssyncadd.s32 $0xFFFF3800  }
0x1b: {  	_ =	swait.ge [sflag:s19], $0xC800  }
0x1c: {  	s20 =	rddreg [dreg:$0x7]  }
0x1d: {  	s21 =	rddreg [dreg:$0x4];
	s20 =	sadd.s32 $0x1, s20  }
0x1e: {  	p0 =	sne.s32 s20, s21  }
.Ltmp1:
0x1f: {  	_ = 	snop;
	(pc) =	sbr.rel @!p0 .LBB2_5-.Ltmp1, $3  }
0x20: {  	_ =	sdelay $0x1  }
0x21: {  	[sflag:s19] =	ssyncset.done $0x0  }
0x22: {  	[sflag:s19] =	ssyncadd.s32 $0xFFFF3800  }
.LBB2_1:
0x23: {  	[dreg:$0x7] =	wrdreg s20  }
0x24: {  	s18 =	rddreg [dreg:$0x2]  }
0x25: {  	s21 =	rddreg [dreg:$0x3]  }
0x26: {  	[tilespmem:s2], [sflag:$0x1] =	stream.linear.gather [hbm4b:s18+s2], $0xC8, $0x38;
	[tilespmem:$0x19200] =	vst v63  }
0x27: {  	s19 =	simm.s32 $0x100;
	s18 =	rddreg [dreg:$0x6]  }
0x28: {  	[tilespmem:s19], [sflag:$0x2] =	stream.linear.gather [hbm4b:s21+s2], $0xC8, $0x38;
	[tilespmem:$0x19200] =	vst v63  }
0x29: {  	s20 =	simm.s32 $0x0;
	s19 =	rddreg [dreg:$0x5]  }
.LBB2_2:
0x2a: {  	p0 =	seq.s32 s20, $0x0  }
0x2b: {  	s21 =	simm.s32 @!p0 $0x5  }
0x2c: {  	_ =	swait.ge @!p0 [sflag:s21], $0xC800  }
0x2d: {  	[sflag:s21] =	ssyncset.done @!p0 $0x0  }
0x2e: {  	[sflag:s21] =	ssyncadd.s32 @!p0 $0xFFFF3800  }
0x2f: {  	_ =	swait.ge [sflag:s12], $0xC8  }
0x30: {  	[sflag:s12] =	ssyncset.done $0x0  }
0x31: {  	[sflag:s12] =	ssyncadd.s32 $0xFFFFFF38  }
0x32: {  	v3 =	vld [tilespmem:$0x0];
	_ =	sdelay $0x4  }
0x33: {  	v4 =	vshll.u32 v3, $0x1  }
0x34: {  	v3 =	vand.u32 $0x7, v3;
	v4 =	vand.u32 $0xFFFFFFF0, v4  }
0x35: {  	v3 =	vor.u32 v3, v4  }
0x36: {  	v4 =	vperm.xlane v3, v0;
	_ =	sdelay $0x1  }
0x37: {  	v3 =	vperm.xlane v3, v2;
	v4 =	vadd.s32 v1, v4;
	_ =	sdelay $0x1  }
0x38: {  	v3 =	vadd.s32 v1, v3;
	_ =	sdelay $0x2  }
0x39: {  	[tilespmem:s13], [sflag:$0x3] =	stream.indirect_vreg.gather [hbm4b:s3+s2], $0x80, v4, vm0, $0xb8;
	[tilespmem:$0x19200] =	vst v63  }
0x3a: {  	s21 =	simm.s32 $0xA00  }
0x3b: {  	[tilespmem:s21], [sflag:$0x3] =	stream.indirect_vreg.gather [hbm4b:s3+s2], $0x80, v3, vm0, $0xb8;
	[tilespmem:$0x19200] =	vst v63  }
0x3c: {  	v3 =	vld [tilespmem:$0x10];
	_ =	sdelay $0x4  }
0x3d: {  	v39 =	vshll.u32 v3, $0x1  }
0x3e: {  	v3 =	vand.u32 $0x7, v3;
	v4 =	vand.u32 $0xFFFFFFF0, v39  }
0x3f: {  	v3 =	vor.u32 v3, v4  }
0x40: {  	v4 =	vperm.xlane v3, v0;
	_ =	sdelay $0x1  }
0x41: {  	v3 =	vperm.xlane v3, v2;
	v4 =	vadd.s32 v1, v4;
	_ =	sdelay $0x1  }
0x42: {  	v3 =	vadd.s32 v1, v3;
	_ =	sdelay $0x1  }
0x43: {  	s21 =	simm.s32 $0x1200  }
0x44: {  	[tilespmem:s21], [sflag:$0x3] =	stream.indirect_vreg.gather [hbm4b:s3+s2], $0x80, v4, vm0, $0xb8;
	[tilespmem:$0x19200] =	vst v63  }
0x45: {  	s21 =	simm.s32 $0x1A00  }
0x46: {  	[tilespmem:s21], [sflag:$0x3] =	stream.indirect_vreg.gather [hbm4b:s3+s2], $0x80, v3, vm0, $0xb8;
	[tilespmem:$0x19200] =	vst v63  }
0x47: {  	v3 =	vld [tilespmem:$0x20];
	_ =	sdelay $0x4  }
0x48: {  	v40 =	vshll.u32 v3, $0x1  }
0x49: {  	v3 =	vand.u32 $0x7, v3;
	v4 =	vand.u32 $0xFFFFFFF0, v40  }
0x4a: {  	v3 =	vor.u32 v3, v4  }
0x4b: {  	v4 =	vperm.xlane v3, v0;
	_ =	sdelay $0x1  }
0x4c: {  	v3 =	vperm.xlane v3, v2;
	v4 =	vadd.s32 v1, v4;
	_ =	sdelay $0x1  }
0x4d: {  	v3 =	vadd.s32 v1, v3;
	_ =	sdelay $0x1  }
0x4e: {  	s21 =	simm.s32 $0x2200  }
0x4f: {  	[tilespmem:s21], [sflag:$0x3] =	stream.indirect_vreg.gather [hbm4b:s3+s2], $0x80, v4, vm0, $0xb8;
	[tilespmem:$0x19200] =	vst v63  }
0x50: {  	s21 =	simm.s32 $0x2A00  }
0x51: {  	[tilespmem:s21], [sflag:$0x3] =	stream.indirect_vreg.gather [hbm4b:s3+s2], $0x80, v3, vm0, $0xb8;
	[tilespmem:$0x19200] =	vst v63  }
0x52: {  	v3 =	vld [tilespmem:$0x30];
	_ =	sdelay $0x4  }
0x53: {  	v41 =	vshll.u32 v3, $0x1  }
0x54: {  	v3 =	vand.u32 $0x7, v3;
	v4 =	vand.u32 $0xFFFFFFF0, v41  }
0x55: {  	v3 =	vor.u32 v3, v4  }
0x56: {  	v4 =	vperm.xlane v3, v0;
	_ =	sdelay $0x1  }
0x57: {  	v3 =	vperm.xlane v3, v2;
	v4 =	vadd.s32 v1, v4;
	_ =	sdelay $0x1  }
0x58: {  	v3 =	vadd.s32 v1, v3;
	_ =	sdelay $0x1  }
0x59: {  	s21 =	simm.s32 $0x3200  }
0x5a: {  	[tilespmem:s21], [sflag:$0x3] =	stream.indirect_vreg.gather [hbm4b:s3+s2], $0x80, v4, vm0, $0xb8;
	[tilespmem:$0x19200] =	vst v63  }
0x5b: {  	s21 =	simm.s32 $0x3A00  }
0x5c: {  	[tilespmem:s21], [sflag:$0x3] =	stream.indirect_vreg.gather [hbm4b:s3+s2], $0x80, v3, vm0, $0xb8;
	[tilespmem:$0x19200] =	vst v63  }
0x5d: {  	v3 =	vld [tilespmem:$0x40];
	_ =	sdelay $0x4  }
0x5e: {  	v42 =	vshll.u32 v3, $0x1  }
0x5f: {  	v3 =	vand.u32 $0x7, v3;
	v4 =	vand.u32 $0xFFFFFFF0, v42  }
0x60: {  	v3 =	vor.u32 v3, v4  }
0x61: {  	v4 =	vperm.xlane v3, v0;
	_ =	sdelay $0x1  }
0x62: {  	v3 =	vperm.xlane v3, v2;
	v4 =	vadd.s32 v1, v4;
	_ =	sdelay $0x1  }
0x63: {  	v3 =	vadd.s32 v1, v3;
	_ =	sdelay $0x1  }
0x64: {  	s21 =	simm.s32 $0x4200  }
0x65: {  	[tilespmem:s21], [sflag:$0x3] =	stream.indirect_vreg.gather [hbm4b:s3+s2], $0x80, v4, vm0, $0xb8;
	[tilespmem:$0x19200] =	vst v63  }
0x66: {  	s21 =	simm.s32 $0x4A00  }
0x67: {  	[tilespmem:s21], [sflag:$0x3] =	stream.indirect_vreg.gather [hbm4b:s3+s2], $0x80, v3, vm0, $0xb8;
	[tilespmem:$0x19200] =	vst v63  }
0x68: {  	v3 =	vld [tilespmem:$0x50];
	_ =	sdelay $0x4  }
0x69: {  	v43 =	vshll.u32 v3, $0x1  }
0x6a: {  	v3 =	vand.u32 $0x7, v3;
	v4 =	vand.u32 $0xFFFFFFF0, v43  }
0x6b: {  	v3 =	vor.u32 v3, v4  }
0x6c: {  	v4 =	vperm.xlane v3, v0;
	_ =	sdelay $0x1  }
0x6d: {  	v3 =	vperm.xlane v3, v2;
	v4 =	vadd.s32 v1, v4;
	_ =	sdelay $0x1  }
0x6e: {  	v3 =	vadd.s32 v1, v3;
	_ =	sdelay $0x1  }
0x6f: {  	s21 =	simm.s32 $0x5200  }
0x70: {  	[tilespmem:s21], [sflag:$0x3] =	stream.indirect_vreg.gather [hbm4b:s3+s2], $0x80, v4, vm0, $0xb8;
	[tilespmem:$0x19200] =	vst v63  }
0x71: {  	s21 =	simm.s32 $0x5A00  }
0x72: {  	[tilespmem:s21], [sflag:$0x3] =	stream.indirect_vreg.gather [hbm4b:s3+s2], $0x80, v3, vm0, $0xb8;
	[tilespmem:$0x19200] =	vst v63  }
0x73: {  	v3 =	vld [tilespmem:$0x60];
	_ =	sdelay $0x4  }
0x74: {  	v44 =	vshll.u32 v3, $0x1  }
0x75: {  	v3 =	vand.u32 $0x7, v3;
	v4 =	vand.u32 $0xFFFFFFF0, v44  }
0x76: {  	v3 =	vor.u32 v3, v4  }
0x77: {  	v4 =	vperm.xlane v3, v0;
	_ =	sdelay $0x1  }
0x78: {  	v3 =	vperm.xlane v3, v2;
	v4 =	vadd.s32 v1, v4;
	_ =	sdelay $0x1  }
0x79: {  	v3 =	vadd.s32 v1, v3;
	_ =	sdelay $0x1  }
0x7a: {  	s21 =	simm.s32 $0x6200  }
0x7b: {  	[tilespmem:s21], [sflag:$0x3] =	stream.indirect_vreg.gather [hbm4b:s3+s2], $0x80, v4, vm0, $0xb8;
	[tilespmem:$0x19200] =	vst v63  }
0x7c: {  	s21 =	simm.s32 $0x6A00  }
0x7d: {  	[tilespmem:s21], [sflag:$0x3] =	stream.indirect_vreg.gather [hbm4b:s3+s2], $0x80, v3, vm0, $0xb8;
	[tilespmem:$0x19200] =	vst v63  }
0x7e: {  	v3 =	vld [tilespmem:$0x70];
	_ =	sdelay $0x4  }
0x7f: {  	v45 =	vshll.u32 v3, $0x1  }
0x80: {  	v3 =	vand.u32 $0x7, v3;
	v4 =	vand.u32 $0xFFFFFFF0, v45  }
0x81: {  	v3 =	vor.u32 v3, v4  }
0x82: {  	v4 =	vperm.xlane v3, v0;
	_ =	sdelay $0x1  }
0x83: {  	v3 =	vperm.xlane v3, v2;
	v4 =	vadd.s32 v1, v4;
	_ =	sdelay $0x1  }
0x84: {  	v3 =	vadd.s32 v1, v3;
	_ =	sdelay $0x1  }
0x85: {  	s21 =	simm.s32 $0x7200  }
0x86: {  	[tilespmem:s21], [sflag:$0x3] =	stream.indirect_vreg.gather [hbm4b:s3+s2], $0x80, v4, vm0, $0xb8;
	[tilespmem:$0x19200] =	vst v63  }
0x87: {  	s21 =	simm.s32 $0x7A00  }
0x88: {  	[tilespmem:s21], [sflag:$0x3] =	stream.indirect_vreg.gather [hbm4b:s3+s2], $0x80, v3, vm0, $0xb8;
	[tilespmem:$0x19200] =	vst v63  }
0x89: {  	v3 =	vld [tilespmem:$0x80];
	_ =	sdelay $0x4  }
0x8a: {  	v46 =	vshll.u32 v3, $0x1  }
0x8b: {  	v3 =	vand.u32 $0x7, v3;
	v4 =	vand.u32 $0xFFFFFFF0, v46  }
0x8c: {  	v3 =	vor.u32 v3, v4  }
0x8d: {  	v4 =	vperm.xlane v3, v0;
	_ =	sdelay $0x1  }
0x8e: {  	v3 =	vperm.xlane v3, v2;
	v4 =	vadd.s32 v1, v4;
	_ =	sdelay $0x1  }
0x8f: {  	v3 =	vadd.s32 v1, v3;
	_ =	sdelay $0x1  }
0x90: {  	s21 =	simm.s32 $0x8200  }
0x91: {  	[tilespmem:s21], [sflag:$0x3] =	stream.indirect_vreg.gather [hbm4b:s3+s2], $0x80, v4, vm0, $0xb8;
	[tilespmem:$0x19200] =	vst v63  }
0x92: {  	s21 =	simm.s32 $0x8A00  }
0x93: {  	[tilespmem:s21], [sflag:$0x3] =	stream.indirect_vreg.gather [hbm4b:s3+s2], $0x80, v3, vm0, $0xb8;
	[tilespmem:$0x19200] =	vst v63  }
0x94: {  	v3 =	vld [tilespmem:$0x90];
	_ =	sdelay $0x4  }
0x95: {  	v47 =	vshll.u32 v3, $0x1  }
0x96: {  	v3 =	vand.u32 $0x7, v3;
	v4 =	vand.u32 $0xFFFFFFF0, v47  }
0x97: {  	v3 =	vor.u32 v3, v4  }
0x98: {  	v4 =	vperm.xlane v3, v0;
	_ =	sdelay $0x1  }
0x99: {  	v3 =	vperm.xlane v3, v2;
	v4 =	vadd.s32 v1, v4;
	_ =	sdelay $0x1  }
0x9a: {  	v3 =	vadd.s32 v1, v3;
	_ =	sdelay $0x1  }
0x9b: {  	s21 =	simm.s32 $0x9200  }
0x9c: {  	[tilespmem:s21], [sflag:$0x3] =	stream.indirect_vreg.gather [hbm4b:s3+s2], $0x80, v4, vm0, $0xb8;
	[tilespmem:$0x19200] =	vst v63  }
0x9d: {  	s21 =	simm.s32 $0x9A00  }
0x9e: {  	[tilespmem:s21], [sflag:$0x3] =	stream.indirect_vreg.gather [hbm4b:s3+s2], $0x80, v3, vm0, $0xb8;
	[tilespmem:$0x19200] =	vst v63  }
0x9f: {  	v3 =	vld [tilespmem:$0xA0];
	_ =	sdelay $0x4  }
0xa0: {  	v48 =	vshll.u32 v3, $0x1  }
0xa1: {  	v3 =	vand.u32 $0x7, v3;
	v4 =	vand.u32 $0xFFFFFFF0, v48  }
0xa2: {  	v3 =	vor.u32 v3, v4  }
0xa3: {  	v4 =	vperm.xlane v3, v0;
	_ =	sdelay $0x1  }
0xa4: {  	v3 =	vperm.xlane v3, v2;
	v4 =	vadd.s32 v1, v4;
	_ =	sdelay $0x1  }
0xa5: {  	v3 =	vadd.s32 v1, v3;
	_ =	sdelay $0x1  }
0xa6: {  	s21 =	simm.s32 $0xA200  }
0xa7: {  	[tilespmem:s21], [sflag:$0x3] =	stream.indirect_vreg.gather [hbm4b:s3+s2], $0x80, v4, vm0, $0xb8;
	[tilespmem:$0x19200] =	vst v63  }
0xa8: {  	s21 =	simm.s32 $0xAA00  }
0xa9: {  	[tilespmem:s21], [sflag:$0x3] =	stream.indirect_vreg.gather [hbm4b:s3+s2], $0x80, v3, vm0, $0xb8;
	[tilespmem:$0x19200] =	vst v63  }
0xaa: {  	v3 =	vld [tilespmem:$0xB0];
	_ =	sdelay $0x4  }
0xab: {  	v49 =	vshll.u32 v3, $0x1  }
0xac: {  	v3 =	vand.u32 $0x7, v3;
	v4 =	vand.u32 $0xFFFFFFF0, v49  }
0xad: {  	v3 =	vor.u32 v3, v4  }
0xae: {  	v4 =	vperm.xlane v3, v0;
	_ =	sdelay $0x1  }
0xaf: {  	v3 =	vperm.xlane v3, v2;
	v4 =	vadd.s32 v1, v4;
	_ =	sdelay $0x1  }
0xb0: {  	v3 =	vadd.s32 v1, v3;
	_ =	sdelay $0x1  }
0xb1: {  	s21 =	simm.s32 $0xB200  }
0xb2: {  	[tilespmem:s21], [sflag:$0x3] =	stream.indirect_vreg.gather [hbm4b:s3+s2], $0x80, v4, vm0, $0xb8;
	[tilespmem:$0x19200] =	vst v63  }
0xb3: {  	s21 =	simm.s32 $0xBA00  }
0xb4: {  	[tilespmem:s21], [sflag:$0x3] =	stream.indirect_vreg.gather [hbm4b:s3+s2], $0x80, v3, vm0, $0xb8;
	[tilespmem:$0x19200] =	vst v63  }
0xb5: {  	v3 =	vld.msk [tilespmem:$0xC0], $0xff;
	_ =	sdelay $0x4  }
0xb6: {  	v50 =	vshll.u32 v3, $0x1  }
0xb7: {  	v3 =	vand.u32 $0x7, v3;
	v4 =	vand.u32 $0xFFFFFFF0, v50  }
0xb8: {  	v3 =	vor.u32 v3, v4  }
0xb9: {  	v3 =	vperm.xlane v3, v0;
	_ =	sdelay $0x1  }
0xba: {  	v3 =	vadd.s32 v1, v3;
	_ =	sdelay $0x3  }
0xbb: {  	s21 =	simm.s32 $0xC200  }
0xbc: {  	[tilespmem:s21], [sflag:$0x3] =	stream.indirect_vreg.gather [hbm4b:s3+s2], $0x80, v3, vm0, $0xb8;
	[tilespmem:$0x19200] =	vst v63  }
0xbd: {  	s21 =	simm.s32 @!p0 $0x6  }
0xbe: {  	_ =	swait.ge @!p0 [sflag:s21], $0xC800  }
0xbf: {  	[sflag:s21] =	ssyncset.done @!p0 $0x0  }
0xc0: {  	[sflag:s21] =	ssyncadd.s32 @!p0 $0xFFFF3800  }
0xc1: {  	_ =	swait.ge [sflag:s11], $0xC8  }
0xc2: {  	[sflag:s11] =	ssyncset.done $0x0  }
0xc3: {  	[sflag:s11] =	ssyncadd.s32 $0xFFFFFF38  }
0xc4: {  	v3 =	vld [tilespmem:$0x100];
	_ =	sdelay $0x4  }
0xc5: {  	v51 =	vshll.u32 v3, $0x1  }
0xc6: {  	v3 =	vand.u32 $0x7, v3;
	v4 =	vand.u32 $0xFFFFFFF0, v51  }
0xc7: {  	v3 =	vor.u32 v3, v4  }
0xc8: {  	v4 =	vperm.xlane v3, v0;
	_ =	sdelay $0x1  }
0xc9: {  	v3 =	vperm.xlane v3, v2;
	v4 =	vadd.s32 v1, v4;
	_ =	sdelay $0x1  }
0xca: {  	v3 =	vadd.s32 v1, v3;
	_ =	sdelay $0x2  }
0xcb: {  	[tilespmem:s14], [sflag:$0x4] =	stream.indirect_vreg.gather [hbm4b:s3+s2], $0x80, v4, vm0, $0xb8;
	[tilespmem:$0x19200] =	vst v63  }
0xcc: {  	s21 =	simm.s32 $0xD200  }
0xcd: {  	[tilespmem:s21], [sflag:$0x4] =	stream.indirect_vreg.gather [hbm4b:s3+s2], $0x80, v3, vm0, $0xb8;
	[tilespmem:$0x19200] =	vst v63  }
0xce: {  	v3 =	vld [tilespmem:$0x110];
	_ =	sdelay $0x4  }
0xcf: {  	v52 =	vshll.u32 v3, $0x1  }
0xd0: {  	v3 =	vand.u32 $0x7, v3;
	v4 =	vand.u32 $0xFFFFFFF0, v52  }
0xd1: {  	v3 =	vor.u32 v3, v4  }
0xd2: {  	v4 =	vperm.xlane v3, v0;
	_ =	sdelay $0x1  }
0xd3: {  	v3 =	vperm.xlane v3, v2;
	v4 =	vadd.s32 v1, v4;
	_ =	sdelay $0x1  }
0xd4: {  	v3 =	vadd.s32 v1, v3;
	_ =	sdelay $0x1  }
0xd5: {  	s21 =	simm.s32 $0xDA00  }
0xd6: {  	[tilespmem:s21], [sflag:$0x4] =	stream.indirect_vreg.gather [hbm4b:s3+s2], $0x80, v4, vm0, $0xb8;
	[tilespmem:$0x19200] =	vst v63  }
0xd7: {  	s21 =	simm.s32 $0xE200  }
0xd8: {  	[tilespmem:s21], [sflag:$0x4] =	stream.indirect_vreg.gather [hbm4b:s3+s2], $0x80, v3, vm0, $0xb8;
	[tilespmem:$0x19200] =	vst v63  }
0xd9: {  	v3 =	vld [tilespmem:$0x120];
	_ =	sdelay $0x4  }
0xda: {  	v53 =	vshll.u32 v3, $0x1  }
0xdb: {  	v3 =	vand.u32 $0x7, v3;
	v4 =	vand.u32 $0xFFFFFFF0, v53  }
0xdc: {  	v3 =	vor.u32 v3, v4  }
0xdd: {  	v4 =	vperm.xlane v3, v0;
	_ =	sdelay $0x1  }
0xde: {  	v3 =	vperm.xlane v3, v2;
	v4 =	vadd.s32 v1, v4;
	_ =	sdelay $0x1  }
0xdf: {  	v3 =	vadd.s32 v1, v3;
	_ =	sdelay $0x1  }
0xe0: {  	s21 =	simm.s32 $0xEA00  }
0xe1: {  	[tilespmem:s21], [sflag:$0x4] =	stream.indirect_vreg.gather [hbm4b:s3+s2], $0x80, v4, vm0, $0xb8;
	[tilespmem:$0x19200] =	vst v63  }
0xe2: {  	s21 =	simm.s32 $0xF200  }
0xe3: {  	[tilespmem:s21], [sflag:$0x4] =	stream.indirect_vreg.gather [hbm4b:s3+s2], $0x80, v3, vm0, $0xb8;
	[tilespmem:$0x19200] =	vst v63  }
0xe4: {  	v3 =	vld [tilespmem:$0x130];
	_ =	sdelay $0x4  }
0xe5: {  	v54 =	vshll.u32 v3, $0x1  }
0xe6: {  	v3 =	vand.u32 $0x7, v3;
	v4 =	vand.u32 $0xFFFFFFF0, v54  }
0xe7: {  	v3 =	vor.u32 v3, v4  }
0xe8: {  	v4 =	vperm.xlane v3, v0;
	_ =	sdelay $0x1  }
0xe9: {  	v3 =	vperm.xlane v3, v2;
	v4 =	vadd.s32 v1, v4;
	_ =	sdelay $0x1  }
0xea: {  	v3 =	vadd.s32 v1, v3;
	_ =	sdelay $0x1  }
0xeb: {  	s21 =	simm.s32 $0xFA00  }
0xec: {  	[tilespmem:s21], [sflag:$0x4] =	stream.indirect_vreg.gather [hbm4b:s3+s2], $0x80, v4, vm0, $0xb8;
	[tilespmem:$0x19200] =	vst v63  }
0xed: {  	s21 =	simm.s32 $0x10200  }
0xee: {  	[tilespmem:s21], [sflag:$0x4] =	stream.indirect_vreg.gather [hbm4b:s3+s2], $0x80, v3, vm0, $0xb8;
	[tilespmem:$0x19200] =	vst v63  }
0xef: {  	v3 =	vld [tilespmem:$0x140];
	_ =	sdelay $0x4  }
0xf0: {  	v55 =	vshll.u32 v3, $0x1  }
0xf1: {  	v3 =	vand.u32 $0x7, v3;
	v4 =	vand.u32 $0xFFFFFFF0, v55  }
0xf2: {  	v3 =	vor.u32 v3, v4  }
0xf3: {  	v4 =	vperm.xlane v3, v0;
	_ =	sdelay $0x1  }
0xf4: {  	v3 =	vperm.xlane v3, v2;
	v4 =	vadd.s32 v1, v4;
	_ =	sdelay $0x1  }
0xf5: {  	v3 =	vadd.s32 v1, v3;
	_ =	sdelay $0x2  }
0xf6: {  	[tilespmem:s22], [sflag:$0x4] =	stream.indirect_vreg.gather [hbm4b:s3+s2], $0x80, v4, vm0, $0xb8;
	[tilespmem:$0x19200] =	vst v63  }
0xf7: {  	_ = 	snop  }
0xf8: {  	[tilespmem:s23], [sflag:$0x4] =	stream.indirect_vreg.gather [hbm4b:s3+s2], $0x80, v3, vm0, $0xb8;
	[tilespmem:$0x19200] =	vst v63  }
0xf9: {  	v3 =	vld [tilespmem:$0x150];
	_ =	sdelay $0x4  }
0xfa: {  	v56 =	vshll.u32 v3, $0x1  }
0xfb: {  	v3 =	vand.u32 $0x7, v3;
	v4 =	vand.u32 $0xFFFFFFF0, v56  }
0xfc: {  	v3 =	vor.u32 v3, v4  }
0xfd: {  	v4 =	vperm.xlane v3, v0;
	_ =	sdelay $0x1  }
0xfe: {  	v3 =	vperm.xlane v3, v2;
	v4 =	vadd.s32 v1, v4;
	_ =	sdelay $0x1  }
0xff: {  	v3 =	vadd.s32 v1, v3;
	_ =	sdelay $0x2  }
0x100: {  	[tilespmem:s24], [sflag:$0x4] =	stream.indirect_vreg.gather [hbm4b:s3+s2], $0x80, v4, vm0, $0xb8;
	[tilespmem:$0x19200] =	vst v63  }
0x101: {  	_ = 	snop  }
0x102: {  	[tilespmem:s25], [sflag:$0x4] =	stream.indirect_vreg.gather [hbm4b:s3+s2], $0x80, v3, vm0, $0xb8;
	[tilespmem:$0x19200] =	vst v63  }
0x103: {  	v3 =	vld [tilespmem:$0x160];
	_ =	sdelay $0x4  }
0x104: {  	v57 =	vshll.u32 v3, $0x1  }
0x105: {  	v3 =	vand.u32 $0x7, v3;
	v4 =	vand.u32 $0xFFFFFFF0, v57  }
0x106: {  	v3 =	vor.u32 v3, v4  }
0x107: {  	v4 =	vperm.xlane v3, v0;
	_ =	sdelay $0x1  }
0x108: {  	v3 =	vperm.xlane v3, v2;
	v4 =	vadd.s32 v1, v4;
	_ =	sdelay $0x1  }
0x109: {  	v3 =	vadd.s32 v1, v3;
	_ =	sdelay $0x2  }
0x10a: {  	[tilespmem:s26], [sflag:$0x4] =	stream.indirect_vreg.gather [hbm4b:s3+s2], $0x80, v4, vm0, $0xb8;
	[tilespmem:$0x19200] =	vst v63  }
0x10b: {  	_ = 	snop  }
0x10c: {  	[tilespmem:s28], [sflag:$0x4] =	stream.indirect_vreg.gather [hbm4b:s3+s2], $0x80, v3, vm0, $0xb8;
	[tilespmem:$0x19200] =	vst v63  }
0x10d: {  	v3 =	vld [tilespmem:$0x170];
	_ =	sdelay $0x4  }
0x10e: {  	v58 =	vshll.u32 v3, $0x1  }
0x10f: {  	v3 =	vand.u32 $0x7, v3;
	v4 =	vand.u32 $0xFFFFFFF0, v58  }
0x110: {  	v3 =	vor.u32 v3, v4  }
0x111: {  	v4 =	vperm.xlane v3, v0;
	_ =	sdelay $0x1  }
0x112: {  	v3 =	vperm.xlane v3, v2;
	v4 =	vadd.s32 v1, v4;
	_ =	sdelay $0x1  }
0x113: {  	v3 =	vadd.s32 v1, v3;
	_ =	sdelay $0x2  }
0x114: {  	[tilespmem:s29], [sflag:$0x4] =	stream.indirect_vreg.gather [hbm4b:s3+s2], $0x80, v4, vm0, $0xb8;
	[tilespmem:$0x19200] =	vst v63  }
0x115: {  	_ = 	snop  }
0x116: {  	[tilespmem:s30], [sflag:$0x4] =	stream.indirect_vreg.gather [hbm4b:s3+s2], $0x80, v3, vm0, $0xb8;
	[tilespmem:$0x19200] =	vst v63  }
0x117: {  	v3 =	vld [tilespmem:$0x180];
	_ =	sdelay $0x4  }
0x118: {  	v59 =	vshll.u32 v3, $0x1  }
0x119: {  	v3 =	vand.u32 $0x7, v3;
	v4 =	vand.u32 $0xFFFFFFF0, v59  }
0x11a: {  	v3 =	vor.u32 v3, v4  }
0x11b: {  	v4 =	vperm.xlane v3, v0;
	_ =	sdelay $0x1  }
0x11c: {  	v3 =	vperm.xlane v3, v2;
	v4 =	vadd.s32 v1, v4;
	_ =	sdelay $0x1  }
0x11d: {  	v3 =	vadd.s32 v1, v3;
	_ =	sdelay $0x2  }
0x11e: {  	[tilespmem:s31], [sflag:$0x4] =	stream.indirect_vreg.gather [hbm4b:s3+s2], $0x80, v4, vm0, $0xb8;
	[tilespmem:$0x19200] =	vst v63  }
0x11f: {  	_ = 	snop  }
0x120: {  	[tilespmem:s0], [sflag:$0x4] =	stream.indirect_vreg.gather [hbm4b:s3+s2], $0x80, v3, vm0, $0xb8;
	[tilespmem:$0x19200] =	vst v63  }
0x121: {  	v3 =	vld [tilespmem:$0x190];
	_ =	sdelay $0x4  }
0x122: {  	v60 =	vshll.u32 v3, $0x1  }
0x123: {  	v3 =	vand.u32 $0x7, v3;
	v4 =	vand.u32 $0xFFFFFFF0, v60  }
0x124: {  	v3 =	vor.u32 v3, v4  }
0x125: {  	v4 =	vperm.xlane v3, v0;
	_ =	sdelay $0x1  }
0x126: {  	v3 =	vperm.xlane v3, v2;
	v4 =	vadd.s32 v1, v4;
	_ =	sdelay $0x1  }
0x127: {  	v3 =	vadd.s32 v1, v3;
	_ =	sdelay $0x2  }
0x128: {  	[tilespmem:s1], [sflag:$0x4] =	stream.indirect_vreg.gather [hbm4b:s3+s2], $0x80, v4, vm0, $0xb8;
	[tilespmem:$0x19200] =	vst v63  }
0x129: {  	_ = 	snop  }
0x12a: {  	[tilespmem:s5], [sflag:$0x4] =	stream.indirect_vreg.gather [hbm4b:s3+s2], $0x80, v3, vm0, $0xb8;
	[tilespmem:$0x19200] =	vst v63  }
0x12b: {  	v3 =	vld [tilespmem:$0x1A0];
	_ =	sdelay $0x4  }
0x12c: {  	v61 =	vshll.u32 v3, $0x1  }
0x12d: {  	v3 =	vand.u32 $0x7, v3;
	v4 =	vand.u32 $0xFFFFFFF0, v61  }
0x12e: {  	v3 =	vor.u32 v3, v4  }
0x12f: {  	v4 =	vperm.xlane v3, v0;
	_ =	sdelay $0x1  }
0x130: {  	v3 =	vperm.xlane v3, v2;
	v4 =	vadd.s32 v1, v4;
	_ =	sdelay $0x1  }
0x131: {  	v3 =	vadd.s32 v1, v3;
	_ =	sdelay $0x2  }
0x132: {  	[tilespmem:s6], [sflag:$0x4] =	stream.indirect_vreg.gather [hbm4b:s3+s2], $0x80, v4, vm0, $0xb8;
	[tilespmem:$0x19200] =	vst v63  }
0x133: {  	_ = 	snop  }
0x134: {  	[tilespmem:s7], [sflag:$0x4] =	stream.indirect_vreg.gather [hbm4b:s3+s2], $0x80, v3, vm0, $0xb8;
	[tilespmem:$0x19200] =	vst v63  }
0x135: {  	v3 =	vld [tilespmem:$0x1B0];
	_ =	sdelay $0x4  }
0x136: {  	v62 =	vshll.u32 v3, $0x1  }
0x137: {  	v3 =	vand.u32 $0x7, v3;
	v4 =	vand.u32 $0xFFFFFFF0, v62  }
0x138: {  	v3 =	vor.u32 v3, v4  }
0x139: {  	v4 =	vperm.xlane v3, v0;
	_ =	sdelay $0x1  }
0x13a: {  	v3 =	vperm.xlane v3, v2;
	v4 =	vadd.s32 v1, v4;
	_ =	sdelay $0x1  }
0x13b: {  	v3 =	vadd.s32 v1, v3;
	_ =	sdelay $0x2  }
0x13c: {  	[tilespmem:s8], [sflag:$0x4] =	stream.indirect_vreg.gather [hbm4b:s3+s2], $0x80, v4, vm0, $0xb8;
	[tilespmem:$0x19200] =	vst v63  }
0x13d: {  	_ = 	snop  }
0x13e: {  	[tilespmem:s9], [sflag:$0x4] =	stream.indirect_vreg.gather [hbm4b:s3+s2], $0x80, v3, vm0, $0xb8;
	[tilespmem:$0x19200] =	vst v63  }
0x13f: {  	v3 =	vld.msk [tilespmem:$0x1C0], $0xff;
	_ =	sdelay $0x4  }
0x140: {  	v63 =	vshll.u32 v3, $0x1  }
0x141: {  	v3 =	vand.u32 $0x7, v3;
	v4 =	vand.u32 $0xFFFFFFF0, v63  }
0x142: {  	v3 =	vor.u32 v3, v4  }
0x143: {  	v3 =	vperm.xlane v3, v0;
	_ =	sdelay $0x1  }
0x144: {  	v3 =	vadd.s32 v1, v3;
	_ =	sdelay $0x4  }
0x145: {  	[tilespmem:s15], [sflag:$0x4] =	stream.indirect_vreg.gather [hbm4b:s3+s2], $0x80, v3, vm0, $0xb8;
	[tilespmem:$0x19200] =	vst v63  }
0x146: {  	_ =	swait.ge [sflag:s16], $0xC800  }
0x147: {  	[sflag:s16] =	ssyncset.done $0x0  }
0x148: {  	p0 =	seq.s32 s20, $0x4B000;
	s21 =	sadd.s32 s20, s10;
	[sflag:s16] =	ssyncadd.s32 $0xFFFF3800  }
0x149: {  	[hbm4b:s21+s2] =	stream.linear.scatter [tilespmem:s13], [sflag:$0x5], $0xC800, $0x38;
	[tilespmem:$0x19200] =	vst v63  }
.Ltmp2:
0x14a: {  	_ = 	snop;
	(pc) =	sbr.rel @p0 .LBB2_4-.Ltmp2, $4  }
0x14b: {  	_ =	swait.ge [sflag:s17], $0xC800  }
0x14c: {  	[sflag:s17] =	ssyncset.done $0x0  }
0x14d: {  	s21 =	sadd.s32 $0x1900, s21;
	[sflag:s17] =	ssyncadd.s32 $0xFFFF3800  }
0x14e: {  	[hbm4b:s21+s2] =	stream.linear.scatter [tilespmem:s14], [sflag:$0x6], $0xC800, $0x38;
	[tilespmem:$0x19200] =	vst v63  }
0x14f: {  	s21 =	sshrl.u32 s18, $0x3  }
.Ltmp3:
0x150: {  	s21 =	sadd.s32 s4, s21;
	(pc) =	sbr.rel .LBB2_2-.Ltmp3, $4  }
0x151: {  	[tilespmem:s2], [sflag:$0x1] =	stream.linear.gather [hbm4b:s21+s2], $0xC8, $0x38;
	[tilespmem:$0x19200] =	vst v63  }
0x152: {  	s21 =	simm.s32 $0x100  }
0x153: {  	[tilespmem:s21], [sflag:$0x2] =	stream.linear.gather [hbm4b:s19+s2], $0xC8, $0x38;
	[tilespmem:$0x19200] =	vst v63  }
0x154: {  	s20 =	sadd.s32 $0x3200, s20;
	s18 =	sadd.s32 $0x190, s18;
	s19 =	sadd.s32 $0x32, s19  }
.LBB2_5:
0x155: {  	_ =	sfence.sel $0x180000  }
0x156: {  	[bflag:$0x0] =	sbarrier.arrive $0xFFFF  }
0x157: {  	_ =	strace $0x90000047  }
0x158: {  	s0 =	stileid.u32;
	[bflag:$0x2] =	sbarrier.arrive $0xFFFF  }
0x159: {  	p0 =	sne.s32 s0, $0x0;
	s0 =	rddreg [dreg:$0x1]  }
0x15a: {  	s0 =	sadd.s32 @!p0 $0x100000, s0  }
0x15b: {  	[sflag:s0] =	ssyncadd.tile.s32 @!p0 $0x1;
	_ =	shalt  }
.Lfunc_end2:
_tile_overlayer_lowered:
.L_overlay_start_2:
0x15c: {  	(tag) =	ssettag $0x2  }
0x15d: {  	s0 =	rddreg [dreg:$0x0];
	s2 =	stileid.u32  }
0x15e: {  	s1 =	rddreg [dreg:$0x1];
	p0 =	sne.s32 s2, $0x0  }
0x15f: {  	s3 =	rddreg [dreg:$0x2];
	[bflag:$0x3] =	sbarrier.arrive $0xFFFF;
	s2 =	simm.s32 @!p0 $0x1C07  }
0x160: {  	[timem:s3], [sflag:s2] =	dma.local @!p0 [hbm:s0], s1  }
0x161: {  	s0 =	simm.s32 @!p0 $0x7  }
0x162: {  	_ =	swait.ge @!p0 [sflag:s0], s1  }
0x163: {  	s1 =	ssub.s32 @!p0 $0x0, s1;
	[sflag:s0] =	ssyncset.done @!p0 $0x0  }
0x164: {  	[sflag:s0] =	ssyncadd.s32 @!p0 s1  }
0x165: {  	[bflag:$0x3] =	sbarrier.arrive $0xFFFF  }
0x166: {  	_ =	shalt  }

// kernel: kernel.17.cloned.1.call-start
scs
__scs_entry_jumppad:
0x0: {  	(pc) =	sbr.rel $0x88, $3  }
0x1: {  	(tag) =	ssettag $0x0;
	lr =	simm.s32 $0x1  }
0x2: {  	[smem:$0x3F74] =	sst lr;
	_ =	strace $0xD0000000  }
0x3: {  	_ = 	snop  }
0x4: {  	_ = 	snop  }
0x5: {  	_ = 	snop  }
0x6: {  	_ = 	snop  }
0x7: {  	_ = 	snop  }
__scs_overlays_trampoline_lowered:
0x8: {  	[smem:$0x3F83] =	sst s0  }
0x9: {  	[smem:$0x3F84] =	sst s1  }
0xa: {  	[smem:$0x3F85] =	sst s2  }
0xb: {  	[smem:$0x3F86] =	sst s3  }
0xc: {  	[smem:$0x3F87] =	sst s4  }
0xd: {  	[smem:$0x3F88] =	sst s5  }
0xe: {  	[smem:$0x3F89] =	sst s6  }
0xf: {  	[smem:$0x3F8A] =	sst s7  }
0x10: {  	[smem:$0x3F8B] =	sst s8  }
0x11: {  	[smem:$0x3F8C] =	sst s9;
	s0 =	simm.s32 @!p0 $0x0  }
0x12: {  	s1 =	sld [smem:$0x3F72];
	s0 =	simm.s32 @p0 $0x1  }
0x13: {  	[smem:$0x3F8D] =	sst s0;
	s0 =	simm.s32 @!p1 $0x0  }
0x14: {  	s2 =	sld [smem:$0x3F71];
	s0 =	simm.s32 @p1 $0x1  }
0x15: {  	[smem:$0x3F8E] =	sst s0;
	s0 =	simm.s32 @!p2 $0x0  }
0x16: {  	s3 =	sld [smem:$0x3FDB];
	s0 =	simm.s32 @p2 $0x1  }
0x17: {  	s4 =	simm.s32 $0x1BF5;
	[smem:$0x3F90] =	sst s0  }
0x18: {  	s0 =	sld [smem:$0x3F73];
	_ =	swait.ge [sflag:s4], $0x0  }
0x19: {  	s7 =	sld [smem:$0x3F74]  }
0x1a: {  	s8 =	sadd.s32 $0xFFFFE003, lr  }
0x1b: {  	s9 =	sadd.s32 $0xFFFFFEF7, lr;
	s5 =	simm.s32 $0xFFFFFFFF;
	p2 =	slt.u32 s8, $0xFFFFF086  }
0x1c: {  	p1 =	slt.u32 s9, $0xF7A;
	s5 =	simm.s32 @!p2 $0x0  }
0x1d: {  	s5 =	simm.s32 @p1 $0x1;
	p0 =	seq.s32 s7, s2  }
0x1e: {  	s7 =	smul.u32 @!p0 $0xF7A, s2;
	p2 =	seq.s32 @!p0 s5, $0x0  }
0x1f: {  	s9 =	smul.u32 $0xF7A, s1;
	s8 =	simm.s32 @!p0 $0x1BF5;
	p2 =	por !p2, p0  }
0x20: {  	[sflag:s8] =	ssyncset.s32 @!p0 $0xFFFFF086;
	s6 =	sadd.s32 @!p0 s3, s7;
	s7 =	simm.s32 @!p0 $0x108  }
0x21: {  	s3 =	sadd.s32 s3, s9;
	s6 =	sadd.s32 @!p0 $0x88, s6;
	s7 =	simm.s32 @p2 $0x1082  }
0x22: {  	[simem:s7], [sflag:s8] =	dma.local @!p0 [hbm:s6], $0xF7A  }
0x23: {  	s9 =	sor.u32 $0xD0000000, s2;
	s6 =	simm.s32 $0x108;
	_ =	swait.ge @!p0 [sflag:s8], $0x0  }
0x24: {  	s3 =	sadd.s32 $0x88, s3;
	s6 =	simm.s32 @!p1 $0x1082;
	[sflag:s4] =	ssyncset.s32 $0xFFFFF086  }
0x25: {  	[simem:s6], [sflag:s4] =	dma.local [hbm:s3], $0xF7A  }
0x26: {  	[smem:$0x3F74] =	sst s1;
	(tag) =	ssettag s2;
	_ =	strace s9  }
0x27: {  	s1 =	sld [smem:$0x3F84]  }
0x28: {  	s2 =	sld [smem:$0x3F85]  }
0x29: {  	s4 =	sld [smem:$0x3F87]  }
0x2a: {  	p0 =	seq.s32 s5, $0x0;
	s5 =	sld [smem:$0x3F88]  }
0x2b: {  	s6 =	sld [smem:$0x3F89]  }
0x2c: {  	s7 =	sld [smem:$0x3F8A]  }
0x2d: {  	s3 =	simm.s32 $0x108;
	s8 =	sld [smem:$0x3F8B]  }
0x2e: {  	s3 =	simm.s32 @!p0 $0x1082;
	s9 =	sld [smem:$0x3F8C]  }
0x2f: {  	lr =	sadd.s32 s0, s3;
	s0 =	sld [smem:$0x3F83]  }
0x30: {  	s3 =	sld [smem:$0x3F86]  }
0x31: {  	[smem:$0x3F8F] =	sst s10  }
0x32: {  	s10 =	sld [smem:$0x3F8D];
	_ =	sdelay $0x3  }
0x33: {  	p0 =	seq.s32 s10, $0x1;
	s10 =	sld [smem:$0x3F8F];
	_ =	sdelay $0x3  }
0x34: {  	[smem:$0x3F8F] =	sst s10  }
0x35: {  	s10 =	sld [smem:$0x3F8E];
	_ =	sdelay $0x3  }
0x36: {  	p1 =	seq.s32 s10, $0x1;
	s10 =	sld [smem:$0x3F8F];
	_ =	sdelay $0x3  }
0x37: {  	[smem:$0x3F8F] =	sst s10  }
0x38: {  	s10 =	sld [smem:$0x3F90]  }
0x39: {  	_ = 	snop;
	(pc) =	sbr.ind lr, $3  }
0x3a: {  	_ = 	snop  }
0x3b: {  	_ = 	snop  }
0x3c: {  	p2 =	seq.s32 s10, $0x1;
	s10 =	sld [smem:$0x3F8F]  }
0x3d: {  	_ =	shalt  }
0x3e: {  	_ =	shalt  }
0x3f: {  	_ =	shalt  }
0x40: {  	_ =	shalt  }
0x41: {  	_ =	shalt  }
0x42: {  	_ =	shalt  }
0x43: {  	_ =	shalt  }
0x44: {  	_ =	shalt  }
0x45: {  	_ =	shalt  }
0x46: {  	_ =	shalt  }
0x47: {  	_ =	shalt  }
0x48: {  	_ =	shalt  }
0x49: {  	_ =	shalt  }
0x4a: {  	_ =	shalt  }
0x4b: {  	_ =	shalt  }
0x4c: {  	_ =	shalt  }
0x4d: {  	_ =	shalt  }
0x4e: {  	_ =	shalt  }
0x4f: {  	_ =	shalt  }
0x50: {  	_ =	shalt  }
0x51: {  	_ =	shalt  }
0x52: {  	_ =	shalt  }
0x53: {  	_ =	shalt  }
0x54: {  	_ =	shalt  }
0x55: {  	_ =	shalt  }
0x56: {  	_ =	shalt  }
0x57: {  	_ =	shalt  }
0x58: {  	_ =	shalt  }
0x59: {  	_ =	shalt  }
0x5a: {  	_ =	shalt  }
0x5b: {  	_ =	shalt  }
0x5c: {  	_ =	shalt  }
0x5d: {  	_ =	shalt  }
0x5e: {  	_ =	shalt  }
0x5f: {  	_ =	shalt  }
0x60: {  	_ =	shalt  }
0x61: {  	_ =	shalt  }
0x62: {  	_ =	shalt  }
0x63: {  	_ =	shalt  }
0x64: {  	_ =	shalt  }
0x65: {  	_ =	shalt  }
0x66: {  	_ =	shalt  }
0x67: {  	_ =	shalt  }
0x68: {  	_ =	shalt  }
0x69: {  	_ =	shalt  }
0x6a: {  	_ =	shalt  }
0x6b: {  	_ =	shalt  }
0x6c: {  	_ =	shalt  }
0x6d: {  	_ =	shalt  }
0x6e: {  	_ =	shalt  }
0x6f: {  	_ =	shalt  }
0x70: {  	_ =	shalt  }
0x71: {  	_ =	shalt  }
0x72: {  	_ =	shalt  }
0x73: {  	_ =	shalt  }
0x74: {  	_ =	shalt  }
0x75: {  	_ =	shalt  }
0x76: {  	_ =	shalt  }
0x77: {  	_ =	shalt  }
0x78: {  	_ =	shalt  }
0x79: {  	_ =	shalt  }
0x7a: {  	_ =	shalt  }
0x7b: {  	_ =	shalt  }
0x7c: {  	_ =	shalt  }
0x7d: {  	_ =	shalt  }
0x7e: {  	_ =	shalt  }
0x7f: {  	_ =	shalt  }
0x80: {  	_ =	shalt  }
0x81: {  	_ =	shalt  }
0x82: {  	_ =	shalt  }
0x83: {  	_ =	shalt  }
0x84: {  	_ =	shalt  }
0x85: {  	_ =	shalt  }
0x86: {  	_ =	shalt  }
0x87: {  	_ =	shalt  }
.Lfunc_end0:
.L_simem_size_0:
called_computation.1_lowered:
.L_overlay_start_0:
0x88: {  	s2 =	sld [smem:$0x3FD9]  }
0x89: {  	s3 =	sld [smem:$0x3FFE];
	_ =	sdelay $0x1  }
0x8a: {  	s1 =	srdreg.scid  }
0x8b: {  	s0 =	sand.u32 $0x1, s1  }
0x8c: {  	s17 =	sshll.u32 s0, $0xA;
	s2 =	sadd.s32 s3, s2  }
0x8d: {  	s2 =	sadd.s32 s2, s17  }
0x8e: {  	[smem:$0x3F9B] =	sst s2  }
0x8f: {  	_ = 	snop  }
0x90: {  	s2 =	sld [smem:$0x3FC7];
	(tm) =	ssettm $0x1  }
0x91: {  	s18 =	sld [smem:$0x3FFB];
	_ =	sdelay $0x3  }
0x92: {  	_ =	strace s18  }
0x93: {  	s3 =	sld [smem:$0x3FFC];
	_ =	sdelay $0x3  }
0x94: {  	_ =	strace s3  }
0x95: {  	s3 =	sld [smem:$0x3FFD];
	_ =	sdelay $0x3  }
0x96: {  	_ =	strace s3  }
0x97: {  	_ =	strace $0x8FFFFFFF  }
0x98: {  	s19 =	sld [smem:$0x3FDB];
	_ =	sdelay $0x1  }
0x99: {  	s4 =	simm.s32 $_scs_section_size  }
0x9a: {  	s5 =	simm.s32 $_size__tile_overlayer_lowered;
	s6 =	simm.s32 $_tile_overlayer_lowered  }
0x9b: {  	s22 =	simm.s32 $0x1BFF;
	s21 =	sshll.u32 s6, $0x1;
	s3 =	sadd.s32 s4, s19  }
0x9c: {  	s7 =	simm.s32 $0x0;
	s20 =	sshll.u32 s5, $0x1;
	s5 =	sadd.s32 s21, s3  }
0x9d: {  	[timem:s7], [sflag:s22] =	dma.local [hbm:s5], s20  }
0x9e: {  	_ =	swait.ge [sflag:s22], s20  }
0x9f: {  	s4 =	ssub.s32 $0x0, s20;
	[sflag:s22] =	ssyncset.done $0x0  }
0xa0: {  	[sflag:s22] =	ssyncadd.s32 s4;
	_ =	sdelay $0x1  }
0xa1: {  	s23 =	simm.s32 $0x1B8B  }
0xa2: {  	_ =	swait.ge [sflag:s23], $0x1  }
0xa3: {  	[sflag:s23] =	ssyncset.done $0x0  }
0xa4: {  	s25 =	simm.s32 $0x1B8E;
	s24 =	sld [smem:$0x3FFE];
	[sflag:s23] =	ssyncadd.s32 $0xFFFFFFFF  }
0xa5: {  	s26 =	simm.s32 $execute0_lowered;
	[smem:$0x3FD2] =	sst s25  }
0xa6: {  	s5 =	sshll.u32 s26, $0x1;
	_ =	strace $0x80000049;
	[dreg:$0x1] =	wrdreg $0xFFFFFFFF  }
0xa7: {  	s28 =	simm.s32 $_size_execute0_lowered;
	s3 =	sadd.s32 s3, s5;
	[dreg:$0x0] =	wrdreg $0x0  }
0xa8: {  	s5 =	sshll.u32 s28, $0x1;
	[dreg:$0x2] =	wrdreg s3  }
0xa9: {  	[dreg:$0x3] =	wrdreg s5  }
0xaa: {  	[dreg:$0x4] =	wrdreg $0xC0  }
0xab: {  	_ =	task [dreg:s7], $0x5FFFF  }
0xac: {  	[dreg:$0x1] =	wrdreg $0xFFFFFFFF  }
0xad: {  	[dreg:$0x0] =	wrdreg $0x60  }
0xae: {  	[dreg:$0x2] =	wrdreg s24  }
0xaf: {  	[dreg:$0x3] =	wrdreg s2  }
0xb0: {  	[dreg:$0x4] =	wrdreg $0x65000  }
0xb1: {  	[dreg:$0x5] =	wrdreg $0x9  }
0xb2: {  	_ =	task.clear_ibuf [dreg:s7], $0x6FFFF;
	_ =	strace $0x90000049  }
0xb3: {  	s29 =	simm.s32 $0x9;
	_ =	strace $0x8000004B  }
0xb4: {  	_ =	swait.ge [sflag:s29], $0x1  }
0xb5: {  	[sflag:s29] =	ssyncadd.s32 $0xFFFFFFFF  }
0xb6: {  	_ =	strace $0x9000004B  }
0xb7: {  	_ =	sfence  }
0xb8: {  	s30 =	sld [smem:$0x0];
	_ =	sdelay $0x2  }
0xb9: {  	s31 =	sshll.u32 s1, $0xD;
	s1 =	sshrl.u32 s1, $0x2  }
0xba: {  	s3 =	sand.u32 $0x4000, s31;
	s1 =	sadd.s32 s1, s30  }
0xbb: {  	s0 =	sor.u32 s3, s0;
	s1 =	sshll.u32 s1, $0x11  }
0xbc: {  	s0 =	sor.u32 s1, s0  }
0xbd: {  	s0 =	sadd.s32 $0x8F2B, s0  }
0xbe: {  	[sflag:s0] =	ssyncadd.remote.s32 $0x1  }
0xbf: {  	_ =	sfence.sel $0xFFFF  }
0xc0: {  	[dreg:$0x0] =	wrdreg $0xFFFFFFFF;
	(pc) =	sbr.abs _section_cstart, $3  }
0xc1: {  	[dreg:$0x1] =	wrdreg $0xFFFFFFFF  }
0xc2: {  	_ =	task.clear_ibuf [dreg:s7], $0x2FFFF;
	_ =	strace $0x9FFFFFFF  }
0xc3: {  	(tm) =	ssettm $0x7FFFFFFF  }
tec
execute0_lowered:
.L_overlay_start_1:
0x0: {  	(tag) =	ssettag $0x1  }
0x1: {  	s4 =	rddreg [dreg:$0x0];
	s0 =	stileid.u32  }
0x2: {  	s1 =	srdreg.scid;
	s5 =	smul.u32 $0x27100, s0  }
0x3: {  	s12 =	rddreg [dreg:$0x1];
	s8 =	smul.u32 $0x1F400, s0  }
0x4: {  	s2 =	rddreg [dreg:$0x2];
	s3 =	simm.s32 $0x0;
	s29 =	smul.u32 $0x7D000, s0  }
0x5: {  	s15 =	simm.s32 $0xC8;
	s6 =	sand.u32 $0x1, s1;
	s13 =	smul.u32 $0x2710, s0  }
0x6: {  	s18 =	simm.s32 $0x0;
	s1 =	rddreg [dreg:$0x3];
	s7 =	smul.u32 $0x138800, s6  }
0x7: {  	[smem:$0x7FF] =	sst s3;
	p0 =	sgt.u32 s0, $0x9;
	s11 =	smul.u32 $0x13880, s6  }
0x8: {  	_ =	strace $0x8000004A;
	s28 =	ssub.s32 $0x2, s6;
	s14 =	smul.u32 $0x1388, s6  }
0x9: {  	s16 =	sshll.u32 @!p0 s0, $0x6;
	s10 =	sadd.s32 s5, s4;
	s30 =	sshrl.u32 s28, $0x1  }
0xa: {  	s31 =	sshrl.u32 s29, $0x2;
	s16 =	sor.u32 @!p0 $0x1C01, s16;
	s26 =	sadd.s32 s8, s7  }
0xb: {  	s7 =	ssub.s32 s28, s30;
	s11 =	sadd.s32 s11, s10;
	s13 =	sadd.s32 s14, s13  }
0xc: {  	s14 =	simm.s32 $0x100;
	s5 =	sshrl.u32 s26, $0x3;
	s6 =	smax.u32 s7, $0x1  }
0xd: {  	s11 =	sadd.s32 $0xA26A00, s11;
	s13 =	sshrl.u32 s13, $0x3;
	s4 =	sadd.s32 s5, s4  }
0xe: {  	s5 =	sadd.s32 s31, s2;
	s12 =	sadd.s32 s13, s12;
	s13 =	simm.s32 $0x1  }
0xf: {  	s4 =	sadd.s32 $0x62A00, s4;
	s7 =	sadd.s32 $0x6400, s5;
	s8 =	sadd.s32 $0xC800, s5  }
0x10: {  	v0 =	vimm.f32 $0.0e+00;
	s9 =	sadd.s32 $0x12C00, s5;
	s10 =	sadd.s32 $0x19000, s5;
	s17 =	sshrl.u32 @!p0 s5, $0x3  }
.LBB2_1:
0x11: {  	s19 =	simm.s32 $0x0;
	s20 =	simm.s32 $0x200  }
.LBB2_2:
0x12: {  	p1 =	sne.s32 s20, $0x18E00;
	[tilespmem:s19+$0x170] =	vst v0  }
0x13: {  	[tilespmem:s19+$0x100] =	vst v0  }
0x14: {  	[tilespmem:s19+$0x110] =	vst v0  }
.Ltmp0:
0x15: {  	[tilespmem:s19+$0x120] =	vst v0;
	(pc) =	sbr.rel @p1 .LBB2_2-.Ltmp0, $4  }
0x16: {  	[tilespmem:s19+$0x130] =	vst v0  }
0x17: {  	[tilespmem:s19+$0x140] =	vst v0  }
0x18: {  	[tilespmem:s19+$0x150] =	vst v0  }
0x19: {  	[tilespmem:s19+$0x160] =	vst v0;
	s19 =	sshra.s32 s20, $0x2;
	s20 =	sadd.s32 $0x200, s20  }
0x1a: {  	[tilespmem:s19+$0x170] =	vst v0  }
0x1b: {  	[tilespmem:s19+$0x100] =	vst v0  }
0x1c: {  	[tilespmem:s19+$0x110] =	vst v0  }
0x1d: {  	[tilespmem:s19+$0x120] =	vst v0  }
0x1e: {  	[tilespmem:s19+$0x130] =	vst v0  }
0x1f: {  	[tilespmem:s19+$0x140] =	vst v0  }
0x20: {  	[tilespmem:s19+$0x150] =	vst v0  }
0x21: {  	[tilespmem:s19+$0x160] =	vst v0;
	s19 =	simm.s32 @!p0 $0x100;
	s20 =	simm.s32 @!p0 $0x1  }
0x22: {  	[spmem:s5] =	stream.linear.scatter @!p0 [tilespmem:s19], [sflag:$0x1], $0x6400, $0x38;
	[tilespmem:$0x19D80] =	vst v63  }
0x23: {  	_ =	swait.ge @!p0 [sflag:s20], $0x6400  }
0x24: {  	[sflag:s20] =	ssyncset.done @!p0 $0x0  }
0x25: {  	[sflag:s20] =	ssyncadd.s32 @!p0 $0xFFFF9C00  }
0x26: {  	[spmem:s7] =	stream.linear.scatter @!p0 [tilespmem:s19], [sflag:$0x1], $0x6400, $0x38;
	[tilespmem:$0x19D80] =	vst v63  }
0x27: {  	_ =	swait.ge @!p0 [sflag:s20], $0x6400  }
0x28: {  	[sflag:s20] =	ssyncset.done @!p0 $0x0  }
0x29: {  	[sflag:s20] =	ssyncadd.s32 @!p0 $0xFFFF9C00  }
0x2a: {  	[spmem:s8] =	stream.linear.scatter @!p0 [tilespmem:s19], [sflag:$0x1], $0x6400, $0x38;
	[tilespmem:$0x19D80] =	vst v63  }
0x2b: {  	_ =	swait.ge @!p0 [sflag:s20], $0x6400  }
0x2c: {  	[sflag:s20] =	ssyncset.done @!p0 $0x0  }
0x2d: {  	[sflag:s20] =	ssyncadd.s32 @!p0 $0xFFFF9C00  }
0x2e: {  	[spmem:s9] =	stream.linear.scatter @!p0 [tilespmem:s19], [sflag:$0x1], $0x6400, $0x38;
	[tilespmem:$0x19D80] =	vst v63  }
0x2f: {  	_ =	swait.ge @!p0 [sflag:s20], $0x6400  }
0x30: {  	[sflag:s20] =	ssyncset.done @!p0 $0x0  }
0x31: {  	[sflag:s20] =	ssyncadd.s32 @!p0 $0xFFFF9C00  }
0x32: {  	[spmem:s10] =	stream.linear.scatter @!p0 [tilespmem:s19], [sflag:$0x1], $0x6400, $0x38;
	[tilespmem:$0x19D80] =	vst v63  }
0x33: {  	_ =	swait.ge @!p0 [sflag:s20], $0x6400  }
0x34: {  	[sflag:s20] =	ssyncset.done @!p0 $0x0  }
0x35: {  	[sflag:s20] =	ssyncadd.s32 @!p0 $0xFFFF9C00  }
0x36: {  	s31 =	sadd.s32 $0x0, s12;
	[bflag:$0x0] =	sbarrier.arrive $0xFFFF  }
0x37: {  	[tilespmem:s3], [sflag:$0x1] =	stream.linear.gather [hbm4b:s31+s3], $0xC8, $0x38;
	[tilespmem:$0x19D80] =	vst v63  }
0x38: {  	_ =	swait.ge [sflag:s13], $0xC8  }
0x39: {  	[sflag:s13] =	ssyncset.done $0x0  }
0x3a: {  	[sflag:s13] =	ssyncadd.s32 $0xFFFFFF38  }
0x3b: {  	[tilespmem:s14], [sflag:$0x1] =	stream.linear.gather [hbm4b:s11+s3], $0x6400, $0x38;
	[tilespmem:$0x19D80] =	vst v63  }
0x3c: {  	_ =	swait.ge [sflag:s13], $0x6400  }
0x3d: {  	[sflag:s13] =	ssyncset.done $0x0  }
0x3e: {  	[sflag:s13] =	ssyncadd.s32 $0xFFFF9C00  }
0x3f: {  	[spmem:s2] =	stream.indirect.scatter.add.f32 [tilespmem:s14], [sflag:$0x1], $0x80, s3, s15, $0xb8;
	[tilespmem:$0x19D80] =	vst v63  }
0x40: {  	s21 =	simm.s32 $0x32;
	_ =	swait.ge [sflag:s13], $0x6400  }
0x41: {  	s19 =	sadd.s32 $0xC80, s11;
	s20 =	simm.s32 $0x19;
	[sflag:s13] =	ssyncset.done $0x0  }
.LBB2_4:
0x42: {  	s22 =	sadd.s32 s20, s12  }
0x43: {  	[sflag:s13] =	ssyncadd.s32 $0xFFFF9C00;
	s20 =	smov.u32 s21;
	s23 =	sadd.s32 $0x19, s21  }
0x44: {  	[tilespmem:s3], [sflag:$0x1] =	stream.linear.gather [hbm4b:s22+s3], $0xC8, $0x38;
	[tilespmem:$0x19D80] =	vst v63  }
0x45: {  	p1 =	sne.s32 s21, $0x258;
	_ =	swait.ge [sflag:s13], $0xC8  }
0x46: {  	[sflag:s13] =	ssyncset.done $0x0  }
0x47: {  	[sflag:s13] =	ssyncadd.s32 $0xFFFFFF38  }
0x48: {  	[tilespmem:s14], [sflag:$0x1] =	stream.linear.gather [hbm4b:s19+s3], $0x6400, $0x38;
	[tilespmem:$0x19D80] =	vst v63  }
0x49: {  	_ =	swait.ge [sflag:s13], $0x6400  }
.Ltmp1:
0x4a: {  	[sflag:s13] =	ssyncset.done $0x0;
	(pc) =	sbr.rel @p1 .LBB2_4-.Ltmp1, $4  }
0x4b: {  	[sflag:s13] =	ssyncadd.s32 $0xFFFF9C00  }
0x4c: {  	[spmem:s2] =	stream.indirect.scatter.add.f32 [tilespmem:s14], [sflag:$0x1], $0x80, s3, s15, $0xb8;
	[tilespmem:$0x19D80] =	vst v63  }
0x4d: {  	_ =	swait.ge [sflag:s13], $0x6400  }
0x4e: {  	s21 =	smov.u32 s23;
	s19 =	sadd.s32 $0xC80, s19;
	[sflag:s13] =	ssyncset.done $0x0  }
0x4f: {  	s20 =	sadd.s32 s20, s12;
	[sflag:s13] =	ssyncadd.s32 $0xFFFF9C00  }
0x50: {  	[tilespmem:s3], [sflag:$0x1] =	stream.linear.gather [hbm4b:s20+s3], $0xC8, $0x38;
	[tilespmem:$0x19D80] =	vst v63  }
0x51: {  	_ =	swait.ge [sflag:s13], $0xC8  }
0x52: {  	[sflag:s13] =	ssyncset.done $0x0  }
0x53: {  	[sflag:s13] =	ssyncadd.s32 $0xFFFFFF38  }
0x54: {  	[tilespmem:s14], [sflag:$0x1] =	stream.linear.gather [hbm4b:s19+s3], $0x6400, $0x38;
	[tilespmem:$0x19D80] =	vst v63  }
0x55: {  	_ =	swait.ge [sflag:s13], $0x6400  }
0x56: {  	[sflag:s13] =	ssyncset.done $0x0  }
0x57: {  	[sflag:s13] =	ssyncadd.s32 $0xFFFF9C00  }
0x58: {  	[spmem:s2] =	stream.indirect.scatter.add.f32 [tilespmem:s14], [sflag:$0x1], $0x80, s3, s15, $0xb8;
	[tilespmem:$0x19D80] =	vst v63  }
0x59: {  	_ =	swait.ge [sflag:s13], $0x6400  }
0x5a: {  	s18 =	sadd.s32 $0x1, s18;
	[sflag:s13] =	ssyncset.done $0x0  }
0x5b: {  	p1 =	sne.s32 s18, s6;
	[sflag:s13] =	ssyncadd.s32 $0xFFFF9C00  }
.Ltmp2:
0x5c: {  	s19 =	simm.s32 @!p0 $0x1;
	[bflag:$0x0] =	sbarrier.arrive $0xFFFF;
	(pc) =	sbr.rel @p1 .LBB2_1-.Ltmp2, $4  }
0x5d: {  	[hbm:s4], [sflag:s16] =	dma.local @!p0 [spmem:s17], $0x3E80  }
0x5e: {  	_ =	swait.ge @!p0 [sflag:s19], $0x3E80  }
0x5f: {  	[sflag:s19] =	ssyncset.done @!p0 $0x0  }
0x60: {  	[sflag:s19] =	ssyncadd.s32 @!p0 $0xFFFFC180  }
0x61: {  	_ =	sfence.sel $0x180000  }
0x62: {  	[bflag:$0x0] =	sbarrier.arrive $0xFFFF  }
0x63: {  	p0 =	sne.s32 s0, $0x0;
	_ =	strace $0x9000004A  }
0x64: {  	s0 =	sadd.s32 @!p0 $0x100000, s1;
	[bflag:$0x2] =	sbarrier.arrive $0xFFFF  }
0x65: {  	[sflag:s0] =	ssyncadd.tile.s32 @!p0 $0x1;
	_ =	shalt  }
.Lfunc_end2:
_tile_overlayer_lowered:
.L_overlay_start_2:
0x66: {  	(tag) =	ssettag $0x2  }
0x67: {  	s0 =	rddreg [dreg:$0x0];
	s2 =	stileid.u32  }
0x68: {  	s1 =	rddreg [dreg:$0x1];
	p0 =	sne.s32 s2, $0x0  }
0x69: {  	s3 =	rddreg [dreg:$0x2];
	[bflag:$0x3] =	sbarrier.arrive $0xFFFF;
	s2 =	simm.s32 @!p0 $0x1C01  }
0x6a: {  	[timem:s3], [sflag:s2] =	dma.local @!p0 [hbm:s0], s1  }
0x6b: {  	s0 =	simm.s32 @!p0 $0x1  }
0x6c: {  	_ =	swait.ge @!p0 [sflag:s0], s1  }
0x6d: {  	s1 =	ssub.s32 @!p0 $0x0, s1;
	[sflag:s0] =	ssyncset.done @!p0 $0x0  }
0x6e: {  	[sflag:s0] =	ssyncadd.s32 @!p0 s1  }
0x6f: {  	[bflag:$0x3] =	sbarrier.arrive $0xFFFF  }
0x70: {  	_ =	shalt  }

// kernel: kernel.20.cloned.1.call-start
scs
__scs_entry_jumppad:
0x0: {  	(pc) =	sbr.rel $0x88, $3  }
0x1: {  	(tag) =	ssettag $0x0;
	lr =	simm.s32 $0x1  }
0x2: {  	[smem:$0x3F74] =	sst lr;
	_ =	strace $0xD0000000  }
0x3: {  	_ = 	snop  }
0x4: {  	_ = 	snop  }
0x5: {  	_ = 	snop  }
0x6: {  	_ = 	snop  }
0x7: {  	_ = 	snop  }
__scs_overlays_trampoline_lowered:
0x8: {  	[smem:$0x3F83] =	sst s0  }
0x9: {  	[smem:$0x3F84] =	sst s1  }
0xa: {  	[smem:$0x3F85] =	sst s2  }
0xb: {  	[smem:$0x3F86] =	sst s3  }
0xc: {  	[smem:$0x3F87] =	sst s4  }
0xd: {  	[smem:$0x3F88] =	sst s5  }
0xe: {  	[smem:$0x3F89] =	sst s6  }
0xf: {  	[smem:$0x3F8A] =	sst s7  }
0x10: {  	[smem:$0x3F8B] =	sst s8  }
0x11: {  	[smem:$0x3F8C] =	sst s9;
	s0 =	simm.s32 @!p0 $0x0  }
0x12: {  	s1 =	sld [smem:$0x3F72];
	s0 =	simm.s32 @p0 $0x1  }
0x13: {  	[smem:$0x3F8D] =	sst s0;
	s0 =	simm.s32 @!p1 $0x0  }
0x14: {  	s2 =	sld [smem:$0x3F71];
	s0 =	simm.s32 @p1 $0x1  }
0x15: {  	[smem:$0x3F8E] =	sst s0;
	s0 =	simm.s32 @!p2 $0x0  }
0x16: {  	s3 =	sld [smem:$0x3FDB];
	s0 =	simm.s32 @p2 $0x1  }
0x17: {  	s4 =	simm.s32 $0x1BF5;
	[smem:$0x3F90] =	sst s0  }
0x18: {  	s0 =	sld [smem:$0x3F73];
	_ =	swait.ge [sflag:s4], $0x0  }
0x19: {  	s7 =	sld [smem:$0x3F74]  }
0x1a: {  	s8 =	sadd.s32 $0xFFFFE003, lr  }
0x1b: {  	s9 =	sadd.s32 $0xFFFFFEF7, lr;
	s5 =	simm.s32 $0xFFFFFFFF;
	p2 =	slt.u32 s8, $0xFFFFF086  }
0x1c: {  	p1 =	slt.u32 s9, $0xF7A;
	s5 =	simm.s32 @!p2 $0x0  }
0x1d: {  	s5 =	simm.s32 @p1 $0x1;
	p0 =	seq.s32 s7, s2  }
0x1e: {  	s7 =	smul.u32 @!p0 $0xF7A, s2;
	p2 =	seq.s32 @!p0 s5, $0x0  }
0x1f: {  	s9 =	smul.u32 $0xF7A, s1;
	s8 =	simm.s32 @!p0 $0x1BF5;
	p2 =	por !p2, p0  }
0x20: {  	[sflag:s8] =	ssyncset.s32 @!p0 $0xFFFFF086;
	s6 =	sadd.s32 @!p0 s3, s7;
	s7 =	simm.s32 @!p0 $0x108  }
0x21: {  	s3 =	sadd.s32 s3, s9;
	s6 =	sadd.s32 @!p0 $0x88, s6;
	s7 =	simm.s32 @p2 $0x1082  }
0x22: {  	[simem:s7], [sflag:s8] =	dma.local @!p0 [hbm:s6], $0xF7A  }
0x23: {  	s9 =	sor.u32 $0xD0000000, s2;
	s6 =	simm.s32 $0x108;
	_ =	swait.ge @!p0 [sflag:s8], $0x0  }
0x24: {  	s3 =	sadd.s32 $0x88, s3;
	s6 =	simm.s32 @!p1 $0x1082;
	[sflag:s4] =	ssyncset.s32 $0xFFFFF086  }
0x25: {  	[simem:s6], [sflag:s4] =	dma.local [hbm:s3], $0xF7A  }
0x26: {  	[smem:$0x3F74] =	sst s1;
	(tag) =	ssettag s2;
	_ =	strace s9  }
0x27: {  	s1 =	sld [smem:$0x3F84]  }
0x28: {  	s2 =	sld [smem:$0x3F85]  }
0x29: {  	s4 =	sld [smem:$0x3F87]  }
0x2a: {  	p0 =	seq.s32 s5, $0x0;
	s5 =	sld [smem:$0x3F88]  }
0x2b: {  	s6 =	sld [smem:$0x3F89]  }
0x2c: {  	s7 =	sld [smem:$0x3F8A]  }
0x2d: {  	s3 =	simm.s32 $0x108;
	s8 =	sld [smem:$0x3F8B]  }
0x2e: {  	s3 =	simm.s32 @!p0 $0x1082;
	s9 =	sld [smem:$0x3F8C]  }
0x2f: {  	lr =	sadd.s32 s0, s3;
	s0 =	sld [smem:$0x3F83]  }
0x30: {  	s3 =	sld [smem:$0x3F86]  }
0x31: {  	[smem:$0x3F8F] =	sst s10  }
0x32: {  	s10 =	sld [smem:$0x3F8D];
	_ =	sdelay $0x3  }
0x33: {  	p0 =	seq.s32 s10, $0x1;
	s10 =	sld [smem:$0x3F8F];
	_ =	sdelay $0x3  }
0x34: {  	[smem:$0x3F8F] =	sst s10  }
0x35: {  	s10 =	sld [smem:$0x3F8E];
	_ =	sdelay $0x3  }
0x36: {  	p1 =	seq.s32 s10, $0x1;
	s10 =	sld [smem:$0x3F8F];
	_ =	sdelay $0x3  }
0x37: {  	[smem:$0x3F8F] =	sst s10  }
0x38: {  	s10 =	sld [smem:$0x3F90]  }
0x39: {  	_ = 	snop;
	(pc) =	sbr.ind lr, $3  }
0x3a: {  	_ = 	snop  }
0x3b: {  	_ = 	snop  }
0x3c: {  	p2 =	seq.s32 s10, $0x1;
	s10 =	sld [smem:$0x3F8F]  }
0x3d: {  	_ =	shalt  }
0x3e: {  	_ =	shalt  }
0x3f: {  	_ =	shalt  }
0x40: {  	_ =	shalt  }
0x41: {  	_ =	shalt  }
0x42: {  	_ =	shalt  }
0x43: {  	_ =	shalt  }
0x44: {  	_ =	shalt  }
0x45: {  	_ =	shalt  }
0x46: {  	_ =	shalt  }
0x47: {  	_ =	shalt  }
0x48: {  	_ =	shalt  }
0x49: {  	_ =	shalt  }
0x4a: {  	_ =	shalt  }
0x4b: {  	_ =	shalt  }
0x4c: {  	_ =	shalt  }
0x4d: {  	_ =	shalt  }
0x4e: {  	_ =	shalt  }
0x4f: {  	_ =	shalt  }
0x50: {  	_ =	shalt  }
0x51: {  	_ =	shalt  }
0x52: {  	_ =	shalt  }
0x53: {  	_ =	shalt  }
0x54: {  	_ =	shalt  }
0x55: {  	_ =	shalt  }
0x56: {  	_ =	shalt  }
0x57: {  	_ =	shalt  }
0x58: {  	_ =	shalt  }
0x59: {  	_ =	shalt  }
0x5a: {  	_ =	shalt  }
0x5b: {  	_ =	shalt  }
0x5c: {  	_ =	shalt  }
0x5d: {  	_ =	shalt  }
0x5e: {  	_ =	shalt  }
0x5f: {  	_ =	shalt  }
0x60: {  	_ =	shalt  }
0x61: {  	_ =	shalt  }
0x62: {  	_ =	shalt  }
0x63: {  	_ =	shalt  }
0x64: {  	_ =	shalt  }
0x65: {  	_ =	shalt  }
0x66: {  	_ =	shalt  }
0x67: {  	_ =	shalt  }
0x68: {  	_ =	shalt  }
0x69: {  	_ =	shalt  }
0x6a: {  	_ =	shalt  }
0x6b: {  	_ =	shalt  }
0x6c: {  	_ =	shalt  }
0x6d: {  	_ =	shalt  }
0x6e: {  	_ =	shalt  }
0x6f: {  	_ =	shalt  }
0x70: {  	_ =	shalt  }
0x71: {  	_ =	shalt  }
0x72: {  	_ =	shalt  }
0x73: {  	_ =	shalt  }
0x74: {  	_ =	shalt  }
0x75: {  	_ =	shalt  }
0x76: {  	_ =	shalt  }
0x77: {  	_ =	shalt  }
0x78: {  	_ =	shalt  }
0x79: {  	_ =	shalt  }
0x7a: {  	_ =	shalt  }
0x7b: {  	_ =	shalt  }
0x7c: {  	_ =	shalt  }
0x7d: {  	_ =	shalt  }
0x7e: {  	_ =	shalt  }
0x7f: {  	_ =	shalt  }
0x80: {  	_ =	shalt  }
0x81: {  	_ =	shalt  }
0x82: {  	_ =	shalt  }
0x83: {  	_ =	shalt  }
0x84: {  	_ =	shalt  }
0x85: {  	_ =	shalt  }
0x86: {  	_ =	shalt  }
0x87: {  	_ =	shalt  }
.Lfunc_end0:
.L_simem_size_0:
called_computation.2_lowered:
.L_overlay_start_0:
0x88: {  	s2 =	sld [smem:$0x3FD9]  }
0x89: {  	s3 =	sld [smem:$0x3FFE];
	_ =	sdelay $0x1  }
0x8a: {  	s1 =	srdreg.scid  }
0x8b: {  	s0 =	sand.u32 $0x1, s1  }
0x8c: {  	s17 =	sshll.u32 s0, $0xA;
	s2 =	sadd.s32 s3, s2  }
0x8d: {  	s2 =	sadd.s32 s2, s17  }
0x8e: {  	[smem:$0x3F9B] =	sst s2  }
0x8f: {  	_ = 	snop  }
0x90: {  	s2 =	sld [smem:$0x3FD0];
	(tm) =	ssettm $0x1  }
0x91: {  	s18 =	sld [smem:$0x3FFB];
	_ =	sdelay $0x3  }
0x92: {  	_ =	strace s18  }
0x93: {  	s3 =	sld [smem:$0x3FFC];
	_ =	sdelay $0x3  }
0x94: {  	_ =	strace s3  }
0x95: {  	s3 =	sld [smem:$0x3FFD];
	_ =	sdelay $0x3  }
0x96: {  	_ =	strace s3  }
0x97: {  	_ =	strace $0x8FFFFFFF  }
0x98: {  	s19 =	sld [smem:$0x3FDB];
	_ =	sdelay $0x1  }
0x99: {  	s4 =	simm.s32 $_scs_section_size  }
0x9a: {  	s5 =	simm.s32 $_size__tile_overlayer_lowered;
	s6 =	simm.s32 $_tile_overlayer_lowered  }
0x9b: {  	s22 =	simm.s32 $0x1BFF;
	s21 =	sshll.u32 s6, $0x1;
	s3 =	sadd.s32 s4, s19  }
0x9c: {  	s7 =	simm.s32 $0x0;
	s20 =	sshll.u32 s5, $0x1;
	s5 =	sadd.s32 s21, s3  }
0x9d: {  	[timem:s7], [sflag:s22] =	dma.local [hbm:s5], s20  }
0x9e: {  	_ =	swait.ge [sflag:s22], s20  }
0x9f: {  	s4 =	ssub.s32 $0x0, s20;
	[sflag:s22] =	ssyncset.done $0x0  }
0xa0: {  	[sflag:s22] =	ssyncadd.s32 s4;
	_ =	sdelay $0x1  }
0xa1: {  	s23 =	simm.s32 $0x1B8B  }
0xa2: {  	_ =	swait.ge [sflag:s23], $0x1  }
0xa3: {  	[sflag:s23] =	ssyncset.done $0x0  }
0xa4: {  	s25 =	simm.s32 $0x1B8E;
	s24 =	sld [smem:$0x3FFE];
	[sflag:s23] =	ssyncadd.s32 $0xFFFFFFFF  }
0xa5: {  	s26 =	simm.s32 $execute0_lowered;
	[smem:$0x3FD2] =	sst s25  }
0xa6: {  	s5 =	sshll.u32 s26, $0x1;
	_ =	strace $0x8000004C;
	[dreg:$0x1] =	wrdreg $0xFFFFFFFF  }
0xa7: {  	s28 =	simm.s32 $_size_execute0_lowered;
	s3 =	sadd.s32 s3, s5;
	[dreg:$0x0] =	wrdreg $0x0  }
0xa8: {  	s5 =	sshll.u32 s28, $0x1;
	[dreg:$0x2] =	wrdreg s3  }
0xa9: {  	[dreg:$0x3] =	wrdreg s5  }
0xaa: {  	[dreg:$0x4] =	wrdreg $0xC0  }
0xab: {  	_ =	task [dreg:s7], $0x5FFFF  }
0xac: {  	[dreg:$0x1] =	wrdreg $0xFFFFFFFF  }
0xad: {  	[dreg:$0x0] =	wrdreg $0x60  }
0xae: {  	[dreg:$0x2] =	wrdreg s2  }
0xaf: {  	[dreg:$0x3] =	wrdreg s24  }
0xb0: {  	[dreg:$0x4] =	wrdreg $0x9  }
0xb1: {  	_ =	task.clear_ibuf [dreg:s7], $0x5FFFF;
	_ =	strace $0x9000004C  }
0xb2: {  	s29 =	simm.s32 $0x9;
	_ =	strace $0x8000004E  }
0xb3: {  	_ =	swait.ge [sflag:s29], $0x1  }
0xb4: {  	[sflag:s29] =	ssyncadd.s32 $0xFFFFFFFF  }
0xb5: {  	_ =	strace $0x9000004E  }
0xb6: {  	_ =	sfence  }
0xb7: {  	s30 =	sld [smem:$0x0];
	_ =	sdelay $0x2  }
0xb8: {  	s31 =	sshll.u32 s1, $0xD;
	s1 =	sshrl.u32 s1, $0x2  }
0xb9: {  	s3 =	sand.u32 $0x4000, s31;
	s1 =	sadd.s32 s1, s30  }
0xba: {  	s0 =	sor.u32 s3, s0;
	s1 =	sshll.u32 s1, $0x11  }
0xbb: {  	s0 =	sor.u32 s1, s0  }
0xbc: {  	s0 =	sadd.s32 $0x8F2B, s0  }
0xbd: {  	[sflag:s0] =	ssyncadd.remote.s32 $0x1  }
0xbe: {  	_ =	sfence.sel $0xFFFF  }
0xbf: {  	[dreg:$0x0] =	wrdreg $0xFFFFFFFF;
	(pc) =	sbr.abs _section_cstart, $3  }
0xc0: {  	[dreg:$0x1] =	wrdreg $0xFFFFFFFF  }
0xc1: {  	_ =	task.clear_ibuf [dreg:s7], $0x2FFFF;
	_ =	strace $0x9FFFFFFF  }
0xc2: {  	(tm) =	ssettm $0x7FFFFFFF  }
0xc3: {  	_ =	shalt  }
tec
execute0_lowered:
.L_overlay_start_1:
0x0: {  	(tag) =	ssettag $0x1  }
0x1: {  	s2 =	rddreg [dreg:$0x0]  }
0x2: {  	s1 =	srdreg.scid;
	s0 =	stileid.u32  }
0x3: {  	s4 =	rddreg [dreg:$0x1];
	s3 =	simm.s32 $0x0;
	s18 =	simm.s32 $0x2  }
0x4: {  	s19 =	simm.s32 $0x6600;
	s20 =	simm.s32 $0x3;
	s21 =	simm.s32 $0x4  }
0x5: {  	s22 =	simm.s32 $0x5;
	s11 =	sand.u32 $0x1, s1;
	s15 =	smul.u32 $0x4E20, s0  }
0x6: {  	s5 =	sshll.u32 s0, $0x1;
	s1 =	rddreg [dreg:$0x2];
	s30 =	smul.u32 $0x4E200, s0  }
0x7: {  	[smem:$0x7FF] =	sst s3;
	s12 =	sadd.s32 $0xAA00, s4;
	s16 =	smul.u32 $0x2710, s11  }
0x8: {  	s6 =	sor.u32 s11, s5;
	s23 =	ssub.s32 $0x2, s11;
	s17 =	smul.u32 $0x27100, s11  }
0x9: {  	s13 =	sadd.s32 $0x14800, s4;
	s7 =	smul.u32 $0x2710, s6;
	s24 =	sshrl.u32 s23, $0x1  }
0xa: {  	_ =	strace $0x8000004D;
	s10 =	smul.u32 $0x27100, s6;
	s9 =	ssub.s32 s23, s24  }
0xb: {  	s29 =	sadd.s32 s16, s15;
	s15 =	simm.s32 $0x1;
	s23 =	simm.s32 $0x6  }
0xc: {  	s24 =	simm.s32 $0x0;
	s8 =	sadd.s32 $0xC8, s7;
	s25 =	sshrl.u32 s7, $0x3  }
0xd: {  	s14 =	sadd.s32 $0x258, s7;
	s6 =	smax.u32 s9, $0x1;
	s7 =	sadd.s32 s13, s10  }
0xe: {  	s16 =	sadd.s32 $0x3E8, s29;
	s26 =	sshrl.u32 s8, $0x3;
	s4 =	sadd.s32 s12, s25  }
0xf: {  	s8 =	sshll.u32 s8, $0x4;
	s28 =	sshrl.u32 s14, $0x3;
	s14 =	sadd.s32 $0x320, s29  }
.Ltmp0:
0x10: {  	s31 =	sshrl.u32 s16, $0x3;
	s16 =	simm.s32 $0xC8;
	(pc) =	sbr.rel .LBB2_1-.Ltmp0, $4  }
0x11: {  	s5 =	sadd.s32 s12, s26;
	s8 =	sadd.s32 s13, s8;
	s9 =	sadd.s32 $0x32, s4  }
0x12: {  	s10 =	sadd.s32 s12, s28;
	s14 =	sshrl.u32 s14, $0x3;
	s13 =	sadd.s32 s30, s13  }
0x13: {  	s11 =	sadd.s32 s31, s12;
	s12 =	sadd.s32 s14, s12;
	s13 =	sadd.s32 s17, s13  }
0x14: {  	s14 =	simm.s32 $0x100;
	s17 =	simm.s32 $0x200;
	s13 =	sadd.s32 $0x2580, s13  }
.LBB2_4:
0x15: {  	s24 =	sadd.s32 $0x1, s24  }
0x16: {  	_ =	swait.ge [sflag:s22], $0x6400;
	p0 =	sne.s32 s24, s6  }
.Ltmp1:
0x17: {  	[sflag:s22] =	ssyncset.done $0x0;
	(pc) =	sbr.rel @!p0 .LBB2_5-.Ltmp1, $4  }
0x18: {  	[sflag:s22] =	ssyncadd.s32 $0xFFFF9C00  }
0x19: {  	_ =	swait.ge [sflag:s23], $0x6400  }
0x1a: {  	[sflag:s23] =	ssyncset.done $0x0  }
0x1b: {  	[sflag:s23] =	ssyncadd.s32 $0xFFFF9C00  }
.LBB2_1:
0x1c: {  	[tilespmem:s3], [sflag:$0x1] =	stream.linear.gather [hbm4b:s4+s3], $0xC8, $0x38;
	[tilespmem:$0xCA00] =	vst v63  }
0x1d: {  	_ = 	snop  }
0x1e: {  	[tilespmem:s14], [sflag:$0x2] =	stream.linear.gather [hbm4b:s5+s3], $0xC8, $0x38;
	[tilespmem:$0xCA00] =	vst v63  }
0x1f: {  	_ =	swait.ge [sflag:s15], $0xC8  }
0x20: {  	[sflag:s15] =	ssyncset.done $0x0  }
0x21: {  	[sflag:s15] =	ssyncadd.s32 $0xFFFFFF38  }
0x22: {  	[tilespmem:s17], [sflag:$0x3] =	stream.indirect.gather [hbm4b:s2+s16], $0x80, s3, s16, $0xb8;
	[tilespmem:$0xCA00] =	vst v63  }
0x23: {  	_ =	swait.ge [sflag:s18], $0xC8  }
0x24: {  	[sflag:s18] =	ssyncset.done $0x0  }
0x25: {  	[sflag:s18] =	ssyncadd.s32 $0xFFFFFF38  }
0x26: {  	[tilespmem:s19], [sflag:$0x4] =	stream.indirect.gather [hbm4b:s2+s16], $0x80, s14, s16, $0xb8;
	[tilespmem:$0xCA00] =	vst v63  }
0x27: {  	_ =	swait.ge [sflag:s20], $0x6400  }
0x28: {  	[sflag:s20] =	ssyncset.done $0x0  }
0x29: {  	[sflag:s20] =	ssyncadd.s32 $0xFFFF9C00  }
0x2a: {  	[hbm4b:s7+s3] =	stream.linear.scatter [tilespmem:s17], [sflag:$0x5], $0x6400, $0x38;
	[tilespmem:$0xCA00] =	vst v63  }
0x2b: {  	_ =	swait.ge [sflag:s21], $0x6400  }
0x2c: {  	[sflag:s21] =	ssyncset.done $0x0  }
0x2d: {  	[sflag:s21] =	ssyncadd.s32 $0xFFFF9C00  }
0x2e: {  	[hbm4b:s8+s3] =	stream.linear.scatter [tilespmem:s19], [sflag:$0x6], $0x6400, $0x38;
	[tilespmem:$0xCA00] =	vst v63  }
0x2f: {  	_ = 	snop  }
0x30: {  	[tilespmem:s3], [sflag:$0x1] =	stream.linear.gather [hbm4b:s9+s3], $0xC8, $0x38;
	[tilespmem:$0xCA00] =	vst v63  }
0x31: {  	s25 =	smov.u32 s13;
	s26 =	simm.s32 $0x0  }
0x32: {  	[tilespmem:s14], [sflag:$0x2] =	stream.linear.gather [hbm4b:s10+s3], $0xC8, $0x38;
	[tilespmem:$0xCA00] =	vst v63  }
.LBB2_2:
0x33: {  	_ =	swait.ge [sflag:s22], $0x6400  }
0x34: {  	[sflag:s22] =	ssyncset.done $0x0  }
0x35: {  	[sflag:s22] =	ssyncadd.s32 $0xFFFF9C00  }
0x36: {  	_ =	swait.ge [sflag:s15], $0xC8  }
0x37: {  	[sflag:s15] =	ssyncset.done $0x0  }
0x38: {  	[sflag:s15] =	ssyncadd.s32 $0xFFFFFF38  }
0x39: {  	[tilespmem:s17], [sflag:$0x3] =	stream.indirect.gather [hbm4b:s2+s16], $0x80, s3, s16, $0xb8;
	[tilespmem:$0xCA00] =	vst v63  }
0x3a: {  	_ =	swait.ge [sflag:s23], $0x6400  }
0x3b: {  	[sflag:s23] =	ssyncset.done $0x0  }
0x3c: {  	[sflag:s23] =	ssyncadd.s32 $0xFFFF9C00  }
0x3d: {  	_ =	swait.ge [sflag:s18], $0xC8  }
0x3e: {  	[sflag:s18] =	ssyncset.done $0x0  }
0x3f: {  	[sflag:s18] =	ssyncadd.s32 $0xFFFFFF38  }
0x40: {  	[tilespmem:s19], [sflag:$0x4] =	stream.indirect.gather [hbm4b:s2+s16], $0x80, s14, s16, $0xb8;
	[tilespmem:$0xCA00] =	vst v63  }
0x41: {  	_ =	swait.ge [sflag:s20], $0x6400  }
0x42: {  	[sflag:s20] =	ssyncset.done $0x0  }
0x43: {  	s28 =	sadd.s32 $0xFFFFF380, s25;
	p0 =	seq.s32 s26, $0x47E;
	[sflag:s20] =	ssyncadd.s32 $0xFFFF9C00  }
0x44: {  	[hbm4b:s28+s3] =	stream.linear.scatter [tilespmem:s17], [sflag:$0x5], $0x6400, $0x38;
	[tilespmem:$0xCA00] =	vst v63  }
.Ltmp2:
0x45: {  	_ = 	snop;
	(pc) =	sbr.rel @p0 .LBB2_4-.Ltmp2, $4  }
0x46: {  	_ =	swait.ge [sflag:s21], $0x6400  }
0x47: {  	[sflag:s21] =	ssyncset.done $0x0  }
0x48: {  	[sflag:s21] =	ssyncadd.s32 $0xFFFF9C00  }
0x49: {  	[hbm4b:s25+s3] =	stream.linear.scatter [tilespmem:s19], [sflag:$0x6], $0x6400, $0x38;
	[tilespmem:$0xCA00] =	vst v63  }
.Ltmp3:
0x4a: {  	(pc) =	sbr.rel .LBB2_2-.Ltmp3, $4  }
0x4b: {  	s28 =	sadd.s32 s26, s12  }
0x4c: {  	[tilespmem:s3], [sflag:$0x1] =	stream.linear.gather [hbm4b:s28+s3], $0xC8, $0x38;
	[tilespmem:$0xCA00] =	vst v63  }
0x4d: {  	s31 =	sadd.s32 s26, s11;
	s26 =	sadd.s32 $0x32, s26;
	s25 =	sadd.s32 $0x1900, s25  }
0x4e: {  	[tilespmem:s14], [sflag:$0x2] =	stream.linear.gather [hbm4b:s31+s3], $0xC8, $0x38;
	[tilespmem:$0xCA00] =	vst v63  }
.LBB2_5:
0x4f: {  	_ =	sfence.sel $0x180000  }
0x50: {  	[bflag:$0x0] =	sbarrier.arrive $0xFFFF  }
0x51: {  	p0 =	sne.s32 s0, $0x0;
	_ =	strace $0x9000004D  }
0x52: {  	s0 =	sadd.s32 @!p0 $0x100000, s1;
	[bflag:$0x2] =	sbarrier.arrive $0xFFFF  }
0x53: {  	[sflag:s0] =	ssyncadd.tile.s32 @!p0 $0x1;
	_ =	shalt  }
.Lfunc_end2:
_tile_overlayer_lowered:
.L_overlay_start_2:
0x54: {  	(tag) =	ssettag $0x2  }
0x55: {  	s0 =	rddreg [dreg:$0x0];
	s2 =	stileid.u32  }
0x56: {  	s1 =	rddreg [dreg:$0x1];
	p0 =	sne.s32 s2, $0x0  }
0x57: {  	s3 =	rddreg [dreg:$0x2];
	[bflag:$0x3] =	sbarrier.arrive $0xFFFF;
	s2 =	simm.s32 @!p0 $0x1C07  }
0x58: {  	[timem:s3], [sflag:s2] =	dma.local @!p0 [hbm:s0], s1  }
0x59: {  	s0 =	simm.s32 @!p0 $0x7  }
0x5a: {  	_ =	swait.ge @!p0 [sflag:s0], s1  }
0x5b: {  	s1 =	ssub.s32 @!p0 $0x0, s1;
	[sflag:s0] =	ssyncset.done @!p0 $0x0  }
0x5c: {  	[sflag:s0] =	ssyncadd.s32 @!p0 s1  }
0x5d: {  	[bflag:$0x3] =	sbarrier.arrive $0xFFFF  }
0x5e: {  	_ =	shalt  }

// kernel: kernel.23.cloned.1.call-start
scs
__scs_entry_jumppad:
0x0: {  	(pc) =	sbr.rel $0x88, $3  }
0x1: {  	(tag) =	ssettag $0x0;
	lr =	simm.s32 $0x1  }
0x2: {  	[smem:$0x3F74] =	sst lr;
	_ =	strace $0xD0000000  }
0x3: {  	_ = 	snop  }
0x4: {  	_ = 	snop  }
0x5: {  	_ = 	snop  }
0x6: {  	_ = 	snop  }
0x7: {  	_ = 	snop  }
__scs_overlays_trampoline_lowered:
0x8: {  	[smem:$0x3F83] =	sst s0  }
0x9: {  	[smem:$0x3F84] =	sst s1  }
0xa: {  	[smem:$0x3F85] =	sst s2  }
0xb: {  	[smem:$0x3F86] =	sst s3  }
0xc: {  	[smem:$0x3F87] =	sst s4  }
0xd: {  	[smem:$0x3F88] =	sst s5  }
0xe: {  	[smem:$0x3F89] =	sst s6  }
0xf: {  	[smem:$0x3F8A] =	sst s7  }
0x10: {  	[smem:$0x3F8B] =	sst s8  }
0x11: {  	[smem:$0x3F8C] =	sst s9;
	s0 =	simm.s32 @!p0 $0x0  }
0x12: {  	s1 =	sld [smem:$0x3F72];
	s0 =	simm.s32 @p0 $0x1  }
0x13: {  	[smem:$0x3F8D] =	sst s0;
	s0 =	simm.s32 @!p1 $0x0  }
0x14: {  	s2 =	sld [smem:$0x3F71];
	s0 =	simm.s32 @p1 $0x1  }
0x15: {  	[smem:$0x3F8E] =	sst s0;
	s0 =	simm.s32 @!p2 $0x0  }
0x16: {  	s3 =	sld [smem:$0x3FDB];
	s0 =	simm.s32 @p2 $0x1  }
0x17: {  	s4 =	simm.s32 $0x1BF5;
	[smem:$0x3F90] =	sst s0  }
0x18: {  	s0 =	sld [smem:$0x3F73];
	_ =	swait.ge [sflag:s4], $0x0  }
0x19: {  	s7 =	sld [smem:$0x3F74]  }
0x1a: {  	s8 =	sadd.s32 $0xFFFFE003, lr  }
0x1b: {  	s9 =	sadd.s32 $0xFFFFFEF7, lr;
	s5 =	simm.s32 $0xFFFFFFFF;
	p2 =	slt.u32 s8, $0xFFFFF086  }
0x1c: {  	p1 =	slt.u32 s9, $0xF7A;
	s5 =	simm.s32 @!p2 $0x0  }
0x1d: {  	s5 =	simm.s32 @p1 $0x1;
	p0 =	seq.s32 s7, s2  }
0x1e: {  	s7 =	smul.u32 @!p0 $0xF7A, s2;
	p2 =	seq.s32 @!p0 s5, $0x0  }
0x1f: {  	s9 =	smul.u32 $0xF7A, s1;
	s8 =	simm.s32 @!p0 $0x1BF5;
	p2 =	por !p2, p0  }
0x20: {  	[sflag:s8] =	ssyncset.s32 @!p0 $0xFFFFF086;
	s6 =	sadd.s32 @!p0 s3, s7;
	s7 =	simm.s32 @!p0 $0x108  }
0x21: {  	s3 =	sadd.s32 s3, s9;
	s6 =	sadd.s32 @!p0 $0x88, s6;
	s7 =	simm.s32 @p2 $0x1082  }
0x22: {  	[simem:s7], [sflag:s8] =	dma.local @!p0 [hbm:s6], $0xF7A  }
0x23: {  	s9 =	sor.u32 $0xD0000000, s2;
	s6 =	simm.s32 $0x108;
	_ =	swait.ge @!p0 [sflag:s8], $0x0  }
0x24: {  	s3 =	sadd.s32 $0x88, s3;
	s6 =	simm.s32 @!p1 $0x1082;
	[sflag:s4] =	ssyncset.s32 $0xFFFFF086  }
0x25: {  	[simem:s6], [sflag:s4] =	dma.local [hbm:s3], $0xF7A  }
0x26: {  	[smem:$0x3F74] =	sst s1;
	(tag) =	ssettag s2;
	_ =	strace s9  }
0x27: {  	s1 =	sld [smem:$0x3F84]  }
0x28: {  	s2 =	sld [smem:$0x3F85]  }
0x29: {  	s4 =	sld [smem:$0x3F87]  }
0x2a: {  	p0 =	seq.s32 s5, $0x0;
	s5 =	sld [smem:$0x3F88]  }
0x2b: {  	s6 =	sld [smem:$0x3F89]  }
0x2c: {  	s7 =	sld [smem:$0x3F8A]  }
0x2d: {  	s3 =	simm.s32 $0x108;
	s8 =	sld [smem:$0x3F8B]  }
0x2e: {  	s3 =	simm.s32 @!p0 $0x1082;
	s9 =	sld [smem:$0x3F8C]  }
0x2f: {  	lr =	sadd.s32 s0, s3;
	s0 =	sld [smem:$0x3F83]  }
0x30: {  	s3 =	sld [smem:$0x3F86]  }
0x31: {  	[smem:$0x3F8F] =	sst s10  }
0x32: {  	s10 =	sld [smem:$0x3F8D];
	_ =	sdelay $0x3  }
0x33: {  	p0 =	seq.s32 s10, $0x1;
	s10 =	sld [smem:$0x3F8F];
	_ =	sdelay $0x3  }
0x34: {  	[smem:$0x3F8F] =	sst s10  }
0x35: {  	s10 =	sld [smem:$0x3F8E];
	_ =	sdelay $0x3  }
0x36: {  	p1 =	seq.s32 s10, $0x1;
	s10 =	sld [smem:$0x3F8F];
	_ =	sdelay $0x3  }
0x37: {  	[smem:$0x3F8F] =	sst s10  }
0x38: {  	s10 =	sld [smem:$0x3F90]  }
0x39: {  	_ = 	snop;
	(pc) =	sbr.ind lr, $3  }
0x3a: {  	_ = 	snop  }
0x3b: {  	_ = 	snop  }
0x3c: {  	p2 =	seq.s32 s10, $0x1;
	s10 =	sld [smem:$0x3F8F]  }
0x3d: {  	_ =	shalt  }
0x3e: {  	_ =	shalt  }
0x3f: {  	_ =	shalt  }
0x40: {  	_ =	shalt  }
0x41: {  	_ =	shalt  }
0x42: {  	_ =	shalt  }
0x43: {  	_ =	shalt  }
0x44: {  	_ =	shalt  }
0x45: {  	_ =	shalt  }
0x46: {  	_ =	shalt  }
0x47: {  	_ =	shalt  }
0x48: {  	_ =	shalt  }
0x49: {  	_ =	shalt  }
0x4a: {  	_ =	shalt  }
0x4b: {  	_ =	shalt  }
0x4c: {  	_ =	shalt  }
0x4d: {  	_ =	shalt  }
0x4e: {  	_ =	shalt  }
0x4f: {  	_ =	shalt  }
0x50: {  	_ =	shalt  }
0x51: {  	_ =	shalt  }
0x52: {  	_ =	shalt  }
0x53: {  	_ =	shalt  }
0x54: {  	_ =	shalt  }
0x55: {  	_ =	shalt  }
0x56: {  	_ =	shalt  }
0x57: {  	_ =	shalt  }
0x58: {  	_ =	shalt  }
0x59: {  	_ =	shalt  }
0x5a: {  	_ =	shalt  }
0x5b: {  	_ =	shalt  }
0x5c: {  	_ =	shalt  }
0x5d: {  	_ =	shalt  }
0x5e: {  	_ =	shalt  }
0x5f: {  	_ =	shalt  }
0x60: {  	_ =	shalt  }
0x61: {  	_ =	shalt  }
0x62: {  	_ =	shalt  }
0x63: {  	_ =	shalt  }
0x64: {  	_ =	shalt  }
0x65: {  	_ =	shalt  }
0x66: {  	_ =	shalt  }
0x67: {  	_ =	shalt  }
0x68: {  	_ =	shalt  }
0x69: {  	_ =	shalt  }
0x6a: {  	_ =	shalt  }
0x6b: {  	_ =	shalt  }
0x6c: {  	_ =	shalt  }
0x6d: {  	_ =	shalt  }
0x6e: {  	_ =	shalt  }
0x6f: {  	_ =	shalt  }
0x70: {  	_ =	shalt  }
0x71: {  	_ =	shalt  }
0x72: {  	_ =	shalt  }
0x73: {  	_ =	shalt  }
0x74: {  	_ =	shalt  }
0x75: {  	_ =	shalt  }
0x76: {  	_ =	shalt  }
0x77: {  	_ =	shalt  }
0x78: {  	_ =	shalt  }
0x79: {  	_ =	shalt  }
0x7a: {  	_ =	shalt  }
0x7b: {  	_ =	shalt  }
0x7c: {  	_ =	shalt  }
0x7d: {  	_ =	shalt  }
0x7e: {  	_ =	shalt  }
0x7f: {  	_ =	shalt  }
0x80: {  	_ =	shalt  }
0x81: {  	_ =	shalt  }
0x82: {  	_ =	shalt  }
0x83: {  	_ =	shalt  }
0x84: {  	_ =	shalt  }
0x85: {  	_ =	shalt  }
0x86: {  	_ =	shalt  }
0x87: {  	_ =	shalt  }
.Lfunc_end0:
.L_simem_size_0:
called_computation.3_lowered:
.L_overlay_start_0:
0x88: {  	s2 =	sld [smem:$0x3FD9]  }
0x89: {  	s3 =	sld [smem:$0x3FFE];
	_ =	sdelay $0x1  }
0x8a: {  	s1 =	srdreg.scid  }
0x8b: {  	s0 =	sand.u32 $0x1, s1  }
0x8c: {  	s17 =	sshll.u32 s0, $0xA;
	s2 =	sadd.s32 s3, s2  }
0x8d: {  	s2 =	sadd.s32 s2, s17  }
0x8e: {  	[smem:$0x3F9B] =	sst s2  }
0x8f: {  	_ = 	snop  }
0x90: {  	s2 =	sld [smem:$0x3FC7];
	(tm) =	ssettm $0x1  }
0x91: {  	s18 =	sld [smem:$0x3FFB];
	_ =	sdelay $0x3  }
0x92: {  	_ =	strace s18  }
0x93: {  	s3 =	sld [smem:$0x3FFC];
	_ =	sdelay $0x3  }
0x94: {  	_ =	strace s3  }
0x95: {  	s3 =	sld [smem:$0x3FFD];
	_ =	sdelay $0x3  }
0x96: {  	_ =	strace s3  }
0x97: {  	_ =	strace $0x8FFFFFFF  }
0x98: {  	s19 =	sld [smem:$0x3FDB];
	_ =	sdelay $0x1  }
0x99: {  	s4 =	simm.s32 $_scs_section_size  }
0x9a: {  	s5 =	simm.s32 $_size__tile_overlayer_lowered;
	s6 =	simm.s32 $_tile_overlayer_lowered  }
0x9b: {  	s22 =	simm.s32 $0x1BFF;
	s21 =	sshll.u32 s6, $0x1;
	s3 =	sadd.s32 s4, s19  }
0x9c: {  	s7 =	simm.s32 $0x0;
	s20 =	sshll.u32 s5, $0x1;
	s5 =	sadd.s32 s21, s3  }
0x9d: {  	[timem:s7], [sflag:s22] =	dma.local [hbm:s5], s20  }
0x9e: {  	_ =	swait.ge [sflag:s22], s20  }
0x9f: {  	s4 =	ssub.s32 $0x0, s20;
	[sflag:s22] =	ssyncset.done $0x0  }
0xa0: {  	[sflag:s22] =	ssyncadd.s32 s4;
	_ =	sdelay $0x1  }
0xa1: {  	s23 =	simm.s32 $0x1B8B  }
0xa2: {  	_ =	swait.ge [sflag:s23], $0x1  }
0xa3: {  	[sflag:s23] =	ssyncset.done $0x0  }
0xa4: {  	s25 =	simm.s32 $0x1B8E;
	s24 =	sld [smem:$0x3FFE];
	[sflag:s23] =	ssyncadd.s32 $0xFFFFFFFF  }
0xa5: {  	s26 =	simm.s32 $execute0_lowered;
	[smem:$0x3FD2] =	sst s25  }
0xa6: {  	s5 =	sshll.u32 s26, $0x1;
	_ =	strace $0x8000004F;
	[dreg:$0x1] =	wrdreg $0xFFFFFFFF  }
0xa7: {  	s28 =	simm.s32 $_size_execute0_lowered;
	s3 =	sadd.s32 s3, s5;
	[dreg:$0x0] =	wrdreg $0x0  }
0xa8: {  	s5 =	sshll.u32 s28, $0x1;
	[dreg:$0x2] =	wrdreg s3  }
0xa9: {  	[dreg:$0x3] =	wrdreg s5  }
0xaa: {  	[dreg:$0x4] =	wrdreg $0xC0  }
0xab: {  	_ =	task [dreg:s7], $0x5FFFF  }
0xac: {  	[dreg:$0x1] =	wrdreg $0xFFFFFFFF  }
0xad: {  	[dreg:$0x0] =	wrdreg $0x60  }
0xae: {  	[dreg:$0x2] =	wrdreg s24  }
0xaf: {  	[dreg:$0x3] =	wrdreg s2  }
0xb0: {  	[dreg:$0x4] =	wrdreg $0x65000  }
0xb1: {  	[dreg:$0x5] =	wrdreg $0x9  }
0xb2: {  	_ =	task.clear_ibuf [dreg:s7], $0x6FFFF;
	_ =	strace $0x9000004F  }
0xb3: {  	s29 =	simm.s32 $0x9;
	_ =	strace $0x80000051  }
0xb4: {  	_ =	swait.ge [sflag:s29], $0x1  }
0xb5: {  	[sflag:s29] =	ssyncadd.s32 $0xFFFFFFFF  }
0xb6: {  	_ =	strace $0x90000051  }
0xb7: {  	_ =	sfence  }
0xb8: {  	s30 =	sld [smem:$0x0];
	_ =	sdelay $0x2  }
0xb9: {  	s31 =	sshll.u32 s1, $0xD;
	s1 =	sshrl.u32 s1, $0x2  }
0xba: {  	s3 =	sand.u32 $0x4000, s31;
	s1 =	sadd.s32 s1, s30  }
0xbb: {  	s0 =	sor.u32 s3, s0;
	s1 =	sshll.u32 s1, $0x11  }
0xbc: {  	s0 =	sor.u32 s1, s0  }
0xbd: {  	s0 =	sadd.s32 $0x8F2B, s0  }
0xbe: {  	[sflag:s0] =	ssyncadd.remote.s32 $0x1  }
0xbf: {  	_ =	sfence.sel $0xFFFF  }
0xc0: {  	[dreg:$0x0] =	wrdreg $0xFFFFFFFF;
	(pc) =	sbr.abs _section_cstart, $3  }
0xc1: {  	[dreg:$0x1] =	wrdreg $0xFFFFFFFF  }
0xc2: {  	_ =	task.clear_ibuf [dreg:s7], $0x2FFFF;
	_ =	strace $0x9FFFFFFF  }
0xc3: {  	(tm) =	ssettm $0x7FFFFFFF  }
tec
execute0_lowered:
.L_overlay_start_1:
0x0: {  	(tag) =	ssettag $0x1  }
0x1: {  	s4 =	rddreg [dreg:$0x0];
	s0 =	stileid.u32  }
0x2: {  	s1 =	srdreg.scid;
	s5 =	smul.u32 $0x27100, s0  }
0x3: {  	s12 =	rddreg [dreg:$0x1];
	s8 =	smul.u32 $0x1F400, s0  }
0x4: {  	s2 =	rddreg [dreg:$0x2];
	s3 =	simm.s32 $0x0;
	s29 =	smul.u32 $0x7D000, s0  }
0x5: {  	s15 =	simm.s32 $0xC8;
	s6 =	sand.u32 $0x1, s1;
	s13 =	smul.u32 $0x2710, s0  }
0x6: {  	s18 =	simm.s32 $0x0;
	s1 =	rddreg [dreg:$0x3];
	s7 =	smul.u32 $0x138800, s6  }
0x7: {  	[smem:$0x7FF] =	sst s3;
	p0 =	sgt.u32 s0, $0x9;
	s11 =	smul.u32 $0x13880, s6  }
0x8: {  	_ =	strace $0x80000050;
	s28 =	ssub.s32 $0x2, s6;
	s14 =	smul.u32 $0x1388, s6  }
0x9: {  	s16 =	sshll.u32 @!p0 s0, $0x6;
	s10 =	sadd.s32 s5, s4;
	s30 =	sshrl.u32 s28, $0x1  }
0xa: {  	s31 =	sshrl.u32 s29, $0x2;
	s16 =	sor.u32 @!p0 $0x1C01, s16;
	s26 =	sadd.s32 s8, s7  }
0xb: {  	s7 =	ssub.s32 s28, s30;
	s11 =	sadd.s32 s11, s10;
	s13 =	sadd.s32 s14, s13  }
0xc: {  	s14 =	simm.s32 $0x100;
	s5 =	sshrl.u32 s26, $0x3;
	s6 =	smax.u32 s7, $0x1  }
0xd: {  	s11 =	sadd.s32 $0x4F6800, s11;
	s13 =	sshrl.u32 s13, $0x3;
	s4 =	sadd.s32 s5, s4  }
0xe: {  	s5 =	sadd.s32 s31, s2;
	s12 =	sadd.s32 s13, s12;
	s13 =	simm.s32 $0x1  }
0xf: {  	s4 =	sadd.s32 $0x14800, s4;
	s7 =	sadd.s32 $0x6400, s5;
	s8 =	sadd.s32 $0xC800, s5  }
0x10: {  	v0 =	vimm.f32 $0.0e+00;
	s9 =	sadd.s32 $0x12C00, s5;
	s10 =	sadd.s32 $0x19000, s5;
	s17 =	sshrl.u32 @!p0 s5, $0x3  }
.LBB2_1:
0x11: {  	s19 =	simm.s32 $0x0;
	s20 =	simm.s32 $0x200  }
.LBB2_2:
0x12: {  	p1 =	sne.s32 s20, $0x18E00;
	[tilespmem:s19+$0x170] =	vst v0  }
0x13: {  	[tilespmem:s19+$0x100] =	vst v0  }
0x14: {  	[tilespmem:s19+$0x110] =	vst v0  }
.Ltmp0:
0x15: {  	[tilespmem:s19+$0x120] =	vst v0;
	(pc) =	sbr.rel @p1 .LBB2_2-.Ltmp0, $4  }
0x16: {  	[tilespmem:s19+$0x130] =	vst v0  }
0x17: {  	[tilespmem:s19+$0x140] =	vst v0  }
0x18: {  	[tilespmem:s19+$0x150] =	vst v0  }
0x19: {  	[tilespmem:s19+$0x160] =	vst v0;
	s19 =	sshra.s32 s20, $0x2;
	s20 =	sadd.s32 $0x200, s20  }
0x1a: {  	[tilespmem:s19+$0x170] =	vst v0  }
0x1b: {  	[tilespmem:s19+$0x100] =	vst v0  }
0x1c: {  	[tilespmem:s19+$0x110] =	vst v0  }
0x1d: {  	[tilespmem:s19+$0x120] =	vst v0  }
0x1e: {  	[tilespmem:s19+$0x130] =	vst v0  }
0x1f: {  	[tilespmem:s19+$0x140] =	vst v0  }
0x20: {  	[tilespmem:s19+$0x150] =	vst v0  }
0x21: {  	[tilespmem:s19+$0x160] =	vst v0;
	s19 =	simm.s32 @!p0 $0x100;
	s20 =	simm.s32 @!p0 $0x1  }
0x22: {  	[spmem:s5] =	stream.linear.scatter @!p0 [tilespmem:s19], [sflag:$0x1], $0x6400, $0x38;
	[tilespmem:$0x19D80] =	vst v63  }
0x23: {  	_ =	swait.ge @!p0 [sflag:s20], $0x6400  }
0x24: {  	[sflag:s20] =	ssyncset.done @!p0 $0x0  }
0x25: {  	[sflag:s20] =	ssyncadd.s32 @!p0 $0xFFFF9C00  }
0x26: {  	[spmem:s7] =	stream.linear.scatter @!p0 [tilespmem:s19], [sflag:$0x1], $0x6400, $0x38;
	[tilespmem:$0x19D80] =	vst v63  }
0x27: {  	_ =	swait.ge @!p0 [sflag:s20], $0x6400  }
0x28: {  	[sflag:s20] =	ssyncset.done @!p0 $0x0  }
0x29: {  	[sflag:s20] =	ssyncadd.s32 @!p0 $0xFFFF9C00  }
0x2a: {  	[spmem:s8] =	stream.linear.scatter @!p0 [tilespmem:s19], [sflag:$0x1], $0x6400, $0x38;
	[tilespmem:$0x19D80] =	vst v63  }
0x2b: {  	_ =	swait.ge @!p0 [sflag:s20], $0x6400  }
0x2c: {  	[sflag:s20] =	ssyncset.done @!p0 $0x0  }
0x2d: {  	[sflag:s20] =	ssyncadd.s32 @!p0 $0xFFFF9C00  }
0x2e: {  	[spmem:s9] =	stream.linear.scatter @!p0 [tilespmem:s19], [sflag:$0x1], $0x6400, $0x38;
	[tilespmem:$0x19D80] =	vst v63  }
0x2f: {  	_ =	swait.ge @!p0 [sflag:s20], $0x6400  }
0x30: {  	[sflag:s20] =	ssyncset.done @!p0 $0x0  }
0x31: {  	[sflag:s20] =	ssyncadd.s32 @!p0 $0xFFFF9C00  }
0x32: {  	[spmem:s10] =	stream.linear.scatter @!p0 [tilespmem:s19], [sflag:$0x1], $0x6400, $0x38;
	[tilespmem:$0x19D80] =	vst v63  }
0x33: {  	_ =	swait.ge @!p0 [sflag:s20], $0x6400  }
0x34: {  	[sflag:s20] =	ssyncset.done @!p0 $0x0  }
0x35: {  	[sflag:s20] =	ssyncadd.s32 @!p0 $0xFFFF9C00  }
0x36: {  	s31 =	sadd.s32 $0x0, s12;
	[bflag:$0x0] =	sbarrier.arrive $0xFFFF  }
0x37: {  	[tilespmem:s3], [sflag:$0x1] =	stream.linear.gather [hbm4b:s31+s3], $0xC8, $0x38;
	[tilespmem:$0x19D80] =	vst v63  }
0x38: {  	_ =	swait.ge [sflag:s13], $0xC8  }
0x39: {  	[sflag:s13] =	ssyncset.done $0x0  }
0x3a: {  	[sflag:s13] =	ssyncadd.s32 $0xFFFFFF38  }
0x3b: {  	[tilespmem:s14], [sflag:$0x1] =	stream.linear.gather [hbm4b:s11+s3], $0x6400, $0x38;
	[tilespmem:$0x19D80] =	vst v63  }
0x3c: {  	_ =	swait.ge [sflag:s13], $0x6400  }
0x3d: {  	[sflag:s13] =	ssyncset.done $0x0  }
0x3e: {  	[sflag:s13] =	ssyncadd.s32 $0xFFFF9C00  }
0x3f: {  	[spmem:s2] =	stream.indirect.scatter.add.f32 [tilespmem:s14], [sflag:$0x1], $0x80, s3, s15, $0xb8;
	[tilespmem:$0x19D80] =	vst v63  }
0x40: {  	s21 =	simm.s32 $0x32;
	_ =	swait.ge [sflag:s13], $0x6400  }
0x41: {  	s19 =	sadd.s32 $0xC80, s11;
	s20 =	simm.s32 $0x19;
	[sflag:s13] =	ssyncset.done $0x0  }
.LBB2_4:
0x42: {  	s22 =	sadd.s32 s20, s12  }
0x43: {  	[sflag:s13] =	ssyncadd.s32 $0xFFFF9C00;
	s20 =	smov.u32 s21;
	s23 =	sadd.s32 $0x19, s21  }
0x44: {  	[tilespmem:s3], [sflag:$0x1] =	stream.linear.gather [hbm4b:s22+s3], $0xC8, $0x38;
	[tilespmem:$0x19D80] =	vst v63  }
0x45: {  	p1 =	sne.s32 s21, $0x258;
	_ =	swait.ge [sflag:s13], $0xC8  }
0x46: {  	[sflag:s13] =	ssyncset.done $0x0  }
0x47: {  	[sflag:s13] =	ssyncadd.s32 $0xFFFFFF38  }
0x48: {  	[tilespmem:s14], [sflag:$0x1] =	stream.linear.gather [hbm4b:s19+s3], $0x6400, $0x38;
	[tilespmem:$0x19D80] =	vst v63  }
0x49: {  	_ =	swait.ge [sflag:s13], $0x6400  }
.Ltmp1:
0x4a: {  	[sflag:s13] =	ssyncset.done $0x0;
	(pc) =	sbr.rel @p1 .LBB2_4-.Ltmp1, $4  }
0x4b: {  	[sflag:s13] =	ssyncadd.s32 $0xFFFF9C00  }
0x4c: {  	[spmem:s2] =	stream.indirect.scatter.add.f32 [tilespmem:s14], [sflag:$0x1], $0x80, s3, s15, $0xb8;
	[tilespmem:$0x19D80] =	vst v63  }
0x4d: {  	_ =	swait.ge [sflag:s13], $0x6400  }
0x4e: {  	s21 =	smov.u32 s23;
	s19 =	sadd.s32 $0xC80, s19;
	[sflag:s13] =	ssyncset.done $0x0  }
0x4f: {  	s20 =	sadd.s32 s20, s12;
	[sflag:s13] =	ssyncadd.s32 $0xFFFF9C00  }
0x50: {  	[tilespmem:s3], [sflag:$0x1] =	stream.linear.gather [hbm4b:s20+s3], $0xC8, $0x38;
	[tilespmem:$0x19D80] =	vst v63  }
0x51: {  	_ =	swait.ge [sflag:s13], $0xC8  }
0x52: {  	[sflag:s13] =	ssyncset.done $0x0  }
0x53: {  	[sflag:s13] =	ssyncadd.s32 $0xFFFFFF38  }
0x54: {  	[tilespmem:s14], [sflag:$0x1] =	stream.linear.gather [hbm4b:s19+s3], $0x6400, $0x38;
	[tilespmem:$0x19D80] =	vst v63  }
0x55: {  	_ =	swait.ge [sflag:s13], $0x6400  }
0x56: {  	[sflag:s13] =	ssyncset.done $0x0  }
0x57: {  	[sflag:s13] =	ssyncadd.s32 $0xFFFF9C00  }
0x58: {  	[spmem:s2] =	stream.indirect.scatter.add.f32 [tilespmem:s14], [sflag:$0x1], $0x80, s3, s15, $0xb8;
	[tilespmem:$0x19D80] =	vst v63  }
0x59: {  	_ =	swait.ge [sflag:s13], $0x6400  }
0x5a: {  	s18 =	sadd.s32 $0x1, s18;
	[sflag:s13] =	ssyncset.done $0x0  }
0x5b: {  	p1 =	sne.s32 s18, s6;
	[sflag:s13] =	ssyncadd.s32 $0xFFFF9C00  }
.Ltmp2:
0x5c: {  	s19 =	simm.s32 @!p0 $0x1;
	[bflag:$0x0] =	sbarrier.arrive $0xFFFF;
	(pc) =	sbr.rel @p1 .LBB2_1-.Ltmp2, $4  }
0x5d: {  	[hbm:s4], [sflag:s16] =	dma.local @!p0 [spmem:s17], $0x3E80  }
0x5e: {  	_ =	swait.ge @!p0 [sflag:s19], $0x3E80  }
0x5f: {  	[sflag:s19] =	ssyncset.done @!p0 $0x0  }
0x60: {  	[sflag:s19] =	ssyncadd.s32 @!p0 $0xFFFFC180  }
0x61: {  	_ =	sfence.sel $0x180000  }
0x62: {  	[bflag:$0x0] =	sbarrier.arrive $0xFFFF  }
0x63: {  	p0 =	sne.s32 s0, $0x0;
	_ =	strace $0x90000050  }
0x64: {  	s0 =	sadd.s32 @!p0 $0x100000, s1;
	[bflag:$0x2] =	sbarrier.arrive $0xFFFF  }
0x65: {  	[sflag:s0] =	ssyncadd.tile.s32 @!p0 $0x1;
	_ =	shalt  }
.Lfunc_end2:
_tile_overlayer_lowered:
.L_overlay_start_2:
0x66: {  	(tag) =	ssettag $0x2  }
0x67: {  	s0 =	rddreg [dreg:$0x0];
	s2 =	stileid.u32  }
0x68: {  	s1 =	rddreg [dreg:$0x1];
	p0 =	sne.s32 s2, $0x0  }
0x69: {  	s3 =	rddreg [dreg:$0x2];
	[bflag:$0x3] =	sbarrier.arrive $0xFFFF;
	s2 =	simm.s32 @!p0 $0x1C01  }
0x6a: {  	[timem:s3], [sflag:s2] =	dma.local @!p0 [hbm:s0], s1  }
0x6b: {  	s0 =	simm.s32 @!p0 $0x1  }
0x6c: {  	_ =	swait.ge @!p0 [sflag:s0], s1  }
0x6d: {  	s1 =	ssub.s32 @!p0 $0x0, s1;
	[sflag:s0] =	ssyncset.done @!p0 $0x0  }
0x6e: {  	[sflag:s0] =	ssyncadd.s32 @!p0 s1  }
0x6f: {  	[bflag:$0x3] =	sbarrier.arrive $0xFFFF  }
0x70: {  	_ =	shalt  }

// kernel: kernel.26.cloned.1.call-start
scs
__scs_entry_jumppad:
0x0: {  	(pc) =	sbr.rel $0x88, $3  }
0x1: {  	(tag) =	ssettag $0x0;
	lr =	simm.s32 $0x1  }
0x2: {  	[smem:$0x3F74] =	sst lr;
	_ =	strace $0xD0000000  }
0x3: {  	_ = 	snop  }
0x4: {  	_ = 	snop  }
0x5: {  	_ = 	snop  }
0x6: {  	_ = 	snop  }
0x7: {  	_ = 	snop  }
__scs_overlays_trampoline_lowered:
0x8: {  	[smem:$0x3F83] =	sst s0  }
0x9: {  	[smem:$0x3F84] =	sst s1  }
0xa: {  	[smem:$0x3F85] =	sst s2  }
0xb: {  	[smem:$0x3F86] =	sst s3  }
0xc: {  	[smem:$0x3F87] =	sst s4  }
0xd: {  	[smem:$0x3F88] =	sst s5  }
0xe: {  	[smem:$0x3F89] =	sst s6  }
0xf: {  	[smem:$0x3F8A] =	sst s7  }
0x10: {  	[smem:$0x3F8B] =	sst s8  }
0x11: {  	[smem:$0x3F8C] =	sst s9;
	s0 =	simm.s32 @!p0 $0x0  }
0x12: {  	s1 =	sld [smem:$0x3F72];
	s0 =	simm.s32 @p0 $0x1  }
0x13: {  	[smem:$0x3F8D] =	sst s0;
	s0 =	simm.s32 @!p1 $0x0  }
0x14: {  	s2 =	sld [smem:$0x3F71];
	s0 =	simm.s32 @p1 $0x1  }
0x15: {  	[smem:$0x3F8E] =	sst s0;
	s0 =	simm.s32 @!p2 $0x0  }
0x16: {  	s3 =	sld [smem:$0x3FDB];
	s0 =	simm.s32 @p2 $0x1  }
0x17: {  	s4 =	simm.s32 $0x1BF5;
	[smem:$0x3F90] =	sst s0  }
0x18: {  	s0 =	sld [smem:$0x3F73];
	_ =	swait.ge [sflag:s4], $0x0  }
0x19: {  	s7 =	sld [smem:$0x3F74]  }
0x1a: {  	s8 =	sadd.s32 $0xFFFFE003, lr  }
0x1b: {  	s9 =	sadd.s32 $0xFFFFFEF7, lr;
	s5 =	simm.s32 $0xFFFFFFFF;
	p2 =	slt.u32 s8, $0xFFFFF086  }
0x1c: {  	p1 =	slt.u32 s9, $0xF7A;
	s5 =	simm.s32 @!p2 $0x0  }
0x1d: {  	s5 =	simm.s32 @p1 $0x1;
	p0 =	seq.s32 s7, s2  }
0x1e: {  	s7 =	smul.u32 @!p0 $0xF7A, s2;
	p2 =	seq.s32 @!p0 s5, $0x0  }
0x1f: {  	s9 =	smul.u32 $0xF7A, s1;
	s8 =	simm.s32 @!p0 $0x1BF5;
	p2 =	por !p2, p0  }
0x20: {  	[sflag:s8] =	ssyncset.s32 @!p0 $0xFFFFF086;
	s6 =	sadd.s32 @!p0 s3, s7;
	s7 =	simm.s32 @!p0 $0x108  }
0x21: {  	s3 =	sadd.s32 s3, s9;
	s6 =	sadd.s32 @!p0 $0x88, s6;
	s7 =	simm.s32 @p2 $0x1082  }
0x22: {  	[simem:s7], [sflag:s8] =	dma.local @!p0 [hbm:s6], $0xF7A  }
0x23: {  	s9 =	sor.u32 $0xD0000000, s2;
	s6 =	simm.s32 $0x108;
	_ =	swait.ge @!p0 [sflag:s8], $0x0  }
0x24: {  	s3 =	sadd.s32 $0x88, s3;
	s6 =	simm.s32 @!p1 $0x1082;
	[sflag:s4] =	ssyncset.s32 $0xFFFFF086  }
0x25: {  	[simem:s6], [sflag:s4] =	dma.local [hbm:s3], $0xF7A  }
0x26: {  	[smem:$0x3F74] =	sst s1;
	(tag) =	ssettag s2;
	_ =	strace s9  }
0x27: {  	s1 =	sld [smem:$0x3F84]  }
0x28: {  	s2 =	sld [smem:$0x3F85]  }
0x29: {  	s4 =	sld [smem:$0x3F87]  }
0x2a: {  	p0 =	seq.s32 s5, $0x0;
	s5 =	sld [smem:$0x3F88]  }
0x2b: {  	s6 =	sld [smem:$0x3F89]  }
0x2c: {  	s7 =	sld [smem:$0x3F8A]  }
0x2d: {  	s3 =	simm.s32 $0x108;
	s8 =	sld [smem:$0x3F8B]  }
0x2e: {  	s3 =	simm.s32 @!p0 $0x1082;
	s9 =	sld [smem:$0x3F8C]  }
0x2f: {  	lr =	sadd.s32 s0, s3;
	s0 =	sld [smem:$0x3F83]  }
0x30: {  	s3 =	sld [smem:$0x3F86]  }
0x31: {  	[smem:$0x3F8F] =	sst s10  }
0x32: {  	s10 =	sld [smem:$0x3F8D];
	_ =	sdelay $0x3  }
0x33: {  	p0 =	seq.s32 s10, $0x1;
	s10 =	sld [smem:$0x3F8F];
	_ =	sdelay $0x3  }
0x34: {  	[smem:$0x3F8F] =	sst s10  }
0x35: {  	s10 =	sld [smem:$0x3F8E];
	_ =	sdelay $0x3  }
0x36: {  	p1 =	seq.s32 s10, $0x1;
	s10 =	sld [smem:$0x3F8F];
	_ =	sdelay $0x3  }
0x37: {  	[smem:$0x3F8F] =	sst s10  }
0x38: {  	s10 =	sld [smem:$0x3F90]  }
0x39: {  	_ = 	snop;
	(pc) =	sbr.ind lr, $3  }
0x3a: {  	_ = 	snop  }
0x3b: {  	_ = 	snop  }
0x3c: {  	p2 =	seq.s32 s10, $0x1;
	s10 =	sld [smem:$0x3F8F]  }
0x3d: {  	_ =	shalt  }
0x3e: {  	_ =	shalt  }
0x3f: {  	_ =	shalt  }
0x40: {  	_ =	shalt  }
0x41: {  	_ =	shalt  }
0x42: {  	_ =	shalt  }
0x43: {  	_ =	shalt  }
0x44: {  	_ =	shalt  }
0x45: {  	_ =	shalt  }
0x46: {  	_ =	shalt  }
0x47: {  	_ =	shalt  }
0x48: {  	_ =	shalt  }
0x49: {  	_ =	shalt  }
0x4a: {  	_ =	shalt  }
0x4b: {  	_ =	shalt  }
0x4c: {  	_ =	shalt  }
0x4d: {  	_ =	shalt  }
0x4e: {  	_ =	shalt  }
0x4f: {  	_ =	shalt  }
0x50: {  	_ =	shalt  }
0x51: {  	_ =	shalt  }
0x52: {  	_ =	shalt  }
0x53: {  	_ =	shalt  }
0x54: {  	_ =	shalt  }
0x55: {  	_ =	shalt  }
0x56: {  	_ =	shalt  }
0x57: {  	_ =	shalt  }
0x58: {  	_ =	shalt  }
0x59: {  	_ =	shalt  }
0x5a: {  	_ =	shalt  }
0x5b: {  	_ =	shalt  }
0x5c: {  	_ =	shalt  }
0x5d: {  	_ =	shalt  }
0x5e: {  	_ =	shalt  }
0x5f: {  	_ =	shalt  }
0x60: {  	_ =	shalt  }
0x61: {  	_ =	shalt  }
0x62: {  	_ =	shalt  }
0x63: {  	_ =	shalt  }
0x64: {  	_ =	shalt  }
0x65: {  	_ =	shalt  }
0x66: {  	_ =	shalt  }
0x67: {  	_ =	shalt  }
0x68: {  	_ =	shalt  }
0x69: {  	_ =	shalt  }
0x6a: {  	_ =	shalt  }
0x6b: {  	_ =	shalt  }
0x6c: {  	_ =	shalt  }
0x6d: {  	_ =	shalt  }
0x6e: {  	_ =	shalt  }
0x6f: {  	_ =	shalt  }
0x70: {  	_ =	shalt  }
0x71: {  	_ =	shalt  }
0x72: {  	_ =	shalt  }
0x73: {  	_ =	shalt  }
0x74: {  	_ =	shalt  }
0x75: {  	_ =	shalt  }
0x76: {  	_ =	shalt  }
0x77: {  	_ =	shalt  }
0x78: {  	_ =	shalt  }
0x79: {  	_ =	shalt  }
0x7a: {  	_ =	shalt  }
0x7b: {  	_ =	shalt  }
0x7c: {  	_ =	shalt  }
0x7d: {  	_ =	shalt  }
0x7e: {  	_ =	shalt  }
0x7f: {  	_ =	shalt  }
0x80: {  	_ =	shalt  }
0x81: {  	_ =	shalt  }
0x82: {  	_ =	shalt  }
0x83: {  	_ =	shalt  }
0x84: {  	_ =	shalt  }
0x85: {  	_ =	shalt  }
0x86: {  	_ =	shalt  }
0x87: {  	_ =	shalt  }
.Lfunc_end0:
.L_simem_size_0:
called_computation.4_lowered:
.L_overlay_start_0:
0x88: {  	s2 =	sld [smem:$0x3FD9]  }
0x89: {  	s3 =	sld [smem:$0x3FFE];
	_ =	sdelay $0x1  }
0x8a: {  	s1 =	srdreg.scid  }
0x8b: {  	s0 =	sand.u32 $0x1, s1  }
0x8c: {  	s17 =	sshll.u32 s0, $0xA;
	s2 =	sadd.s32 s3, s2  }
0x8d: {  	s2 =	sadd.s32 s2, s17  }
0x8e: {  	[smem:$0x3F9B] =	sst s2  }
0x8f: {  	_ = 	snop  }
0x90: {  	s2 =	sld [smem:$0x3FD0];
	(tm) =	ssettm $0x1  }
0x91: {  	s18 =	sld [smem:$0x3FFB];
	_ =	sdelay $0x3  }
0x92: {  	_ =	strace s18  }
0x93: {  	s3 =	sld [smem:$0x3FFC];
	_ =	sdelay $0x3  }
0x94: {  	_ =	strace s3  }
0x95: {  	s3 =	sld [smem:$0x3FFD];
	_ =	sdelay $0x3  }
0x96: {  	_ =	strace s3  }
0x97: {  	_ =	strace $0x8FFFFFFF  }
0x98: {  	s19 =	sld [smem:$0x3FDB];
	_ =	sdelay $0x1  }
0x99: {  	s4 =	simm.s32 $_scs_section_size  }
0x9a: {  	s5 =	simm.s32 $_size__tile_overlayer_lowered;
	s6 =	simm.s32 $_tile_overlayer_lowered  }
0x9b: {  	s22 =	simm.s32 $0x1BFF;
	s21 =	sshll.u32 s6, $0x1;
	s3 =	sadd.s32 s4, s19  }
0x9c: {  	s7 =	simm.s32 $0x0;
	s20 =	sshll.u32 s5, $0x1;
	s5 =	sadd.s32 s21, s3  }
0x9d: {  	[timem:s7], [sflag:s22] =	dma.local [hbm:s5], s20  }
0x9e: {  	_ =	swait.ge [sflag:s22], s20  }
0x9f: {  	s4 =	ssub.s32 $0x0, s20;
	[sflag:s22] =	ssyncset.done $0x0  }
0xa0: {  	[sflag:s22] =	ssyncadd.s32 s4;
	_ =	sdelay $0x1  }
0xa1: {  	s23 =	simm.s32 $0x1B8B  }
0xa2: {  	_ =	swait.ge [sflag:s23], $0x1  }
0xa3: {  	[sflag:s23] =	ssyncset.done $0x0  }
0xa4: {  	s25 =	simm.s32 $0x1B8E;
	s24 =	sld [smem:$0x3FFE];
	[sflag:s23] =	ssyncadd.s32 $0xFFFFFFFF  }
0xa5: {  	s26 =	simm.s32 $execute0_lowered;
	[smem:$0x3FD2] =	sst s25  }
0xa6: {  	s5 =	sshll.u32 s26, $0x1;
	_ =	strace $0x80000052;
	[dreg:$0x1] =	wrdreg $0xFFFFFFFF  }
0xa7: {  	s28 =	simm.s32 $_size_execute0_lowered;
	s3 =	sadd.s32 s3, s5;
	[dreg:$0x0] =	wrdreg $0x0  }
0xa8: {  	s5 =	sshll.u32 s28, $0x1;
	[dreg:$0x2] =	wrdreg s3  }
0xa9: {  	[dreg:$0x3] =	wrdreg s5  }
0xaa: {  	[dreg:$0x4] =	wrdreg $0xC0  }
0xab: {  	_ =	task [dreg:s7], $0x5FFFF  }
0xac: {  	[dreg:$0x1] =	wrdreg $0xFFFFFFFF  }
0xad: {  	[dreg:$0x0] =	wrdreg $0x60  }
0xae: {  	[dreg:$0x2] =	wrdreg s2  }
0xaf: {  	[dreg:$0x3] =	wrdreg s24  }
0xb0: {  	[dreg:$0x4] =	wrdreg $0x9  }
0xb1: {  	_ =	task.clear_ibuf [dreg:s7], $0x5FFFF;
	_ =	strace $0x90000052  }
0xb2: {  	s29 =	simm.s32 $0x9;
	_ =	strace $0x80000054  }
0xb3: {  	_ =	swait.ge [sflag:s29], $0x1  }
0xb4: {  	[sflag:s29] =	ssyncadd.s32 $0xFFFFFFFF  }
0xb5: {  	_ =	strace $0x90000054  }
0xb6: {  	_ =	sfence  }
0xb7: {  	s30 =	sld [smem:$0x0];
	_ =	sdelay $0x2  }
0xb8: {  	s31 =	sshll.u32 s1, $0xD;
	s1 =	sshrl.u32 s1, $0x2  }
0xb9: {  	s3 =	sand.u32 $0x4000, s31;
	s1 =	sadd.s32 s1, s30  }
0xba: {  	s0 =	sor.u32 s3, s0;
	s1 =	sshll.u32 s1, $0x11  }
0xbb: {  	s0 =	sor.u32 s1, s0  }
0xbc: {  	s0 =	sadd.s32 $0x8F2B, s0  }
0xbd: {  	[sflag:s0] =	ssyncadd.remote.s32 $0x1  }
0xbe: {  	_ =	sfence.sel $0xFFFF  }
0xbf: {  	[dreg:$0x0] =	wrdreg $0xFFFFFFFF;
	(pc) =	sbr.abs _section_cstart, $3  }
0xc0: {  	[dreg:$0x1] =	wrdreg $0xFFFFFFFF  }
0xc1: {  	_ =	task.clear_ibuf [dreg:s7], $0x2FFFF;
	_ =	strace $0x9FFFFFFF  }
0xc2: {  	(tm) =	ssettm $0x7FFFFFFF  }
0xc3: {  	_ =	shalt  }
tec
execute0_lowered:
.L_overlay_start_1:
0x0: {  	(tag) =	ssettag $0x1  }
0x1: {  	s2 =	rddreg [dreg:$0x0]  }
0x2: {  	s1 =	srdreg.scid;
	s0 =	stileid.u32  }
0x3: {  	s4 =	rddreg [dreg:$0x1];
	s3 =	simm.s32 $0x0;
	s18 =	simm.s32 $0x2  }
0x4: {  	s19 =	simm.s32 $0x6600;
	s20 =	simm.s32 $0x3;
	s21 =	simm.s32 $0x4  }
0x5: {  	s22 =	simm.s32 $0x5;
	s11 =	sand.u32 $0x1, s1;
	s15 =	smul.u32 $0x4E20, s0  }
0x6: {  	s5 =	sshll.u32 s0, $0x1;
	s1 =	rddreg [dreg:$0x2];
	s30 =	smul.u32 $0x4E200, s0  }
0x7: {  	[smem:$0x7FF] =	sst s3;
	s12 =	sadd.s32 $0xAA00, s4;
	s16 =	smul.u32 $0x2710, s11  }
0x8: {  	s6 =	sor.u32 s11, s5;
	s23 =	ssub.s32 $0x2, s11;
	s17 =	smul.u32 $0x27100, s11  }
0x9: {  	s13 =	sadd.s32 $0x14800, s4;
	s7 =	smul.u32 $0x2710, s6;
	s24 =	sshrl.u32 s23, $0x1  }
0xa: {  	_ =	strace $0x80000053;
	s10 =	smul.u32 $0x27100, s6;
	s9 =	ssub.s32 s23, s24  }
0xb: {  	s29 =	sadd.s32 s16, s15;
	s15 =	simm.s32 $0x1;
	s23 =	simm.s32 $0x6  }
0xc: {  	s24 =	simm.s32 $0x0;
	s8 =	sadd.s32 $0xC8, s7;
	s25 =	sshrl.u32 s7, $0x3  }
0xd: {  	s14 =	sadd.s32 $0x258, s7;
	s6 =	smax.u32 s9, $0x1;
	s7 =	sadd.s32 s13, s10  }
0xe: {  	s16 =	sadd.s32 $0x3E8, s29;
	s26 =	sshrl.u32 s8, $0x3;
	s4 =	sadd.s32 s12, s25  }
0xf: {  	s8 =	sshll.u32 s8, $0x4;
	s28 =	sshrl.u32 s14, $0x3;
	s14 =	sadd.s32 $0x320, s29  }
.Ltmp0:
0x10: {  	s31 =	sshrl.u32 s16, $0x3;
	s16 =	simm.s32 $0xC8;
	(pc) =	sbr.rel .LBB2_1-.Ltmp0, $4  }
0x11: {  	s5 =	sadd.s32 s12, s26;
	s8 =	sadd.s32 s13, s8;
	s9 =	sadd.s32 $0x32, s4  }
0x12: {  	s10 =	sadd.s32 s12, s28;
	s14 =	sshrl.u32 s14, $0x3;
	s13 =	sadd.s32 s30, s13  }
0x13: {  	s11 =	sadd.s32 s31, s12;
	s12 =	sadd.s32 s14, s12;
	s13 =	sadd.s32 s17, s13  }
0x14: {  	s14 =	simm.s32 $0x100;
	s17 =	simm.s32 $0x200;
	s13 =	sadd.s32 $0x2580, s13  }
.LBB2_4:
0x15: {  	s24 =	sadd.s32 $0x1, s24  }
0x16: {  	_ =	swait.ge [sflag:s22], $0x6400;
	p0 =	sne.s32 s24, s6  }
.Ltmp1:
0x17: {  	[sflag:s22] =	ssyncset.done $0x0;
	(pc) =	sbr.rel @!p0 .LBB2_5-.Ltmp1, $4  }
0x18: {  	[sflag:s22] =	ssyncadd.s32 $0xFFFF9C00  }
0x19: {  	_ =	swait.ge [sflag:s23], $0x6400  }
0x1a: {  	[sflag:s23] =	ssyncset.done $0x0  }
0x1b: {  	[sflag:s23] =	ssyncadd.s32 $0xFFFF9C00  }
.LBB2_1:
0x1c: {  	[tilespmem:s3], [sflag:$0x1] =	stream.linear.gather [hbm4b:s4+s3], $0xC8, $0x38;
	[tilespmem:$0xCA00] =	vst v63  }
0x1d: {  	_ = 	snop  }
0x1e: {  	[tilespmem:s14], [sflag:$0x2] =	stream.linear.gather [hbm4b:s5+s3], $0xC8, $0x38;
	[tilespmem:$0xCA00] =	vst v63  }
0x1f: {  	_ =	swait.ge [sflag:s15], $0xC8  }
0x20: {  	[sflag:s15] =	ssyncset.done $0x0  }
0x21: {  	[sflag:s15] =	ssyncadd.s32 $0xFFFFFF38  }
0x22: {  	[tilespmem:s17], [sflag:$0x3] =	stream.indirect.gather [hbm4b:s2+s16], $0x80, s3, s16, $0xb8;
	[tilespmem:$0xCA00] =	vst v63  }
0x23: {  	_ =	swait.ge [sflag:s18], $0xC8  }
0x24: {  	[sflag:s18] =	ssyncset.done $0x0  }
0x25: {  	[sflag:s18] =	ssyncadd.s32 $0xFFFFFF38  }
0x26: {  	[tilespmem:s19], [sflag:$0x4] =	stream.indirect.gather [hbm4b:s2+s16], $0x80, s14, s16, $0xb8;
	[tilespmem:$0xCA00] =	vst v63  }
0x27: {  	_ =	swait.ge [sflag:s20], $0x6400  }
0x28: {  	[sflag:s20] =	ssyncset.done $0x0  }
0x29: {  	[sflag:s20] =	ssyncadd.s32 $0xFFFF9C00  }
0x2a: {  	[hbm4b:s7+s3] =	stream.linear.scatter [tilespmem:s17], [sflag:$0x5], $0x6400, $0x38;
	[tilespmem:$0xCA00] =	vst v63  }
0x2b: {  	_ =	swait.ge [sflag:s21], $0x6400  }
0x2c: {  	[sflag:s21] =	ssyncset.done $0x0  }
0x2d: {  	[sflag:s21] =	ssyncadd.s32 $0xFFFF9C00  }
0x2e: {  	[hbm4b:s8+s3] =	stream.linear.scatter [tilespmem:s19], [sflag:$0x6], $0x6400, $0x38;
	[tilespmem:$0xCA00] =	vst v63  }
0x2f: {  	_ = 	snop  }
0x30: {  	[tilespmem:s3], [sflag:$0x1] =	stream.linear.gather [hbm4b:s9+s3], $0xC8, $0x38;
	[tilespmem:$0xCA00] =	vst v63  }
0x31: {  	s25 =	smov.u32 s13;
	s26 =	simm.s32 $0x0  }
0x32: {  	[tilespmem:s14], [sflag:$0x2] =	stream.linear.gather [hbm4b:s10+s3], $0xC8, $0x38;
	[tilespmem:$0xCA00] =	vst v63  }
.LBB2_2:
0x33: {  	_ =	swait.ge [sflag:s22], $0x6400  }
0x34: {  	[sflag:s22] =	ssyncset.done $0x0  }
0x35: {  	[sflag:s22] =	ssyncadd.s32 $0xFFFF9C00  }
0x36: {  	_ =	swait.ge [sflag:s15], $0xC8  }
0x37: {  	[sflag:s15] =	ssyncset.done $0x0  }
0x38: {  	[sflag:s15] =	ssyncadd.s32 $0xFFFFFF38  }
0x39: {  	[tilespmem:s17], [sflag:$0x3] =	stream.indirect.gather [hbm4b:s2+s16], $0x80, s3, s16, $0xb8;
	[tilespmem:$0xCA00] =	vst v63  }
0x3a: {  	_ =	swait.ge [sflag:s23], $0x6400  }
0x3b: {  	[sflag:s23] =	ssyncset.done $0x0  }
0x3c: {  	[sflag:s23] =	ssyncadd.s32 $0xFFFF9C00  }
0x3d: {  	_ =	swait.ge [sflag:s18], $0xC8  }
0x3e: {  	[sflag:s18] =	ssyncset.done $0x0  }
0x3f: {  	[sflag:s18] =	ssyncadd.s32 $0xFFFFFF38  }
0x40: {  	[tilespmem:s19], [sflag:$0x4] =	stream.indirect.gather [hbm4b:s2+s16], $0x80, s14, s16, $0xb8;
	[tilespmem:$0xCA00] =	vst v63  }
0x41: {  	_ =	swait.ge [sflag:s20], $0x6400  }
0x42: {  	[sflag:s20] =	ssyncset.done $0x0  }
0x43: {  	s28 =	sadd.s32 $0xFFFFF380, s25;
	p0 =	seq.s32 s26, $0x47E;
	[sflag:s20] =	ssyncadd.s32 $0xFFFF9C00  }
0x44: {  	[hbm4b:s28+s3] =	stream.linear.scatter [tilespmem:s17], [sflag:$0x5], $0x6400, $0x38;
	[tilespmem:$0xCA00] =	vst v63  }
.Ltmp2:
0x45: {  	_ = 	snop;
	(pc) =	sbr.rel @p0 .LBB2_4-.Ltmp2, $4  }
0x46: {  	_ =	swait.ge [sflag:s21], $0x6400  }
0x47: {  	[sflag:s21] =	ssyncset.done $0x0  }
0x48: {  	[sflag:s21] =	ssyncadd.s32 $0xFFFF9C00  }
0x49: {  	[hbm4b:s25+s3] =	stream.linear.scatter [tilespmem:s19], [sflag:$0x6], $0x6400, $0x38;
	[tilespmem:$0xCA00] =	vst v63  }
.Ltmp3:
0x4a: {  	(pc) =	sbr.rel .LBB2_2-.Ltmp3, $4  }
0x4b: {  	s28 =	sadd.s32 s26, s12  }
0x4c: {  	[tilespmem:s3], [sflag:$0x1] =	stream.linear.gather [hbm4b:s28+s3], $0xC8, $0x38;
	[tilespmem:$0xCA00] =	vst v63  }
0x4d: {  	s31 =	sadd.s32 s26, s11;
	s26 =	sadd.s32 $0x32, s26;
	s25 =	sadd.s32 $0x1900, s25  }
0x4e: {  	[tilespmem:s14], [sflag:$0x2] =	stream.linear.gather [hbm4b:s31+s3], $0xC8, $0x38;
	[tilespmem:$0xCA00] =	vst v63  }
.LBB2_5:
0x4f: {  	_ =	sfence.sel $0x180000  }
0x50: {  	[bflag:$0x0] =	sbarrier.arrive $0xFFFF  }
0x51: {  	p0 =	sne.s32 s0, $0x0;
	_ =	strace $0x90000053  }
0x52: {  	s0 =	sadd.s32 @!p0 $0x100000, s1;
	[bflag:$0x2] =	sbarrier.arrive $0xFFFF  }
0x53: {  	[sflag:s0] =	ssyncadd.tile.s32 @!p0 $0x1;
	_ =	shalt  }
.Lfunc_end2:
_tile_overlayer_lowered:
.L_overlay_start_2:
0x54: {  	(tag) =	ssettag $0x2  }
0x55: {  	s0 =	rddreg [dreg:$0x0];
	s2 =	stileid.u32  }
0x56: {  	s1 =	rddreg [dreg:$0x1];
	p0 =	sne.s32 s2, $0x0  }
0x57: {  	s3 =	rddreg [dreg:$0x2];
	[bflag:$0x3] =	sbarrier.arrive $0xFFFF;
	s2 =	simm.s32 @!p0 $0x1C07  }
0x58: {  	[timem:s3], [sflag:s2] =	dma.local @!p0 [hbm:s0], s1  }
0x59: {  	s0 =	simm.s32 @!p0 $0x7  }
0x5a: {  	_ =	swait.ge @!p0 [sflag:s0], s1  }
0x5b: {  	s1 =	ssub.s32 @!p0 $0x0, s1;
	[sflag:s0] =	ssyncset.done @!p0 $0x0  }
0x5c: {  	[sflag:s0] =	ssyncadd.s32 @!p0 s1  }
0x5d: {  	[bflag:$0x3] =	sbarrier.arrive $0xFFFF  }
0x5e: {  	_ =	shalt  }

// kernel: kernel.29.cloned.1.call-start
scs
__scs_entry_jumppad:
0x0: {  	(pc) =	sbr.rel $0x88, $3  }
0x1: {  	(tag) =	ssettag $0x0;
	lr =	simm.s32 $0x1  }
0x2: {  	[smem:$0x3F74] =	sst lr;
	_ =	strace $0xD0000000  }
0x3: {  	_ = 	snop  }
0x4: {  	_ = 	snop  }
0x5: {  	_ = 	snop  }
0x6: {  	_ = 	snop  }
0x7: {  	_ = 	snop  }
__scs_overlays_trampoline_lowered:
0x8: {  	[smem:$0x3F83] =	sst s0  }
0x9: {  	[smem:$0x3F84] =	sst s1  }
0xa: {  	[smem:$0x3F85] =	sst s2  }
0xb: {  	[smem:$0x3F86] =	sst s3  }
0xc: {  	[smem:$0x3F87] =	sst s4  }
0xd: {  	[smem:$0x3F88] =	sst s5  }
0xe: {  	[smem:$0x3F89] =	sst s6  }
0xf: {  	[smem:$0x3F8A] =	sst s7  }
0x10: {  	[smem:$0x3F8B] =	sst s8  }
0x11: {  	[smem:$0x3F8C] =	sst s9;
	s0 =	simm.s32 @!p0 $0x0  }
0x12: {  	s1 =	sld [smem:$0x3F72];
	s0 =	simm.s32 @p0 $0x1  }
0x13: {  	[smem:$0x3F8D] =	sst s0;
	s0 =	simm.s32 @!p1 $0x0  }
0x14: {  	s2 =	sld [smem:$0x3F71];
	s0 =	simm.s32 @p1 $0x1  }
0x15: {  	[smem:$0x3F8E] =	sst s0;
	s0 =	simm.s32 @!p2 $0x0  }
0x16: {  	s3 =	sld [smem:$0x3FDB];
	s0 =	simm.s32 @p2 $0x1  }
0x17: {  	s4 =	simm.s32 $0x1BF5;
	[smem:$0x3F90] =	sst s0  }
0x18: {  	s0 =	sld [smem:$0x3F73];
	_ =	swait.ge [sflag:s4], $0x0  }
0x19: {  	s7 =	sld [smem:$0x3F74]  }
0x1a: {  	s8 =	sadd.s32 $0xFFFFE003, lr  }
0x1b: {  	s9 =	sadd.s32 $0xFFFFFEF7, lr;
	s5 =	simm.s32 $0xFFFFFFFF;
	p2 =	slt.u32 s8, $0xFFFFF086  }
0x1c: {  	p1 =	slt.u32 s9, $0xF7A;
	s5 =	simm.s32 @!p2 $0x0  }
0x1d: {  	s5 =	simm.s32 @p1 $0x1;
	p0 =	seq.s32 s7, s2  }
0x1e: {  	s7 =	smul.u32 @!p0 $0xF7A, s2;
	p2 =	seq.s32 @!p0 s5, $0x0  }
0x1f: {  	s9 =	smul.u32 $0xF7A, s1;
	s8 =	simm.s32 @!p0 $0x1BF5;
	p2 =	por !p2, p0  }
0x20: {  	[sflag:s8] =	ssyncset.s32 @!p0 $0xFFFFF086;
	s6 =	sadd.s32 @!p0 s3, s7;
	s7 =	simm.s32 @!p0 $0x108  }
0x21: {  	s3 =	sadd.s32 s3, s9;
	s6 =	sadd.s32 @!p0 $0x88, s6;
	s7 =	simm.s32 @p2 $0x1082  }
0x22: {  	[simem:s7], [sflag:s8] =	dma.local @!p0 [hbm:s6], $0xF7A  }
0x23: {  	s9 =	sor.u32 $0xD0000000, s2;
	s6 =	simm.s32 $0x108;
	_ =	swait.ge @!p0 [sflag:s8], $0x0  }
0x24: {  	s3 =	sadd.s32 $0x88, s3;
	s6 =	simm.s32 @!p1 $0x1082;
	[sflag:s4] =	ssyncset.s32 $0xFFFFF086  }
0x25: {  	[simem:s6], [sflag:s4] =	dma.local [hbm:s3], $0xF7A  }
0x26: {  	[smem:$0x3F74] =	sst s1;
	(tag) =	ssettag s2;
	_ =	strace s9  }
0x27: {  	s1 =	sld [smem:$0x3F84]  }
0x28: {  	s2 =	sld [smem:$0x3F85]  }
0x29: {  	s4 =	sld [smem:$0x3F87]  }
0x2a: {  	p0 =	seq.s32 s5, $0x0;
	s5 =	sld [smem:$0x3F88]  }
0x2b: {  	s6 =	sld [smem:$0x3F89]  }
0x2c: {  	s7 =	sld [smem:$0x3F8A]  }
0x2d: {  	s3 =	simm.s32 $0x108;
	s8 =	sld [smem:$0x3F8B]  }
0x2e: {  	s3 =	simm.s32 @!p0 $0x1082;
	s9 =	sld [smem:$0x3F8C]  }
0x2f: {  	lr =	sadd.s32 s0, s3;
	s0 =	sld [smem:$0x3F83]  }
0x30: {  	s3 =	sld [smem:$0x3F86]  }
0x31: {  	[smem:$0x3F8F] =	sst s10  }
0x32: {  	s10 =	sld [smem:$0x3F8D];
	_ =	sdelay $0x3  }
0x33: {  	p0 =	seq.s32 s10, $0x1;
	s10 =	sld [smem:$0x3F8F];
	_ =	sdelay $0x3  }
0x34: {  	[smem:$0x3F8F] =	sst s10  }
0x35: {  	s10 =	sld [smem:$0x3F8E];
	_ =	sdelay $0x3  }
0x36: {  	p1 =	seq.s32 s10, $0x1;
	s10 =	sld [smem:$0x3F8F];
	_ =	sdelay $0x3  }
0x37: {  	[smem:$0x3F8F] =	sst s10  }
0x38: {  	s10 =	sld [smem:$0x3F90]  }
0x39: {  	_ = 	snop;
	(pc) =	sbr.ind lr, $3  }
0x3a: {  	_ = 	snop  }
0x3b: {  	_ = 	snop  }
0x3c: {  	p2 =	seq.s32 s10, $0x1;
	s10 =	sld [smem:$0x3F8F]  }
0x3d: {  	_ =	shalt  }
0x3e: {  	_ =	shalt  }
0x3f: {  	_ =	shalt  }
0x40: {  	_ =	shalt  }
0x41: {  	_ =	shalt  }
0x42: {  	_ =	shalt  }
0x43: {  	_ =	shalt  }
0x44: {  	_ =	shalt  }
0x45: {  	_ =	shalt  }
0x46: {  	_ =	shalt  }
0x47: {  	_ =	shalt  }
0x48: {  	_ =	shalt  }
0x49: {  	_ =	shalt  }
0x4a: {  	_ =	shalt  }
0x4b: {  	_ =	shalt  }
0x4c: {  	_ =	shalt  }
0x4d: {  	_ =	shalt  }
0x4e: {  	_ =	shalt  }
0x4f: {  	_ =	shalt  }
0x50: {  	_ =	shalt  }
0x51: {  	_ =	shalt  }
0x52: {  	_ =	shalt  }
0x53: {  	_ =	shalt  }
0x54: {  	_ =	shalt  }
0x55: {  	_ =	shalt  }
0x56: {  	_ =	shalt  }
0x57: {  	_ =	shalt  }
0x58: {  	_ =	shalt  }
0x59: {  	_ =	shalt  }
0x5a: {  	_ =	shalt  }
0x5b: {  	_ =	shalt  }
0x5c: {  	_ =	shalt  }
0x5d: {  	_ =	shalt  }
0x5e: {  	_ =	shalt  }
0x5f: {  	_ =	shalt  }
0x60: {  	_ =	shalt  }
0x61: {  	_ =	shalt  }
0x62: {  	_ =	shalt  }
0x63: {  	_ =	shalt  }
0x64: {  	_ =	shalt  }
0x65: {  	_ =	shalt  }
0x66: {  	_ =	shalt  }
0x67: {  	_ =	shalt  }
0x68: {  	_ =	shalt  }
0x69: {  	_ =	shalt  }
0x6a: {  	_ =	shalt  }
0x6b: {  	_ =	shalt  }
0x6c: {  	_ =	shalt  }
0x6d: {  	_ =	shalt  }
0x6e: {  	_ =	shalt  }
0x6f: {  	_ =	shalt  }
0x70: {  	_ =	shalt  }
0x71: {  	_ =	shalt  }
0x72: {  	_ =	shalt  }
0x73: {  	_ =	shalt  }
0x74: {  	_ =	shalt  }
0x75: {  	_ =	shalt  }
0x76: {  	_ =	shalt  }
0x77: {  	_ =	shalt  }
0x78: {  	_ =	shalt  }
0x79: {  	_ =	shalt  }
0x7a: {  	_ =	shalt  }
0x7b: {  	_ =	shalt  }
0x7c: {  	_ =	shalt  }
0x7d: {  	_ =	shalt  }
0x7e: {  	_ =	shalt  }
0x7f: {  	_ =	shalt  }
0x80: {  	_ =	shalt  }
0x81: {  	_ =	shalt  }
0x82: {  	_ =	shalt  }
0x83: {  	_ =	shalt  }
0x84: {  	_ =	shalt  }
0x85: {  	_ =	shalt  }
0x86: {  	_ =	shalt  }
0x87: {  	_ =	shalt  }
.Lfunc_end0:
.L_simem_size_0:
called_computation.5_lowered:
.L_overlay_start_0:
0x88: {  	s2 =	sld [smem:$0x3FD9]  }
0x89: {  	s3 =	sld [smem:$0x3FFE];
	_ =	sdelay $0x1  }
0x8a: {  	s1 =	srdreg.scid  }
0x8b: {  	s0 =	sand.u32 $0x1, s1  }
0x8c: {  	s17 =	sshll.u32 s0, $0xA;
	s2 =	sadd.s32 s3, s2  }
0x8d: {  	s2 =	sadd.s32 s2, s17  }
0x8e: {  	[smem:$0x3F9B] =	sst s2  }
0x8f: {  	_ = 	snop  }
0x90: {  	s2 =	sld [smem:$0x3FC7];
	(tm) =	ssettm $0x1  }
0x91: {  	s18 =	sld [smem:$0x3FFB];
	_ =	sdelay $0x3  }
0x92: {  	_ =	strace s18  }
0x93: {  	s3 =	sld [smem:$0x3FFC];
	_ =	sdelay $0x3  }
0x94: {  	_ =	strace s3  }
0x95: {  	s3 =	sld [smem:$0x3FFD];
	_ =	sdelay $0x3  }
0x96: {  	_ =	strace s3  }
0x97: {  	_ =	strace $0x8FFFFFFF  }
0x98: {  	s19 =	sld [smem:$0x3FDB];
	_ =	sdelay $0x1  }
0x99: {  	s4 =	simm.s32 $_scs_section_size  }
0x9a: {  	s5 =	simm.s32 $_size__tile_overlayer_lowered;
	s6 =	simm.s32 $_tile_overlayer_lowered  }
0x9b: {  	s22 =	simm.s32 $0x1BFF;
	s21 =	sshll.u32 s6, $0x1;
	s3 =	sadd.s32 s4, s19  }
0x9c: {  	s7 =	simm.s32 $0x0;
	s20 =	sshll.u32 s5, $0x1;
	s5 =	sadd.s32 s21, s3  }
0x9d: {  	[timem:s7], [sflag:s22] =	dma.local [hbm:s5], s20  }
0x9e: {  	_ =	swait.ge [sflag:s22], s20  }
0x9f: {  	s4 =	ssub.s32 $0x0, s20;
	[sflag:s22] =	ssyncset.done $0x0  }
0xa0: {  	[sflag:s22] =	ssyncadd.s32 s4;
	_ =	sdelay $0x1  }
0xa1: {  	s23 =	simm.s32 $0x1B8B  }
0xa2: {  	_ =	swait.ge [sflag:s23], $0x1  }
0xa3: {  	[sflag:s23] =	ssyncset.done $0x0  }
0xa4: {  	s25 =	simm.s32 $0x1B8E;
	s24 =	sld [smem:$0x3FFE];
	[sflag:s23] =	ssyncadd.s32 $0xFFFFFFFF  }
0xa5: {  	s26 =	simm.s32 $execute0_lowered;
	[smem:$0x3FD2] =	sst s25  }
0xa6: {  	s5 =	sshll.u32 s26, $0x1;
	_ =	strace $0x80000055;
	[dreg:$0x1] =	wrdreg $0xFFFFFFFF  }
0xa7: {  	s28 =	simm.s32 $_size_execute0_lowered;
	s3 =	sadd.s32 s3, s5;
	[dreg:$0x0] =	wrdreg $0x0  }
0xa8: {  	s5 =	sshll.u32 s28, $0x1;
	[dreg:$0x2] =	wrdreg s3  }
0xa9: {  	[dreg:$0x3] =	wrdreg s5  }
0xaa: {  	[dreg:$0x4] =	wrdreg $0xC0  }
0xab: {  	_ =	task [dreg:s7], $0x5FFFF  }
0xac: {  	[dreg:$0x1] =	wrdreg $0xFFFFFFFF  }
0xad: {  	[dreg:$0x0] =	wrdreg $0x60  }
0xae: {  	[dreg:$0x2] =	wrdreg s24  }
0xaf: {  	[dreg:$0x3] =	wrdreg s2  }
0xb0: {  	[dreg:$0x4] =	wrdreg $0x65000  }
0xb1: {  	[dreg:$0x5] =	wrdreg $0x9  }
0xb2: {  	_ =	task.clear_ibuf [dreg:s7], $0x6FFFF;
	_ =	strace $0x90000055  }
0xb3: {  	s29 =	simm.s32 $0x9;
	_ =	strace $0x80000057  }
0xb4: {  	_ =	swait.ge [sflag:s29], $0x1  }
0xb5: {  	[sflag:s29] =	ssyncadd.s32 $0xFFFFFFFF  }
0xb6: {  	_ =	strace $0x90000057  }
0xb7: {  	_ =	sfence  }
0xb8: {  	s30 =	sld [smem:$0x0];
	_ =	sdelay $0x2  }
0xb9: {  	s31 =	sshll.u32 s1, $0xD;
	s1 =	sshrl.u32 s1, $0x2  }
0xba: {  	s3 =	sand.u32 $0x4000, s31;
	s1 =	sadd.s32 s1, s30  }
0xbb: {  	s0 =	sor.u32 s3, s0;
	s1 =	sshll.u32 s1, $0x11  }
0xbc: {  	s0 =	sor.u32 s1, s0  }
0xbd: {  	s0 =	sadd.s32 $0x8F2B, s0  }
0xbe: {  	[sflag:s0] =	ssyncadd.remote.s32 $0x1  }
0xbf: {  	_ =	sfence.sel $0xFFFF  }
0xc0: {  	[dreg:$0x0] =	wrdreg $0xFFFFFFFF;
	(pc) =	sbr.abs _section_cstart, $3  }
0xc1: {  	[dreg:$0x1] =	wrdreg $0xFFFFFFFF  }
0xc2: {  	_ =	task.clear_ibuf [dreg:s7], $0x2FFFF;
	_ =	strace $0x9FFFFFFF  }
0xc3: {  	(tm) =	ssettm $0x7FFFFFFF  }
tec
execute0_lowered:
.L_overlay_start_1:
0x0: {  	(tag) =	ssettag $0x1  }
0x1: {  	s4 =	rddreg [dreg:$0x0];
	s0 =	stileid.u32  }
0x2: {  	s1 =	srdreg.scid;
	s5 =	smul.u32 $0x27100, s0  }
0x3: {  	s12 =	rddreg [dreg:$0x1];
	s8 =	smul.u32 $0x1F400, s0  }
0x4: {  	s2 =	rddreg [dreg:$0x2];
	s3 =	simm.s32 $0x0;
	s29 =	smul.u32 $0x7D000, s0  }
0x5: {  	s15 =	simm.s32 $0xC8;
	s6 =	sand.u32 $0x1, s1;
	s13 =	smul.u32 $0x2710, s0  }
0x6: {  	s18 =	simm.s32 $0x0;
	s1 =	rddreg [dreg:$0x3];
	s7 =	smul.u32 $0x138800, s6  }
0x7: {  	[smem:$0x7FF] =	sst s3;
	p0 =	sgt.u32 s0, $0x9;
	s11 =	smul.u32 $0x13880, s6  }
0x8: {  	_ =	strace $0x80000056;
	s28 =	ssub.s32 $0x2, s6;
	s14 =	smul.u32 $0x1388, s6  }
0x9: {  	s16 =	sshll.u32 @!p0 s0, $0x6;
	s10 =	sadd.s32 s5, s4;
	s30 =	sshrl.u32 s28, $0x1  }
0xa: {  	s31 =	sshrl.u32 s29, $0x2;
	s16 =	sor.u32 @!p0 $0x1C01, s16;
	s26 =	sadd.s32 s8, s7  }
0xb: {  	s7 =	ssub.s32 s28, s30;
	s11 =	sadd.s32 s11, s10;
	s13 =	sadd.s32 s14, s13  }
0xc: {  	s14 =	simm.s32 $0x100;
	s5 =	sshrl.u32 s26, $0x3;
	s6 =	smax.u32 s7, $0x1  }
0xd: {  	s11 =	sadd.s32 $0x4F6800, s11;
	s13 =	sshrl.u32 s13, $0x3;
	s4 =	sadd.s32 s5, s4  }
0xe: {  	s5 =	sadd.s32 s31, s2;
	s12 =	sadd.s32 s13, s12;
	s13 =	simm.s32 $0x1  }
0xf: {  	s4 =	sadd.s32 $0xAA00, s4;
	s7 =	sadd.s32 $0x6400, s5;
	s8 =	sadd.s32 $0xC800, s5  }
0x10: {  	v0 =	vimm.f32 $0.0e+00;
	s9 =	sadd.s32 $0x12C00, s5;
	s10 =	sadd.s32 $0x19000, s5;
	s17 =	sshrl.u32 @!p0 s5, $0x3  }
.LBB2_1:
0x11: {  	s19 =	simm.s32 $0x0;
	s20 =	simm.s32 $0x200  }
.LBB2_2:
0x12: {  	p1 =	sne.s32 s20, $0x18E00;
	[tilespmem:s19+$0x170] =	vst v0  }
0x13: {  	[tilespmem:s19+$0x100] =	vst v0  }
0x14: {  	[tilespmem:s19+$0x110] =	vst v0  }
.Ltmp0:
0x15: {  	[tilespmem:s19+$0x120] =	vst v0;
	(pc) =	sbr.rel @p1 .LBB2_2-.Ltmp0, $4  }
0x16: {  	[tilespmem:s19+$0x130] =	vst v0  }
0x17: {  	[tilespmem:s19+$0x140] =	vst v0  }
0x18: {  	[tilespmem:s19+$0x150] =	vst v0  }
0x19: {  	[tilespmem:s19+$0x160] =	vst v0;
	s19 =	sshra.s32 s20, $0x2;
	s20 =	sadd.s32 $0x200, s20  }
0x1a: {  	[tilespmem:s19+$0x170] =	vst v0  }
0x1b: {  	[tilespmem:s19+$0x100] =	vst v0  }
0x1c: {  	[tilespmem:s19+$0x110] =	vst v0  }
0x1d: {  	[tilespmem:s19+$0x120] =	vst v0  }
0x1e: {  	[tilespmem:s19+$0x130] =	vst v0  }
0x1f: {  	[tilespmem:s19+$0x140] =	vst v0  }
0x20: {  	[tilespmem:s19+$0x150] =	vst v0  }
0x21: {  	[tilespmem:s19+$0x160] =	vst v0;
	s19 =	simm.s32 @!p0 $0x100;
	s20 =	simm.s32 @!p0 $0x1  }
0x22: {  	[spmem:s5] =	stream.linear.scatter @!p0 [tilespmem:s19], [sflag:$0x1], $0x6400, $0x38;
	[tilespmem:$0x19D80] =	vst v63  }
0x23: {  	_ =	swait.ge @!p0 [sflag:s20], $0x6400  }
0x24: {  	[sflag:s20] =	ssyncset.done @!p0 $0x0  }
0x25: {  	[sflag:s20] =	ssyncadd.s32 @!p0 $0xFFFF9C00  }
0x26: {  	[spmem:s7] =	stream.linear.scatter @!p0 [tilespmem:s19], [sflag:$0x1], $0x6400, $0x38;
	[tilespmem:$0x19D80] =	vst v63  }
0x27: {  	_ =	swait.ge @!p0 [sflag:s20], $0x6400  }
0x28: {  	[sflag:s20] =	ssyncset.done @!p0 $0x0  }
0x29: {  	[sflag:s20] =	ssyncadd.s32 @!p0 $0xFFFF9C00  }
0x2a: {  	[spmem:s8] =	stream.linear.scatter @!p0 [tilespmem:s19], [sflag:$0x1], $0x6400, $0x38;
	[tilespmem:$0x19D80] =	vst v63  }
0x2b: {  	_ =	swait.ge @!p0 [sflag:s20], $0x6400  }
0x2c: {  	[sflag:s20] =	ssyncset.done @!p0 $0x0  }
0x2d: {  	[sflag:s20] =	ssyncadd.s32 @!p0 $0xFFFF9C00  }
0x2e: {  	[spmem:s9] =	stream.linear.scatter @!p0 [tilespmem:s19], [sflag:$0x1], $0x6400, $0x38;
	[tilespmem:$0x19D80] =	vst v63  }
0x2f: {  	_ =	swait.ge @!p0 [sflag:s20], $0x6400  }
0x30: {  	[sflag:s20] =	ssyncset.done @!p0 $0x0  }
0x31: {  	[sflag:s20] =	ssyncadd.s32 @!p0 $0xFFFF9C00  }
0x32: {  	[spmem:s10] =	stream.linear.scatter @!p0 [tilespmem:s19], [sflag:$0x1], $0x6400, $0x38;
	[tilespmem:$0x19D80] =	vst v63  }
0x33: {  	_ =	swait.ge @!p0 [sflag:s20], $0x6400  }
0x34: {  	[sflag:s20] =	ssyncset.done @!p0 $0x0  }
0x35: {  	[sflag:s20] =	ssyncadd.s32 @!p0 $0xFFFF9C00  }
0x36: {  	s31 =	sadd.s32 $0x0, s12;
	[bflag:$0x0] =	sbarrier.arrive $0xFFFF  }
0x37: {  	[tilespmem:s3], [sflag:$0x1] =	stream.linear.gather [hbm4b:s31+s3], $0xC8, $0x38;
	[tilespmem:$0x19D80] =	vst v63  }
0x38: {  	_ =	swait.ge [sflag:s13], $0xC8  }
0x39: {  	[sflag:s13] =	ssyncset.done $0x0  }
0x3a: {  	[sflag:s13] =	ssyncadd.s32 $0xFFFFFF38  }
0x3b: {  	[tilespmem:s14], [sflag:$0x1] =	stream.linear.gather [hbm4b:s11+s3], $0x6400, $0x38;
	[tilespmem:$0x19D80] =	vst v63  }
0x3c: {  	_ =	swait.ge [sflag:s13], $0x6400  }
0x3d: {  	[sflag:s13] =	ssyncset.done $0x0  }
0x3e: {  	[sflag:s13] =	ssyncadd.s32 $0xFFFF9C00  }
0x3f: {  	[spmem:s2] =	stream.indirect.scatter.add.f32 [tilespmem:s14], [sflag:$0x1], $0x80, s3, s15, $0xb8;
	[tilespmem:$0x19D80] =	vst v63  }
0x40: {  	s21 =	simm.s32 $0x32;
	_ =	swait.ge [sflag:s13], $0x6400  }
0x41: {  	s19 =	sadd.s32 $0xC80, s11;
	s20 =	simm.s32 $0x19;
	[sflag:s13] =	ssyncset.done $0x0  }
.LBB2_4:
0x42: {  	s22 =	sadd.s32 s20, s12  }
0x43: {  	[sflag:s13] =	ssyncadd.s32 $0xFFFF9C00;
	s20 =	smov.u32 s21;
	s23 =	sadd.s32 $0x19, s21  }
0x44: {  	[tilespmem:s3], [sflag:$0x1] =	stream.linear.gather [hbm4b:s22+s3], $0xC8, $0x38;
	[tilespmem:$0x19D80] =	vst v63  }
0x45: {  	p1 =	sne.s32 s21, $0x258;
	_ =	swait.ge [sflag:s13], $0xC8  }
0x46: {  	[sflag:s13] =	ssyncset.done $0x0  }
0x47: {  	[sflag:s13] =	ssyncadd.s32 $0xFFFFFF38  }
0x48: {  	[tilespmem:s14], [sflag:$0x1] =	stream.linear.gather [hbm4b:s19+s3], $0x6400, $0x38;
	[tilespmem:$0x19D80] =	vst v63  }
0x49: {  	_ =	swait.ge [sflag:s13], $0x6400  }
.Ltmp1:
0x4a: {  	[sflag:s13] =	ssyncset.done $0x0;
	(pc) =	sbr.rel @p1 .LBB2_4-.Ltmp1, $4  }
0x4b: {  	[sflag:s13] =	ssyncadd.s32 $0xFFFF9C00  }
0x4c: {  	[spmem:s2] =	stream.indirect.scatter.add.f32 [tilespmem:s14], [sflag:$0x1], $0x80, s3, s15, $0xb8;
	[tilespmem:$0x19D80] =	vst v63  }
0x4d: {  	_ =	swait.ge [sflag:s13], $0x6400  }
0x4e: {  	s21 =	smov.u32 s23;
	s19 =	sadd.s32 $0xC80, s19;
	[sflag:s13] =	ssyncset.done $0x0  }
0x4f: {  	s20 =	sadd.s32 s20, s12;
	[sflag:s13] =	ssyncadd.s32 $0xFFFF9C00  }
0x50: {  	[tilespmem:s3], [sflag:$0x1] =	stream.linear.gather [hbm4b:s20+s3], $0xC8, $0x38;
	[tilespmem:$0x19D80] =	vst v63  }
0x51: {  	_ =	swait.ge [sflag:s13], $0xC8  }
0x52: {  	[sflag:s13] =	ssyncset.done $0x0  }
0x53: {  	[sflag:s13] =	ssyncadd.s32 $0xFFFFFF38  }
0x54: {  	[tilespmem:s14], [sflag:$0x1] =	stream.linear.gather [hbm4b:s19+s3], $0x6400, $0x38;
	[tilespmem:$0x19D80] =	vst v63  }
0x55: {  	_ =	swait.ge [sflag:s13], $0x6400  }
0x56: {  	[sflag:s13] =	ssyncset.done $0x0  }
0x57: {  	[sflag:s13] =	ssyncadd.s32 $0xFFFF9C00  }
0x58: {  	[spmem:s2] =	stream.indirect.scatter.add.f32 [tilespmem:s14], [sflag:$0x1], $0x80, s3, s15, $0xb8;
	[tilespmem:$0x19D80] =	vst v63  }
0x59: {  	_ =	swait.ge [sflag:s13], $0x6400  }
0x5a: {  	s18 =	sadd.s32 $0x1, s18;
	[sflag:s13] =	ssyncset.done $0x0  }
0x5b: {  	p1 =	sne.s32 s18, s6;
	[sflag:s13] =	ssyncadd.s32 $0xFFFF9C00  }
.Ltmp2:
0x5c: {  	s19 =	simm.s32 @!p0 $0x1;
	[bflag:$0x0] =	sbarrier.arrive $0xFFFF;
	(pc) =	sbr.rel @p1 .LBB2_1-.Ltmp2, $4  }
0x5d: {  	[hbm:s4], [sflag:s16] =	dma.local @!p0 [spmem:s17], $0x3E80  }
0x5e: {  	_ =	swait.ge @!p0 [sflag:s19], $0x3E80  }
0x5f: {  	[sflag:s19] =	ssyncset.done @!p0 $0x0  }
0x60: {  	[sflag:s19] =	ssyncadd.s32 @!p0 $0xFFFFC180  }
0x61: {  	_ =	sfence.sel $0x180000  }
0x62: {  	[bflag:$0x0] =	sbarrier.arrive $0xFFFF  }
0x63: {  	p0 =	sne.s32 s0, $0x0;
	_ =	strace $0x90000056  }
0x64: {  	s0 =	sadd.s32 @!p0 $0x100000, s1;
	[bflag:$0x2] =	sbarrier.arrive $0xFFFF  }
0x65: {  	[sflag:s0] =	ssyncadd.tile.s32 @!p0 $0x1;
	_ =	shalt  }
.Lfunc_end2:
_tile_overlayer_lowered:
.L_overlay_start_2:
0x66: {  	(tag) =	ssettag $0x2  }
0x67: {  	s0 =	rddreg [dreg:$0x0];
	s2 =	stileid.u32  }
0x68: {  	s1 =	rddreg [dreg:$0x1];
	p0 =	sne.s32 s2, $0x0  }
0x69: {  	s3 =	rddreg [dreg:$0x2];
	[bflag:$0x3] =	sbarrier.arrive $0xFFFF;
	s2 =	simm.s32 @!p0 $0x1C01  }
0x6a: {  	[timem:s3], [sflag:s2] =	dma.local @!p0 [hbm:s0], s1  }
0x6b: {  	s0 =	simm.s32 @!p0 $0x1  }
0x6c: {  	_ =	swait.ge @!p0 [sflag:s0], s1  }
0x6d: {  	s1 =	ssub.s32 @!p0 $0x0, s1;
	[sflag:s0] =	ssyncset.done @!p0 $0x0  }
0x6e: {  	[sflag:s0] =	ssyncadd.s32 @!p0 s1  }
0x6f: {  	[bflag:$0x3] =	sbarrier.arrive $0xFFFF  }
0x70: {  	_ =	shalt  }

</sc_bundles>
